<compile_context>
chip_gen: v7x
topology: tpu7x:2x2x1
jax: 0.10.2.dev20260603
libtpu: 0.0.44.dev20260713+nightly
codegen_flags: <defaults>
</compile_context>

<pallas_src>
import functools

import jax
import jax.numpy as jnp
from jax import lax
from jax.experimental import pallas as pl
from jax.experimental.pallas import tpu as pltpu
from jax.experimental.pallas import tpu_sc as plsc

N = 10000
E = 160000
IN_DIM = 256
HIDDEN = 512
OUT_DIM = 16

f32 = jnp.float32
i32 = jnp.int32

NCORE = 2
NSUB = 16
CW = 128
NB1 = IN_DIM // CW
NB2 = HIDDEN // CW
CHUNK = 128
EP = E // NSUB
NCH = 80
EPP = NCH * CHUNK

NRANGE = 3
RSPAN = 3456
NPAD = NRANGE * RSPAN
TBL_ROWS = RSPAN + CHUNK
TSTRIPE = TBL_ROWS // NSUB
OR_FULL = RSPAN // NSUB
CAPCH = 88

_mesh = plsc.VectorSubcoreMesh(core_axis_name="c", subcore_axis_name="s")


def _fill(buf, rows, width, value):
    lanes = width // 16

    def body(i, carry):
        r = i // lanes
        col = (i % lanes) * 16
        buf[r, pl.ds(col, 16)] = jnp.full((16,), value, f32)
        return carry

    lax.fori_loop(0, rows * lanes, body, 0)


@functools.partial(
    pl.kernel,
    out_type=[jax.ShapeDtypeStruct((NPAD, 16), f32),
              jax.ShapeDtypeStruct((NSUB, CAPCH, CHUNK), i32),
              jax.ShapeDtypeStruct((NSUB, CAPCH, CHUNK), i32),
              jax.ShapeDtypeStruct((NSUB, 16), i32)],
    mesh=_mesh,
    compiler_params=pltpu.CompilerParams(needs_layout_passes=False),
    scratch_types=[pltpu.VMEM((NCH, CHUNK), i32)] * 2 + [
        pltpu.VMEM((CAPCH, CHUNK), i32),
        pltpu.VMEM((CAPCH, CHUNK), i32),
        pltpu.VMEM((CHUNK, 16), f32),
        pltpu.VMEM((TSTRIPE, 16), f32),
        pltpu.VMEM((16,), i32),
        pltpu.VMEM_SHARED((TBL_ROWS, 16), f32),
    ],
)
def _prep_kernel(src_hbm, dst_hbm, *rest):
    (deg_hbm, bsrc_hbm, bdst_hbm, cnt_hbm,
     src_v, dst_v, bsrc_v, bdst_v, ones_v, init_v, cnt_v, table) = rest
    c = lax.axis_index("c")
    s = lax.axis_index("s")
    pltpu.sync_copy(src_hbm.at[s], src_v)
    pltpu.sync_copy(dst_hbm.at[s], dst_v)
    _fill(ones_v, CHUNK, 16, 1.0)
    _fill(init_v, TSTRIPE, 16, 1.0)

    iota = lax.iota(i32, 16)
    zero16 = jnp.zeros((16,), i32)

    cnt_all = zero16
    start = 0
    starts = []
    for r in range(NRANGE):
        lo = r * RSPAN
        hi = min((r + 1) * RSPAN, N)
        base = start * CHUNK

        def bucket_body(i, off, r=r, lo=lo, hi=hi):
            row = i // 8
            col = (i % 8) * 16
            vd = dst_v[row, pl.ds(col, 16)]
            vs = src_v[row, pl.ds(col, 16)]
            m = (vd >= lo) & (vd < hi)
            pos = off + plsc.cumsum(m.astype(i32)) - 1
            plsc.store_scatter(bdst_v, [pos // CHUNK, pos % CHUNK],
                               vd - lo, mask=m)
            plsc.store_scatter(bsrc_v, [pos // CHUNK, pos % CHUNK],
                               vs, mask=m)
            return off + plsc.all_reduce_population_count(m)

        off = lax.fori_loop(0, NCH * 8, bucket_body, zero16 + base)

        cnt = jnp.sum(jnp.where(iota == 0, off, 0)) - base
        nch2 = ((((cnt + CHUNK - 1) // CHUNK) + 1) // 2) * 2
        limit = base + nch2 * CHUNK

        def pad_body(k, off2, limit=limit):
            pos = off2 + iota + 16 * k
            m = pos < limit
            plsc.store_scatter(bdst_v, [pos // CHUNK, pos % CHUNK],
                               RSPAN + iota, mask=m)
            plsc.store_scatter(bsrc_v, [pos // CHUNK, pos % CHUNK],
                               zero16, mask=m)
            return off2

        lax.fori_loop(0, 16, pad_body, off)
        cnt_all = cnt_all + jnp.where(iota == r, cnt, 0)
        starts.append(start)
        start = start + nch2
    cnt_v[...] = cnt_all

    @pl.when(c == 0)
    def _():
        pltpu.sync_copy(bsrc_v, bsrc_hbm.at[s])
        pltpu.sync_copy(bdst_v, bdst_hbm.at[s])
        pltpu.sync_copy(cnt_v, cnt_hbm.at[s])

    for r in range(NRANGE):
        @pl.when(c == r % NCORE)
        def _(r=r):
            pltpu.sync_copy(
                init_v,
                table.at[pl.ds(pl.multiple_of(s * TSTRIPE, 8), TSTRIPE)])
            plsc.subcore_barrier()
            nch = (jnp.sum(jnp.where(iota == r, cnt_all, 0))
                   + (CHUNK - 1)) // CHUNK
            rb = starts[r]

            def body(j, carry, rb=rb):
                pltpu.sync_copy(ones_v, table.at[bdst_v.at[rb + j]], add=True)
                return carry

            lax.fori_loop(0, nch, body, 0)
            plsc.subcore_barrier()
            pltpu.sync_copy(
                table.at[pl.ds(pl.multiple_of(s * OR_FULL, 8), OR_FULL)],
                deg_hbm.at[pl.ds(pl.multiple_of(r * RSPAN + s * OR_FULL, 8),
                                 OR_FULL)])
            plsc.subcore_barrier()


def _make_prop(nb):

    @functools.partial(
        pl.kernel,
        out_type=[jax.ShapeDtypeStruct((NPAD, CW), f32) for _ in range(nb)],
        mesh=_mesh,
        compiler_params=pltpu.CompilerParams(needs_layout_passes=False),
        scratch_types=[
            pltpu.VMEM((CAPCH, CHUNK), i32),
            pltpu.VMEM((CAPCH, CHUNK), i32),
            pltpu.VMEM((16,), i32),
            pltpu.VMEM((CHUNK, CW), f32),
            pltpu.VMEM((CHUNK, CW), f32),
            pltpu.VMEM((TSTRIPE // 2, CW), f32),
            pltpu.VMEM_SHARED((TBL_ROWS, CW), f32),
            pltpu.SemaphoreType.DMA,
            pltpu.SemaphoreType.DMA,
            pltpu.SemaphoreType.DMA,
            pltpu.SemaphoreType.DMA,
        ],
    )
    def _prop(*args):
        bsrc_hbm, bdst_hbm, cnt_hbm = args[:3]
        tbls = args[3:3 + nb]
        outs = args[3 + nb:3 + 2 * nb]
        sc = args[3 + 2 * nb:]
        (bsrc_v, bdst_v, cnt_v, buf0, buf1, zbuf, table,
         sem0, sem1, sem2, sem3) = sc
        c = lax.axis_index("c")
        s = lax.axis_index("s")
        pltpu.sync_copy(bsrc_hbm.at[s], bsrc_v)
        pltpu.sync_copy(bdst_hbm.at[s], bdst_v)
        pltpu.sync_copy(cnt_hbm.at[s], cnt_v)
        cnt_all = cnt_v[...]
        iota = lax.iota(i32, 16)
        nch2_vec = jnp.zeros((16,), i32)
        start_vec = jnp.zeros((16,), i32)
        srt = 0
        for r in range(NRANGE):
            cnt = jnp.sum(jnp.where(iota == r, cnt_all, 0))
            nch2 = ((((cnt + CHUNK - 1) // CHUNK) + 1) // 2) * 2
            nch2_vec = nch2_vec + jnp.where(iota == r, nch2, 0)
            start_vec = start_vec + jnp.where(iota == r, srt, 0)
            srt = srt + nch2
        half = TSTRIPE // 2
        _fill(zbuf, half, CW, 0.0)

        def make_phase(tbl, out):
            def phase(r, carry):
                pltpu.sync_copy(
                    zbuf,
                    table.at[pl.ds(pl.multiple_of(s * TSTRIPE, 8), half)])
                pltpu.sync_copy(
                    zbuf,
                    table.at[pl.ds(pl.multiple_of(s * TSTRIPE + half, 8),
                                   half)])
                plsc.subcore_barrier()
                nch2 = jnp.sum(jnp.where(iota == r, nch2_vec, 0))
                rb = jnp.sum(jnp.where(iota == r, start_vec, 0))

                @pl.when(nch2 > 0)
                def _():
                    pltpu.async_copy(tbl.at[bsrc_v.at[rb]], buf0, sem0)
                    pltpu.async_copy(tbl.at[bsrc_v.at[rb + 1]], buf1, sem1)

                def body(i, carry2):
                    j0 = rb + 2 * i
                    pltpu.make_async_copy(tbl.at[bsrc_v.at[j0]],
                                          buf0, sem0).wait()
                    pltpu.async_copy(buf0, table.at[bdst_v.at[j0]], sem2,
                                     add=True)
                    pltpu.make_async_copy(tbl.at[bsrc_v.at[j0 + 1]],
                                          buf1, sem1).wait()
                    pltpu.async_copy(buf1, table.at[bdst_v.at[j0 + 1]], sem3,
                                     add=True)
                    pltpu.make_async_copy(buf0, table.at[bdst_v.at[j0]],
                                          sem2).wait()

                    @pl.when(2 * i + 2 < nch2)
                    def _():
                        pltpu.async_copy(tbl.at[bsrc_v.at[j0 + 2]],
                                         buf0, sem0)

                    pltpu.make_async_copy(buf1, table.at[bdst_v.at[j0 + 1]],
                                          sem3).wait()

                    @pl.when(2 * i + 3 < nch2)
                    def _():
                        pltpu.async_copy(tbl.at[bsrc_v.at[j0 + 3]],
                                         buf1, sem1)

                    return carry2

                lax.fori_loop(0, nch2 // 2, body, 0)
                plsc.subcore_barrier()
                pltpu.sync_copy(
                    table.at[pl.ds(pl.multiple_of(s * OR_FULL, 8), OR_FULL)],
                    out.at[pl.ds(pl.multiple_of(r * RSPAN + s * OR_FULL, 8),
                                 OR_FULL)])
                plsc.subcore_barrier()
                return carry

            return phase

        for cc in range(NCORE):
            @pl.when(c == cc)
            def _(cc=cc):
                for cb in range(cc, nb, NCORE):
                    lax.fori_loop(0, NRANGE,
                                  make_phase(tbls[cb], outs[cb]), 0)

    return _prop


_prop_l1 = _make_prop(NB1)
_prop_l2 = _make_prop(NB2)



RB = 1000
GRID = N // RB


def _row_spec(width):
    return pl.BlockSpec((RB, width), lambda i: (i, 0))


def _full_spec(r, c):
    return pl.BlockSpec((r, c), lambda i: (0, 0))


def _tc_a_body(deg_ref, x_ref, dis_ref, *outs):
    d = lax.rsqrt(deg_ref[...])
    dis_ref[...] = d
    xs = x_ref[...] * d[:, 0:1]
    for k in range(NB1):
        outs[k][...] = xs[:, CW * k:CW * (k + 1)]


_tc_a = pl.pallas_call(
    _tc_a_body,
    grid=(GRID,),
    in_specs=[_row_spec(16), _row_spec(IN_DIM)],
    out_specs=[_row_spec(16)] + [_row_spec(CW)] * NB1,
    out_shape=[jax.ShapeDtypeStruct((N, 16), f32)]
    + [jax.ShapeDtypeStruct((N, CW), f32) for _ in range(NB1)],
)


def _tc_b_body(*refs):
    gs = refs[:NB1]
    x_ref, dis_ref, w1_ref, b1_ref = refs[NB1:NB1 + 4]
    outs = refs[NB1 + 4:]
    d = dis_ref[:, 0:1]
    g = jnp.concatenate([r[...] for r in gs], axis=1)
    p = d * (g + d * x_ref[...])
    h = jnp.dot(p, w1_ref[...], preferred_element_type=f32) + b1_ref[...]
    hs = d * jnp.maximum(h, 0.0)
    for k in range(NB2):
        outs[k][...] = hs[:, CW * k:CW * (k + 1)]


_tc_b = pl.pallas_call(
    _tc_b_body,
    grid=(GRID,),
    in_specs=[_row_spec(CW)] * NB1 + [_row_spec(IN_DIM), _row_spec(16),
              _full_spec(IN_DIM, HIDDEN), _full_spec(1, HIDDEN)],
    out_specs=[_row_spec(CW)] * NB2,
    out_shape=[jax.ShapeDtypeStruct((N, CW), f32) for _ in range(NB2)],
)


def _tc_c_body(*refs):
    gs = refs[:NB2]
    hs_refs = refs[NB2:2 * NB2]
    dis_ref, w2_ref, b2_ref, wc_ref, bc_ref, out_ref = refs[2 * NB2:]
    d = dis_ref[:, 0:1]
    g = jnp.concatenate([r[...] for r in gs], axis=1)
    hs = jnp.concatenate([r[...] for r in hs_refs], axis=1)
    p = d * (g + hs)
    h = jnp.dot(p, w2_ref[...], preferred_element_type=f32) + b2_ref[...]
    h = jnp.maximum(h, 0.0)
    out_ref[...] = jnp.dot(h, wc_ref[...], preferred_element_type=f32) + bc_ref[...]


_tc_c = pl.pallas_call(
    _tc_c_body,
    grid=(GRID,),
    in_specs=[_row_spec(CW)] * (2 * NB2) + [_row_spec(16),
              _full_spec(HIDDEN, HIDDEN), _full_spec(1, HIDDEN),
              _full_spec(HIDDEN, OUT_DIM), _full_spec(1, OUT_DIM)],
    out_specs=_row_spec(OUT_DIM),
    out_shape=jax.ShapeDtypeStruct((N, OUT_DIM), f32),
)


def kernel(x, edge_index, W1, b1, W2, b2, Wc, bc):
    src = edge_index[0].astype(i32)
    dst = edge_index[1].astype(i32)
    pad = EPP - EP
    srcr = jnp.concatenate(
        [src.reshape(NSUB, EP), jnp.zeros((NSUB, pad), i32)],
        axis=1).reshape(NSUB, NCH, CHUNK)
    dstr = jnp.concatenate(
        [dst.reshape(NSUB, EP), jnp.full((NSUB, pad), N, i32)],
        axis=1).reshape(NSUB, NCH, CHUNK)

    deg16, bsrc, bdst, cnts = _prep_kernel(srcr, dstr)
    dis, *xs = _tc_a(deg16, x)
    g1 = _prop_l1(bsrc, bdst, cnts, *xs)
    hs = _tc_b(*g1, x, dis, W1, b1.reshape(1, HIDDEN))
    g2 = _prop_l2(bsrc, bdst, cnts, *hs)
    out = _tc_c(*g2, *hs, dis, W2, b2.reshape(1, HIDDEN),
                Wc, bc.reshape(1, OUT_DIM))
    return out

# --- scband reference (transcript-rebuilt; emitter-appended) ---
"""Pipeline reference for scband-gcn-30794915512854 (READ-ONLY COPY).

The authoritative reference and input builder live on the scoring server;
editing this copy changes nothing except your own understanding.
"""

import jax, jax.numpy as jnp
import numpy as np

N = 10000
E = 160000
IN_DIM = 256
HIDDEN = 512
OUT_DIM = 16


def setup_inputs(seed: int = 0) -> dict:
    key = jax.random.key(seed)
    ks = jax.random.split(key, 9)
    x = jax.random.normal(ks[0], (N, IN_DIM), dtype=jnp.float32)
    edge_index = jax.random.randint(ks[1], (2, E), 0, N, dtype=jnp.int32)
    W1 = jax.random.normal(ks[2], (IN_DIM, HIDDEN), dtype=jnp.float32) * (1.0 / np.sqrt(IN_DIM))
    b1 = jnp.zeros((HIDDEN,), dtype=jnp.float32)
    W2 = jax.random.normal(ks[3], (HIDDEN, HIDDEN), dtype=jnp.float32) * (1.0 / np.sqrt(HIDDEN))
    b2 = jnp.zeros((HIDDEN,), dtype=jnp.float32)
    Wc = jax.random.normal(ks[4], (HIDDEN, OUT_DIM), dtype=jnp.float32) * (1.0 / np.sqrt(HIDDEN))
    bc = jnp.zeros((OUT_DIM,), dtype=jnp.float32)
    return {"x": x, "edge_index": edge_index, "W1": W1, "b1": b1, "W2": W2, "b2": b2, "Wc": Wc, "bc": bc}


def _gcn_conv(h, src, dst, deg_inv_sqrt, W, b):
    # GCNConv: h' = D^{-1/2} (A + I) D^{-1/2} (h W) + b
    h = h @ W
    norm = deg_inv_sqrt[src] * deg_inv_sqrt[dst]
    msg = h[src] * norm[:, None]
    agg = jnp.zeros((N, W.shape[1]), dtype=h.dtype).at[dst].add(msg)
    return agg + b


def reference(x, edge_index, W1, b1, W2, b2, Wc, bc):
    # add self loops
    loop = jnp.arange(N, dtype=edge_index.dtype)
    src = jnp.concatenate([edge_index[0], loop])
    dst = jnp.concatenate([edge_index[1], loop])
    deg = jnp.zeros((N,), dtype=jnp.float32).at[dst].add(1.0)
    deg_inv_sqrt = 1.0 / jnp.sqrt(deg)  # deg >= 1 due to self loops

    h = _gcn_conv(x, src, dst, deg_inv_sqrt, W1, b1)
    h = jax.nn.relu(h)
    # dropout_rate=0.0 / eval mode -> identity
    h = _gcn_conv(h, src, dst, deg_inv_sqrt, W2, b2)
    h = jax.nn.relu(h)
    out = h @ Wc + bc
    return jnp.squeeze(out)

if __name__ == "__main__":
    import jax
    _d = setup_inputs()
    print(jax.jit(kernel)(*tuple(_d.values())))

</pallas_src>

<mosaic_0001>
#map = affine_map<(d0, d1) -> (0, 0, 0)>
#map1 = affine_map<(d0, d1) -> (0, 0)>
module attributes {stable_mosaic.version = 14 : i64} {
  func.func @_prep_kernel(%arg0: i32, %arg1: i32, %arg2: memref<16x80x128xi32, #tpu.memory_space<hbm>>, %arg3: memref<16x80x128xi32, #tpu.memory_space<hbm>>, %arg4: memref<10368x16xf32, #tpu.memory_space<hbm>>, %arg5: memref<16x88x128xi32, #tpu.memory_space<hbm>>, %arg6: memref<16x88x128xi32, #tpu.memory_space<hbm>>, %arg7: memref<16x16xi32, #tpu.memory_space<hbm>>, %arg8: memref<80x128xi32, #tpu.memory_space<vmem>>, %arg9: memref<80x128xi32, #tpu.memory_space<vmem>>, %arg10: memref<88x128xi32, #tpu.memory_space<vmem>>, %arg11: memref<88x128xi32, #tpu.memory_space<vmem>>, %arg12: memref<128x16xf32, #tpu.memory_space<vmem>>, %arg13: memref<224x16xf32, #tpu.memory_space<vmem>>, %arg14: memref<16xi32, #tpu.memory_space<vmem>>, %arg15: memref<3584x16xf32, #tpu.memory_space<vmem_shared>>) attributes {dimension_semantics = [#tpu.dimension_semantics<core_parallel>, #tpu.dimension_semantics<subcore_parallel>], iteration_bounds = array<i64: 2, 16>, scalar_prefetch = 0 : i64, scratch_operands = 8 : i64, tpu.core_type = #tpu.core_type<sc_vector_subcore>, window_params = [{transform_indices = #map}, {transform_indices = #map}, {transform_indices = #map1}, {transform_indices = #map}, {transform_indices = #map}, {transform_indices = #map1}]} {
    "tpu.region"() ({
      %run_scoped3A = tpu.sem_alloc : memref<!tpu.dma_semaphore, #tpu.memory_space<semaphore_mem>>
      %dma_start3A = arith.constant 0 : i32
      %dma_start3A_303 = arith.constant 0 : i32
      %dma_start3A_304 = tpu.memref_slice %arg2[%arg1, %dma_start3A, %dma_start3A_303] : memref<16x80x128xi32, #tpu.memory_space<hbm>> -> memref<1x80x128xi32, #tpu.memory_space<hbm>>
      %dma_start3A_305 = tpu.memref_squeeze %dma_start3A_304 : memref<1x80x128xi32, #tpu.memory_space<hbm>> -> memref<80x128xi32, #tpu.memory_space<hbm>>
      %dma_start3A_306 = arith.constant 0 : i32
      %dma_start3A_307 = arith.constant 0 : i32
      %dma_start3A_308 = tpu.memref_slice %arg2[%arg1, %dma_start3A_306, %dma_start3A_307] : memref<16x80x128xi32, #tpu.memory_space<hbm>> -> memref<1x80x128xi32, #tpu.memory_space<hbm>>
      %dma_start3A_309 = tpu.memref_squeeze %dma_start3A_308 : memref<1x80x128xi32, #tpu.memory_space<hbm>> -> memref<80x128xi32, #tpu.memory_space<hbm>>
      tpu.enqueue_dma source(%dma_start3A_309 : memref<80x128xi32, #tpu.memory_space<hbm>>) target(%arg8 : memref<80x128xi32, #tpu.memory_space<vmem>>) target_semaphore(%run_scoped3A : memref<!tpu.dma_semaphore, #tpu.memory_space<semaphore_mem>>)
      %dma_wait3A = arith.constant 0 : i32
      %dma_wait3A_310 = arith.constant 0 : i32
      %dma_wait3A_311 = tpu.memref_slice %arg2[%arg1, %dma_wait3A, %dma_wait3A_310] : memref<16x80x128xi32, #tpu.memory_space<hbm>> -> memref<1x80x128xi32, #tpu.memory_space<hbm>>
      %dma_wait3A_312 = tpu.memref_squeeze %dma_wait3A_311 : memref<1x80x128xi32, #tpu.memory_space<hbm>> -> memref<80x128xi32, #tpu.memory_space<hbm>>
      %dma_wait3A_313 = arith.constant 0 : i32
      %dma_wait3A_314 = arith.constant 0 : i32
      %dma_wait3A_315 = tpu.memref_slice %arg2[%arg1, %dma_wait3A_313, %dma_wait3A_314] : memref<16x80x128xi32, #tpu.memory_space<hbm>> -> memref<1x80x128xi32, #tpu.memory_space<hbm>>
      %dma_wait3A_316 = tpu.memref_squeeze %dma_wait3A_315 : memref<1x80x128xi32, #tpu.memory_space<hbm>> -> memref<80x128xi32, #tpu.memory_space<hbm>>
      tpu.wait_dma2 semaphore(%run_scoped3A : memref<!tpu.dma_semaphore, #tpu.memory_space<semaphore_mem>>) src(%dma_wait3A_316 : memref<80x128xi32, #tpu.memory_space<hbm>>) dst(%arg8 : memref<80x128xi32, #tpu.memory_space<vmem>>)
      tpu.yield
    }) : () -> ()
    "tpu.region"() ({
      %run_scoped3A = tpu.sem_alloc : memref<!tpu.dma_semaphore, #tpu.memory_space<semaphore_mem>>
      %dma_start3A = arith.constant 0 : i32
      %dma_start3A_303 = arith.constant 0 : i32
      %dma_start3A_304 = tpu.memref_slice %arg3[%arg1, %dma_start3A, %dma_start3A_303] : memref<16x80x128xi32, #tpu.memory_space<hbm>> -> memref<1x80x128xi32, #tpu.memory_space<hbm>>
      %dma_start3A_305 = tpu.memref_squeeze %dma_start3A_304 : memref<1x80x128xi32, #tpu.memory_space<hbm>> -> memref<80x128xi32, #tpu.memory_space<hbm>>
      %dma_start3A_306 = arith.constant 0 : i32
      %dma_start3A_307 = arith.constant 0 : i32
      %dma_start3A_308 = tpu.memref_slice %arg3[%arg1, %dma_start3A_306, %dma_start3A_307] : memref<16x80x128xi32, #tpu.memory_space<hbm>> -> memref<1x80x128xi32, #tpu.memory_space<hbm>>
      %dma_start3A_309 = tpu.memref_squeeze %dma_start3A_308 : memref<1x80x128xi32, #tpu.memory_space<hbm>> -> memref<80x128xi32, #tpu.memory_space<hbm>>
      tpu.enqueue_dma source(%dma_start3A_309 : memref<80x128xi32, #tpu.memory_space<hbm>>) target(%arg9 : memref<80x128xi32, #tpu.memory_space<vmem>>) target_semaphore(%run_scoped3A : memref<!tpu.dma_semaphore, #tpu.memory_space<semaphore_mem>>)
      %dma_wait3A = arith.constant 0 : i32
      %dma_wait3A_310 = arith.constant 0 : i32
      %dma_wait3A_311 = tpu.memref_slice %arg3[%arg1, %dma_wait3A, %dma_wait3A_310] : memref<16x80x128xi32, #tpu.memory_space<hbm>> -> memref<1x80x128xi32, #tpu.memory_space<hbm>>
      %dma_wait3A_312 = tpu.memref_squeeze %dma_wait3A_311 : memref<1x80x128xi32, #tpu.memory_space<hbm>> -> memref<80x128xi32, #tpu.memory_space<hbm>>
      %dma_wait3A_313 = arith.constant 0 : i32
      %dma_wait3A_314 = arith.constant 0 : i32
      %dma_wait3A_315 = tpu.memref_slice %arg3[%arg1, %dma_wait3A_313, %dma_wait3A_314] : memref<16x80x128xi32, #tpu.memory_space<hbm>> -> memref<1x80x128xi32, #tpu.memory_space<hbm>>
      %dma_wait3A_316 = tpu.memref_squeeze %dma_wait3A_315 : memref<1x80x128xi32, #tpu.memory_space<hbm>> -> memref<80x128xi32, #tpu.memory_space<hbm>>
      tpu.wait_dma2 semaphore(%run_scoped3A : memref<!tpu.dma_semaphore, #tpu.memory_space<semaphore_mem>>) src(%dma_wait3A_316 : memref<80x128xi32, #tpu.memory_space<hbm>>) dst(%arg9 : memref<80x128xi32, #tpu.memory_space<vmem>>)
      tpu.yield
    }) : () -> ()
    %scan3A = arith.constant 0 : i32
    %scan3A_0 = arith.constant 0 : i32
    %scan3A_1 = arith.constant 128 : i32
    %scan3A_2 = arith.addi %scan3A_0, %scan3A_1 : i32
    %scan3A_3 = arith.constant 1 : i32
    scf.for %scan3A_303 = %scan3A_0 to %scan3A_2 step %scan3A_3  : i32 {
      %jit3A_304 = arith.constant 1 : i32
      %div3A_305 = arith.divsi %scan3A_303, %jit3A_304 : i32
      %sign3A_306 = arith.constant 0 : i32
      %sign3A_307 = arith.cmpi sgt, %scan3A_303, %sign3A_306 : i32
      %sign3A_308 = arith.extui %sign3A_307 : i1 to i32
      %sign3A_309 = arith.constant 0 : i32
      %sign3A_310 = arith.cmpi slt, %scan3A_303, %sign3A_309 : i32
      %sign3A_311 = arith.extui %sign3A_310 : i1 to i32
      %sign3A_312 = arith.subi %sign3A_308, %sign3A_311 : i32
      %sign3A_313 = arith.constant 0 : i32
      %sign3A_314 = arith.cmpi sgt, %jit3A_304, %sign3A_313 : i32
      %sign3A_315 = arith.extui %sign3A_314 : i1 to i32
      %sign3A_316 = arith.constant 0 : i32
      %sign3A_317 = arith.cmpi slt, %jit3A_304, %sign3A_316 : i32
      %sign3A_318 = arith.extui %sign3A_317 : i1 to i32
      %sign3A_319 = arith.subi %sign3A_315, %sign3A_318 : i32
      %ne3A_320 = arith.cmpi ne, %sign3A_312, %sign3A_319 : i32
      %rem3A_321 = arith.remsi %scan3A_303, %jit3A_304 : i32
      %ne3A_322 = arith.constant 0 : i32
      %ne3A_323 = arith.cmpi ne, %rem3A_321, %ne3A_322 : i32
      %and3A_324 = arith.andi %ne3A_320, %ne3A_323 : i1
      %sub3A_325 = arith.constant 1 : i32
      %sub3A_326 = arith.subi %div3A_305, %sub3A_325 : i32
      %select_n3A_327 = arith.select %and3A_324, %sub3A_326, %div3A_305 : i32
      %jit3A_328 = arith.constant 1 : i32
      %eq3A_329 = arith.constant 0 : i32
      %eq3A_330 = arith.cmpi eq, %jit3A_328, %eq3A_329 : i32
      %jit3A_331 = arith.constant 1 : i32
      %select_n3A_332 = arith.select %eq3A_330, %jit3A_331, %jit3A_328 : i32
      %rem3A_333 = arith.remsi %scan3A_303, %select_n3A_332 : i32
      %ne3A_334 = arith.constant 0 : i32
      %ne3A_335 = arith.cmpi ne, %rem3A_333, %ne3A_334 : i32
      %lt3A = arith.constant 0 : i32
      %lt3A_336 = arith.cmpi slt, %rem3A_333, %lt3A : i32
      %lt3A_337 = arith.constant 0 : i32
      %lt3A_338 = arith.cmpi slt, %select_n3A_332, %lt3A_337 : i32
      %ne3A_339 = arith.xori %lt3A_336, %lt3A_338 : i1
      %and3A_340 = arith.andi %ne3A_339, %ne3A_335 : i1
      %add3A_341 = arith.addi %rem3A_333, %select_n3A_332 : i32
      %select_n3A_342 = arith.select %and3A_340, %add3A_341, %rem3A_333 : i32
      %mul3A_343 = arith.constant 16 : i32
      %mul3A_344 = arith.muli %select_n3A_342, %mul3A_343 : i32
      %broadcast_in_dim3A_345 = arith.constant 1.000000e+00 : f32
      %broadcast_in_dim3A_346 = vector.broadcast %broadcast_in_dim3A_345 : f32 to vector<16xf32>
      %swap3A_347 = arith.index_cast %select_n3A_327 : i32 to index
      %swap3A_348 = arith.index_cast %mul3A_344 : i32 to index
      %swap3A_349 = tpu.vector_load %arg12[%swap3A_347, %swap3A_348] {strides = array<i32>} : memref<128x16xf32, #tpu.memory_space<vmem>>, vector<16xf32>,
      tpu.vector_store %arg12[%swap3A_347, %swap3A_348], %broadcast_in_dim3A_346 {strides = array<i32>} : memref<128x16xf32, #tpu.memory_space<vmem>>, vector<16xf32>,
    }
    %scan3A_4 = arith.constant 128 : i32
    %scan3A_5 = arith.constant 0 : i32
    %scan3A_6 = arith.constant 0 : i32
    %scan3A_7 = arith.constant 224 : i32
    %scan3A_8 = arith.addi %scan3A_6, %scan3A_7 : i32
    %scan3A_9 = arith.constant 1 : i32
    scf.for %scan3A_303 = %scan3A_6 to %scan3A_8 step %scan3A_9  : i32 {
      %jit3A_304 = arith.constant 1 : i32
      %div3A_305 = arith.divsi %scan3A_303, %jit3A_304 : i32
      %sign3A_306 = arith.constant 0 : i32
      %sign3A_307 = arith.cmpi sgt, %scan3A_303, %sign3A_306 : i32
      %sign3A_308 = arith.extui %sign3A_307 : i1 to i32
      %sign3A_309 = arith.constant 0 : i32
      %sign3A_310 = arith.cmpi slt, %scan3A_303, %sign3A_309 : i32
      %sign3A_311 = arith.extui %sign3A_310 : i1 to i32
      %sign3A_312 = arith.subi %sign3A_308, %sign3A_311 : i32
      %sign3A_313 = arith.constant 0 : i32
      %sign3A_314 = arith.cmpi sgt, %jit3A_304, %sign3A_313 : i32
      %sign3A_315 = arith.extui %sign3A_314 : i1 to i32
      %sign3A_316 = arith.constant 0 : i32
      %sign3A_317 = arith.cmpi slt, %jit3A_304, %sign3A_316 : i32
      %sign3A_318 = arith.extui %sign3A_317 : i1 to i32
      %sign3A_319 = arith.subi %sign3A_315, %sign3A_318 : i32
      %ne3A_320 = arith.cmpi ne, %sign3A_312, %sign3A_319 : i32
      %rem3A_321 = arith.remsi %scan3A_303, %jit3A_304 : i32
      %ne3A_322 = arith.constant 0 : i32
      %ne3A_323 = arith.cmpi ne, %rem3A_321, %ne3A_322 : i32
      %and3A_324 = arith.andi %ne3A_320, %ne3A_323 : i1
      %sub3A_325 = arith.constant 1 : i32
      %sub3A_326 = arith.subi %div3A_305, %sub3A_325 : i32
      %select_n3A_327 = arith.select %and3A_324, %sub3A_326, %div3A_305 : i32
      %jit3A_328 = arith.constant 1 : i32
      %eq3A_329 = arith.constant 0 : i32
      %eq3A_330 = arith.cmpi eq, %jit3A_328, %eq3A_329 : i32
      %jit3A_331 = arith.constant 1 : i32
      %select_n3A_332 = arith.select %eq3A_330, %jit3A_331, %jit3A_328 : i32
      %rem3A_333 = arith.remsi %scan3A_303, %select_n3A_332 : i32
      %ne3A_334 = arith.constant 0 : i32
      %ne3A_335 = arith.cmpi ne, %rem3A_333, %ne3A_334 : i32
      %lt3A = arith.constant 0 : i32
      %lt3A_336 = arith.cmpi slt, %rem3A_333, %lt3A : i32
      %lt3A_337 = arith.constant 0 : i32
      %lt3A_338 = arith.cmpi slt, %select_n3A_332, %lt3A_337 : i32
      %ne3A_339 = arith.xori %lt3A_336, %lt3A_338 : i1
      %and3A_340 = arith.andi %ne3A_339, %ne3A_335 : i1
      %add3A_341 = arith.addi %rem3A_333, %select_n3A_332 : i32
      %select_n3A_342 = arith.select %and3A_340, %add3A_341, %rem3A_333 : i32
      %mul3A_343 = arith.constant 16 : i32
      %mul3A_344 = arith.muli %select_n3A_342, %mul3A_343 : i32
      %broadcast_in_dim3A_345 = arith.constant 1.000000e+00 : f32
      %broadcast_in_dim3A_346 = vector.broadcast %broadcast_in_dim3A_345 : f32 to vector<16xf32>
      %swap3A_347 = arith.index_cast %select_n3A_327 : i32 to index
      %swap3A_348 = arith.index_cast %mul3A_344 : i32 to index
      %swap3A_349 = tpu.vector_load %arg13[%swap3A_347, %swap3A_348] {strides = array<i32>} : memref<224x16xf32, #tpu.memory_space<vmem>>, vector<16xf32>,
      tpu.vector_store %arg13[%swap3A_347, %swap3A_348], %broadcast_in_dim3A_346 {strides = array<i32>} : memref<224x16xf32, #tpu.memory_space<vmem>>, vector<16xf32>,
    }
    %scan3A_10 = arith.constant 224 : i32
    %iota3A = tpu.iota {dimensions = array<i32: 0>} : vector<16xi32>
    %broadcast_in_dim3A = arith.constant 0 : i32
    %broadcast_in_dim3A_11 = vector.broadcast %broadcast_in_dim3A : i32 to vector<16xi32>
    %add3A = arith.constant 0 : i32
    %add3A_12 = vector.broadcast %add3A : i32 to vector<16xi32>
    %add3A_13 = arith.addi %broadcast_in_dim3A_11, %add3A_12 : vector<16xi32>
    %scan3A_14 = arith.constant 0 : i32
    %scan3A_15 = arith.constant 640 : i32
    %scan3A_16 = arith.addi %scan3A_14, %scan3A_15 : i32
    %scan3A_17 = arith.constant 1 : i32
    %scan3A_18 = scf.for %scan3A_303 = %scan3A_14 to %scan3A_16 step %scan3A_17 iter_args(%scan3A_304 = %add3A_13) -> (vector<16xi32>)  : i32 {
      %jit3A_305 = arith.constant 8 : i32
      %div3A_306 = arith.divsi %scan3A_303, %jit3A_305 : i32
      %sign3A_307 = arith.constant 0 : i32
      %sign3A_308 = arith.cmpi sgt, %scan3A_303, %sign3A_307 : i32
      %sign3A_309 = arith.extui %sign3A_308 : i1 to i32
      %sign3A_310 = arith.constant 0 : i32
      %sign3A_311 = arith.cmpi slt, %scan3A_303, %sign3A_310 : i32
      %sign3A_312 = arith.extui %sign3A_311 : i1 to i32
      %sign3A_313 = arith.subi %sign3A_309, %sign3A_312 : i32
      %sign3A_314 = arith.constant 0 : i32
      %sign3A_315 = arith.cmpi sgt, %jit3A_305, %sign3A_314 : i32
      %sign3A_316 = arith.extui %sign3A_315 : i1 to i32
      %sign3A_317 = arith.constant 0 : i32
      %sign3A_318 = arith.cmpi slt, %jit3A_305, %sign3A_317 : i32
      %sign3A_319 = arith.extui %sign3A_318 : i1 to i32
      %sign3A_320 = arith.subi %sign3A_316, %sign3A_319 : i32
      %ne3A_321 = arith.cmpi ne, %sign3A_313, %sign3A_320 : i32
      %rem3A_322 = arith.remsi %scan3A_303, %jit3A_305 : i32
      %ne3A_323 = arith.constant 0 : i32
      %ne3A_324 = arith.cmpi ne, %rem3A_322, %ne3A_323 : i32
      %and3A_325 = arith.andi %ne3A_321, %ne3A_324 : i1
      %sub3A_326 = arith.constant 1 : i32
      %sub3A_327 = arith.subi %div3A_306, %sub3A_326 : i32
      %select_n3A_328 = arith.select %and3A_325, %sub3A_327, %div3A_306 : i32
      %jit3A_329 = arith.constant 8 : i32
      %eq3A_330 = arith.constant 0 : i32
      %eq3A_331 = arith.cmpi eq, %jit3A_329, %eq3A_330 : i32
      %jit3A_332 = arith.constant 1 : i32
      %select_n3A_333 = arith.select %eq3A_331, %jit3A_332, %jit3A_329 : i32
      %rem3A_334 = arith.remsi %scan3A_303, %select_n3A_333 : i32
      %ne3A_335 = arith.constant 0 : i32
      %ne3A_336 = arith.cmpi ne, %rem3A_334, %ne3A_335 : i32
      %lt3A = arith.constant 0 : i32
      %lt3A_337 = arith.cmpi slt, %rem3A_334, %lt3A : i32
      %lt3A_338 = arith.constant 0 : i32
      %lt3A_339 = arith.cmpi slt, %select_n3A_333, %lt3A_338 : i32
      %ne3A_340 = arith.xori %lt3A_337, %lt3A_339 : i1
      %and3A_341 = arith.andi %ne3A_340, %ne3A_336 : i1
      %add3A_342 = arith.addi %rem3A_334, %select_n3A_333 : i32
      %select_n3A_343 = arith.select %and3A_341, %add3A_342, %rem3A_334 : i32
      %mul3A_344 = arith.constant 16 : i32
      %mul3A_345 = arith.muli %select_n3A_343, %mul3A_344 : i32
      %get3A = arith.index_cast %select_n3A_328 : i32 to index
      %get3A_346 = arith.index_cast %mul3A_345 : i32 to index
      %get3A_347 = tpu.vector_load %arg9[%get3A, %get3A_346] {strides = array<i32>} : memref<80x128xi32, #tpu.memory_space<vmem>>, vector<16xi32>,
      %get3A_348 = arith.index_cast %select_n3A_328 : i32 to index
      %get3A_349 = arith.index_cast %mul3A_345 : i32 to index
      %get3A_350 = tpu.vector_load %arg8[%get3A_348, %get3A_349] {strides = array<i32>} : memref<80x128xi32, #tpu.memory_space<vmem>>, vector<16xi32>,
      %ge3A = arith.constant 0 : i32
      %ge3A_351 = vector.broadcast %ge3A : i32 to vector<16xi32>
      %ge3A_352 = arith.cmpi sge, %get3A_347, %ge3A_351 : vector<16xi32>
      %lt3A_353 = arith.constant 3456 : i32
      %lt3A_354 = vector.broadcast %lt3A_353 : i32 to vector<16xi32>
      %lt3A_355 = arith.cmpi slt, %get3A_347, %lt3A_354 : vector<16xi32>
      %and3A_356 = arith.andi %ge3A_352, %lt3A_355 : vector<16xi1>
      %convert_element_type3A_357 = arith.extui %and3A_356 : vector<16xi1> to vector<16xi32>
      %broadcast_in_dim3A_358 = arith.constant true
      %broadcast_in_dim3A_359 = vector.broadcast %broadcast_in_dim3A_358 : i1 to vector<16xi1>
      %masked_cumsum3A = tpu.scan <sum>, %convert_element_type3A_357 masked %broadcast_in_dim3A_359 : vector<16xi32>, vector<16xi1> -> vector<16xi32>
      %add3A_360 = arith.addi %scan3A_304, %masked_cumsum3A : vector<16xi32>
      %sub3A_361 = arith.constant 1 : i32
      %sub3A_362 = vector.broadcast %sub3A_361 : i32 to vector<16xi32>
      %sub3A_363 = arith.subi %add3A_360, %sub3A_362 : vector<16xi32>
      %jit3A_364 = arith.constant 128 : i32
      %div3A_365 = vector.broadcast %jit3A_364 : i32 to vector<16xi32>
      %div3A_366 = arith.divsi %sub3A_363, %div3A_365 : vector<16xi32>
      %sign3A_367 = arith.constant 0 : i32
      %sign3A_368 = vector.broadcast %sign3A_367 : i32 to vector<16xi32>
      %sign3A_369 = arith.cmpi sgt, %sub3A_363, %sign3A_368 : vector<16xi32>
      %sign3A_370 = arith.extui %sign3A_369 : vector<16xi1> to vector<16xi32>
      %sign3A_371 = arith.constant 0 : i32
      %sign3A_372 = vector.broadcast %sign3A_371 : i32 to vector<16xi32>
      %sign3A_373 = arith.cmpi slt, %sub3A_363, %sign3A_372 : vector<16xi32>
      %sign3A_374 = arith.extui %sign3A_373 : vector<16xi1> to vector<16xi32>
      %sign3A_375 = arith.subi %sign3A_370, %sign3A_374 : vector<16xi32>
      %sign3A_376 = arith.constant 0 : i32
      %sign3A_377 = arith.cmpi sgt, %jit3A_364, %sign3A_376 : i32
      %sign3A_378 = arith.extui %sign3A_377 : i1 to i32
      %sign3A_379 = arith.constant 0 : i32
      %sign3A_380 = arith.cmpi slt, %jit3A_364, %sign3A_379 : i32
      %sign3A_381 = arith.extui %sign3A_380 : i1 to i32
      %sign3A_382 = arith.subi %sign3A_378, %sign3A_381 : i32
      %ne3A_383 = vector.broadcast %sign3A_382 : i32 to vector<16xi32>
      %ne3A_384 = arith.cmpi ne, %sign3A_375, %ne3A_383 : vector<16xi32>
      %rem3A_385 = vector.broadcast %jit3A_364 : i32 to vector<16xi32>
      %rem3A_386 = arith.remsi %sub3A_363, %rem3A_385 : vector<16xi32>
      %ne3A_387 = arith.constant 0 : i32
      %ne3A_388 = vector.broadcast %ne3A_387 : i32 to vector<16xi32>
      %ne3A_389 = arith.cmpi ne, %rem3A_386, %ne3A_388 : vector<16xi32>
      %and3A_390 = arith.andi %ne3A_384, %ne3A_389 : vector<16xi1>
      %sub3A_391 = arith.constant 1 : i32
      %sub3A_392 = vector.broadcast %sub3A_391 : i32 to vector<16xi32>
      %sub3A_393 = arith.subi %div3A_366, %sub3A_392 : vector<16xi32>
      %select_n3A_394 = arith.select %and3A_390, %sub3A_393, %div3A_366 : vector<16xi1>, vector<16xi32>
      %jit3A_395 = arith.constant 128 : i32
      %eq3A_396 = arith.constant 0 : i32
      %eq3A_397 = arith.cmpi eq, %jit3A_395, %eq3A_396 : i32
      %jit3A_398 = arith.constant 1 : i32
      %select_n3A_399 = arith.select %eq3A_397, %jit3A_398, %jit3A_395 : i32
      %rem3A_400 = vector.broadcast %select_n3A_399 : i32 to vector<16xi32>
      %rem3A_401 = arith.remsi %sub3A_363, %rem3A_400 : vector<16xi32>
      %ne3A_402 = arith.constant 0 : i32
      %ne3A_403 = vector.broadcast %ne3A_402 : i32 to vector<16xi32>
      %ne3A_404 = arith.cmpi ne, %rem3A_401, %ne3A_403 : vector<16xi32>
      %lt3A_405 = arith.constant 0 : i32
      %lt3A_406 = vector.broadcast %lt3A_405 : i32 to vector<16xi32>
      %lt3A_407 = arith.cmpi slt, %rem3A_401, %lt3A_406 : vector<16xi32>
      %lt3A_408 = arith.constant 0 : i32
      %lt3A_409 = arith.cmpi slt, %select_n3A_399, %lt3A_408 : i32
      %ne3A_410 = vector.broadcast %lt3A_409 : i1 to vector<16xi1>
      %ne3A_411 = vector.broadcast %ne3A_410 : vector<16xi1> to vector<16xi1>
      %ne3A_412 = arith.xori %lt3A_407, %ne3A_411 : vector<16xi1>
      %and3A_413 = arith.andi %ne3A_412, %ne3A_404 : vector<16xi1>
      %add3A_414 = vector.broadcast %select_n3A_399 : i32 to vector<16xi32>
      %add3A_415 = arith.addi %rem3A_401, %add3A_414 : vector<16xi32>
      %select_n3A_416 = arith.select %and3A_413, %add3A_415, %rem3A_401 : vector<16xi1>, vector<16xi32>
      %sub3A_417 = arith.constant 0 : i32
      %sub3A_418 = vector.broadcast %sub3A_417 : i32 to vector<16xi32>
      %sub3A_419 = arith.subi %get3A_347, %sub3A_418 : vector<16xi32>
      tpu.vector_store_idx %arg11[%select_n3A_394, %select_n3A_416], %sub3A_419 masked %and3A_356 : memref<88x128xi32, #tpu.memory_space<vmem>>[vector<16xi32>, vector<16xi32>], vector<16xi32>, vector<16xi1>
      %jit3A_420 = arith.constant 128 : i32
      %div3A_421 = vector.broadcast %jit3A_420 : i32 to vector<16xi32>
      %div3A_422 = arith.divsi %sub3A_363, %div3A_421 : vector<16xi32>
      %sign3A_423 = arith.constant 0 : i32
      %sign3A_424 = vector.broadcast %sign3A_423 : i32 to vector<16xi32>
      %sign3A_425 = arith.cmpi sgt, %sub3A_363, %sign3A_424 : vector<16xi32>
      %sign3A_426 = arith.extui %sign3A_425 : vector<16xi1> to vector<16xi32>
      %sign3A_427 = arith.constant 0 : i32
      %sign3A_428 = vector.broadcast %sign3A_427 : i32 to vector<16xi32>
      %sign3A_429 = arith.cmpi slt, %sub3A_363, %sign3A_428 : vector<16xi32>
      %sign3A_430 = arith.extui %sign3A_429 : vector<16xi1> to vector<16xi32>
      %sign3A_431 = arith.subi %sign3A_426, %sign3A_430 : vector<16xi32>
      %sign3A_432 = arith.constant 0 : i32
      %sign3A_433 = arith.cmpi sgt, %jit3A_420, %sign3A_432 : i32
      %sign3A_434 = arith.extui %sign3A_433 : i1 to i32
      %sign3A_435 = arith.constant 0 : i32
      %sign3A_436 = arith.cmpi slt, %jit3A_420, %sign3A_435 : i32
      %sign3A_437 = arith.extui %sign3A_436 : i1 to i32
      %sign3A_438 = arith.subi %sign3A_434, %sign3A_437 : i32
      %ne3A_439 = vector.broadcast %sign3A_438 : i32 to vector<16xi32>
      %ne3A_440 = arith.cmpi ne, %sign3A_431, %ne3A_439 : vector<16xi32>
      %rem3A_441 = vector.broadcast %jit3A_420 : i32 to vector<16xi32>
      %rem3A_442 = arith.remsi %sub3A_363, %rem3A_441 : vector<16xi32>
      %ne3A_443 = arith.constant 0 : i32
      %ne3A_444 = vector.broadcast %ne3A_443 : i32 to vector<16xi32>
      %ne3A_445 = arith.cmpi ne, %rem3A_442, %ne3A_444 : vector<16xi32>
      %and3A_446 = arith.andi %ne3A_440, %ne3A_445 : vector<16xi1>
      %sub3A_447 = arith.constant 1 : i32
      %sub3A_448 = vector.broadcast %sub3A_447 : i32 to vector<16xi32>
      %sub3A_449 = arith.subi %div3A_422, %sub3A_448 : vector<16xi32>
      %select_n3A_450 = arith.select %and3A_446, %sub3A_449, %div3A_422 : vector<16xi1>, vector<16xi32>
      %jit3A_451 = arith.constant 128 : i32
      %eq3A_452 = arith.constant 0 : i32
      %eq3A_453 = arith.cmpi eq, %jit3A_451, %eq3A_452 : i32
      %jit3A_454 = arith.constant 1 : i32
      %select_n3A_455 = arith.select %eq3A_453, %jit3A_454, %jit3A_451 : i32
      %rem3A_456 = vector.broadcast %select_n3A_455 : i32 to vector<16xi32>
      %rem3A_457 = arith.remsi %sub3A_363, %rem3A_456 : vector<16xi32>
      %ne3A_458 = arith.constant 0 : i32
      %ne3A_459 = vector.broadcast %ne3A_458 : i32 to vector<16xi32>
      %ne3A_460 = arith.cmpi ne, %rem3A_457, %ne3A_459 : vector<16xi32>
      %lt3A_461 = arith.constant 0 : i32
      %lt3A_462 = vector.broadcast %lt3A_461 : i32 to vector<16xi32>
      %lt3A_463 = arith.cmpi slt, %rem3A_457, %lt3A_462 : vector<16xi32>
      %lt3A_464 = arith.constant 0 : i32
      %lt3A_465 = arith.cmpi slt, %select_n3A_455, %lt3A_464 : i32
      %ne3A_466 = vector.broadcast %lt3A_465 : i1 to vector<16xi1>
      %ne3A_467 = vector.broadcast %ne3A_466 : vector<16xi1> to vector<16xi1>
      %ne3A_468 = arith.xori %lt3A_463, %ne3A_467 : vector<16xi1>
      %and3A_469 = arith.andi %ne3A_468, %ne3A_460 : vector<16xi1>
      %add3A_470 = vector.broadcast %select_n3A_455 : i32 to vector<16xi32>
      %add3A_471 = arith.addi %rem3A_457, %add3A_470 : vector<16xi32>
      %select_n3A_472 = arith.select %and3A_469, %add3A_471, %rem3A_457 : vector<16xi1>, vector<16xi32>
      tpu.vector_store_idx %arg10[%select_n3A_450, %select_n3A_472], %get3A_350 masked %and3A_356 : memref<88x128xi32, #tpu.memory_space<vmem>>[vector<16xi32>, vector<16xi32>], vector<16xi32>, vector<16xi1>
      %all_reduce_population_count3A = tpu.all_reduce %and3A_356 {dim = 0 : i64, kind = #tpu.reduction_kind<sum>} : vector<16xi1> -> vector<16xi32>
      %add3A_473 = arith.addi %scan3A_304, %all_reduce_population_count3A : vector<16xi32>
      scf.yield %add3A_473 : vector<16xi32>
    }
    %scan3A_19 = arith.constant 640 : i32
    %eq3A = arith.constant 0 : i32
    %eq3A_20 = vector.broadcast %eq3A : i32 to vector<16xi32>
    %eq3A_21 = arith.cmpi eq, %iota3A, %eq3A_20 : vector<16xi32>
    %jit3A = arith.constant 0 : i32
    %broadcast_in_dim3A_22 = vector.broadcast %jit3A : i32 to vector<16xi32>
    %select_n3A = arith.select %eq3A_21, %scan3A_18, %broadcast_in_dim3A_22 : vector<16xi1>, vector<16xi32>
    %reduce_sum3A = arith.constant true
    %reduce_sum3A_23 = vector.broadcast %reduce_sum3A : i1 to vector<16xi1>
    %reduce_sum3A_24 = tpu.scan <sum>, %select_n3A masked %reduce_sum3A_23 : vector<16xi32>, vector<16xi1> -> vector<16xi32>
    %reduce_sum3A_25 = vector.extract %reduce_sum3A_24[15] : i32 from vector<16xi32>
    %sub3A = arith.constant 0 : i32
    %sub3A_26 = arith.subi %reduce_sum3A_25, %sub3A : i32
    %add3A_27 = arith.constant 128 : i32
    %add3A_28 = arith.addi %sub3A_26, %add3A_27 : i32
    %sub3A_29 = arith.constant 1 : i32
    %sub3A_30 = arith.subi %add3A_28, %sub3A_29 : i32
    %jit3A_31 = arith.constant 128 : i32
    %div3A = arith.divsi %sub3A_30, %jit3A_31 : i32
    %sign3A = arith.constant 0 : i32
    %sign3A_32 = arith.cmpi sgt, %sub3A_30, %sign3A : i32
    %sign3A_33 = arith.extui %sign3A_32 : i1 to i32
    %sign3A_34 = arith.constant 0 : i32
    %sign3A_35 = arith.cmpi slt, %sub3A_30, %sign3A_34 : i32
    %sign3A_36 = arith.extui %sign3A_35 : i1 to i32
    %sign3A_37 = arith.subi %sign3A_33, %sign3A_36 : i32
    %sign3A_38 = arith.constant 0 : i32
    %sign3A_39 = arith.cmpi sgt, %jit3A_31, %sign3A_38 : i32
    %sign3A_40 = arith.extui %sign3A_39 : i1 to i32
    %sign3A_41 = arith.constant 0 : i32
    %sign3A_42 = arith.cmpi slt, %jit3A_31, %sign3A_41 : i32
    %sign3A_43 = arith.extui %sign3A_42 : i1 to i32
    %sign3A_44 = arith.subi %sign3A_40, %sign3A_43 : i32
    %ne3A = arith.cmpi ne, %sign3A_37, %sign3A_44 : i32
    %rem3A = arith.remsi %sub3A_30, %jit3A_31 : i32
    %ne3A_45 = arith.constant 0 : i32
    %ne3A_46 = arith.cmpi ne, %rem3A, %ne3A_45 : i32
    %and3A = arith.andi %ne3A, %ne3A_46 : i1
    %sub3A_47 = arith.constant 1 : i32
    %sub3A_48 = arith.subi %div3A, %sub3A_47 : i32
    %select_n3A_49 = arith.select %and3A, %sub3A_48, %div3A : i32
    %add3A_50 = arith.constant 1 : i32
    %add3A_51 = arith.addi %select_n3A_49, %add3A_50 : i32
    %jit3A_52 = arith.constant 2 : i32
    %div3A_53 = arith.divsi %add3A_51, %jit3A_52 : i32
    %sign3A_54 = arith.constant 0 : i32
    %sign3A_55 = arith.cmpi sgt, %add3A_51, %sign3A_54 : i32
    %sign3A_56 = arith.extui %sign3A_55 : i1 to i32
    %sign3A_57 = arith.constant 0 : i32
    %sign3A_58 = arith.cmpi slt, %add3A_51, %sign3A_57 : i32
    %sign3A_59 = arith.extui %sign3A_58 : i1 to i32
    %sign3A_60 = arith.subi %sign3A_56, %sign3A_59 : i32
    %sign3A_61 = arith.constant 0 : i32
    %sign3A_62 = arith.cmpi sgt, %jit3A_52, %sign3A_61 : i32
    %sign3A_63 = arith.extui %sign3A_62 : i1 to i32
    %sign3A_64 = arith.constant 0 : i32
    %sign3A_65 = arith.cmpi slt, %jit3A_52, %sign3A_64 : i32
    %sign3A_66 = arith.extui %sign3A_65 : i1 to i32
    %sign3A_67 = arith.subi %sign3A_63, %sign3A_66 : i32
    %ne3A_68 = arith.cmpi ne, %sign3A_60, %sign3A_67 : i32
    %rem3A_69 = arith.remsi %add3A_51, %jit3A_52 : i32
    %ne3A_70 = arith.constant 0 : i32
    %ne3A_71 = arith.cmpi ne, %rem3A_69, %ne3A_70 : i32
    %and3A_72 = arith.andi %ne3A_68, %ne3A_71 : i1
    %sub3A_73 = arith.constant 1 : i32
    %sub3A_74 = arith.subi %div3A_53, %sub3A_73 : i32
    %select_n3A_75 = arith.select %and3A_72, %sub3A_74, %div3A_53 : i32
    %mul3A = arith.constant 2 : i32
    %mul3A_76 = arith.muli %select_n3A_75, %mul3A : i32
    %mul3A_77 = arith.constant 128 : i32
    %mul3A_78 = arith.muli %mul3A_76, %mul3A_77 : i32
    %add3A_79 = arith.constant 0 : i32
    %add3A_80 = arith.addi %add3A_79, %mul3A_78 : i32
    %scan3A_81 = arith.constant 0 : i32
    %scan3A_82 = arith.constant 16 : i32
    %scan3A_83 = arith.addi %scan3A_81, %scan3A_82 : i32
    %scan3A_84 = arith.constant 1 : i32
    scf.for %scan3A_303 = %scan3A_81 to %scan3A_83 step %scan3A_84  : i32 {
      %add3A_304 = arith.addi %scan3A_18, %iota3A : vector<16xi32>
      %mul3A_305 = arith.constant 16 : i32
      %mul3A_306 = arith.muli %mul3A_305, %scan3A_303 : i32
      %add3A_307 = vector.broadcast %mul3A_306 : i32 to vector<16xi32>
      %add3A_308 = arith.addi %add3A_304, %add3A_307 : vector<16xi32>
      %lt3A = vector.broadcast %add3A_80 : i32 to vector<16xi32>
      %lt3A_309 = arith.cmpi slt, %add3A_308, %lt3A : vector<16xi32>
      %jit3A_310 = arith.constant 128 : i32
      %div3A_311 = vector.broadcast %jit3A_310 : i32 to vector<16xi32>
      %div3A_312 = arith.divsi %add3A_308, %div3A_311 : vector<16xi32>
      %sign3A_313 = arith.constant 0 : i32
      %sign3A_314 = vector.broadcast %sign3A_313 : i32 to vector<16xi32>
      %sign3A_315 = arith.cmpi sgt, %add3A_308, %sign3A_314 : vector<16xi32>
      %sign3A_316 = arith.extui %sign3A_315 : vector<16xi1> to vector<16xi32>
      %sign3A_317 = arith.constant 0 : i32
      %sign3A_318 = vector.broadcast %sign3A_317 : i32 to vector<16xi32>
      %sign3A_319 = arith.cmpi slt, %add3A_308, %sign3A_318 : vector<16xi32>
      %sign3A_320 = arith.extui %sign3A_319 : vector<16xi1> to vector<16xi32>
      %sign3A_321 = arith.subi %sign3A_316, %sign3A_320 : vector<16xi32>
      %sign3A_322 = arith.constant 0 : i32
      %sign3A_323 = arith.cmpi sgt, %jit3A_310, %sign3A_322 : i32
      %sign3A_324 = arith.extui %sign3A_323 : i1 to i32
      %sign3A_325 = arith.constant 0 : i32
      %sign3A_326 = arith.cmpi slt, %jit3A_310, %sign3A_325 : i32
      %sign3A_327 = arith.extui %sign3A_326 : i1 to i32
      %sign3A_328 = arith.subi %sign3A_324, %sign3A_327 : i32
      %ne3A_329 = vector.broadcast %sign3A_328 : i32 to vector<16xi32>
      %ne3A_330 = arith.cmpi ne, %sign3A_321, %ne3A_329 : vector<16xi32>
      %rem3A_331 = vector.broadcast %jit3A_310 : i32 to vector<16xi32>
      %rem3A_332 = arith.remsi %add3A_308, %rem3A_331 : vector<16xi32>
      %ne3A_333 = arith.constant 0 : i32
      %ne3A_334 = vector.broadcast %ne3A_333 : i32 to vector<16xi32>
      %ne3A_335 = arith.cmpi ne, %rem3A_332, %ne3A_334 : vector<16xi32>
      %and3A_336 = arith.andi %ne3A_330, %ne3A_335 : vector<16xi1>
      %sub3A_337 = arith.constant 1 : i32
      %sub3A_338 = vector.broadcast %sub3A_337 : i32 to vector<16xi32>
      %sub3A_339 = arith.subi %div3A_312, %sub3A_338 : vector<16xi32>
      %select_n3A_340 = arith.select %and3A_336, %sub3A_339, %div3A_312 : vector<16xi1>, vector<16xi32>
      %jit3A_341 = arith.constant 128 : i32
      %eq3A_342 = arith.constant 0 : i32
      %eq3A_343 = arith.cmpi eq, %jit3A_341, %eq3A_342 : i32
      %jit3A_344 = arith.constant 1 : i32
      %select_n3A_345 = arith.select %eq3A_343, %jit3A_344, %jit3A_341 : i32
      %rem3A_346 = vector.broadcast %select_n3A_345 : i32 to vector<16xi32>
      %rem3A_347 = arith.remsi %add3A_308, %rem3A_346 : vector<16xi32>
      %ne3A_348 = arith.constant 0 : i32
      %ne3A_349 = vector.broadcast %ne3A_348 : i32 to vector<16xi32>
      %ne3A_350 = arith.cmpi ne, %rem3A_347, %ne3A_349 : vector<16xi32>
      %lt3A_351 = arith.constant 0 : i32
      %lt3A_352 = vector.broadcast %lt3A_351 : i32 to vector<16xi32>
      %lt3A_353 = arith.cmpi slt, %rem3A_347, %lt3A_352 : vector<16xi32>
      %lt3A_354 = arith.constant 0 : i32
      %lt3A_355 = arith.cmpi slt, %select_n3A_345, %lt3A_354 : i32
      %ne3A_356 = vector.broadcast %lt3A_355 : i1 to vector<16xi1>
      %ne3A_357 = vector.broadcast %ne3A_356 : vector<16xi1> to vector<16xi1>
      %ne3A_358 = arith.xori %lt3A_353, %ne3A_357 : vector<16xi1>
      %and3A_359 = arith.andi %ne3A_358, %ne3A_350 : vector<16xi1>
      %add3A_360 = vector.broadcast %select_n3A_345 : i32 to vector<16xi32>
      %add3A_361 = arith.addi %rem3A_347, %add3A_360 : vector<16xi32>
      %select_n3A_362 = arith.select %and3A_359, %add3A_361, %rem3A_347 : vector<16xi1>, vector<16xi32>
      %add3A_363 = arith.constant 3456 : i32
      %add3A_364 = vector.broadcast %add3A_363 : i32 to vector<16xi32>
      %add3A_365 = arith.addi %add3A_364, %iota3A : vector<16xi32>
      tpu.vector_store_idx %arg11[%select_n3A_340, %select_n3A_362], %add3A_365 masked %lt3A_309 : memref<88x128xi32, #tpu.memory_space<vmem>>[vector<16xi32>, vector<16xi32>], vector<16xi32>, vector<16xi1>
      %jit3A_366 = arith.constant 128 : i32
      %div3A_367 = vector.broadcast %jit3A_366 : i32 to vector<16xi32>
      %div3A_368 = arith.divsi %add3A_308, %div3A_367 : vector<16xi32>
      %sign3A_369 = arith.constant 0 : i32
      %sign3A_370 = vector.broadcast %sign3A_369 : i32 to vector<16xi32>
      %sign3A_371 = arith.cmpi sgt, %add3A_308, %sign3A_370 : vector<16xi32>
      %sign3A_372 = arith.extui %sign3A_371 : vector<16xi1> to vector<16xi32>
      %sign3A_373 = arith.constant 0 : i32
      %sign3A_374 = vector.broadcast %sign3A_373 : i32 to vector<16xi32>
      %sign3A_375 = arith.cmpi slt, %add3A_308, %sign3A_374 : vector<16xi32>
      %sign3A_376 = arith.extui %sign3A_375 : vector<16xi1> to vector<16xi32>
      %sign3A_377 = arith.subi %sign3A_372, %sign3A_376 : vector<16xi32>
      %sign3A_378 = arith.constant 0 : i32
      %sign3A_379 = arith.cmpi sgt, %jit3A_366, %sign3A_378 : i32
      %sign3A_380 = arith.extui %sign3A_379 : i1 to i32
      %sign3A_381 = arith.constant 0 : i32
      %sign3A_382 = arith.cmpi slt, %jit3A_366, %sign3A_381 : i32
      %sign3A_383 = arith.extui %sign3A_382 : i1 to i32
      %sign3A_384 = arith.subi %sign3A_380, %sign3A_383 : i32
      %ne3A_385 = vector.broadcast %sign3A_384 : i32 to vector<16xi32>
      %ne3A_386 = arith.cmpi ne, %sign3A_377, %ne3A_385 : vector<16xi32>
      %rem3A_387 = vector.broadcast %jit3A_366 : i32 to vector<16xi32>
      %rem3A_388 = arith.remsi %add3A_308, %rem3A_387 : vector<16xi32>
      %ne3A_389 = arith.constant 0 : i32
      %ne3A_390 = vector.broadcast %ne3A_389 : i32 to vector<16xi32>
      %ne3A_391 = arith.cmpi ne, %rem3A_388, %ne3A_390 : vector<16xi32>
      %and3A_392 = arith.andi %ne3A_386, %ne3A_391 : vector<16xi1>
      %sub3A_393 = arith.constant 1 : i32
      %sub3A_394 = vector.broadcast %sub3A_393 : i32 to vector<16xi32>
      %sub3A_395 = arith.subi %div3A_368, %sub3A_394 : vector<16xi32>
      %select_n3A_396 = arith.select %and3A_392, %sub3A_395, %div3A_368 : vector<16xi1>, vector<16xi32>
      %jit3A_397 = arith.constant 128 : i32
      %eq3A_398 = arith.constant 0 : i32
      %eq3A_399 = arith.cmpi eq, %jit3A_397, %eq3A_398 : i32
      %jit3A_400 = arith.constant 1 : i32
      %select_n3A_401 = arith.select %eq3A_399, %jit3A_400, %jit3A_397 : i32
      %rem3A_402 = vector.broadcast %select_n3A_401 : i32 to vector<16xi32>
      %rem3A_403 = arith.remsi %add3A_308, %rem3A_402 : vector<16xi32>
      %ne3A_404 = arith.constant 0 : i32
      %ne3A_405 = vector.broadcast %ne3A_404 : i32 to vector<16xi32>
      %ne3A_406 = arith.cmpi ne, %rem3A_403, %ne3A_405 : vector<16xi32>
      %lt3A_407 = arith.constant 0 : i32
      %lt3A_408 = vector.broadcast %lt3A_407 : i32 to vector<16xi32>
      %lt3A_409 = arith.cmpi slt, %rem3A_403, %lt3A_408 : vector<16xi32>
      %lt3A_410 = arith.constant 0 : i32
      %lt3A_411 = arith.cmpi slt, %select_n3A_401, %lt3A_410 : i32
      %ne3A_412 = vector.broadcast %lt3A_411 : i1 to vector<16xi1>
      %ne3A_413 = vector.broadcast %ne3A_412 : vector<16xi1> to vector<16xi1>
      %ne3A_414 = arith.xori %lt3A_409, %ne3A_413 : vector<16xi1>
      %and3A_415 = arith.andi %ne3A_414, %ne3A_406 : vector<16xi1>
      %add3A_416 = vector.broadcast %select_n3A_401 : i32 to vector<16xi32>
      %add3A_417 = arith.addi %rem3A_403, %add3A_416 : vector<16xi32>
      %select_n3A_418 = arith.select %and3A_415, %add3A_417, %rem3A_403 : vector<16xi1>, vector<16xi32>
      tpu.vector_store_idx %arg10[%select_n3A_396, %select_n3A_418], %broadcast_in_dim3A_11 masked %lt3A_309 : memref<88x128xi32, #tpu.memory_space<vmem>>[vector<16xi32>, vector<16xi32>], vector<16xi32>, vector<16xi1>
    }
    %scan3A_85 = arith.constant 16 : i32
    %eq3A_86 = arith.constant 0 : i32
    %eq3A_87 = vector.broadcast %eq3A_86 : i32 to vector<16xi32>
    %eq3A_88 = arith.cmpi eq, %iota3A, %eq3A_87 : vector<16xi32>
    %jit3A_89 = arith.constant 0 : i32
    %broadcast_in_dim3A_90 = vector.broadcast %sub3A_26 : i32 to vector<16xi32>
    %broadcast_in_dim3A_91 = vector.broadcast %jit3A_89 : i32 to vector<16xi32>
    %select_n3A_92 = arith.select %eq3A_88, %broadcast_in_dim3A_90, %broadcast_in_dim3A_91 : vector<16xi1>, vector<16xi32>
    %add3A_93 = arith.addi %broadcast_in_dim3A_11, %select_n3A_92 : vector<16xi32>
    %add3A_94 = arith.constant 0 : i32
    %add3A_95 = arith.addi %add3A_94, %mul3A_76 : i32
    %mul3A_96 = arith.constant 128 : i32
    %mul3A_97 = arith.muli %add3A_95, %mul3A_96 : i32
    %add3A_98 = vector.broadcast %mul3A_97 : i32 to vector<16xi32>
    %add3A_99 = arith.addi %broadcast_in_dim3A_11, %add3A_98 : vector<16xi32>
    %scan3A_100 = arith.constant 0 : i32
    %scan3A_101 = arith.constant 640 : i32
    %scan3A_102 = arith.addi %scan3A_100, %scan3A_101 : i32
    %scan3A_103 = arith.constant 1 : i32
    %scan3A_104 = scf.for %scan3A_303 = %scan3A_100 to %scan3A_102 step %scan3A_103 iter_args(%scan3A_304 = %add3A_99) -> (vector<16xi32>)  : i32 {
      %jit3A_305 = arith.constant 8 : i32
      %div3A_306 = arith.divsi %scan3A_303, %jit3A_305 : i32
      %sign3A_307 = arith.constant 0 : i32
      %sign3A_308 = arith.cmpi sgt, %scan3A_303, %sign3A_307 : i32
      %sign3A_309 = arith.extui %sign3A_308 : i1 to i32
      %sign3A_310 = arith.constant 0 : i32
      %sign3A_311 = arith.cmpi slt, %scan3A_303, %sign3A_310 : i32
      %sign3A_312 = arith.extui %sign3A_311 : i1 to i32
      %sign3A_313 = arith.subi %sign3A_309, %sign3A_312 : i32
      %sign3A_314 = arith.constant 0 : i32
      %sign3A_315 = arith.cmpi sgt, %jit3A_305, %sign3A_314 : i32
      %sign3A_316 = arith.extui %sign3A_315 : i1 to i32
      %sign3A_317 = arith.constant 0 : i32
      %sign3A_318 = arith.cmpi slt, %jit3A_305, %sign3A_317 : i32
      %sign3A_319 = arith.extui %sign3A_318 : i1 to i32
      %sign3A_320 = arith.subi %sign3A_316, %sign3A_319 : i32
      %ne3A_321 = arith.cmpi ne, %sign3A_313, %sign3A_320 : i32
      %rem3A_322 = arith.remsi %scan3A_303, %jit3A_305 : i32
      %ne3A_323 = arith.constant 0 : i32
      %ne3A_324 = arith.cmpi ne, %rem3A_322, %ne3A_323 : i32
      %and3A_325 = arith.andi %ne3A_321, %ne3A_324 : i1
      %sub3A_326 = arith.constant 1 : i32
      %sub3A_327 = arith.subi %div3A_306, %sub3A_326 : i32
      %select_n3A_328 = arith.select %and3A_325, %sub3A_327, %div3A_306 : i32
      %jit3A_329 = arith.constant 8 : i32
      %eq3A_330 = arith.constant 0 : i32
      %eq3A_331 = arith.cmpi eq, %jit3A_329, %eq3A_330 : i32
      %jit3A_332 = arith.constant 1 : i32
      %select_n3A_333 = arith.select %eq3A_331, %jit3A_332, %jit3A_329 : i32
      %rem3A_334 = arith.remsi %scan3A_303, %select_n3A_333 : i32
      %ne3A_335 = arith.constant 0 : i32
      %ne3A_336 = arith.cmpi ne, %rem3A_334, %ne3A_335 : i32
      %lt3A = arith.constant 0 : i32
      %lt3A_337 = arith.cmpi slt, %rem3A_334, %lt3A : i32
      %lt3A_338 = arith.constant 0 : i32
      %lt3A_339 = arith.cmpi slt, %select_n3A_333, %lt3A_338 : i32
      %ne3A_340 = arith.xori %lt3A_337, %lt3A_339 : i1
      %and3A_341 = arith.andi %ne3A_340, %ne3A_336 : i1
      %add3A_342 = arith.addi %rem3A_334, %select_n3A_333 : i32
      %select_n3A_343 = arith.select %and3A_341, %add3A_342, %rem3A_334 : i32
      %mul3A_344 = arith.constant 16 : i32
      %mul3A_345 = arith.muli %select_n3A_343, %mul3A_344 : i32
      %get3A = arith.index_cast %select_n3A_328 : i32 to index
      %get3A_346 = arith.index_cast %mul3A_345 : i32 to index
      %get3A_347 = tpu.vector_load %arg9[%get3A, %get3A_346] {strides = array<i32>} : memref<80x128xi32, #tpu.memory_space<vmem>>, vector<16xi32>,
      %get3A_348 = arith.index_cast %select_n3A_328 : i32 to index
      %get3A_349 = arith.index_cast %mul3A_345 : i32 to index
      %get3A_350 = tpu.vector_load %arg8[%get3A_348, %get3A_349] {strides = array<i32>} : memref<80x128xi32, #tpu.memory_space<vmem>>, vector<16xi32>,
      %ge3A = arith.constant 3456 : i32
      %ge3A_351 = vector.broadcast %ge3A : i32 to vector<16xi32>
      %ge3A_352 = arith.cmpi sge, %get3A_347, %ge3A_351 : vector<16xi32>
      %lt3A_353 = arith.constant 6912 : i32
      %lt3A_354 = vector.broadcast %lt3A_353 : i32 to vector<16xi32>
      %lt3A_355 = arith.cmpi slt, %get3A_347, %lt3A_354 : vector<16xi32>
      %and3A_356 = arith.andi %ge3A_352, %lt3A_355 : vector<16xi1>
      %convert_element_type3A_357 = arith.extui %and3A_356 : vector<16xi1> to vector<16xi32>
      %broadcast_in_dim3A_358 = arith.constant true
      %broadcast_in_dim3A_359 = vector.broadcast %broadcast_in_dim3A_358 : i1 to vector<16xi1>
      %masked_cumsum3A = tpu.scan <sum>, %convert_element_type3A_357 masked %broadcast_in_dim3A_359 : vector<16xi32>, vector<16xi1> -> vector<16xi32>
      %add3A_360 = arith.addi %scan3A_304, %masked_cumsum3A : vector<16xi32>
      %sub3A_361 = arith.constant 1 : i32
      %sub3A_362 = vector.broadcast %sub3A_361 : i32 to vector<16xi32>
      %sub3A_363 = arith.subi %add3A_360, %sub3A_362 : vector<16xi32>
      %jit3A_364 = arith.constant 128 : i32
      %div3A_365 = vector.broadcast %jit3A_364 : i32 to vector<16xi32>
      %div3A_366 = arith.divsi %sub3A_363, %div3A_365 : vector<16xi32>
      %sign3A_367 = arith.constant 0 : i32
      %sign3A_368 = vector.broadcast %sign3A_367 : i32 to vector<16xi32>
      %sign3A_369 = arith.cmpi sgt, %sub3A_363, %sign3A_368 : vector<16xi32>
      %sign3A_370 = arith.extui %sign3A_369 : vector<16xi1> to vector<16xi32>
      %sign3A_371 = arith.constant 0 : i32
      %sign3A_372 = vector.broadcast %sign3A_371 : i32 to vector<16xi32>
      %sign3A_373 = arith.cmpi slt, %sub3A_363, %sign3A_372 : vector<16xi32>
      %sign3A_374 = arith.extui %sign3A_373 : vector<16xi1> to vector<16xi32>
      %sign3A_375 = arith.subi %sign3A_370, %sign3A_374 : vector<16xi32>
      %sign3A_376 = arith.constant 0 : i32
      %sign3A_377 = arith.cmpi sgt, %jit3A_364, %sign3A_376 : i32
      %sign3A_378 = arith.extui %sign3A_377 : i1 to i32
      %sign3A_379 = arith.constant 0 : i32
      %sign3A_380 = arith.cmpi slt, %jit3A_364, %sign3A_379 : i32
      %sign3A_381 = arith.extui %sign3A_380 : i1 to i32
      %sign3A_382 = arith.subi %sign3A_378, %sign3A_381 : i32
      %ne3A_383 = vector.broadcast %sign3A_382 : i32 to vector<16xi32>
      %ne3A_384 = arith.cmpi ne, %sign3A_375, %ne3A_383 : vector<16xi32>
      %rem3A_385 = vector.broadcast %jit3A_364 : i32 to vector<16xi32>
      %rem3A_386 = arith.remsi %sub3A_363, %rem3A_385 : vector<16xi32>
      %ne3A_387 = arith.constant 0 : i32
      %ne3A_388 = vector.broadcast %ne3A_387 : i32 to vector<16xi32>
      %ne3A_389 = arith.cmpi ne, %rem3A_386, %ne3A_388 : vector<16xi32>
      %and3A_390 = arith.andi %ne3A_384, %ne3A_389 : vector<16xi1>
      %sub3A_391 = arith.constant 1 : i32
      %sub3A_392 = vector.broadcast %sub3A_391 : i32 to vector<16xi32>
      %sub3A_393 = arith.subi %div3A_366, %sub3A_392 : vector<16xi32>
      %select_n3A_394 = arith.select %and3A_390, %sub3A_393, %div3A_366 : vector<16xi1>, vector<16xi32>
      %jit3A_395 = arith.constant 128 : i32
      %eq3A_396 = arith.constant 0 : i32
      %eq3A_397 = arith.cmpi eq, %jit3A_395, %eq3A_396 : i32
      %jit3A_398 = arith.constant 1 : i32
      %select_n3A_399 = arith.select %eq3A_397, %jit3A_398, %jit3A_395 : i32
      %rem3A_400 = vector.broadcast %select_n3A_399 : i32 to vector<16xi32>
      %rem3A_401 = arith.remsi %sub3A_363, %rem3A_400 : vector<16xi32>
      %ne3A_402 = arith.constant 0 : i32
      %ne3A_403 = vector.broadcast %ne3A_402 : i32 to vector<16xi32>
      %ne3A_404 = arith.cmpi ne, %rem3A_401, %ne3A_403 : vector<16xi32>
      %lt3A_405 = arith.constant 0 : i32
      %lt3A_406 = vector.broadcast %lt3A_405 : i32 to vector<16xi32>
      %lt3A_407 = arith.cmpi slt, %rem3A_401, %lt3A_406 : vector<16xi32>
      %lt3A_408 = arith.constant 0 : i32
      %lt3A_409 = arith.cmpi slt, %select_n3A_399, %lt3A_408 : i32
      %ne3A_410 = vector.broadcast %lt3A_409 : i1 to vector<16xi1>
      %ne3A_411 = vector.broadcast %ne3A_410 : vector<16xi1> to vector<16xi1>
      %ne3A_412 = arith.xori %lt3A_407, %ne3A_411 : vector<16xi1>
      %and3A_413 = arith.andi %ne3A_412, %ne3A_404 : vector<16xi1>
      %add3A_414 = vector.broadcast %select_n3A_399 : i32 to vector<16xi32>
      %add3A_415 = arith.addi %rem3A_401, %add3A_414 : vector<16xi32>
      %select_n3A_416 = arith.select %and3A_413, %add3A_415, %rem3A_401 : vector<16xi1>, vector<16xi32>
      %sub3A_417 = arith.constant 3456 : i32
      %sub3A_418 = vector.broadcast %sub3A_417 : i32 to vector<16xi32>
      %sub3A_419 = arith.subi %get3A_347, %sub3A_418 : vector<16xi32>
      tpu.vector_store_idx %arg11[%select_n3A_394, %select_n3A_416], %sub3A_419 masked %and3A_356 : memref<88x128xi32, #tpu.memory_space<vmem>>[vector<16xi32>, vector<16xi32>], vector<16xi32>, vector<16xi1>
      %jit3A_420 = arith.constant 128 : i32
      %div3A_421 = vector.broadcast %jit3A_420 : i32 to vector<16xi32>
      %div3A_422 = arith.divsi %sub3A_363, %div3A_421 : vector<16xi32>
      %sign3A_423 = arith.constant 0 : i32
      %sign3A_424 = vector.broadcast %sign3A_423 : i32 to vector<16xi32>
      %sign3A_425 = arith.cmpi sgt, %sub3A_363, %sign3A_424 : vector<16xi32>
      %sign3A_426 = arith.extui %sign3A_425 : vector<16xi1> to vector<16xi32>
      %sign3A_427 = arith.constant 0 : i32
      %sign3A_428 = vector.broadcast %sign3A_427 : i32 to vector<16xi32>
      %sign3A_429 = arith.cmpi slt, %sub3A_363, %sign3A_428 : vector<16xi32>
      %sign3A_430 = arith.extui %sign3A_429 : vector<16xi1> to vector<16xi32>
      %sign3A_431 = arith.subi %sign3A_426, %sign3A_430 : vector<16xi32>
      %sign3A_432 = arith.constant 0 : i32
      %sign3A_433 = arith.cmpi sgt, %jit3A_420, %sign3A_432 : i32
      %sign3A_434 = arith.extui %sign3A_433 : i1 to i32
      %sign3A_435 = arith.constant 0 : i32
      %sign3A_436 = arith.cmpi slt, %jit3A_420, %sign3A_435 : i32
      %sign3A_437 = arith.extui %sign3A_436 : i1 to i32
      %sign3A_438 = arith.subi %sign3A_434, %sign3A_437 : i32
      %ne3A_439 = vector.broadcast %sign3A_438 : i32 to vector<16xi32>
      %ne3A_440 = arith.cmpi ne, %sign3A_431, %ne3A_439 : vector<16xi32>
      %rem3A_441 = vector.broadcast %jit3A_420 : i32 to vector<16xi32>
      %rem3A_442 = arith.remsi %sub3A_363, %rem3A_441 : vector<16xi32>
      %ne3A_443 = arith.constant 0 : i32
      %ne3A_444 = vector.broadcast %ne3A_443 : i32 to vector<16xi32>
      %ne3A_445 = arith.cmpi ne, %rem3A_442, %ne3A_444 : vector<16xi32>
      %and3A_446 = arith.andi %ne3A_440, %ne3A_445 : vector<16xi1>
      %sub3A_447 = arith.constant 1 : i32
      %sub3A_448 = vector.broadcast %sub3A_447 : i32 to vector<16xi32>
      %sub3A_449 = arith.subi %div3A_422, %sub3A_448 : vector<16xi32>
      %select_n3A_450 = arith.select %and3A_446, %sub3A_449, %div3A_422 : vector<16xi1>, vector<16xi32>
      %jit3A_451 = arith.constant 128 : i32
      %eq3A_452 = arith.constant 0 : i32
      %eq3A_453 = arith.cmpi eq, %jit3A_451, %eq3A_452 : i32
      %jit3A_454 = arith.constant 1 : i32
      %select_n3A_455 = arith.select %eq3A_453, %jit3A_454, %jit3A_451 : i32
      %rem3A_456 = vector.broadcast %select_n3A_455 : i32 to vector<16xi32>
      %rem3A_457 = arith.remsi %sub3A_363, %rem3A_456 : vector<16xi32>
      %ne3A_458 = arith.constant 0 : i32
      %ne3A_459 = vector.broadcast %ne3A_458 : i32 to vector<16xi32>
      %ne3A_460 = arith.cmpi ne, %rem3A_457, %ne3A_459 : vector<16xi32>
      %lt3A_461 = arith.constant 0 : i32
      %lt3A_462 = vector.broadcast %lt3A_461 : i32 to vector<16xi32>
      %lt3A_463 = arith.cmpi slt, %rem3A_457, %lt3A_462 : vector<16xi32>
      %lt3A_464 = arith.constant 0 : i32
      %lt3A_465 = arith.cmpi slt, %select_n3A_455, %lt3A_464 : i32
      %ne3A_466 = vector.broadcast %lt3A_465 : i1 to vector<16xi1>
      %ne3A_467 = vector.broadcast %ne3A_466 : vector<16xi1> to vector<16xi1>
      %ne3A_468 = arith.xori %lt3A_463, %ne3A_467 : vector<16xi1>
      %and3A_469 = arith.andi %ne3A_468, %ne3A_460 : vector<16xi1>
      %add3A_470 = vector.broadcast %select_n3A_455 : i32 to vector<16xi32>
      %add3A_471 = arith.addi %rem3A_457, %add3A_470 : vector<16xi32>
      %select_n3A_472 = arith.select %and3A_469, %add3A_471, %rem3A_457 : vector<16xi1>, vector<16xi32>
      tpu.vector_store_idx %arg10[%select_n3A_450, %select_n3A_472], %get3A_350 masked %and3A_356 : memref<88x128xi32, #tpu.memory_space<vmem>>[vector<16xi32>, vector<16xi32>], vector<16xi32>, vector<16xi1>
      %all_reduce_population_count3A = tpu.all_reduce %and3A_356 {dim = 0 : i64, kind = #tpu.reduction_kind<sum>} : vector<16xi1> -> vector<16xi32>
      %add3A_473 = arith.addi %scan3A_304, %all_reduce_population_count3A : vector<16xi32>
      scf.yield %add3A_473 : vector<16xi32>
    }
    %scan3A_105 = arith.constant 640 : i32
    %eq3A_106 = arith.constant 0 : i32
    %eq3A_107 = vector.broadcast %eq3A_106 : i32 to vector<16xi32>
    %eq3A_108 = arith.cmpi eq, %iota3A, %eq3A_107 : vector<16xi32>
    %jit3A_109 = arith.constant 0 : i32
    %broadcast_in_dim3A_110 = vector.broadcast %jit3A_109 : i32 to vector<16xi32>
    %select_n3A_111 = arith.select %eq3A_108, %scan3A_104, %broadcast_in_dim3A_110 : vector<16xi1>, vector<16xi32>
    %reduce_sum3A_112 = arith.constant true
    %reduce_sum3A_113 = vector.broadcast %reduce_sum3A_112 : i1 to vector<16xi1>
    %reduce_sum3A_114 = tpu.scan <sum>, %select_n3A_111 masked %reduce_sum3A_113 : vector<16xi32>, vector<16xi1> -> vector<16xi32>
    %reduce_sum3A_115 = vector.extract %reduce_sum3A_114[15] : i32 from vector<16xi32>
    %sub3A_116 = arith.subi %reduce_sum3A_115, %mul3A_97 : i32
    %add3A_117 = arith.constant 128 : i32
    %add3A_118 = arith.addi %sub3A_116, %add3A_117 : i32
    %sub3A_119 = arith.constant 1 : i32
    %sub3A_120 = arith.subi %add3A_118, %sub3A_119 : i32
    %jit3A_121 = arith.constant 128 : i32
    %div3A_122 = arith.divsi %sub3A_120, %jit3A_121 : i32
    %sign3A_123 = arith.constant 0 : i32
    %sign3A_124 = arith.cmpi sgt, %sub3A_120, %sign3A_123 : i32
    %sign3A_125 = arith.extui %sign3A_124 : i1 to i32
    %sign3A_126 = arith.constant 0 : i32
    %sign3A_127 = arith.cmpi slt, %sub3A_120, %sign3A_126 : i32
    %sign3A_128 = arith.extui %sign3A_127 : i1 to i32
    %sign3A_129 = arith.subi %sign3A_125, %sign3A_128 : i32
    %sign3A_130 = arith.constant 0 : i32
    %sign3A_131 = arith.cmpi sgt, %jit3A_121, %sign3A_130 : i32
    %sign3A_132 = arith.extui %sign3A_131 : i1 to i32
    %sign3A_133 = arith.constant 0 : i32
    %sign3A_134 = arith.cmpi slt, %jit3A_121, %sign3A_133 : i32
    %sign3A_135 = arith.extui %sign3A_134 : i1 to i32
    %sign3A_136 = arith.subi %sign3A_132, %sign3A_135 : i32
    %ne3A_137 = arith.cmpi ne, %sign3A_129, %sign3A_136 : i32
    %rem3A_138 = arith.remsi %sub3A_120, %jit3A_121 : i32
    %ne3A_139 = arith.constant 0 : i32
    %ne3A_140 = arith.cmpi ne, %rem3A_138, %ne3A_139 : i32
    %and3A_141 = arith.andi %ne3A_137, %ne3A_140 : i1
    %sub3A_142 = arith.constant 1 : i32
    %sub3A_143 = arith.subi %div3A_122, %sub3A_142 : i32
    %select_n3A_144 = arith.select %and3A_141, %sub3A_143, %div3A_122 : i32
    %add3A_145 = arith.constant 1 : i32
    %add3A_146 = arith.addi %select_n3A_144, %add3A_145 : i32
    %jit3A_147 = arith.constant 2 : i32
    %div3A_148 = arith.divsi %add3A_146, %jit3A_147 : i32
    %sign3A_149 = arith.constant 0 : i32
    %sign3A_150 = arith.cmpi sgt, %add3A_146, %sign3A_149 : i32
    %sign3A_151 = arith.extui %sign3A_150 : i1 to i32
    %sign3A_152 = arith.constant 0 : i32
    %sign3A_153 = arith.cmpi slt, %add3A_146, %sign3A_152 : i32
    %sign3A_154 = arith.extui %sign3A_153 : i1 to i32
    %sign3A_155 = arith.subi %sign3A_151, %sign3A_154 : i32
    %sign3A_156 = arith.constant 0 : i32
    %sign3A_157 = arith.cmpi sgt, %jit3A_147, %sign3A_156 : i32
    %sign3A_158 = arith.extui %sign3A_157 : i1 to i32
    %sign3A_159 = arith.constant 0 : i32
    %sign3A_160 = arith.cmpi slt, %jit3A_147, %sign3A_159 : i32
    %sign3A_161 = arith.extui %sign3A_160 : i1 to i32
    %sign3A_162 = arith.subi %sign3A_158, %sign3A_161 : i32
    %ne3A_163 = arith.cmpi ne, %sign3A_155, %sign3A_162 : i32
    %rem3A_164 = arith.remsi %add3A_146, %jit3A_147 : i32
    %ne3A_165 = arith.constant 0 : i32
    %ne3A_166 = arith.cmpi ne, %rem3A_164, %ne3A_165 : i32
    %and3A_167 = arith.andi %ne3A_163, %ne3A_166 : i1
    %sub3A_168 = arith.constant 1 : i32
    %sub3A_169 = arith.subi %div3A_148, %sub3A_168 : i32
    %select_n3A_170 = arith.select %and3A_167, %sub3A_169, %div3A_148 : i32
    %mul3A_171 = arith.constant 2 : i32
    %mul3A_172 = arith.muli %select_n3A_170, %mul3A_171 : i32
    %mul3A_173 = arith.constant 128 : i32
    %mul3A_174 = arith.muli %mul3A_172, %mul3A_173 : i32
    %add3A_175 = arith.addi %mul3A_97, %mul3A_174 : i32
    %scan3A_176 = arith.constant 0 : i32
    %scan3A_177 = arith.constant 16 : i32
    %scan3A_178 = arith.addi %scan3A_176, %scan3A_177 : i32
    %scan3A_179 = arith.constant 1 : i32
    scf.for %scan3A_303 = %scan3A_176 to %scan3A_178 step %scan3A_179  : i32 {
      %add3A_304 = arith.addi %scan3A_104, %iota3A : vector<16xi32>
      %mul3A_305 = arith.constant 16 : i32
      %mul3A_306 = arith.muli %mul3A_305, %scan3A_303 : i32
      %add3A_307 = vector.broadcast %mul3A_306 : i32 to vector<16xi32>
      %add3A_308 = arith.addi %add3A_304, %add3A_307 : vector<16xi32>
      %lt3A = vector.broadcast %add3A_175 : i32 to vector<16xi32>
      %lt3A_309 = arith.cmpi slt, %add3A_308, %lt3A : vector<16xi32>
      %jit3A_310 = arith.constant 128 : i32
      %div3A_311 = vector.broadcast %jit3A_310 : i32 to vector<16xi32>
      %div3A_312 = arith.divsi %add3A_308, %div3A_311 : vector<16xi32>
      %sign3A_313 = arith.constant 0 : i32
      %sign3A_314 = vector.broadcast %sign3A_313 : i32 to vector<16xi32>
      %sign3A_315 = arith.cmpi sgt, %add3A_308, %sign3A_314 : vector<16xi32>
      %sign3A_316 = arith.extui %sign3A_315 : vector<16xi1> to vector<16xi32>
      %sign3A_317 = arith.constant 0 : i32
      %sign3A_318 = vector.broadcast %sign3A_317 : i32 to vector<16xi32>
      %sign3A_319 = arith.cmpi slt, %add3A_308, %sign3A_318 : vector<16xi32>
      %sign3A_320 = arith.extui %sign3A_319 : vector<16xi1> to vector<16xi32>
      %sign3A_321 = arith.subi %sign3A_316, %sign3A_320 : vector<16xi32>
      %sign3A_322 = arith.constant 0 : i32
      %sign3A_323 = arith.cmpi sgt, %jit3A_310, %sign3A_322 : i32
      %sign3A_324 = arith.extui %sign3A_323 : i1 to i32
      %sign3A_325 = arith.constant 0 : i32
      %sign3A_326 = arith.cmpi slt, %jit3A_310, %sign3A_325 : i32
      %sign3A_327 = arith.extui %sign3A_326 : i1 to i32
      %sign3A_328 = arith.subi %sign3A_324, %sign3A_327 : i32
      %ne3A_329 = vector.broadcast %sign3A_328 : i32 to vector<16xi32>
      %ne3A_330 = arith.cmpi ne, %sign3A_321, %ne3A_329 : vector<16xi32>
      %rem3A_331 = vector.broadcast %jit3A_310 : i32 to vector<16xi32>
      %rem3A_332 = arith.remsi %add3A_308, %rem3A_331 : vector<16xi32>
      %ne3A_333 = arith.constant 0 : i32
      %ne3A_334 = vector.broadcast %ne3A_333 : i32 to vector<16xi32>
      %ne3A_335 = arith.cmpi ne, %rem3A_332, %ne3A_334 : vector<16xi32>
      %and3A_336 = arith.andi %ne3A_330, %ne3A_335 : vector<16xi1>
      %sub3A_337 = arith.constant 1 : i32
      %sub3A_338 = vector.broadcast %sub3A_337 : i32 to vector<16xi32>
      %sub3A_339 = arith.subi %div3A_312, %sub3A_338 : vector<16xi32>
      %select_n3A_340 = arith.select %and3A_336, %sub3A_339, %div3A_312 : vector<16xi1>, vector<16xi32>
      %jit3A_341 = arith.constant 128 : i32
      %eq3A_342 = arith.constant 0 : i32
      %eq3A_343 = arith.cmpi eq, %jit3A_341, %eq3A_342 : i32
      %jit3A_344 = arith.constant 1 : i32
      %select_n3A_345 = arith.select %eq3A_343, %jit3A_344, %jit3A_341 : i32
      %rem3A_346 = vector.broadcast %select_n3A_345 : i32 to vector<16xi32>
      %rem3A_347 = arith.remsi %add3A_308, %rem3A_346 : vector<16xi32>
      %ne3A_348 = arith.constant 0 : i32
      %ne3A_349 = vector.broadcast %ne3A_348 : i32 to vector<16xi32>
      %ne3A_350 = arith.cmpi ne, %rem3A_347, %ne3A_349 : vector<16xi32>
      %lt3A_351 = arith.constant 0 : i32
      %lt3A_352 = vector.broadcast %lt3A_351 : i32 to vector<16xi32>
      %lt3A_353 = arith.cmpi slt, %rem3A_347, %lt3A_352 : vector<16xi32>
      %lt3A_354 = arith.constant 0 : i32
      %lt3A_355 = arith.cmpi slt, %select_n3A_345, %lt3A_354 : i32
      %ne3A_356 = vector.broadcast %lt3A_355 : i1 to vector<16xi1>
      %ne3A_357 = vector.broadcast %ne3A_356 : vector<16xi1> to vector<16xi1>
      %ne3A_358 = arith.xori %lt3A_353, %ne3A_357 : vector<16xi1>
      %and3A_359 = arith.andi %ne3A_358, %ne3A_350 : vector<16xi1>
      %add3A_360 = vector.broadcast %select_n3A_345 : i32 to vector<16xi32>
      %add3A_361 = arith.addi %rem3A_347, %add3A_360 : vector<16xi32>
      %select_n3A_362 = arith.select %and3A_359, %add3A_361, %rem3A_347 : vector<16xi1>, vector<16xi32>
      %add3A_363 = arith.constant 3456 : i32
      %add3A_364 = vector.broadcast %add3A_363 : i32 to vector<16xi32>
      %add3A_365 = arith.addi %add3A_364, %iota3A : vector<16xi32>
      tpu.vector_store_idx %arg11[%select_n3A_340, %select_n3A_362], %add3A_365 masked %lt3A_309 : memref<88x128xi32, #tpu.memory_space<vmem>>[vector<16xi32>, vector<16xi32>], vector<16xi32>, vector<16xi1>
      %jit3A_366 = arith.constant 128 : i32
      %div3A_367 = vector.broadcast %jit3A_366 : i32 to vector<16xi32>
      %div3A_368 = arith.divsi %add3A_308, %div3A_367 : vector<16xi32>
      %sign3A_369 = arith.constant 0 : i32
      %sign3A_370 = vector.broadcast %sign3A_369 : i32 to vector<16xi32>
      %sign3A_371 = arith.cmpi sgt, %add3A_308, %sign3A_370 : vector<16xi32>
      %sign3A_372 = arith.extui %sign3A_371 : vector<16xi1> to vector<16xi32>
      %sign3A_373 = arith.constant 0 : i32
      %sign3A_374 = vector.broadcast %sign3A_373 : i32 to vector<16xi32>
      %sign3A_375 = arith.cmpi slt, %add3A_308, %sign3A_374 : vector<16xi32>
      %sign3A_376 = arith.extui %sign3A_375 : vector<16xi1> to vector<16xi32>
      %sign3A_377 = arith.subi %sign3A_372, %sign3A_376 : vector<16xi32>
      %sign3A_378 = arith.constant 0 : i32
      %sign3A_379 = arith.cmpi sgt, %jit3A_366, %sign3A_378 : i32
      %sign3A_380 = arith.extui %sign3A_379 : i1 to i32
      %sign3A_381 = arith.constant 0 : i32
      %sign3A_382 = arith.cmpi slt, %jit3A_366, %sign3A_381 : i32
      %sign3A_383 = arith.extui %sign3A_382 : i1 to i32
      %sign3A_384 = arith.subi %sign3A_380, %sign3A_383 : i32
      %ne3A_385 = vector.broadcast %sign3A_384 : i32 to vector<16xi32>
      %ne3A_386 = arith.cmpi ne, %sign3A_377, %ne3A_385 : vector<16xi32>
      %rem3A_387 = vector.broadcast %jit3A_366 : i32 to vector<16xi32>
      %rem3A_388 = arith.remsi %add3A_308, %rem3A_387 : vector<16xi32>
      %ne3A_389 = arith.constant 0 : i32
      %ne3A_390 = vector.broadcast %ne3A_389 : i32 to vector<16xi32>
      %ne3A_391 = arith.cmpi ne, %rem3A_388, %ne3A_390 : vector<16xi32>
      %and3A_392 = arith.andi %ne3A_386, %ne3A_391 : vector<16xi1>
      %sub3A_393 = arith.constant 1 : i32
      %sub3A_394 = vector.broadcast %sub3A_393 : i32 to vector<16xi32>
      %sub3A_395 = arith.subi %div3A_368, %sub3A_394 : vector<16xi32>
      %select_n3A_396 = arith.select %and3A_392, %sub3A_395, %div3A_368 : vector<16xi1>, vector<16xi32>
      %jit3A_397 = arith.constant 128 : i32
      %eq3A_398 = arith.constant 0 : i32
      %eq3A_399 = arith.cmpi eq, %jit3A_397, %eq3A_398 : i32
      %jit3A_400 = arith.constant 1 : i32
      %select_n3A_401 = arith.select %eq3A_399, %jit3A_400, %jit3A_397 : i32
      %rem3A_402 = vector.broadcast %select_n3A_401 : i32 to vector<16xi32>
      %rem3A_403 = arith.remsi %add3A_308, %rem3A_402 : vector<16xi32>
      %ne3A_404 = arith.constant 0 : i32
      %ne3A_405 = vector.broadcast %ne3A_404 : i32 to vector<16xi32>
      %ne3A_406 = arith.cmpi ne, %rem3A_403, %ne3A_405 : vector<16xi32>
      %lt3A_407 = arith.constant 0 : i32
      %lt3A_408 = vector.broadcast %lt3A_407 : i32 to vector<16xi32>
      %lt3A_409 = arith.cmpi slt, %rem3A_403, %lt3A_408 : vector<16xi32>
      %lt3A_410 = arith.constant 0 : i32
      %lt3A_411 = arith.cmpi slt, %select_n3A_401, %lt3A_410 : i32
      %ne3A_412 = vector.broadcast %lt3A_411 : i1 to vector<16xi1>
      %ne3A_413 = vector.broadcast %ne3A_412 : vector<16xi1> to vector<16xi1>
      %ne3A_414 = arith.xori %lt3A_409, %ne3A_413 : vector<16xi1>
      %and3A_415 = arith.andi %ne3A_414, %ne3A_406 : vector<16xi1>
      %add3A_416 = vector.broadcast %select_n3A_401 : i32 to vector<16xi32>
      %add3A_417 = arith.addi %rem3A_403, %add3A_416 : vector<16xi32>
      %select_n3A_418 = arith.select %and3A_415, %add3A_417, %rem3A_403 : vector<16xi1>, vector<16xi32>
      tpu.vector_store_idx %arg10[%select_n3A_396, %select_n3A_418], %broadcast_in_dim3A_11 masked %lt3A_309 : memref<88x128xi32, #tpu.memory_space<vmem>>[vector<16xi32>, vector<16xi32>], vector<16xi32>, vector<16xi1>
    }
    %scan3A_180 = arith.constant 16 : i32
    %eq3A_181 = arith.constant 1 : i32
    %eq3A_182 = vector.broadcast %eq3A_181 : i32 to vector<16xi32>
    %eq3A_183 = arith.cmpi eq, %iota3A, %eq3A_182 : vector<16xi32>
    %jit3A_184 = arith.constant 0 : i32
    %broadcast_in_dim3A_185 = vector.broadcast %sub3A_116 : i32 to vector<16xi32>
    %broadcast_in_dim3A_186 = vector.broadcast %jit3A_184 : i32 to vector<16xi32>
    %select_n3A_187 = arith.select %eq3A_183, %broadcast_in_dim3A_185, %broadcast_in_dim3A_186 : vector<16xi1>, vector<16xi32>
    %add3A_188 = arith.addi %add3A_93, %select_n3A_187 : vector<16xi32>
    %add3A_189 = arith.addi %add3A_95, %mul3A_172 : i32
    %mul3A_190 = arith.constant 128 : i32
    %mul3A_191 = arith.muli %add3A_189, %mul3A_190 : i32
    %add3A_192 = vector.broadcast %mul3A_191 : i32 to vector<16xi32>
    %add3A_193 = arith.addi %broadcast_in_dim3A_11, %add3A_192 : vector<16xi32>
    %scan3A_194 = arith.constant 0 : i32
    %scan3A_195 = arith.constant 640 : i32
    %scan3A_196 = arith.addi %scan3A_194, %scan3A_195 : i32
    %scan3A_197 = arith.constant 1 : i32
    %scan3A_198 = scf.for %scan3A_303 = %scan3A_194 to %scan3A_196 step %scan3A_197 iter_args(%scan3A_304 = %add3A_193) -> (vector<16xi32>)  : i32 {
      %jit3A_305 = arith.constant 8 : i32
      %div3A_306 = arith.divsi %scan3A_303, %jit3A_305 : i32
      %sign3A_307 = arith.constant 0 : i32
      %sign3A_308 = arith.cmpi sgt, %scan3A_303, %sign3A_307 : i32
      %sign3A_309 = arith.extui %sign3A_308 : i1 to i32
      %sign3A_310 = arith.constant 0 : i32
      %sign3A_311 = arith.cmpi slt, %scan3A_303, %sign3A_310 : i32
      %sign3A_312 = arith.extui %sign3A_311 : i1 to i32
      %sign3A_313 = arith.subi %sign3A_309, %sign3A_312 : i32
      %sign3A_314 = arith.constant 0 : i32
      %sign3A_315 = arith.cmpi sgt, %jit3A_305, %sign3A_314 : i32
      %sign3A_316 = arith.extui %sign3A_315 : i1 to i32
      %sign3A_317 = arith.constant 0 : i32
      %sign3A_318 = arith.cmpi slt, %jit3A_305, %sign3A_317 : i32
      %sign3A_319 = arith.extui %sign3A_318 : i1 to i32
      %sign3A_320 = arith.subi %sign3A_316, %sign3A_319 : i32
      %ne3A_321 = arith.cmpi ne, %sign3A_313, %sign3A_320 : i32
      %rem3A_322 = arith.remsi %scan3A_303, %jit3A_305 : i32
      %ne3A_323 = arith.constant 0 : i32
      %ne3A_324 = arith.cmpi ne, %rem3A_322, %ne3A_323 : i32
      %and3A_325 = arith.andi %ne3A_321, %ne3A_324 : i1
      %sub3A_326 = arith.constant 1 : i32
      %sub3A_327 = arith.subi %div3A_306, %sub3A_326 : i32
      %select_n3A_328 = arith.select %and3A_325, %sub3A_327, %div3A_306 : i32
      %jit3A_329 = arith.constant 8 : i32
      %eq3A_330 = arith.constant 0 : i32
      %eq3A_331 = arith.cmpi eq, %jit3A_329, %eq3A_330 : i32
      %jit3A_332 = arith.constant 1 : i32
      %select_n3A_333 = arith.select %eq3A_331, %jit3A_332, %jit3A_329 : i32
      %rem3A_334 = arith.remsi %scan3A_303, %select_n3A_333 : i32
      %ne3A_335 = arith.constant 0 : i32
      %ne3A_336 = arith.cmpi ne, %rem3A_334, %ne3A_335 : i32
      %lt3A = arith.constant 0 : i32
      %lt3A_337 = arith.cmpi slt, %rem3A_334, %lt3A : i32
      %lt3A_338 = arith.constant 0 : i32
      %lt3A_339 = arith.cmpi slt, %select_n3A_333, %lt3A_338 : i32
      %ne3A_340 = arith.xori %lt3A_337, %lt3A_339 : i1
      %and3A_341 = arith.andi %ne3A_340, %ne3A_336 : i1
      %add3A_342 = arith.addi %rem3A_334, %select_n3A_333 : i32
      %select_n3A_343 = arith.select %and3A_341, %add3A_342, %rem3A_334 : i32
      %mul3A_344 = arith.constant 16 : i32
      %mul3A_345 = arith.muli %select_n3A_343, %mul3A_344 : i32
      %get3A = arith.index_cast %select_n3A_328 : i32 to index
      %get3A_346 = arith.index_cast %mul3A_345 : i32 to index
      %get3A_347 = tpu.vector_load %arg9[%get3A, %get3A_346] {strides = array<i32>} : memref<80x128xi32, #tpu.memory_space<vmem>>, vector<16xi32>,
      %get3A_348 = arith.index_cast %select_n3A_328 : i32 to index
      %get3A_349 = arith.index_cast %mul3A_345 : i32 to index
      %get3A_350 = tpu.vector_load %arg8[%get3A_348, %get3A_349] {strides = array<i32>} : memref<80x128xi32, #tpu.memory_space<vmem>>, vector<16xi32>,
      %ge3A = arith.constant 6912 : i32
      %ge3A_351 = vector.broadcast %ge3A : i32 to vector<16xi32>
      %ge3A_352 = arith.cmpi sge, %get3A_347, %ge3A_351 : vector<16xi32>
      %lt3A_353 = arith.constant 10000 : i32
      %lt3A_354 = vector.broadcast %lt3A_353 : i32 to vector<16xi32>
      %lt3A_355 = arith.cmpi slt, %get3A_347, %lt3A_354 : vector<16xi32>
      %and3A_356 = arith.andi %ge3A_352, %lt3A_355 : vector<16xi1>
      %convert_element_type3A_357 = arith.extui %and3A_356 : vector<16xi1> to vector<16xi32>
      %broadcast_in_dim3A_358 = arith.constant true
      %broadcast_in_dim3A_359 = vector.broadcast %broadcast_in_dim3A_358 : i1 to vector<16xi1>
      %masked_cumsum3A = tpu.scan <sum>, %convert_element_type3A_357 masked %broadcast_in_dim3A_359 : vector<16xi32>, vector<16xi1> -> vector<16xi32>
      %add3A_360 = arith.addi %scan3A_304, %masked_cumsum3A : vector<16xi32>
      %sub3A_361 = arith.constant 1 : i32
      %sub3A_362 = vector.broadcast %sub3A_361 : i32 to vector<16xi32>
      %sub3A_363 = arith.subi %add3A_360, %sub3A_362 : vector<16xi32>
      %jit3A_364 = arith.constant 128 : i32
      %div3A_365 = vector.broadcast %jit3A_364 : i32 to vector<16xi32>
      %div3A_366 = arith.divsi %sub3A_363, %div3A_365 : vector<16xi32>
      %sign3A_367 = arith.constant 0 : i32
      %sign3A_368 = vector.broadcast %sign3A_367 : i32 to vector<16xi32>
      %sign3A_369 = arith.cmpi sgt, %sub3A_363, %sign3A_368 : vector<16xi32>
      %sign3A_370 = arith.extui %sign3A_369 : vector<16xi1> to vector<16xi32>
      %sign3A_371 = arith.constant 0 : i32
      %sign3A_372 = vector.broadcast %sign3A_371 : i32 to vector<16xi32>
      %sign3A_373 = arith.cmpi slt, %sub3A_363, %sign3A_372 : vector<16xi32>
      %sign3A_374 = arith.extui %sign3A_373 : vector<16xi1> to vector<16xi32>
      %sign3A_375 = arith.subi %sign3A_370, %sign3A_374 : vector<16xi32>
      %sign3A_376 = arith.constant 0 : i32
      %sign3A_377 = arith.cmpi sgt, %jit3A_364, %sign3A_376 : i32
      %sign3A_378 = arith.extui %sign3A_377 : i1 to i32
      %sign3A_379 = arith.constant 0 : i32
      %sign3A_380 = arith.cmpi slt, %jit3A_364, %sign3A_379 : i32
      %sign3A_381 = arith.extui %sign3A_380 : i1 to i32
      %sign3A_382 = arith.subi %sign3A_378, %sign3A_381 : i32
      %ne3A_383 = vector.broadcast %sign3A_382 : i32 to vector<16xi32>
      %ne3A_384 = arith.cmpi ne, %sign3A_375, %ne3A_383 : vector<16xi32>
      %rem3A_385 = vector.broadcast %jit3A_364 : i32 to vector<16xi32>
      %rem3A_386 = arith.remsi %sub3A_363, %rem3A_385 : vector<16xi32>
      %ne3A_387 = arith.constant 0 : i32
      %ne3A_388 = vector.broadcast %ne3A_387 : i32 to vector<16xi32>
      %ne3A_389 = arith.cmpi ne, %rem3A_386, %ne3A_388 : vector<16xi32>
      %and3A_390 = arith.andi %ne3A_384, %ne3A_389 : vector<16xi1>
      %sub3A_391 = arith.constant 1 : i32
      %sub3A_392 = vector.broadcast %sub3A_391 : i32 to vector<16xi32>
      %sub3A_393 = arith.subi %div3A_366, %sub3A_392 : vector<16xi32>
      %select_n3A_394 = arith.select %and3A_390, %sub3A_393, %div3A_366 : vector<16xi1>, vector<16xi32>
      %jit3A_395 = arith.constant 128 : i32
      %eq3A_396 = arith.constant 0 : i32
      %eq3A_397 = arith.cmpi eq, %jit3A_395, %eq3A_396 : i32
      %jit3A_398 = arith.constant 1 : i32
      %select_n3A_399 = arith.select %eq3A_397, %jit3A_398, %jit3A_395 : i32
      %rem3A_400 = vector.broadcast %select_n3A_399 : i32 to vector<16xi32>
      %rem3A_401 = arith.remsi %sub3A_363, %rem3A_400 : vector<16xi32>
      %ne3A_402 = arith.constant 0 : i32
      %ne3A_403 = vector.broadcast %ne3A_402 : i32 to vector<16xi32>
      %ne3A_404 = arith.cmpi ne, %rem3A_401, %ne3A_403 : vector<16xi32>
      %lt3A_405 = arith.constant 0 : i32
      %lt3A_406 = vector.broadcast %lt3A_405 : i32 to vector<16xi32>
      %lt3A_407 = arith.cmpi slt, %rem3A_401, %lt3A_406 : vector<16xi32>
      %lt3A_408 = arith.constant 0 : i32
      %lt3A_409 = arith.cmpi slt, %select_n3A_399, %lt3A_408 : i32
      %ne3A_410 = vector.broadcast %lt3A_409 : i1 to vector<16xi1>
      %ne3A_411 = vector.broadcast %ne3A_410 : vector<16xi1> to vector<16xi1>
      %ne3A_412 = arith.xori %lt3A_407, %ne3A_411 : vector<16xi1>
      %and3A_413 = arith.andi %ne3A_412, %ne3A_404 : vector<16xi1>
      %add3A_414 = vector.broadcast %select_n3A_399 : i32 to vector<16xi32>
      %add3A_415 = arith.addi %rem3A_401, %add3A_414 : vector<16xi32>
      %select_n3A_416 = arith.select %and3A_413, %add3A_415, %rem3A_401 : vector<16xi1>, vector<16xi32>
      %sub3A_417 = arith.constant 6912 : i32
      %sub3A_418 = vector.broadcast %sub3A_417 : i32 to vector<16xi32>
      %sub3A_419 = arith.subi %get3A_347, %sub3A_418 : vector<16xi32>
      tpu.vector_store_idx %arg11[%select_n3A_394, %select_n3A_416], %sub3A_419 masked %and3A_356 : memref<88x128xi32, #tpu.memory_space<vmem>>[vector<16xi32>, vector<16xi32>], vector<16xi32>, vector<16xi1>
      %jit3A_420 = arith.constant 128 : i32
      %div3A_421 = vector.broadcast %jit3A_420 : i32 to vector<16xi32>
      %div3A_422 = arith.divsi %sub3A_363, %div3A_421 : vector<16xi32>
      %sign3A_423 = arith.constant 0 : i32
      %sign3A_424 = vector.broadcast %sign3A_423 : i32 to vector<16xi32>
      %sign3A_425 = arith.cmpi sgt, %sub3A_363, %sign3A_424 : vector<16xi32>
      %sign3A_426 = arith.extui %sign3A_425 : vector<16xi1> to vector<16xi32>
      %sign3A_427 = arith.constant 0 : i32
      %sign3A_428 = vector.broadcast %sign3A_427 : i32 to vector<16xi32>
      %sign3A_429 = arith.cmpi slt, %sub3A_363, %sign3A_428 : vector<16xi32>
      %sign3A_430 = arith.extui %sign3A_429 : vector<16xi1> to vector<16xi32>
      %sign3A_431 = arith.subi %sign3A_426, %sign3A_430 : vector<16xi32>
      %sign3A_432 = arith.constant 0 : i32
      %sign3A_433 = arith.cmpi sgt, %jit3A_420, %sign3A_432 : i32
      %sign3A_434 = arith.extui %sign3A_433 : i1 to i32
      %sign3A_435 = arith.constant 0 : i32
      %sign3A_436 = arith.cmpi slt, %jit3A_420, %sign3A_435 : i32
      %sign3A_437 = arith.extui %sign3A_436 : i1 to i32
      %sign3A_438 = arith.subi %sign3A_434, %sign3A_437 : i32
      %ne3A_439 = vector.broadcast %sign3A_438 : i32 to vector<16xi32>
      %ne3A_440 = arith.cmpi ne, %sign3A_431, %ne3A_439 : vector<16xi32>
      %rem3A_441 = vector.broadcast %jit3A_420 : i32 to vector<16xi32>
      %rem3A_442 = arith.remsi %sub3A_363, %rem3A_441 : vector<16xi32>
      %ne3A_443 = arith.constant 0 : i32
      %ne3A_444 = vector.broadcast %ne3A_443 : i32 to vector<16xi32>
      %ne3A_445 = arith.cmpi ne, %rem3A_442, %ne3A_444 : vector<16xi32>
      %and3A_446 = arith.andi %ne3A_440, %ne3A_445 : vector<16xi1>
      %sub3A_447 = arith.constant 1 : i32
      %sub3A_448 = vector.broadcast %sub3A_447 : i32 to vector<16xi32>
      %sub3A_449 = arith.subi %div3A_422, %sub3A_448 : vector<16xi32>
      %select_n3A_450 = arith.select %and3A_446, %sub3A_449, %div3A_422 : vector<16xi1>, vector<16xi32>
      %jit3A_451 = arith.constant 128 : i32
      %eq3A_452 = arith.constant 0 : i32
      %eq3A_453 = arith.cmpi eq, %jit3A_451, %eq3A_452 : i32
      %jit3A_454 = arith.constant 1 : i32
      %select_n3A_455 = arith.select %eq3A_453, %jit3A_454, %jit3A_451 : i32
      %rem3A_456 = vector.broadcast %select_n3A_455 : i32 to vector<16xi32>
      %rem3A_457 = arith.remsi %sub3A_363, %rem3A_456 : vector<16xi32>
      %ne3A_458 = arith.constant 0 : i32
      %ne3A_459 = vector.broadcast %ne3A_458 : i32 to vector<16xi32>
      %ne3A_460 = arith.cmpi ne, %rem3A_457, %ne3A_459 : vector<16xi32>
      %lt3A_461 = arith.constant 0 : i32
      %lt3A_462 = vector.broadcast %lt3A_461 : i32 to vector<16xi32>
      %lt3A_463 = arith.cmpi slt, %rem3A_457, %lt3A_462 : vector<16xi32>
      %lt3A_464 = arith.constant 0 : i32
      %lt3A_465 = arith.cmpi slt, %select_n3A_455, %lt3A_464 : i32
      %ne3A_466 = vector.broadcast %lt3A_465 : i1 to vector<16xi1>
      %ne3A_467 = vector.broadcast %ne3A_466 : vector<16xi1> to vector<16xi1>
      %ne3A_468 = arith.xori %lt3A_463, %ne3A_467 : vector<16xi1>
      %and3A_469 = arith.andi %ne3A_468, %ne3A_460 : vector<16xi1>
      %add3A_470 = vector.broadcast %select_n3A_455 : i32 to vector<16xi32>
      %add3A_471 = arith.addi %rem3A_457, %add3A_470 : vector<16xi32>
      %select_n3A_472 = arith.select %and3A_469, %add3A_471, %rem3A_457 : vector<16xi1>, vector<16xi32>
      tpu.vector_store_idx %arg10[%select_n3A_450, %select_n3A_472], %get3A_350 masked %and3A_356 : memref<88x128xi32, #tpu.memory_space<vmem>>[vector<16xi32>, vector<16xi32>], vector<16xi32>, vector<16xi1>
      %all_reduce_population_count3A = tpu.all_reduce %and3A_356 {dim = 0 : i64, kind = #tpu.reduction_kind<sum>} : vector<16xi1> -> vector<16xi32>
      %add3A_473 = arith.addi %scan3A_304, %all_reduce_population_count3A : vector<16xi32>
      scf.yield %add3A_473 : vector<16xi32>
    }
    %scan3A_199 = arith.constant 640 : i32
    %eq3A_200 = arith.constant 0 : i32
    %eq3A_201 = vector.broadcast %eq3A_200 : i32 to vector<16xi32>
    %eq3A_202 = arith.cmpi eq, %iota3A, %eq3A_201 : vector<16xi32>
    %jit3A_203 = arith.constant 0 : i32
    %broadcast_in_dim3A_204 = vector.broadcast %jit3A_203 : i32 to vector<16xi32>
    %select_n3A_205 = arith.select %eq3A_202, %scan3A_198, %broadcast_in_dim3A_204 : vector<16xi1>, vector<16xi32>
    %reduce_sum3A_206 = arith.constant true
    %reduce_sum3A_207 = vector.broadcast %reduce_sum3A_206 : i1 to vector<16xi1>
    %reduce_sum3A_208 = tpu.scan <sum>, %select_n3A_205 masked %reduce_sum3A_207 : vector<16xi32>, vector<16xi1> -> vector<16xi32>
    %reduce_sum3A_209 = vector.extract %reduce_sum3A_208[15] : i32 from vector<16xi32>
    %sub3A_210 = arith.subi %reduce_sum3A_209, %mul3A_191 : i32
    %add3A_211 = arith.constant 128 : i32
    %add3A_212 = arith.addi %sub3A_210, %add3A_211 : i32
    %sub3A_213 = arith.constant 1 : i32
    %sub3A_214 = arith.subi %add3A_212, %sub3A_213 : i32
    %jit3A_215 = arith.constant 128 : i32
    %div3A_216 = arith.divsi %sub3A_214, %jit3A_215 : i32
    %sign3A_217 = arith.constant 0 : i32
    %sign3A_218 = arith.cmpi sgt, %sub3A_214, %sign3A_217 : i32
    %sign3A_219 = arith.extui %sign3A_218 : i1 to i32
    %sign3A_220 = arith.constant 0 : i32
    %sign3A_221 = arith.cmpi slt, %sub3A_214, %sign3A_220 : i32
    %sign3A_222 = arith.extui %sign3A_221 : i1 to i32
    %sign3A_223 = arith.subi %sign3A_219, %sign3A_222 : i32
    %sign3A_224 = arith.constant 0 : i32
    %sign3A_225 = arith.cmpi sgt, %jit3A_215, %sign3A_224 : i32
    %sign3A_226 = arith.extui %sign3A_225 : i1 to i32
    %sign3A_227 = arith.constant 0 : i32
    %sign3A_228 = arith.cmpi slt, %jit3A_215, %sign3A_227 : i32
    %sign3A_229 = arith.extui %sign3A_228 : i1 to i32
    %sign3A_230 = arith.subi %sign3A_226, %sign3A_229 : i32
    %ne3A_231 = arith.cmpi ne, %sign3A_223, %sign3A_230 : i32
    %rem3A_232 = arith.remsi %sub3A_214, %jit3A_215 : i32
    %ne3A_233 = arith.constant 0 : i32
    %ne3A_234 = arith.cmpi ne, %rem3A_232, %ne3A_233 : i32
    %and3A_235 = arith.andi %ne3A_231, %ne3A_234 : i1
    %sub3A_236 = arith.constant 1 : i32
    %sub3A_237 = arith.subi %div3A_216, %sub3A_236 : i32
    %select_n3A_238 = arith.select %and3A_235, %sub3A_237, %div3A_216 : i32
    %add3A_239 = arith.constant 1 : i32
    %add3A_240 = arith.addi %select_n3A_238, %add3A_239 : i32
    %jit3A_241 = arith.constant 2 : i32
    %div3A_242 = arith.divsi %add3A_240, %jit3A_241 : i32
    %sign3A_243 = arith.constant 0 : i32
    %sign3A_244 = arith.cmpi sgt, %add3A_240, %sign3A_243 : i32
    %sign3A_245 = arith.extui %sign3A_244 : i1 to i32
    %sign3A_246 = arith.constant 0 : i32
    %sign3A_247 = arith.cmpi slt, %add3A_240, %sign3A_246 : i32
    %sign3A_248 = arith.extui %sign3A_247 : i1 to i32
    %sign3A_249 = arith.subi %sign3A_245, %sign3A_248 : i32
    %sign3A_250 = arith.constant 0 : i32
    %sign3A_251 = arith.cmpi sgt, %jit3A_241, %sign3A_250 : i32
    %sign3A_252 = arith.extui %sign3A_251 : i1 to i32
    %sign3A_253 = arith.constant 0 : i32
    %sign3A_254 = arith.cmpi slt, %jit3A_241, %sign3A_253 : i32
    %sign3A_255 = arith.extui %sign3A_254 : i1 to i32
    %sign3A_256 = arith.subi %sign3A_252, %sign3A_255 : i32
    %ne3A_257 = arith.cmpi ne, %sign3A_249, %sign3A_256 : i32
    %rem3A_258 = arith.remsi %add3A_240, %jit3A_241 : i32
    %ne3A_259 = arith.constant 0 : i32
    %ne3A_260 = arith.cmpi ne, %rem3A_258, %ne3A_259 : i32
    %and3A_261 = arith.andi %ne3A_257, %ne3A_260 : i1
    %sub3A_262 = arith.constant 1 : i32
    %sub3A_263 = arith.subi %div3A_242, %sub3A_262 : i32
    %select_n3A_264 = arith.select %and3A_261, %sub3A_263, %div3A_242 : i32
    %mul3A_265 = arith.constant 2 : i32
    %mul3A_266 = arith.muli %select_n3A_264, %mul3A_265 : i32
    %mul3A_267 = arith.constant 128 : i32
    %mul3A_268 = arith.muli %mul3A_266, %mul3A_267 : i32
    %add3A_269 = arith.addi %mul3A_191, %mul3A_268 : i32
    %scan3A_270 = arith.constant 0 : i32
    %scan3A_271 = arith.constant 16 : i32
    %scan3A_272 = arith.addi %scan3A_270, %scan3A_271 : i32
    %scan3A_273 = arith.constant 1 : i32
    scf.for %scan3A_303 = %scan3A_270 to %scan3A_272 step %scan3A_273  : i32 {
      %add3A_304 = arith.addi %scan3A_198, %iota3A : vector<16xi32>
      %mul3A_305 = arith.constant 16 : i32
      %mul3A_306 = arith.muli %mul3A_305, %scan3A_303 : i32
      %add3A_307 = vector.broadcast %mul3A_306 : i32 to vector<16xi32>
      %add3A_308 = arith.addi %add3A_304, %add3A_307 : vector<16xi32>
      %lt3A = vector.broadcast %add3A_269 : i32 to vector<16xi32>
      %lt3A_309 = arith.cmpi slt, %add3A_308, %lt3A : vector<16xi32>
      %jit3A_310 = arith.constant 128 : i32
      %div3A_311 = vector.broadcast %jit3A_310 : i32 to vector<16xi32>
      %div3A_312 = arith.divsi %add3A_308, %div3A_311 : vector<16xi32>
      %sign3A_313 = arith.constant 0 : i32
      %sign3A_314 = vector.broadcast %sign3A_313 : i32 to vector<16xi32>
      %sign3A_315 = arith.cmpi sgt, %add3A_308, %sign3A_314 : vector<16xi32>
      %sign3A_316 = arith.extui %sign3A_315 : vector<16xi1> to vector<16xi32>
      %sign3A_317 = arith.constant 0 : i32
      %sign3A_318 = vector.broadcast %sign3A_317 : i32 to vector<16xi32>
      %sign3A_319 = arith.cmpi slt, %add3A_308, %sign3A_318 : vector<16xi32>
      %sign3A_320 = arith.extui %sign3A_319 : vector<16xi1> to vector<16xi32>
      %sign3A_321 = arith.subi %sign3A_316, %sign3A_320 : vector<16xi32>
      %sign3A_322 = arith.constant 0 : i32
      %sign3A_323 = arith.cmpi sgt, %jit3A_310, %sign3A_322 : i32
      %sign3A_324 = arith.extui %sign3A_323 : i1 to i32
      %sign3A_325 = arith.constant 0 : i32
      %sign3A_326 = arith.cmpi slt, %jit3A_310, %sign3A_325 : i32
      %sign3A_327 = arith.extui %sign3A_326 : i1 to i32
      %sign3A_328 = arith.subi %sign3A_324, %sign3A_327 : i32
      %ne3A_329 = vector.broadcast %sign3A_328 : i32 to vector<16xi32>
      %ne3A_330 = arith.cmpi ne, %sign3A_321, %ne3A_329 : vector<16xi32>
      %rem3A_331 = vector.broadcast %jit3A_310 : i32 to vector<16xi32>
      %rem3A_332 = arith.remsi %add3A_308, %rem3A_331 : vector<16xi32>
      %ne3A_333 = arith.constant 0 : i32
      %ne3A_334 = vector.broadcast %ne3A_333 : i32 to vector<16xi32>
      %ne3A_335 = arith.cmpi ne, %rem3A_332, %ne3A_334 : vector<16xi32>
      %and3A_336 = arith.andi %ne3A_330, %ne3A_335 : vector<16xi1>
      %sub3A_337 = arith.constant 1 : i32
      %sub3A_338 = vector.broadcast %sub3A_337 : i32 to vector<16xi32>
      %sub3A_339 = arith.subi %div3A_312, %sub3A_338 : vector<16xi32>
      %select_n3A_340 = arith.select %and3A_336, %sub3A_339, %div3A_312 : vector<16xi1>, vector<16xi32>
      %jit3A_341 = arith.constant 128 : i32
      %eq3A_342 = arith.constant 0 : i32
      %eq3A_343 = arith.cmpi eq, %jit3A_341, %eq3A_342 : i32
      %jit3A_344 = arith.constant 1 : i32
      %select_n3A_345 = arith.select %eq3A_343, %jit3A_344, %jit3A_341 : i32
      %rem3A_346 = vector.broadcast %select_n3A_345 : i32 to vector<16xi32>
      %rem3A_347 = arith.remsi %add3A_308, %rem3A_346 : vector<16xi32>
      %ne3A_348 = arith.constant 0 : i32
      %ne3A_349 = vector.broadcast %ne3A_348 : i32 to vector<16xi32>
      %ne3A_350 = arith.cmpi ne, %rem3A_347, %ne3A_349 : vector<16xi32>
      %lt3A_351 = arith.constant 0 : i32
      %lt3A_352 = vector.broadcast %lt3A_351 : i32 to vector<16xi32>
      %lt3A_353 = arith.cmpi slt, %rem3A_347, %lt3A_352 : vector<16xi32>
      %lt3A_354 = arith.constant 0 : i32
      %lt3A_355 = arith.cmpi slt, %select_n3A_345, %lt3A_354 : i32
      %ne3A_356 = vector.broadcast %lt3A_355 : i1 to vector<16xi1>
      %ne3A_357 = vector.broadcast %ne3A_356 : vector<16xi1> to vector<16xi1>
      %ne3A_358 = arith.xori %lt3A_353, %ne3A_357 : vector<16xi1>
      %and3A_359 = arith.andi %ne3A_358, %ne3A_350 : vector<16xi1>
      %add3A_360 = vector.broadcast %select_n3A_345 : i32 to vector<16xi32>
      %add3A_361 = arith.addi %rem3A_347, %add3A_360 : vector<16xi32>
      %select_n3A_362 = arith.select %and3A_359, %add3A_361, %rem3A_347 : vector<16xi1>, vector<16xi32>
      %add3A_363 = arith.constant 3456 : i32
      %add3A_364 = vector.broadcast %add3A_363 : i32 to vector<16xi32>
      %add3A_365 = arith.addi %add3A_364, %iota3A : vector<16xi32>
      tpu.vector_store_idx %arg11[%select_n3A_340, %select_n3A_362], %add3A_365 masked %lt3A_309 : memref<88x128xi32, #tpu.memory_space<vmem>>[vector<16xi32>, vector<16xi32>], vector<16xi32>, vector<16xi1>
      %jit3A_366 = arith.constant 128 : i32
      %div3A_367 = vector.broadcast %jit3A_366 : i32 to vector<16xi32>
      %div3A_368 = arith.divsi %add3A_308, %div3A_367 : vector<16xi32>
      %sign3A_369 = arith.constant 0 : i32
      %sign3A_370 = vector.broadcast %sign3A_369 : i32 to vector<16xi32>
      %sign3A_371 = arith.cmpi sgt, %add3A_308, %sign3A_370 : vector<16xi32>
      %sign3A_372 = arith.extui %sign3A_371 : vector<16xi1> to vector<16xi32>
      %sign3A_373 = arith.constant 0 : i32
      %sign3A_374 = vector.broadcast %sign3A_373 : i32 to vector<16xi32>
      %sign3A_375 = arith.cmpi slt, %add3A_308, %sign3A_374 : vector<16xi32>
      %sign3A_376 = arith.extui %sign3A_375 : vector<16xi1> to vector<16xi32>
      %sign3A_377 = arith.subi %sign3A_372, %sign3A_376 : vector<16xi32>
      %sign3A_378 = arith.constant 0 : i32
      %sign3A_379 = arith.cmpi sgt, %jit3A_366, %sign3A_378 : i32
      %sign3A_380 = arith.extui %sign3A_379 : i1 to i32
      %sign3A_381 = arith.constant 0 : i32
      %sign3A_382 = arith.cmpi slt, %jit3A_366, %sign3A_381 : i32
      %sign3A_383 = arith.extui %sign3A_382 : i1 to i32
      %sign3A_384 = arith.subi %sign3A_380, %sign3A_383 : i32
      %ne3A_385 = vector.broadcast %sign3A_384 : i32 to vector<16xi32>
      %ne3A_386 = arith.cmpi ne, %sign3A_377, %ne3A_385 : vector<16xi32>
      %rem3A_387 = vector.broadcast %jit3A_366 : i32 to vector<16xi32>
      %rem3A_388 = arith.remsi %add3A_308, %rem3A_387 : vector<16xi32>
      %ne3A_389 = arith.constant 0 : i32
      %ne3A_390 = vector.broadcast %ne3A_389 : i32 to vector<16xi32>
      %ne3A_391 = arith.cmpi ne, %rem3A_388, %ne3A_390 : vector<16xi32>
      %and3A_392 = arith.andi %ne3A_386, %ne3A_391 : vector<16xi1>
      %sub3A_393 = arith.constant 1 : i32
      %sub3A_394 = vector.broadcast %sub3A_393 : i32 to vector<16xi32>
      %sub3A_395 = arith.subi %div3A_368, %sub3A_394 : vector<16xi32>
      %select_n3A_396 = arith.select %and3A_392, %sub3A_395, %div3A_368 : vector<16xi1>, vector<16xi32>
      %jit3A_397 = arith.constant 128 : i32
      %eq3A_398 = arith.constant 0 : i32
      %eq3A_399 = arith.cmpi eq, %jit3A_397, %eq3A_398 : i32
      %jit3A_400 = arith.constant 1 : i32
      %select_n3A_401 = arith.select %eq3A_399, %jit3A_400, %jit3A_397 : i32
      %rem3A_402 = vector.broadcast %select_n3A_401 : i32 to vector<16xi32>
      %rem3A_403 = arith.remsi %add3A_308, %rem3A_402 : vector<16xi32>
      %ne3A_404 = arith.constant 0 : i32
      %ne3A_405 = vector.broadcast %ne3A_404 : i32 to vector<16xi32>
      %ne3A_406 = arith.cmpi ne, %rem3A_403, %ne3A_405 : vector<16xi32>
      %lt3A_407 = arith.constant 0 : i32
      %lt3A_408 = vector.broadcast %lt3A_407 : i32 to vector<16xi32>
      %lt3A_409 = arith.cmpi slt, %rem3A_403, %lt3A_408 : vector<16xi32>
      %lt3A_410 = arith.constant 0 : i32
      %lt3A_411 = arith.cmpi slt, %select_n3A_401, %lt3A_410 : i32
      %ne3A_412 = vector.broadcast %lt3A_411 : i1 to vector<16xi1>
      %ne3A_413 = vector.broadcast %ne3A_412 : vector<16xi1> to vector<16xi1>
      %ne3A_414 = arith.xori %lt3A_409, %ne3A_413 : vector<16xi1>
      %and3A_415 = arith.andi %ne3A_414, %ne3A_406 : vector<16xi1>
      %add3A_416 = vector.broadcast %select_n3A_401 : i32 to vector<16xi32>
      %add3A_417 = arith.addi %rem3A_403, %add3A_416 : vector<16xi32>
      %select_n3A_418 = arith.select %and3A_415, %add3A_417, %rem3A_403 : vector<16xi1>, vector<16xi32>
      tpu.vector_store_idx %arg10[%select_n3A_396, %select_n3A_418], %broadcast_in_dim3A_11 masked %lt3A_309 : memref<88x128xi32, #tpu.memory_space<vmem>>[vector<16xi32>, vector<16xi32>], vector<16xi32>, vector<16xi1>
    }
    %scan3A_274 = arith.constant 16 : i32
    %eq3A_275 = arith.constant 2 : i32
    %eq3A_276 = vector.broadcast %eq3A_275 : i32 to vector<16xi32>
    %eq3A_277 = arith.cmpi eq, %iota3A, %eq3A_276 : vector<16xi32>
    %jit3A_278 = arith.constant 0 : i32
    %broadcast_in_dim3A_279 = vector.broadcast %sub3A_210 : i32 to vector<16xi32>
    %broadcast_in_dim3A_280 = vector.broadcast %jit3A_278 : i32 to vector<16xi32>
    %select_n3A_281 = arith.select %eq3A_277, %broadcast_in_dim3A_279, %broadcast_in_dim3A_280 : vector<16xi1>, vector<16xi32>
    %add3A_282 = arith.addi %add3A_188, %select_n3A_281 : vector<16xi32>
    %add3A_283 = arith.addi %add3A_189, %mul3A_266 : i32
    %swap3A = arith.constant 0 : index
    %swap3A_284 = tpu.vector_load %arg14[%swap3A] {strides = array<i32>} : memref<16xi32, #tpu.memory_space<vmem>>, vector<16xi32>,
    tpu.vector_store %arg14[%swap3A], %add3A_282 {strides = array<i32>} : memref<16xi32, #tpu.memory_space<vmem>>, vector<16xi32>,
    %eq3A_285 = arith.constant 0 : i32
    %eq3A_286 = arith.cmpi eq, %arg0, %eq3A_285 : i32
    %convert_element_type3A = arith.extui %eq3A_286 : i1 to i32
    %cond3A = arith.constant 0 : i32
    %cond3A_287 = arith.cmpi ne, %convert_element_type3A, %cond3A : i32
    scf.if %cond3A_287 {
      "tpu.region"() ({
        %run_scoped3A = tpu.sem_alloc : memref<!tpu.dma_semaphore, #tpu.memory_space<semaphore_mem>>
        %dma_start3A = arith.constant 0 : i32
        %dma_start3A_303 = arith.constant 0 : i32
        %dma_start3A_304 = tpu.memref_slice %arg5[%arg1, %dma_start3A, %dma_start3A_303] : memref<16x88x128xi32, #tpu.memory_space<hbm>> -> memref<1x88x128xi32, #tpu.memory_space<hbm>>
        %dma_start3A_305 = tpu.memref_squeeze %dma_start3A_304 : memref<1x88x128xi32, #tpu.memory_space<hbm>> -> memref<88x128xi32, #tpu.memory_space<hbm>>
        %dma_start3A_306 = arith.constant 0 : i32
        %dma_start3A_307 = arith.constant 0 : i32
        %dma_start3A_308 = tpu.memref_slice %arg5[%arg1, %dma_start3A_306, %dma_start3A_307] : memref<16x88x128xi32, #tpu.memory_space<hbm>> -> memref<1x88x128xi32, #tpu.memory_space<hbm>>
        %dma_start3A_309 = tpu.memref_squeeze %dma_start3A_308 : memref<1x88x128xi32, #tpu.memory_space<hbm>> -> memref<88x128xi32, #tpu.memory_space<hbm>>
        tpu.enqueue_dma source(%arg10 : memref<88x128xi32, #tpu.memory_space<vmem>>) target(%dma_start3A_309 : memref<88x128xi32, #tpu.memory_space<hbm>>) target_semaphore(%run_scoped3A : memref<!tpu.dma_semaphore, #tpu.memory_space<semaphore_mem>>)
        %dma_wait3A = arith.constant 0 : i32
        %dma_wait3A_310 = arith.constant 0 : i32
        %dma_wait3A_311 = tpu.memref_slice %arg5[%arg1, %dma_wait3A, %dma_wait3A_310] : memref<16x88x128xi32, #tpu.memory_space<hbm>> -> memref<1x88x128xi32, #tpu.memory_space<hbm>>
        %dma_wait3A_312 = tpu.memref_squeeze %dma_wait3A_311 : memref<1x88x128xi32, #tpu.memory_space<hbm>> -> memref<88x128xi32, #tpu.memory_space<hbm>>
        %dma_wait3A_313 = arith.constant 0 : i32
        %dma_wait3A_314 = arith.constant 0 : i32
        %dma_wait3A_315 = tpu.memref_slice %arg5[%arg1, %dma_wait3A_313, %dma_wait3A_314] : memref<16x88x128xi32, #tpu.memory_space<hbm>> -> memref<1x88x128xi32, #tpu.memory_space<hbm>>
        %dma_wait3A_316 = tpu.memref_squeeze %dma_wait3A_315 : memref<1x88x128xi32, #tpu.memory_space<hbm>> -> memref<88x128xi32, #tpu.memory_space<hbm>>
        tpu.wait_dma2 semaphore(%run_scoped3A : memref<!tpu.dma_semaphore, #tpu.memory_space<semaphore_mem>>) src(%arg10 : memref<88x128xi32, #tpu.memory_space<vmem>>) dst(%dma_wait3A_316 : memref<88x128xi32, #tpu.memory_space<hbm>>)
        tpu.yield
      }) : () -> ()
      "tpu.region"() ({
        %run_scoped3A = tpu.sem_alloc : memref<!tpu.dma_semaphore, #tpu.memory_space<semaphore_mem>>
        %dma_start3A = arith.constant 0 : i32
        %dma_start3A_303 = arith.constant 0 : i32
        %dma_start3A_304 = tpu.memref_slice %arg6[%arg1, %dma_start3A, %dma_start3A_303] : memref<16x88x128xi32, #tpu.memory_space<hbm>> -> memref<1x88x128xi32, #tpu.memory_space<hbm>>
        %dma_start3A_305 = tpu.memref_squeeze %dma_start3A_304 : memref<1x88x128xi32, #tpu.memory_space<hbm>> -> memref<88x128xi32, #tpu.memory_space<hbm>>
        %dma_start3A_306 = arith.constant 0 : i32
        %dma_start3A_307 = arith.constant 0 : i32
        %dma_start3A_308 = tpu.memref_slice %arg6[%arg1, %dma_start3A_306, %dma_start3A_307] : memref<16x88x128xi32, #tpu.memory_space<hbm>> -> memref<1x88x128xi32, #tpu.memory_space<hbm>>
        %dma_start3A_309 = tpu.memref_squeeze %dma_start3A_308 : memref<1x88x128xi32, #tpu.memory_space<hbm>> -> memref<88x128xi32, #tpu.memory_space<hbm>>
        tpu.enqueue_dma source(%arg11 : memref<88x128xi32, #tpu.memory_space<vmem>>) target(%dma_start3A_309 : memref<88x128xi32, #tpu.memory_space<hbm>>) target_semaphore(%run_scoped3A : memref<!tpu.dma_semaphore, #tpu.memory_space<semaphore_mem>>)
        %dma_wait3A = arith.constant 0 : i32
        %dma_wait3A_310 = arith.constant 0 : i32
        %dma_wait3A_311 = tpu.memref_slice %arg6[%arg1, %dma_wait3A, %dma_wait3A_310] : memref<16x88x128xi32, #tpu.memory_space<hbm>> -> memref<1x88x128xi32, #tpu.memory_space<hbm>>
        %dma_wait3A_312 = tpu.memref_squeeze %dma_wait3A_311 : memref<1x88x128xi32, #tpu.memory_space<hbm>> -> memref<88x128xi32, #tpu.memory_space<hbm>>
        %dma_wait3A_313 = arith.constant 0 : i32
        %dma_wait3A_314 = arith.constant 0 : i32
        %dma_wait3A_315 = tpu.memref_slice %arg6[%arg1, %dma_wait3A_313, %dma_wait3A_314] : memref<16x88x128xi32, #tpu.memory_space<hbm>> -> memref<1x88x128xi32, #tpu.memory_space<hbm>>
        %dma_wait3A_316 = tpu.memref_squeeze %dma_wait3A_315 : memref<1x88x128xi32, #tpu.memory_space<hbm>> -> memref<88x128xi32, #tpu.memory_space<hbm>>
        tpu.wait_dma2 semaphore(%run_scoped3A : memref<!tpu.dma_semaphore, #tpu.memory_space<semaphore_mem>>) src(%arg11 : memref<88x128xi32, #tpu.memory_space<vmem>>) dst(%dma_wait3A_316 : memref<88x128xi32, #tpu.memory_space<hbm>>)
        tpu.yield
      }) : () -> ()
      "tpu.region"() ({
        %run_scoped3A = tpu.sem_alloc : memref<!tpu.dma_semaphore, #tpu.memory_space<semaphore_mem>>
        %dma_start3A = arith.constant 0 : i32
        %dma_start3A_303 = tpu.memref_slice %arg7[%arg1, %dma_start3A] : memref<16x16xi32, #tpu.memory_space<hbm>> -> memref<1x16xi32, #tpu.memory_space<hbm>>
        %dma_start3A_304 = tpu.memref_squeeze %dma_start3A_303 : memref<1x16xi32, #tpu.memory_space<hbm>> -> memref<16xi32, #tpu.memory_space<hbm>>
        %dma_start3A_305 = arith.constant 0 : i32
        %dma_start3A_306 = tpu.memref_slice %arg7[%arg1, %dma_start3A_305] : memref<16x16xi32, #tpu.memory_space<hbm>> -> memref<1x16xi32, #tpu.memory_space<hbm>>
        %dma_start3A_307 = tpu.memref_squeeze %dma_start3A_306 : memref<1x16xi32, #tpu.memory_space<hbm>> -> memref<16xi32, #tpu.memory_space<hbm>>
        tpu.enqueue_dma source(%arg14 : memref<16xi32, #tpu.memory_space<vmem>>) target(%dma_start3A_307 : memref<16xi32, #tpu.memory_space<hbm>>) target_semaphore(%run_scoped3A : memref<!tpu.dma_semaphore, #tpu.memory_space<semaphore_mem>>)
        %dma_wait3A = arith.constant 0 : i32
        %dma_wait3A_308 = tpu.memref_slice %arg7[%arg1, %dma_wait3A] : memref<16x16xi32, #tpu.memory_space<hbm>> -> memref<1x16xi32, #tpu.memory_space<hbm>>
        %dma_wait3A_309 = tpu.memref_squeeze %dma_wait3A_308 : memref<1x16xi32, #tpu.memory_space<hbm>> -> memref<16xi32, #tpu.memory_space<hbm>>
        %dma_wait3A_310 = arith.constant 0 : i32
        %dma_wait3A_311 = tpu.memref_slice %arg7[%arg1, %dma_wait3A_310] : memref<16x16xi32, #tpu.memory_space<hbm>> -> memref<1x16xi32, #tpu.memory_space<hbm>>
        %dma_wait3A_312 = tpu.memref_squeeze %dma_wait3A_311 : memref<1x16xi32, #tpu.memory_space<hbm>> -> memref<16xi32, #tpu.memory_space<hbm>>
        tpu.wait_dma2 semaphore(%run_scoped3A : memref<!tpu.dma_semaphore, #tpu.memory_space<semaphore_mem>>) src(%arg14 : memref<16xi32, #tpu.memory_space<vmem>>) dst(%dma_wait3A_312 : memref<16xi32, #tpu.memory_space<hbm>>)
        tpu.yield
      }) : () -> ()
    } else {
    }
    %eq3A_288 = arith.constant 0 : i32
    %eq3A_289 = arith.cmpi eq, %arg0, %eq3A_288 : i32
    %convert_element_type3A_290 = arith.extui %eq3A_289 : i1 to i32
    %cond3A_291 = arith.constant 0 : i32
    %cond3A_292 = arith.cmpi ne, %convert_element_type3A_290, %cond3A_291 : i32
    scf.if %cond3A_292 {
      %mul3A_303 = arith.constant 224 : i32
      %mul3A_304 = arith.muli %arg1, %mul3A_303 : i32
      %multiple_of3A = tpu.assume_multiple %mul3A_304, 8 : i32
      "tpu.region"() ({
        %run_scoped3A = tpu.sem_alloc : memref<!tpu.dma_semaphore, #tpu.memory_space<semaphore_mem>>
        %dma_start3A = arith.constant 0 : i32
        %dma_start3A_360 = tpu.memref_slice %arg15[%multiple_of3A, %dma_start3A] : memref<3584x16xf32, #tpu.memory_space<vmem_shared>> -> memref<224x16xf32, #tpu.memory_space<vmem_shared>>
        %dma_start3A_361 = arith.constant 0 : i32
        %dma_start3A_362 = tpu.memref_slice %arg15[%multiple_of3A, %dma_start3A_361] : memref<3584x16xf32, #tpu.memory_space<vmem_shared>> -> memref<224x16xf32, #tpu.memory_space<vmem_shared>>
        tpu.enqueue_dma source(%arg13 : memref<224x16xf32, #tpu.memory_space<vmem>>) target(%dma_start3A_362 : memref<224x16xf32, #tpu.memory_space<vmem_shared>>) target_semaphore(%run_scoped3A : memref<!tpu.dma_semaphore, #tpu.memory_space<semaphore_mem>>)
        %dma_wait3A = arith.constant 0 : i32
        %dma_wait3A_363 = tpu.memref_slice %arg15[%multiple_of3A, %dma_wait3A] : memref<3584x16xf32, #tpu.memory_space<vmem_shared>> -> memref<224x16xf32, #tpu.memory_space<vmem_shared>>
        %dma_wait3A_364 = arith.constant 0 : i32
        %dma_wait3A_365 = tpu.memref_slice %arg15[%multiple_of3A, %dma_wait3A_364] : memref<3584x16xf32, #tpu.memory_space<vmem_shared>> -> memref<224x16xf32, #tpu.memory_space<vmem_shared>>
        tpu.wait_dma2 semaphore(%run_scoped3A : memref<!tpu.dma_semaphore, #tpu.memory_space<semaphore_mem>>) src(%arg13 : memref<224x16xf32, #tpu.memory_space<vmem>>) dst(%dma_wait3A_365 : memref<224x16xf32, #tpu.memory_space<vmem_shared>>)
        tpu.yield
      }) : () -> ()
      %barrier3A = arith.constant 0 : index
      tpu.barrier barrier_id(%barrier3A)
      %eq3A_305 = arith.constant 0 : i32
      %eq3A_306 = vector.broadcast %eq3A_305 : i32 to vector<16xi32>
      %eq3A_307 = arith.cmpi eq, %iota3A, %eq3A_306 : vector<16xi32>
      %jit3A_308 = arith.constant 0 : i32
      %broadcast_in_dim3A_309 = vector.broadcast %jit3A_308 : i32 to vector<16xi32>
      %select_n3A_310 = arith.select %eq3A_307, %add3A_282, %broadcast_in_dim3A_309 : vector<16xi1>, vector<16xi32>
      %reduce_sum3A_311 = arith.constant true
      %reduce_sum3A_312 = vector.broadcast %reduce_sum3A_311 : i1 to vector<16xi1>
      %reduce_sum3A_313 = tpu.scan <sum>, %select_n3A_310 masked %reduce_sum3A_312 : vector<16xi32>, vector<16xi1> -> vector<16xi32>
      %reduce_sum3A_314 = vector.extract %reduce_sum3A_313[15] : i32 from vector<16xi32>
      %add3A_315 = arith.constant 127 : i32
      %add3A_316 = arith.addi %reduce_sum3A_314, %add3A_315 : i32
      %jit3A_317 = arith.constant 128 : i32
      %div3A_318 = arith.divsi %add3A_316, %jit3A_317 : i32
      %sign3A_319 = arith.constant 0 : i32
      %sign3A_320 = arith.cmpi sgt, %add3A_316, %sign3A_319 : i32
      %sign3A_321 = arith.extui %sign3A_320 : i1 to i32
      %sign3A_322 = arith.constant 0 : i32
      %sign3A_323 = arith.cmpi slt, %add3A_316, %sign3A_322 : i32
      %sign3A_324 = arith.extui %sign3A_323 : i1 to i32
      %sign3A_325 = arith.subi %sign3A_321, %sign3A_324 : i32
      %sign3A_326 = arith.constant 0 : i32
      %sign3A_327 = arith.cmpi sgt, %jit3A_317, %sign3A_326 : i32
      %sign3A_328 = arith.extui %sign3A_327 : i1 to i32
      %sign3A_329 = arith.constant 0 : i32
      %sign3A_330 = arith.cmpi slt, %jit3A_317, %sign3A_329 : i32
      %sign3A_331 = arith.extui %sign3A_330 : i1 to i32
      %sign3A_332 = arith.subi %sign3A_328, %sign3A_331 : i32
      %ne3A_333 = arith.cmpi ne, %sign3A_325, %sign3A_332 : i32
      %rem3A_334 = arith.remsi %add3A_316, %jit3A_317 : i32
      %ne3A_335 = arith.constant 0 : i32
      %ne3A_336 = arith.cmpi ne, %rem3A_334, %ne3A_335 : i32
      %and3A_337 = arith.andi %ne3A_333, %ne3A_336 : i1
      %sub3A_338 = arith.constant 1 : i32
      %sub3A_339 = arith.subi %div3A_318, %sub3A_338 : i32
      %select_n3A_340 = arith.select %and3A_337, %sub3A_339, %div3A_318 : i32
      %while3A = arith.constant 0 : i32
      %while3A_341 = arith.constant 0 : i32
      %while3A_342 = arith.subi %select_n3A_340, %while3A_341 : i32
      %while3A_343 = arith.addi %while3A_341, %while3A_342 : i32
      %while3A_344 = arith.constant 1 : i32
      %while3A_345 = arith.divsi %while3A_342, %while3A_344 : i32
      %while3A_346 = arith.muli %while3A_345, %while3A_344 : i32
      %while3A_347 = arith.addi %while3A_341, %while3A_346 : i32
      %while3A_348 = arith.constant 1 : i32
      scf.for %while3A_360 = %while3A_341 to %while3A_347 step %while3A_348  : i32 {
        %add3A_361 = arith.constant 0 : i32
        %add3A_362 = arith.addi %add3A_361, %while3A_360 : i32
        "tpu.region"() ({
          %run_scoped3A = tpu.sem_alloc : memref<!tpu.dma_semaphore, #tpu.memory_space<semaphore_mem>>
          %dma_start3A = arith.constant 0 : i32
          %dma_start3A_363 = tpu.memref_slice %arg11[%add3A_362, %dma_start3A] : memref<88x128xi32, #tpu.memory_space<vmem>> -> memref<1x128xi32, #tpu.memory_space<vmem>>
          %dma_start3A_364 = tpu.memref_squeeze %dma_start3A_363 : memref<1x128xi32, #tpu.memory_space<vmem>> -> memref<128xi32, #tpu.memory_space<vmem>>
          %dma_start3A_365 = arith.constant 0 : i32
          %dma_start3A_366 = arith.constant 0 : i32
          %dma_start3A_367 = tpu.memref_slice %arg15[%dma_start3A_365, %dma_start3A_366] : memref<3584x16xf32, #tpu.memory_space<vmem_shared>> -> memref<3584x16xf32, #tpu.memory_space<vmem_shared>>
          tpu.enqueue_indirect_dma source(%arg12 : memref<128x16xf32, #tpu.memory_space<vmem>>) target(%dma_start3A_367 : memref<3584x16xf32, #tpu.memory_space<vmem_shared>>) offsets(%dma_start3A_364 : memref<128xi32, #tpu.memory_space<vmem>>) semaphore(%run_scoped3A : memref<!tpu.dma_semaphore, #tpu.memory_space<semaphore_mem>>) {add = true}
          %dma_wait3A = arith.constant 0 : i32
          %dma_wait3A_368 = tpu.memref_slice %arg11[%add3A_362, %dma_wait3A] : memref<88x128xi32, #tpu.memory_space<vmem>> -> memref<1x128xi32, #tpu.memory_space<vmem>>
          %dma_wait3A_369 = tpu.memref_squeeze %dma_wait3A_368 : memref<1x128xi32, #tpu.memory_space<vmem>> -> memref<128xi32, #tpu.memory_space<vmem>>
          %dma_wait3A_370 = arith.constant 0 : i32
          %dma_wait3A_371 = arith.constant 0 : i32
          %dma_wait3A_372 = tpu.memref_slice %arg15[%dma_wait3A_370, %dma_wait3A_371] : memref<3584x16xf32, #tpu.memory_space<vmem_shared>> -> memref<3584x16xf32, #tpu.memory_space<vmem_shared>>
          tpu.wait_indirect_dma semaphore(%run_scoped3A : memref<!tpu.dma_semaphore, #tpu.memory_space<semaphore_mem>>) src(%arg12 : memref<128x16xf32, #tpu.memory_space<vmem>>) dst(%dma_wait3A_372 : memref<3584x16xf32, #tpu.memory_space<vmem_shared>>)
          tpu.yield
        }) : () -> ()
      }
      %while3A_349 = arith.constant 1 : i32
      scf.for %while3A_360 = %while3A_347 to %while3A_343 step %while3A_349  : i32 {
        %add3A_361 = arith.constant 0 : i32
        %add3A_362 = arith.addi %add3A_361, %while3A_360 : i32
        "tpu.region"() ({
          %run_scoped3A = tpu.sem_alloc : memref<!tpu.dma_semaphore, #tpu.memory_space<semaphore_mem>>
          %dma_start3A = arith.constant 0 : i32
          %dma_start3A_363 = tpu.memref_slice %arg11[%add3A_362, %dma_start3A] : memref<88x128xi32, #tpu.memory_space<vmem>> -> memref<1x128xi32, #tpu.memory_space<vmem>>
          %dma_start3A_364 = tpu.memref_squeeze %dma_start3A_363 : memref<1x128xi32, #tpu.memory_space<vmem>> -> memref<128xi32, #tpu.memory_space<vmem>>
          %dma_start3A_365 = arith.constant 0 : i32
          %dma_start3A_366 = arith.constant 0 : i32
          %dma_start3A_367 = tpu.memref_slice %arg15[%dma_start3A_365, %dma_start3A_366] : memref<3584x16xf32, #tpu.memory_space<vmem_shared>> -> memref<3584x16xf32, #tpu.memory_space<vmem_shared>>
          tpu.enqueue_indirect_dma source(%arg12 : memref<128x16xf32, #tpu.memory_space<vmem>>) target(%dma_start3A_367 : memref<3584x16xf32, #tpu.memory_space<vmem_shared>>) offsets(%dma_start3A_364 : memref<128xi32, #tpu.memory_space<vmem>>) semaphore(%run_scoped3A : memref<!tpu.dma_semaphore, #tpu.memory_space<semaphore_mem>>) {add = true}
          %dma_wait3A = arith.constant 0 : i32
          %dma_wait3A_368 = tpu.memref_slice %arg11[%add3A_362, %dma_wait3A] : memref<88x128xi32, #tpu.memory_space<vmem>> -> memref<1x128xi32, #tpu.memory_space<vmem>>
          %dma_wait3A_369 = tpu.memref_squeeze %dma_wait3A_368 : memref<1x128xi32, #tpu.memory_space<vmem>> -> memref<128xi32, #tpu.memory_space<vmem>>
          %dma_wait3A_370 = arith.constant 0 : i32
          %dma_wait3A_371 = arith.constant 0 : i32
          %dma_wait3A_372 = tpu.memref_slice %arg15[%dma_wait3A_370, %dma_wait3A_371] : memref<3584x16xf32, #tpu.memory_space<vmem_shared>> -> memref<3584x16xf32, #tpu.memory_space<vmem_shared>>
          tpu.wait_indirect_dma semaphore(%run_scoped3A : memref<!tpu.dma_semaphore, #tpu.memory_space<semaphore_mem>>) src(%arg12 : memref<128x16xf32, #tpu.memory_space<vmem>>) dst(%dma_wait3A_372 : memref<3584x16xf32, #tpu.memory_space<vmem_shared>>)
          tpu.yield
        }) : () -> ()
      }
      %barrier3A_350 = arith.constant 0 : index
      tpu.barrier barrier_id(%barrier3A_350)
      %mul3A_351 = arith.constant 216 : i32
      %mul3A_352 = arith.muli %arg1, %mul3A_351 : i32
      %multiple_of3A_353 = tpu.assume_multiple %mul3A_352, 8 : i32
      %mul3A_354 = arith.constant 216 : i32
      %mul3A_355 = arith.muli %arg1, %mul3A_354 : i32
      %add3A_356 = arith.constant 0 : i32
      %add3A_357 = arith.addi %add3A_356, %mul3A_355 : i32
      %multiple_of3A_358 = tpu.assume_multiple %add3A_357, 8 : i32
      "tpu.region"() ({
        %run_scoped3A = tpu.sem_alloc : memref<!tpu.dma_semaphore, #tpu.memory_space<semaphore_mem>>
        %dma_start3A = arith.constant 0 : i32
        %dma_start3A_360 = tpu.memref_slice %arg4[%multiple_of3A_358, %dma_start3A] : memref<10368x16xf32, #tpu.memory_space<hbm>> -> memref<216x16xf32, #tpu.memory_space<hbm>>
        %dma_start3A_361 = arith.constant 0 : i32
        %dma_start3A_362 = tpu.memref_slice %arg15[%multiple_of3A_353, %dma_start3A_361] : memref<3584x16xf32, #tpu.memory_space<vmem_shared>> -> memref<216x16xf32, #tpu.memory_space<vmem_shared>>
        tpu.enqueue_dma source(%dma_start3A_362 : memref<216x16xf32, #tpu.memory_space<vmem_shared>>) target(%dma_start3A_360 : memref<216x16xf32, #tpu.memory_space<hbm>>) target_semaphore(%run_scoped3A : memref<!tpu.dma_semaphore, #tpu.memory_space<semaphore_mem>>)
        %dma_wait3A = arith.constant 0 : i32
        %dma_wait3A_363 = tpu.memref_slice %arg4[%multiple_of3A_358, %dma_wait3A] : memref<10368x16xf32, #tpu.memory_space<hbm>> -> memref<216x16xf32, #tpu.memory_space<hbm>>
        %dma_wait3A_364 = arith.constant 0 : i32
        %dma_wait3A_365 = tpu.memref_slice %arg15[%multiple_of3A_353, %dma_wait3A_364] : memref<3584x16xf32, #tpu.memory_space<vmem_shared>> -> memref<216x16xf32, #tpu.memory_space<vmem_shared>>
        tpu.wait_dma2 semaphore(%run_scoped3A : memref<!tpu.dma_semaphore, #tpu.memory_space<semaphore_mem>>) src(%dma_wait3A_365 : memref<216x16xf32, #tpu.memory_space<vmem_shared>>) dst(%dma_wait3A_363 : memref<216x16xf32, #tpu.memory_space<hbm>>)
        tpu.yield
      }) : () -> ()
      %barrier3A_359 = arith.constant 0 : index
      tpu.barrier barrier_id(%barrier3A_359)
    } else {
    }
    %eq3A_293 = arith.constant 1 : i32
    %eq3A_294 = arith.cmpi eq, %arg0, %eq3A_293 : i32
    %convert_element_type3A_295 = arith.extui %eq3A_294 : i1 to i32
    %cond3A_296 = arith.constant 0 : i32
    %cond3A_297 = arith.cmpi ne, %convert_element_type3A_295, %cond3A_296 : i32
    scf.if %cond3A_297 {
      %mul3A_303 = arith.constant 224 : i32
      %mul3A_304 = arith.muli %arg1, %mul3A_303 : i32
      %multiple_of3A = tpu.assume_multiple %mul3A_304, 8 : i32
      "tpu.region"() ({
        %run_scoped3A = tpu.sem_alloc : memref<!tpu.dma_semaphore, #tpu.memory_space<semaphore_mem>>
        %dma_start3A = arith.constant 0 : i32
        %dma_start3A_360 = tpu.memref_slice %arg15[%multiple_of3A, %dma_start3A] : memref<3584x16xf32, #tpu.memory_space<vmem_shared>> -> memref<224x16xf32, #tpu.memory_space<vmem_shared>>
        %dma_start3A_361 = arith.constant 0 : i32
        %dma_start3A_362 = tpu.memref_slice %arg15[%multiple_of3A, %dma_start3A_361] : memref<3584x16xf32, #tpu.memory_space<vmem_shared>> -> memref<224x16xf32, #tpu.memory_space<vmem_shared>>
        tpu.enqueue_dma source(%arg13 : memref<224x16xf32, #tpu.memory_space<vmem>>) target(%dma_start3A_362 : memref<224x16xf32, #tpu.memory_space<vmem_shared>>) target_semaphore(%run_scoped3A : memref<!tpu.dma_semaphore, #tpu.memory_space<semaphore_mem>>)
        %dma_wait3A = arith.constant 0 : i32
        %dma_wait3A_363 = tpu.memref_slice %arg15[%multiple_of3A, %dma_wait3A] : memref<3584x16xf32, #tpu.memory_space<vmem_shared>> -> memref<224x16xf32, #tpu.memory_space<vmem_shared>>
        %dma_wait3A_364 = arith.constant 0 : i32
        %dma_wait3A_365 = tpu.memref_slice %arg15[%multiple_of3A, %dma_wait3A_364] : memref<3584x16xf32, #tpu.memory_space<vmem_shared>> -> memref<224x16xf32, #tpu.memory_space<vmem_shared>>
        tpu.wait_dma2 semaphore(%run_scoped3A : memref<!tpu.dma_semaphore, #tpu.memory_space<semaphore_mem>>) src(%arg13 : memref<224x16xf32, #tpu.memory_space<vmem>>) dst(%dma_wait3A_365 : memref<224x16xf32, #tpu.memory_space<vmem_shared>>)
        tpu.yield
      }) : () -> ()
      %barrier3A = arith.constant 0 : index
      tpu.barrier barrier_id(%barrier3A)
      %eq3A_305 = arith.constant 1 : i32
      %eq3A_306 = vector.broadcast %eq3A_305 : i32 to vector<16xi32>
      %eq3A_307 = arith.cmpi eq, %iota3A, %eq3A_306 : vector<16xi32>
      %jit3A_308 = arith.constant 0 : i32
      %broadcast_in_dim3A_309 = vector.broadcast %jit3A_308 : i32 to vector<16xi32>
      %select_n3A_310 = arith.select %eq3A_307, %add3A_282, %broadcast_in_dim3A_309 : vector<16xi1>, vector<16xi32>
      %reduce_sum3A_311 = arith.constant true
      %reduce_sum3A_312 = vector.broadcast %reduce_sum3A_311 : i1 to vector<16xi1>
      %reduce_sum3A_313 = tpu.scan <sum>, %select_n3A_310 masked %reduce_sum3A_312 : vector<16xi32>, vector<16xi1> -> vector<16xi32>
      %reduce_sum3A_314 = vector.extract %reduce_sum3A_313[15] : i32 from vector<16xi32>
      %add3A_315 = arith.constant 127 : i32
      %add3A_316 = arith.addi %reduce_sum3A_314, %add3A_315 : i32
      %jit3A_317 = arith.constant 128 : i32
      %div3A_318 = arith.divsi %add3A_316, %jit3A_317 : i32
      %sign3A_319 = arith.constant 0 : i32
      %sign3A_320 = arith.cmpi sgt, %add3A_316, %sign3A_319 : i32
      %sign3A_321 = arith.extui %sign3A_320 : i1 to i32
      %sign3A_322 = arith.constant 0 : i32
      %sign3A_323 = arith.cmpi slt, %add3A_316, %sign3A_322 : i32
      %sign3A_324 = arith.extui %sign3A_323 : i1 to i32
      %sign3A_325 = arith.subi %sign3A_321, %sign3A_324 : i32
      %sign3A_326 = arith.constant 0 : i32
      %sign3A_327 = arith.cmpi sgt, %jit3A_317, %sign3A_326 : i32
      %sign3A_328 = arith.extui %sign3A_327 : i1 to i32
      %sign3A_329 = arith.constant 0 : i32
      %sign3A_330 = arith.cmpi slt, %jit3A_317, %sign3A_329 : i32
      %sign3A_331 = arith.extui %sign3A_330 : i1 to i32
      %sign3A_332 = arith.subi %sign3A_328, %sign3A_331 : i32
      %ne3A_333 = arith.cmpi ne, %sign3A_325, %sign3A_332 : i32
      %rem3A_334 = arith.remsi %add3A_316, %jit3A_317 : i32
      %ne3A_335 = arith.constant 0 : i32
      %ne3A_336 = arith.cmpi ne, %rem3A_334, %ne3A_335 : i32
      %and3A_337 = arith.andi %ne3A_333, %ne3A_336 : i1
      %sub3A_338 = arith.constant 1 : i32
      %sub3A_339 = arith.subi %div3A_318, %sub3A_338 : i32
      %select_n3A_340 = arith.select %and3A_337, %sub3A_339, %div3A_318 : i32
      %while3A = arith.constant 0 : i32
      %while3A_341 = arith.constant 0 : i32
      %while3A_342 = arith.subi %select_n3A_340, %while3A_341 : i32
      %while3A_343 = arith.addi %while3A_341, %while3A_342 : i32
      %while3A_344 = arith.constant 1 : i32
      %while3A_345 = arith.divsi %while3A_342, %while3A_344 : i32
      %while3A_346 = arith.muli %while3A_345, %while3A_344 : i32
      %while3A_347 = arith.addi %while3A_341, %while3A_346 : i32
      %while3A_348 = arith.constant 1 : i32
      scf.for %while3A_360 = %while3A_341 to %while3A_347 step %while3A_348  : i32 {
        %add3A_361 = arith.addi %add3A_95, %while3A_360 : i32
        "tpu.region"() ({
          %run_scoped3A = tpu.sem_alloc : memref<!tpu.dma_semaphore, #tpu.memory_space<semaphore_mem>>
          %dma_start3A = arith.constant 0 : i32
          %dma_start3A_362 = tpu.memref_slice %arg11[%add3A_361, %dma_start3A] : memref<88x128xi32, #tpu.memory_space<vmem>> -> memref<1x128xi32, #tpu.memory_space<vmem>>
          %dma_start3A_363 = tpu.memref_squeeze %dma_start3A_362 : memref<1x128xi32, #tpu.memory_space<vmem>> -> memref<128xi32, #tpu.memory_space<vmem>>
          %dma_start3A_364 = arith.constant 0 : i32
          %dma_start3A_365 = arith.constant 0 : i32
          %dma_start3A_366 = tpu.memref_slice %arg15[%dma_start3A_364, %dma_start3A_365] : memref<3584x16xf32, #tpu.memory_space<vmem_shared>> -> memref<3584x16xf32, #tpu.memory_space<vmem_shared>>
          tpu.enqueue_indirect_dma source(%arg12 : memref<128x16xf32, #tpu.memory_space<vmem>>) target(%dma_start3A_366 : memref<3584x16xf32, #tpu.memory_space<vmem_shared>>) offsets(%dma_start3A_363 : memref<128xi32, #tpu.memory_space<vmem>>) semaphore(%run_scoped3A : memref<!tpu.dma_semaphore, #tpu.memory_space<semaphore_mem>>) {add = true}
          %dma_wait3A = arith.constant 0 : i32
          %dma_wait3A_367 = tpu.memref_slice %arg11[%add3A_361, %dma_wait3A] : memref<88x128xi32, #tpu.memory_space<vmem>> -> memref<1x128xi32, #tpu.memory_space<vmem>>
          %dma_wait3A_368 = tpu.memref_squeeze %dma_wait3A_367 : memref<1x128xi32, #tpu.memory_space<vmem>> -> memref<128xi32, #tpu.memory_space<vmem>>
          %dma_wait3A_369 = arith.constant 0 : i32
          %dma_wait3A_370 = arith.constant 0 : i32
          %dma_wait3A_371 = tpu.memref_slice %arg15[%dma_wait3A_369, %dma_wait3A_370] : memref<3584x16xf32, #tpu.memory_space<vmem_shared>> -> memref<3584x16xf32, #tpu.memory_space<vmem_shared>>
          tpu.wait_indirect_dma semaphore(%run_scoped3A : memref<!tpu.dma_semaphore, #tpu.memory_space<semaphore_mem>>) src(%arg12 : memref<128x16xf32, #tpu.memory_space<vmem>>) dst(%dma_wait3A_371 : memref<3584x16xf32, #tpu.memory_space<vmem_shared>>)
          tpu.yield
        }) : () -> ()
      }
      %while3A_349 = arith.constant 1 : i32
      scf.for %while3A_360 = %while3A_347 to %while3A_343 step %while3A_349  : i32 {
        %add3A_361 = arith.addi %add3A_95, %while3A_360 : i32
        "tpu.region"() ({
          %run_scoped3A = tpu.sem_alloc : memref<!tpu.dma_semaphore, #tpu.memory_space<semaphore_mem>>
          %dma_start3A = arith.constant 0 : i32
          %dma_start3A_362 = tpu.memref_slice %arg11[%add3A_361, %dma_start3A] : memref<88x128xi32, #tpu.memory_space<vmem>> -> memref<1x128xi32, #tpu.memory_space<vmem>>
          %dma_start3A_363 = tpu.memref_squeeze %dma_start3A_362 : memref<1x128xi32, #tpu.memory_space<vmem>> -> memref<128xi32, #tpu.memory_space<vmem>>
          %dma_start3A_364 = arith.constant 0 : i32
          %dma_start3A_365 = arith.constant 0 : i32
          %dma_start3A_366 = tpu.memref_slice %arg15[%dma_start3A_364, %dma_start3A_365] : memref<3584x16xf32, #tpu.memory_space<vmem_shared>> -> memref<3584x16xf32, #tpu.memory_space<vmem_shared>>
          tpu.enqueue_indirect_dma source(%arg12 : memref<128x16xf32, #tpu.memory_space<vmem>>) target(%dma_start3A_366 : memref<3584x16xf32, #tpu.memory_space<vmem_shared>>) offsets(%dma_start3A_363 : memref<128xi32, #tpu.memory_space<vmem>>) semaphore(%run_scoped3A : memref<!tpu.dma_semaphore, #tpu.memory_space<semaphore_mem>>) {add = true}
          %dma_wait3A = arith.constant 0 : i32
          %dma_wait3A_367 = tpu.memref_slice %arg11[%add3A_361, %dma_wait3A] : memref<88x128xi32, #tpu.memory_space<vmem>> -> memref<1x128xi32, #tpu.memory_space<vmem>>
          %dma_wait3A_368 = tpu.memref_squeeze %dma_wait3A_367 : memref<1x128xi32, #tpu.memory_space<vmem>> -> memref<128xi32, #tpu.memory_space<vmem>>
          %dma_wait3A_369 = arith.constant 0 : i32
          %dma_wait3A_370 = arith.constant 0 : i32
          %dma_wait3A_371 = tpu.memref_slice %arg15[%dma_wait3A_369, %dma_wait3A_370] : memref<3584x16xf32, #tpu.memory_space<vmem_shared>> -> memref<3584x16xf32, #tpu.memory_space<vmem_shared>>
          tpu.wait_indirect_dma semaphore(%run_scoped3A : memref<!tpu.dma_semaphore, #tpu.memory_space<semaphore_mem>>) src(%arg12 : memref<128x16xf32, #tpu.memory_space<vmem>>) dst(%dma_wait3A_371 : memref<3584x16xf32, #tpu.memory_space<vmem_shared>>)
          tpu.yield
        }) : () -> ()
      }
      %barrier3A_350 = arith.constant 0 : index
      tpu.barrier barrier_id(%barrier3A_350)
      %mul3A_351 = arith.constant 216 : i32
      %mul3A_352 = arith.muli %arg1, %mul3A_351 : i32
      %multiple_of3A_353 = tpu.assume_multiple %mul3A_352, 8 : i32
      %mul3A_354 = arith.constant 216 : i32
      %mul3A_355 = arith.muli %arg1, %mul3A_354 : i32
      %add3A_356 = arith.constant 3456 : i32
      %add3A_357 = arith.addi %add3A_356, %mul3A_355 : i32
      %multiple_of3A_358 = tpu.assume_multiple %add3A_357, 8 : i32
      "tpu.region"() ({
        %run_scoped3A = tpu.sem_alloc : memref<!tpu.dma_semaphore, #tpu.memory_space<semaphore_mem>>
        %dma_start3A = arith.constant 0 : i32
        %dma_start3A_360 = tpu.memref_slice %arg4[%multiple_of3A_358, %dma_start3A] : memref<10368x16xf32, #tpu.memory_space<hbm>> -> memref<216x16xf32, #tpu.memory_space<hbm>>
        %dma_start3A_361 = arith.constant 0 : i32
        %dma_start3A_362 = tpu.memref_slice %arg15[%multiple_of3A_353, %dma_start3A_361] : memref<3584x16xf32, #tpu.memory_space<vmem_shared>> -> memref<216x16xf32, #tpu.memory_space<vmem_shared>>
        tpu.enqueue_dma source(%dma_start3A_362 : memref<216x16xf32, #tpu.memory_space<vmem_shared>>) target(%dma_start3A_360 : memref<216x16xf32, #tpu.memory_space<hbm>>) target_semaphore(%run_scoped3A : memref<!tpu.dma_semaphore, #tpu.memory_space<semaphore_mem>>)
        %dma_wait3A = arith.constant 0 : i32
        %dma_wait3A_363 = tpu.memref_slice %arg4[%multiple_of3A_358, %dma_wait3A] : memref<10368x16xf32, #tpu.memory_space<hbm>> -> memref<216x16xf32, #tpu.memory_space<hbm>>
        %dma_wait3A_364 = arith.constant 0 : i32
        %dma_wait3A_365 = tpu.memref_slice %arg15[%multiple_of3A_353, %dma_wait3A_364] : memref<3584x16xf32, #tpu.memory_space<vmem_shared>> -> memref<216x16xf32, #tpu.memory_space<vmem_shared>>
        tpu.wait_dma2 semaphore(%run_scoped3A : memref<!tpu.dma_semaphore, #tpu.memory_space<semaphore_mem>>) src(%dma_wait3A_365 : memref<216x16xf32, #tpu.memory_space<vmem_shared>>) dst(%dma_wait3A_363 : memref<216x16xf32, #tpu.memory_space<hbm>>)
        tpu.yield
      }) : () -> ()
      %barrier3A_359 = arith.constant 0 : index
      tpu.barrier barrier_id(%barrier3A_359)
    } else {
    }
    %eq3A_298 = arith.constant 0 : i32
    %eq3A_299 = arith.cmpi eq, %arg0, %eq3A_298 : i32
    %convert_element_type3A_300 = arith.extui %eq3A_299 : i1 to i32
    %cond3A_301 = arith.constant 0 : i32
    %cond3A_302 = arith.cmpi ne, %convert_element_type3A_300, %cond3A_301 : i32
    scf.if %cond3A_302 {
      %mul3A_303 = arith.constant 224 : i32
      %mul3A_304 = arith.muli %arg1, %mul3A_303 : i32
      %multiple_of3A = tpu.assume_multiple %mul3A_304, 8 : i32
      "tpu.region"() ({
        %run_scoped3A = tpu.sem_alloc : memref<!tpu.dma_semaphore, #tpu.memory_space<semaphore_mem>>
        %dma_start3A = arith.constant 0 : i32
        %dma_start3A_360 = tpu.memref_slice %arg15[%multiple_of3A, %dma_start3A] : memref<3584x16xf32, #tpu.memory_space<vmem_shared>> -> memref<224x16xf32, #tpu.memory_space<vmem_shared>>
        %dma_start3A_361 = arith.constant 0 : i32
        %dma_start3A_362 = tpu.memref_slice %arg15[%multiple_of3A, %dma_start3A_361] : memref<3584x16xf32, #tpu.memory_space<vmem_shared>> -> memref<224x16xf32, #tpu.memory_space<vmem_shared>>
        tpu.enqueue_dma source(%arg13 : memref<224x16xf32, #tpu.memory_space<vmem>>) target(%dma_start3A_362 : memref<224x16xf32, #tpu.memory_space<vmem_shared>>) target_semaphore(%run_scoped3A : memref<!tpu.dma_semaphore, #tpu.memory_space<semaphore_mem>>)
        %dma_wait3A = arith.constant 0 : i32
        %dma_wait3A_363 = tpu.memref_slice %arg15[%multiple_of3A, %dma_wait3A] : memref<3584x16xf32, #tpu.memory_space<vmem_shared>> -> memref<224x16xf32, #tpu.memory_space<vmem_shared>>
        %dma_wait3A_364 = arith.constant 0 : i32
        %dma_wait3A_365 = tpu.memref_slice %arg15[%multiple_of3A, %dma_wait3A_364] : memref<3584x16xf32, #tpu.memory_space<vmem_shared>> -> memref<224x16xf32, #tpu.memory_space<vmem_shared>>
        tpu.wait_dma2 semaphore(%run_scoped3A : memref<!tpu.dma_semaphore, #tpu.memory_space<semaphore_mem>>) src(%arg13 : memref<224x16xf32, #tpu.memory_space<vmem>>) dst(%dma_wait3A_365 : memref<224x16xf32, #tpu.memory_space<vmem_shared>>)
        tpu.yield
      }) : () -> ()
      %barrier3A = arith.constant 0 : index
      tpu.barrier barrier_id(%barrier3A)
      %eq3A_305 = arith.constant 2 : i32
      %eq3A_306 = vector.broadcast %eq3A_305 : i32 to vector<16xi32>
      %eq3A_307 = arith.cmpi eq, %iota3A, %eq3A_306 : vector<16xi32>
      %jit3A_308 = arith.constant 0 : i32
      %broadcast_in_dim3A_309 = vector.broadcast %jit3A_308 : i32 to vector<16xi32>
      %select_n3A_310 = arith.select %eq3A_307, %add3A_282, %broadcast_in_dim3A_309 : vector<16xi1>, vector<16xi32>
      %reduce_sum3A_311 = arith.constant true
      %reduce_sum3A_312 = vector.broadcast %reduce_sum3A_311 : i1 to vector<16xi1>
      %reduce_sum3A_313 = tpu.scan <sum>, %select_n3A_310 masked %reduce_sum3A_312 : vector<16xi32>, vector<16xi1> -> vector<16xi32>
      %reduce_sum3A_314 = vector.extract %reduce_sum3A_313[15] : i32 from vector<16xi32>
      %add3A_315 = arith.constant 127 : i32
      %add3A_316 = arith.addi %reduce_sum3A_314, %add3A_315 : i32
      %jit3A_317 = arith.constant 128 : i32
      %div3A_318 = arith.divsi %add3A_316, %jit3A_317 : i32
      %sign3A_319 = arith.constant 0 : i32
      %sign3A_320 = arith.cmpi sgt, %add3A_316, %sign3A_319 : i32
      %sign3A_321 = arith.extui %sign3A_320 : i1 to i32
      %sign3A_322 = arith.constant 0 : i32
      %sign3A_323 = arith.cmpi slt, %add3A_316, %sign3A_322 : i32
      %sign3A_324 = arith.extui %sign3A_323 : i1 to i32
      %sign3A_325 = arith.subi %sign3A_321, %sign3A_324 : i32
      %sign3A_326 = arith.constant 0 : i32
      %sign3A_327 = arith.cmpi sgt, %jit3A_317, %sign3A_326 : i32
      %sign3A_328 = arith.extui %sign3A_327 : i1 to i32
      %sign3A_329 = arith.constant 0 : i32
      %sign3A_330 = arith.cmpi slt, %jit3A_317, %sign3A_329 : i32
      %sign3A_331 = arith.extui %sign3A_330 : i1 to i32
      %sign3A_332 = arith.subi %sign3A_328, %sign3A_331 : i32
      %ne3A_333 = arith.cmpi ne, %sign3A_325, %sign3A_332 : i32
      %rem3A_334 = arith.remsi %add3A_316, %jit3A_317 : i32
      %ne3A_335 = arith.constant 0 : i32
      %ne3A_336 = arith.cmpi ne, %rem3A_334, %ne3A_335 : i32
      %and3A_337 = arith.andi %ne3A_333, %ne3A_336 : i1
      %sub3A_338 = arith.constant 1 : i32
      %sub3A_339 = arith.subi %div3A_318, %sub3A_338 : i32
      %select_n3A_340 = arith.select %and3A_337, %sub3A_339, %div3A_318 : i32
      %while3A = arith.constant 0 : i32
      %while3A_341 = arith.constant 0 : i32
      %while3A_342 = arith.subi %select_n3A_340, %while3A_341 : i32
      %while3A_343 = arith.addi %while3A_341, %while3A_342 : i32
      %while3A_344 = arith.constant 1 : i32
      %while3A_345 = arith.divsi %while3A_342, %while3A_344 : i32
      %while3A_346 = arith.muli %while3A_345, %while3A_344 : i32
      %while3A_347 = arith.addi %while3A_341, %while3A_346 : i32
      %while3A_348 = arith.constant 1 : i32
      scf.for %while3A_360 = %while3A_341 to %while3A_347 step %while3A_348  : i32 {
        %add3A_361 = arith.addi %add3A_189, %while3A_360 : i32
        "tpu.region"() ({
          %run_scoped3A = tpu.sem_alloc : memref<!tpu.dma_semaphore, #tpu.memory_space<semaphore_mem>>
          %dma_start3A = arith.constant 0 : i32
          %dma_start3A_362 = tpu.memref_slice %arg11[%add3A_361, %dma_start3A] : memref<88x128xi32, #tpu.memory_space<vmem>> -> memref<1x128xi32, #tpu.memory_space<vmem>>
          %dma_start3A_363 = tpu.memref_squeeze %dma_start3A_362 : memref<1x128xi32, #tpu.memory_space<vmem>> -> memref<128xi32, #tpu.memory_space<vmem>>
          %dma_start3A_364 = arith.constant 0 : i32
          %dma_start3A_365 = arith.constant 0 : i32
          %dma_start3A_366 = tpu.memref_slice %arg15[%dma_start3A_364, %dma_start3A_365] : memref<3584x16xf32, #tpu.memory_space<vmem_shared>> -> memref<3584x16xf32, #tpu.memory_space<vmem_shared>>
          tpu.enqueue_indirect_dma source(%arg12 : memref<128x16xf32, #tpu.memory_space<vmem>>) target(%dma_start3A_366 : memref<3584x16xf32, #tpu.memory_space<vmem_shared>>) offsets(%dma_start3A_363 : memref<128xi32, #tpu.memory_space<vmem>>) semaphore(%run_scoped3A : memref<!tpu.dma_semaphore, #tpu.memory_space<semaphore_mem>>) {add = true}
          %dma_wait3A = arith.constant 0 : i32
          %dma_wait3A_367 = tpu.memref_slice %arg11[%add3A_361, %dma_wait3A] : memref<88x128xi32, #tpu.memory_space<vmem>> -> memref<1x128xi32, #tpu.memory_space<vmem>>
          %dma_wait3A_368 = tpu.memref_squeeze %dma_wait3A_367 : memref<1x128xi32, #tpu.memory_space<vmem>> -> memref<128xi32, #tpu.memory_space<vmem>>
          %dma_wait3A_369 = arith.constant 0 : i32
          %dma_wait3A_370 = arith.constant 0 : i32
          %dma_wait3A_371 = tpu.memref_slice %arg15[%dma_wait3A_369, %dma_wait3A_370] : memref<3584x16xf32, #tpu.memory_space<vmem_shared>> -> memref<3584x16xf32, #tpu.memory_space<vmem_shared>>
          tpu.wait_indirect_dma semaphore(%run_scoped3A : memref<!tpu.dma_semaphore, #tpu.memory_space<semaphore_mem>>) src(%arg12 : memref<128x16xf32, #tpu.memory_space<vmem>>) dst(%dma_wait3A_371 : memref<3584x16xf32, #tpu.memory_space<vmem_shared>>)
          tpu.yield
        }) : () -> ()
      }
      %while3A_349 = arith.constant 1 : i32
      scf.for %while3A_360 = %while3A_347 to %while3A_343 step %while3A_349  : i32 {
        %add3A_361 = arith.addi %add3A_189, %while3A_360 : i32
        "tpu.region"() ({
          %run_scoped3A = tpu.sem_alloc : memref<!tpu.dma_semaphore, #tpu.memory_space<semaphore_mem>>
          %dma_start3A = arith.constant 0 : i32
          %dma_start3A_362 = tpu.memref_slice %arg11[%add3A_361, %dma_start3A] : memref<88x128xi32, #tpu.memory_space<vmem>> -> memref<1x128xi32, #tpu.memory_space<vmem>>
          %dma_start3A_363 = tpu.memref_squeeze %dma_start3A_362 : memref<1x128xi32, #tpu.memory_space<vmem>> -> memref<128xi32, #tpu.memory_space<vmem>>
          %dma_start3A_364 = arith.constant 0 : i32
          %dma_start3A_365 = arith.constant 0 : i32
          %dma_start3A_366 = tpu.memref_slice %arg15[%dma_start3A_364, %dma_start3A_365] : memref<3584x16xf32, #tpu.memory_space<vmem_shared>> -> memref<3584x16xf32, #tpu.memory_space<vmem_shared>>
          tpu.enqueue_indirect_dma source(%arg12 : memref<128x16xf32, #tpu.memory_space<vmem>>) target(%dma_start3A_366 : memref<3584x16xf32, #tpu.memory_space<vmem_shared>>) offsets(%dma_start3A_363 : memref<128xi32, #tpu.memory_space<vmem>>) semaphore(%run_scoped3A : memref<!tpu.dma_semaphore, #tpu.memory_space<semaphore_mem>>) {add = true}
          %dma_wait3A = arith.constant 0 : i32
          %dma_wait3A_367 = tpu.memref_slice %arg11[%add3A_361, %dma_wait3A] : memref<88x128xi32, #tpu.memory_space<vmem>> -> memref<1x128xi32, #tpu.memory_space<vmem>>
          %dma_wait3A_368 = tpu.memref_squeeze %dma_wait3A_367 : memref<1x128xi32, #tpu.memory_space<vmem>> -> memref<128xi32, #tpu.memory_space<vmem>>
          %dma_wait3A_369 = arith.constant 0 : i32
          %dma_wait3A_370 = arith.constant 0 : i32
          %dma_wait3A_371 = tpu.memref_slice %arg15[%dma_wait3A_369, %dma_wait3A_370] : memref<3584x16xf32, #tpu.memory_space<vmem_shared>> -> memref<3584x16xf32, #tpu.memory_space<vmem_shared>>
          tpu.wait_indirect_dma semaphore(%run_scoped3A : memref<!tpu.dma_semaphore, #tpu.memory_space<semaphore_mem>>) src(%arg12 : memref<128x16xf32, #tpu.memory_space<vmem>>) dst(%dma_wait3A_371 : memref<3584x16xf32, #tpu.memory_space<vmem_shared>>)
          tpu.yield
        }) : () -> ()
      }
      %barrier3A_350 = arith.constant 0 : index
      tpu.barrier barrier_id(%barrier3A_350)
      %mul3A_351 = arith.constant 216 : i32
      %mul3A_352 = arith.muli %arg1, %mul3A_351 : i32
      %multiple_of3A_353 = tpu.assume_multiple %mul3A_352, 8 : i32
      %mul3A_354 = arith.constant 216 : i32
      %mul3A_355 = arith.muli %arg1, %mul3A_354 : i32
      %add3A_356 = arith.constant 6912 : i32
      %add3A_357 = arith.addi %add3A_356, %mul3A_355 : i32
      %multiple_of3A_358 = tpu.assume_multiple %add3A_357, 8 : i32
      "tpu.region"() ({
        %run_scoped3A = tpu.sem_alloc : memref<!tpu.dma_semaphore, #tpu.memory_space<semaphore_mem>>
        %dma_start3A = arith.constant 0 : i32
        %dma_start3A_360 = tpu.memref_slice %arg4[%multiple_of3A_358, %dma_start3A] : memref<10368x16xf32, #tpu.memory_space<hbm>> -> memref<216x16xf32, #tpu.memory_space<hbm>>
        %dma_start3A_361 = arith.constant 0 : i32
        %dma_start3A_362 = tpu.memref_slice %arg15[%multiple_of3A_353, %dma_start3A_361] : memref<3584x16xf32, #tpu.memory_space<vmem_shared>> -> memref<216x16xf32, #tpu.memory_space<vmem_shared>>
        tpu.enqueue_dma source(%dma_start3A_362 : memref<216x16xf32, #tpu.memory_space<vmem_shared>>) target(%dma_start3A_360 : memref<216x16xf32, #tpu.memory_space<hbm>>) target_semaphore(%run_scoped3A : memref<!tpu.dma_semaphore, #tpu.memory_space<semaphore_mem>>)
        %dma_wait3A = arith.constant 0 : i32
        %dma_wait3A_363 = tpu.memref_slice %arg4[%multiple_of3A_358, %dma_wait3A] : memref<10368x16xf32, #tpu.memory_space<hbm>> -> memref<216x16xf32, #tpu.memory_space<hbm>>
        %dma_wait3A_364 = arith.constant 0 : i32
        %dma_wait3A_365 = tpu.memref_slice %arg15[%multiple_of3A_353, %dma_wait3A_364] : memref<3584x16xf32, #tpu.memory_space<vmem_shared>> -> memref<216x16xf32, #tpu.memory_space<vmem_shared>>
        tpu.wait_dma2 semaphore(%run_scoped3A : memref<!tpu.dma_semaphore, #tpu.memory_space<semaphore_mem>>) src(%dma_wait3A_365 : memref<216x16xf32, #tpu.memory_space<vmem_shared>>) dst(%dma_wait3A_363 : memref<216x16xf32, #tpu.memory_space<hbm>>)
        tpu.yield
      }) : () -> ()
      %barrier3A_359 = arith.constant 0 : index
      tpu.barrier barrier_id(%barrier3A_359)
    } else {
    }
    return
  }
}

#map = affine_map<(d0, d1) -> (0, 0, 0)>
#map1 = affine_map<(d0, d1) -> (0, 0)>
module attributes {stable_mosaic.version = 14 : i64} {
  func.func @_prop(%arg0: i32, %arg1: i32, %arg2: memref<16x88x128xi32, #tpu.memory_space<hbm>>, %arg3: memref<16x88x128xi32, #tpu.memory_space<hbm>>, %arg4: memref<16x16xi32, #tpu.memory_space<hbm>>, %arg5: memref<10000x128xf32, #tpu.memory_space<hbm>>, %arg6: memref<10000x128xf32, #tpu.memory_space<hbm>>, %arg7: memref<10000x128xf32, #tpu.memory_space<hbm>>, %arg8: memref<10000x128xf32, #tpu.memory_space<hbm>>, %arg9: memref<10368x128xf32, #tpu.memory_space<hbm>>, %arg10: memref<10368x128xf32, #tpu.memory_space<hbm>>, %arg11: memref<10368x128xf32, #tpu.memory_space<hbm>>, %arg12: memref<10368x128xf32, #tpu.memory_space<hbm>>, %arg13: memref<88x128xi32, #tpu.memory_space<vmem>>, %arg14: memref<88x128xi32, #tpu.memory_space<vmem>>, %arg15: memref<16xi32, #tpu.memory_space<vmem>>, %arg16: memref<128x128xf32, #tpu.memory_space<vmem>>, %arg17: memref<128x128xf32, #tpu.memory_space<vmem>>, %arg18: memref<112x128xf32, #tpu.memory_space<vmem>>, %arg19: memref<3584x128xf32, #tpu.memory_space<vmem_shared>>, %arg20: memref<!tpu.dma_semaphore, #tpu.memory_space<semaphore_mem>>, %arg21: memref<!tpu.dma_semaphore, #tpu.memory_space<semaphore_mem>>, %arg22: memref<!tpu.dma_semaphore, #tpu.memory_space<semaphore_mem>>, %arg23: memref<!tpu.dma_semaphore, #tpu.memory_space<semaphore_mem>>) attributes {dimension_semantics = [#tpu.dimension_semantics<core_parallel>, #tpu.dimension_semantics<subcore_parallel>], iteration_bounds = array<i64: 2, 16>, scalar_prefetch = 0 : i64, scratch_operands = 11 : i64, tpu.core_type = #tpu.core_type<sc_vector_subcore>, window_params = [{transform_indices = #map}, {transform_indices = #map}, {transform_indices = #map1}, {transform_indices = #map1}, {transform_indices = #map1}, {transform_indices = #map1}, {transform_indices = #map1}, {transform_indices = #map1}, {transform_indices = #map1}, {transform_indices = #map1}, {transform_indices = #map1}]} {
    "tpu.region"() ({
      %run_scoped3A = tpu.sem_alloc : memref<!tpu.dma_semaphore, #tpu.memory_space<semaphore_mem>>
      %dma_start3A = arith.constant 0 : i32
      %dma_start3A_256 = arith.constant 0 : i32
      %dma_start3A_257 = tpu.memref_slice %arg2[%arg1, %dma_start3A, %dma_start3A_256] : memref<16x88x128xi32, #tpu.memory_space<hbm>> -> memref<1x88x128xi32, #tpu.memory_space<hbm>>
      %dma_start3A_258 = tpu.memref_squeeze %dma_start3A_257 : memref<1x88x128xi32, #tpu.memory_space<hbm>> -> memref<88x128xi32, #tpu.memory_space<hbm>>
      %dma_start3A_259 = arith.constant 0 : i32
      %dma_start3A_260 = arith.constant 0 : i32
      %dma_start3A_261 = tpu.memref_slice %arg2[%arg1, %dma_start3A_259, %dma_start3A_260] : memref<16x88x128xi32, #tpu.memory_space<hbm>> -> memref<1x88x128xi32, #tpu.memory_space<hbm>>
      %dma_start3A_262 = tpu.memref_squeeze %dma_start3A_261 : memref<1x88x128xi32, #tpu.memory_space<hbm>> -> memref<88x128xi32, #tpu.memory_space<hbm>>
      tpu.enqueue_dma source(%dma_start3A_262 : memref<88x128xi32, #tpu.memory_space<hbm>>) target(%arg13 : memref<88x128xi32, #tpu.memory_space<vmem>>) target_semaphore(%run_scoped3A : memref<!tpu.dma_semaphore, #tpu.memory_space<semaphore_mem>>)
      %dma_wait3A = arith.constant 0 : i32
      %dma_wait3A_263 = arith.constant 0 : i32
      %dma_wait3A_264 = tpu.memref_slice %arg2[%arg1, %dma_wait3A, %dma_wait3A_263] : memref<16x88x128xi32, #tpu.memory_space<hbm>> -> memref<1x88x128xi32, #tpu.memory_space<hbm>>
      %dma_wait3A_265 = tpu.memref_squeeze %dma_wait3A_264 : memref<1x88x128xi32, #tpu.memory_space<hbm>> -> memref<88x128xi32, #tpu.memory_space<hbm>>
      %dma_wait3A_266 = arith.constant 0 : i32
      %dma_wait3A_267 = arith.constant 0 : i32
      %dma_wait3A_268 = tpu.memref_slice %arg2[%arg1, %dma_wait3A_266, %dma_wait3A_267] : memref<16x88x128xi32, #tpu.memory_space<hbm>> -> memref<1x88x128xi32, #tpu.memory_space<hbm>>
      %dma_wait3A_269 = tpu.memref_squeeze %dma_wait3A_268 : memref<1x88x128xi32, #tpu.memory_space<hbm>> -> memref<88x128xi32, #tpu.memory_space<hbm>>
      tpu.wait_dma2 semaphore(%run_scoped3A : memref<!tpu.dma_semaphore, #tpu.memory_space<semaphore_mem>>) src(%dma_wait3A_269 : memref<88x128xi32, #tpu.memory_space<hbm>>) dst(%arg13 : memref<88x128xi32, #tpu.memory_space<vmem>>)
      tpu.yield
    }) : () -> ()
    "tpu.region"() ({
      %run_scoped3A = tpu.sem_alloc : memref<!tpu.dma_semaphore, #tpu.memory_space<semaphore_mem>>
      %dma_start3A = arith.constant 0 : i32
      %dma_start3A_256 = arith.constant 0 : i32
      %dma_start3A_257 = tpu.memref_slice %arg3[%arg1, %dma_start3A, %dma_start3A_256] : memref<16x88x128xi32, #tpu.memory_space<hbm>> -> memref<1x88x128xi32, #tpu.memory_space<hbm>>
      %dma_start3A_258 = tpu.memref_squeeze %dma_start3A_257 : memref<1x88x128xi32, #tpu.memory_space<hbm>> -> memref<88x128xi32, #tpu.memory_space<hbm>>
      %dma_start3A_259 = arith.constant 0 : i32
      %dma_start3A_260 = arith.constant 0 : i32
      %dma_start3A_261 = tpu.memref_slice %arg3[%arg1, %dma_start3A_259, %dma_start3A_260] : memref<16x88x128xi32, #tpu.memory_space<hbm>> -> memref<1x88x128xi32, #tpu.memory_space<hbm>>
      %dma_start3A_262 = tpu.memref_squeeze %dma_start3A_261 : memref<1x88x128xi32, #tpu.memory_space<hbm>> -> memref<88x128xi32, #tpu.memory_space<hbm>>
      tpu.enqueue_dma source(%dma_start3A_262 : memref<88x128xi32, #tpu.memory_space<hbm>>) target(%arg14 : memref<88x128xi32, #tpu.memory_space<vmem>>) target_semaphore(%run_scoped3A : memref<!tpu.dma_semaphore, #tpu.memory_space<semaphore_mem>>)
      %dma_wait3A = arith.constant 0 : i32
      %dma_wait3A_263 = arith.constant 0 : i32
      %dma_wait3A_264 = tpu.memref_slice %arg3[%arg1, %dma_wait3A, %dma_wait3A_263] : memref<16x88x128xi32, #tpu.memory_space<hbm>> -> memref<1x88x128xi32, #tpu.memory_space<hbm>>
      %dma_wait3A_265 = tpu.memref_squeeze %dma_wait3A_264 : memref<1x88x128xi32, #tpu.memory_space<hbm>> -> memref<88x128xi32, #tpu.memory_space<hbm>>
      %dma_wait3A_266 = arith.constant 0 : i32
      %dma_wait3A_267 = arith.constant 0 : i32
      %dma_wait3A_268 = tpu.memref_slice %arg3[%arg1, %dma_wait3A_266, %dma_wait3A_267] : memref<16x88x128xi32, #tpu.memory_space<hbm>> -> memref<1x88x128xi32, #tpu.memory_space<hbm>>
      %dma_wait3A_269 = tpu.memref_squeeze %dma_wait3A_268 : memref<1x88x128xi32, #tpu.memory_space<hbm>> -> memref<88x128xi32, #tpu.memory_space<hbm>>
      tpu.wait_dma2 semaphore(%run_scoped3A : memref<!tpu.dma_semaphore, #tpu.memory_space<semaphore_mem>>) src(%dma_wait3A_269 : memref<88x128xi32, #tpu.memory_space<hbm>>) dst(%arg14 : memref<88x128xi32, #tpu.memory_space<vmem>>)
      tpu.yield
    }) : () -> ()
    "tpu.region"() ({
      %run_scoped3A = tpu.sem_alloc : memref<!tpu.dma_semaphore, #tpu.memory_space<semaphore_mem>>
      %dma_start3A = arith.constant 0 : i32
      %dma_start3A_256 = tpu.memref_slice %arg4[%arg1, %dma_start3A] : memref<16x16xi32, #tpu.memory_space<hbm>> -> memref<1x16xi32, #tpu.memory_space<hbm>>
      %dma_start3A_257 = tpu.memref_squeeze %dma_start3A_256 : memref<1x16xi32, #tpu.memory_space<hbm>> -> memref<16xi32, #tpu.memory_space<hbm>>
      %dma_start3A_258 = arith.constant 0 : i32
      %dma_start3A_259 = tpu.memref_slice %arg4[%arg1, %dma_start3A_258] : memref<16x16xi32, #tpu.memory_space<hbm>> -> memref<1x16xi32, #tpu.memory_space<hbm>>
      %dma_start3A_260 = tpu.memref_squeeze %dma_start3A_259 : memref<1x16xi32, #tpu.memory_space<hbm>> -> memref<16xi32, #tpu.memory_space<hbm>>
      tpu.enqueue_dma source(%dma_start3A_260 : memref<16xi32, #tpu.memory_space<hbm>>) target(%arg15 : memref<16xi32, #tpu.memory_space<vmem>>) target_semaphore(%run_scoped3A : memref<!tpu.dma_semaphore, #tpu.memory_space<semaphore_mem>>)
      %dma_wait3A = arith.constant 0 : i32
      %dma_wait3A_261 = tpu.memref_slice %arg4[%arg1, %dma_wait3A] : memref<16x16xi32, #tpu.memory_space<hbm>> -> memref<1x16xi32, #tpu.memory_space<hbm>>
      %dma_wait3A_262 = tpu.memref_squeeze %dma_wait3A_261 : memref<1x16xi32, #tpu.memory_space<hbm>> -> memref<16xi32, #tpu.memory_space<hbm>>
      %dma_wait3A_263 = arith.constant 0 : i32
      %dma_wait3A_264 = tpu.memref_slice %arg4[%arg1, %dma_wait3A_263] : memref<16x16xi32, #tpu.memory_space<hbm>> -> memref<1x16xi32, #tpu.memory_space<hbm>>
      %dma_wait3A_265 = tpu.memref_squeeze %dma_wait3A_264 : memref<1x16xi32, #tpu.memory_space<hbm>> -> memref<16xi32, #tpu.memory_space<hbm>>
      tpu.wait_dma2 semaphore(%run_scoped3A : memref<!tpu.dma_semaphore, #tpu.memory_space<semaphore_mem>>) src(%dma_wait3A_265 : memref<16xi32, #tpu.memory_space<hbm>>) dst(%arg15 : memref<16xi32, #tpu.memory_space<vmem>>)
      tpu.yield
    }) : () -> ()
    %get3A = arith.constant 0 : index
    %get3A_0 = tpu.vector_load %arg15[%get3A] {strides = array<i32>} : memref<16xi32, #tpu.memory_space<vmem>>, vector<16xi32>,
    %iota3A = tpu.iota {dimensions = array<i32: 0>} : vector<16xi32>
    %broadcast_in_dim3A = arith.constant 0 : i32
    %broadcast_in_dim3A_1 = vector.broadcast %broadcast_in_dim3A : i32 to vector<16xi32>
    %broadcast_in_dim3A_2 = arith.constant 0 : i32
    %broadcast_in_dim3A_3 = vector.broadcast %broadcast_in_dim3A_2 : i32 to vector<16xi32>
    %eq3A = arith.constant 0 : i32
    %eq3A_4 = vector.broadcast %eq3A : i32 to vector<16xi32>
    %eq3A_5 = arith.cmpi eq, %iota3A, %eq3A_4 : vector<16xi32>
    %jit3A = arith.constant 0 : i32
    %broadcast_in_dim3A_6 = vector.broadcast %jit3A : i32 to vector<16xi32>
    %select_n3A = arith.select %eq3A_5, %get3A_0, %broadcast_in_dim3A_6 : vector<16xi1>, vector<16xi32>
    %reduce_sum3A = arith.constant true
    %reduce_sum3A_7 = vector.broadcast %reduce_sum3A : i1 to vector<16xi1>
    %reduce_sum3A_8 = tpu.scan <sum>, %select_n3A masked %reduce_sum3A_7 : vector<16xi32>, vector<16xi1> -> vector<16xi32>
    %reduce_sum3A_9 = vector.extract %reduce_sum3A_8[15] : i32 from vector<16xi32>
    %add3A = arith.constant 128 : i32
    %add3A_10 = arith.addi %reduce_sum3A_9, %add3A : i32
    %sub3A = arith.constant 1 : i32
    %sub3A_11 = arith.subi %add3A_10, %sub3A : i32
    %jit3A_12 = arith.constant 128 : i32
    %div3A = arith.divsi %sub3A_11, %jit3A_12 : i32
    %sign3A = arith.constant 0 : i32
    %sign3A_13 = arith.cmpi sgt, %sub3A_11, %sign3A : i32
    %sign3A_14 = arith.extui %sign3A_13 : i1 to i32
    %sign3A_15 = arith.constant 0 : i32
    %sign3A_16 = arith.cmpi slt, %sub3A_11, %sign3A_15 : i32
    %sign3A_17 = arith.extui %sign3A_16 : i1 to i32
    %sign3A_18 = arith.subi %sign3A_14, %sign3A_17 : i32
    %sign3A_19 = arith.constant 0 : i32
    %sign3A_20 = arith.cmpi sgt, %jit3A_12, %sign3A_19 : i32
    %sign3A_21 = arith.extui %sign3A_20 : i1 to i32
    %sign3A_22 = arith.constant 0 : i32
    %sign3A_23 = arith.cmpi slt, %jit3A_12, %sign3A_22 : i32
    %sign3A_24 = arith.extui %sign3A_23 : i1 to i32
    %sign3A_25 = arith.subi %sign3A_21, %sign3A_24 : i32
    %ne3A = arith.cmpi ne, %sign3A_18, %sign3A_25 : i32
    %rem3A = arith.remsi %sub3A_11, %jit3A_12 : i32
    %ne3A_26 = arith.constant 0 : i32
    %ne3A_27 = arith.cmpi ne, %rem3A, %ne3A_26 : i32
    %and3A = arith.andi %ne3A, %ne3A_27 : i1
    %sub3A_28 = arith.constant 1 : i32
    %sub3A_29 = arith.subi %div3A, %sub3A_28 : i32
    %select_n3A_30 = arith.select %and3A, %sub3A_29, %div3A : i32
    %add3A_31 = arith.constant 1 : i32
    %add3A_32 = arith.addi %select_n3A_30, %add3A_31 : i32
    %jit3A_33 = arith.constant 2 : i32
    %div3A_34 = arith.divsi %add3A_32, %jit3A_33 : i32
    %sign3A_35 = arith.constant 0 : i32
    %sign3A_36 = arith.cmpi sgt, %add3A_32, %sign3A_35 : i32
    %sign3A_37 = arith.extui %sign3A_36 : i1 to i32
    %sign3A_38 = arith.constant 0 : i32
    %sign3A_39 = arith.cmpi slt, %add3A_32, %sign3A_38 : i32
    %sign3A_40 = arith.extui %sign3A_39 : i1 to i32
    %sign3A_41 = arith.subi %sign3A_37, %sign3A_40 : i32
    %sign3A_42 = arith.constant 0 : i32
    %sign3A_43 = arith.cmpi sgt, %jit3A_33, %sign3A_42 : i32
    %sign3A_44 = arith.extui %sign3A_43 : i1 to i32
    %sign3A_45 = arith.constant 0 : i32
    %sign3A_46 = arith.cmpi slt, %jit3A_33, %sign3A_45 : i32
    %sign3A_47 = arith.extui %sign3A_46 : i1 to i32
    %sign3A_48 = arith.subi %sign3A_44, %sign3A_47 : i32
    %ne3A_49 = arith.cmpi ne, %sign3A_41, %sign3A_48 : i32
    %rem3A_50 = arith.remsi %add3A_32, %jit3A_33 : i32
    %ne3A_51 = arith.constant 0 : i32
    %ne3A_52 = arith.cmpi ne, %rem3A_50, %ne3A_51 : i32
    %and3A_53 = arith.andi %ne3A_49, %ne3A_52 : i1
    %sub3A_54 = arith.constant 1 : i32
    %sub3A_55 = arith.subi %div3A_34, %sub3A_54 : i32
    %select_n3A_56 = arith.select %and3A_53, %sub3A_55, %div3A_34 : i32
    %mul3A = arith.constant 2 : i32
    %mul3A_57 = arith.muli %select_n3A_56, %mul3A : i32
    %eq3A_58 = arith.constant 0 : i32
    %eq3A_59 = vector.broadcast %eq3A_58 : i32 to vector<16xi32>
    %eq3A_60 = arith.cmpi eq, %iota3A, %eq3A_59 : vector<16xi32>
    %jit3A_61 = arith.constant 0 : i32
    %broadcast_in_dim3A_62 = vector.broadcast %mul3A_57 : i32 to vector<16xi32>
    %broadcast_in_dim3A_63 = vector.broadcast %jit3A_61 : i32 to vector<16xi32>
    %select_n3A_64 = arith.select %eq3A_60, %broadcast_in_dim3A_62, %broadcast_in_dim3A_63 : vector<16xi1>, vector<16xi32>
    %add3A_65 = arith.addi %broadcast_in_dim3A_1, %select_n3A_64 : vector<16xi32>
    %eq3A_66 = arith.constant 0 : i32
    %eq3A_67 = vector.broadcast %eq3A_66 : i32 to vector<16xi32>
    %eq3A_68 = arith.cmpi eq, %iota3A, %eq3A_67 : vector<16xi32>
    %jit3A_69 = arith.constant 0 : i32
    %jit3A_70 = arith.constant 0 : i32
    %broadcast_in_dim3A_71 = vector.broadcast %jit3A_69 : i32 to vector<16xi32>
    %broadcast_in_dim3A_72 = vector.broadcast %jit3A_70 : i32 to vector<16xi32>
    %select_n3A_73 = arith.select %eq3A_68, %broadcast_in_dim3A_71, %broadcast_in_dim3A_72 : vector<16xi1>, vector<16xi32>
    %add3A_74 = arith.addi %broadcast_in_dim3A_3, %select_n3A_73 : vector<16xi32>
    %add3A_75 = arith.constant 0 : i32
    %add3A_76 = arith.addi %add3A_75, %mul3A_57 : i32
    %eq3A_77 = arith.constant 1 : i32
    %eq3A_78 = vector.broadcast %eq3A_77 : i32 to vector<16xi32>
    %eq3A_79 = arith.cmpi eq, %iota3A, %eq3A_78 : vector<16xi32>
    %jit3A_80 = arith.constant 0 : i32
    %broadcast_in_dim3A_81 = vector.broadcast %jit3A_80 : i32 to vector<16xi32>
    %select_n3A_82 = arith.select %eq3A_79, %get3A_0, %broadcast_in_dim3A_81 : vector<16xi1>, vector<16xi32>
    %reduce_sum3A_83 = arith.constant true
    %reduce_sum3A_84 = vector.broadcast %reduce_sum3A_83 : i1 to vector<16xi1>
    %reduce_sum3A_85 = tpu.scan <sum>, %select_n3A_82 masked %reduce_sum3A_84 : vector<16xi32>, vector<16xi1> -> vector<16xi32>
    %reduce_sum3A_86 = vector.extract %reduce_sum3A_85[15] : i32 from vector<16xi32>
    %add3A_87 = arith.constant 128 : i32
    %add3A_88 = arith.addi %reduce_sum3A_86, %add3A_87 : i32
    %sub3A_89 = arith.constant 1 : i32
    %sub3A_90 = arith.subi %add3A_88, %sub3A_89 : i32
    %jit3A_91 = arith.constant 128 : i32
    %div3A_92 = arith.divsi %sub3A_90, %jit3A_91 : i32
    %sign3A_93 = arith.constant 0 : i32
    %sign3A_94 = arith.cmpi sgt, %sub3A_90, %sign3A_93 : i32
    %sign3A_95 = arith.extui %sign3A_94 : i1 to i32
    %sign3A_96 = arith.constant 0 : i32
    %sign3A_97 = arith.cmpi slt, %sub3A_90, %sign3A_96 : i32
    %sign3A_98 = arith.extui %sign3A_97 : i1 to i32
    %sign3A_99 = arith.subi %sign3A_95, %sign3A_98 : i32
    %sign3A_100 = arith.constant 0 : i32
    %sign3A_101 = arith.cmpi sgt, %jit3A_91, %sign3A_100 : i32
    %sign3A_102 = arith.extui %sign3A_101 : i1 to i32
    %sign3A_103 = arith.constant 0 : i32
    %sign3A_104 = arith.cmpi slt, %jit3A_91, %sign3A_103 : i32
    %sign3A_105 = arith.extui %sign3A_104 : i1 to i32
    %sign3A_106 = arith.subi %sign3A_102, %sign3A_105 : i32
    %ne3A_107 = arith.cmpi ne, %sign3A_99, %sign3A_106 : i32
    %rem3A_108 = arith.remsi %sub3A_90, %jit3A_91 : i32
    %ne3A_109 = arith.constant 0 : i32
    %ne3A_110 = arith.cmpi ne, %rem3A_108, %ne3A_109 : i32
    %and3A_111 = arith.andi %ne3A_107, %ne3A_110 : i1
    %sub3A_112 = arith.constant 1 : i32
    %sub3A_113 = arith.subi %div3A_92, %sub3A_112 : i32
    %select_n3A_114 = arith.select %and3A_111, %sub3A_113, %div3A_92 : i32
    %add3A_115 = arith.constant 1 : i32
    %add3A_116 = arith.addi %select_n3A_114, %add3A_115 : i32
    %jit3A_117 = arith.constant 2 : i32
    %div3A_118 = arith.divsi %add3A_116, %jit3A_117 : i32
    %sign3A_119 = arith.constant 0 : i32
    %sign3A_120 = arith.cmpi sgt, %add3A_116, %sign3A_119 : i32
    %sign3A_121 = arith.extui %sign3A_120 : i1 to i32
    %sign3A_122 = arith.constant 0 : i32
    %sign3A_123 = arith.cmpi slt, %add3A_116, %sign3A_122 : i32
    %sign3A_124 = arith.extui %sign3A_123 : i1 to i32
    %sign3A_125 = arith.subi %sign3A_121, %sign3A_124 : i32
    %sign3A_126 = arith.constant 0 : i32
    %sign3A_127 = arith.cmpi sgt, %jit3A_117, %sign3A_126 : i32
    %sign3A_128 = arith.extui %sign3A_127 : i1 to i32
    %sign3A_129 = arith.constant 0 : i32
    %sign3A_130 = arith.cmpi slt, %jit3A_117, %sign3A_129 : i32
    %sign3A_131 = arith.extui %sign3A_130 : i1 to i32
    %sign3A_132 = arith.subi %sign3A_128, %sign3A_131 : i32
    %ne3A_133 = arith.cmpi ne, %sign3A_125, %sign3A_132 : i32
    %rem3A_134 = arith.remsi %add3A_116, %jit3A_117 : i32
    %ne3A_135 = arith.constant 0 : i32
    %ne3A_136 = arith.cmpi ne, %rem3A_134, %ne3A_135 : i32
    %and3A_137 = arith.andi %ne3A_133, %ne3A_136 : i1
    %sub3A_138 = arith.constant 1 : i32
    %sub3A_139 = arith.subi %div3A_118, %sub3A_138 : i32
    %select_n3A_140 = arith.select %and3A_137, %sub3A_139, %div3A_118 : i32
    %mul3A_141 = arith.constant 2 : i32
    %mul3A_142 = arith.muli %select_n3A_140, %mul3A_141 : i32
    %eq3A_143 = arith.constant 1 : i32
    %eq3A_144 = vector.broadcast %eq3A_143 : i32 to vector<16xi32>
    %eq3A_145 = arith.cmpi eq, %iota3A, %eq3A_144 : vector<16xi32>
    %jit3A_146 = arith.constant 0 : i32
    %broadcast_in_dim3A_147 = vector.broadcast %mul3A_142 : i32 to vector<16xi32>
    %broadcast_in_dim3A_148 = vector.broadcast %jit3A_146 : i32 to vector<16xi32>
    %select_n3A_149 = arith.select %eq3A_145, %broadcast_in_dim3A_147, %broadcast_in_dim3A_148 : vector<16xi1>, vector<16xi32>
    %add3A_150 = arith.addi %add3A_65, %select_n3A_149 : vector<16xi32>
    %eq3A_151 = arith.constant 1 : i32
    %eq3A_152 = vector.broadcast %eq3A_151 : i32 to vector<16xi32>
    %eq3A_153 = arith.cmpi eq, %iota3A, %eq3A_152 : vector<16xi32>
    %jit3A_154 = arith.constant 0 : i32
    %broadcast_in_dim3A_155 = vector.broadcast %add3A_76 : i32 to vector<16xi32>
    %broadcast_in_dim3A_156 = vector.broadcast %jit3A_154 : i32 to vector<16xi32>
    %select_n3A_157 = arith.select %eq3A_153, %broadcast_in_dim3A_155, %broadcast_in_dim3A_156 : vector<16xi1>, vector<16xi32>
    %add3A_158 = arith.addi %add3A_74, %select_n3A_157 : vector<16xi32>
    %add3A_159 = arith.addi %add3A_76, %mul3A_142 : i32
    %eq3A_160 = arith.constant 2 : i32
    %eq3A_161 = vector.broadcast %eq3A_160 : i32 to vector<16xi32>
    %eq3A_162 = arith.cmpi eq, %iota3A, %eq3A_161 : vector<16xi32>
    %jit3A_163 = arith.constant 0 : i32
    %broadcast_in_dim3A_164 = vector.broadcast %jit3A_163 : i32 to vector<16xi32>
    %select_n3A_165 = arith.select %eq3A_162, %get3A_0, %broadcast_in_dim3A_164 : vector<16xi1>, vector<16xi32>
    %reduce_sum3A_166 = arith.constant true
    %reduce_sum3A_167 = vector.broadcast %reduce_sum3A_166 : i1 to vector<16xi1>
    %reduce_sum3A_168 = tpu.scan <sum>, %select_n3A_165 masked %reduce_sum3A_167 : vector<16xi32>, vector<16xi1> -> vector<16xi32>
    %reduce_sum3A_169 = vector.extract %reduce_sum3A_168[15] : i32 from vector<16xi32>
    %add3A_170 = arith.constant 128 : i32
    %add3A_171 = arith.addi %reduce_sum3A_169, %add3A_170 : i32
    %sub3A_172 = arith.constant 1 : i32
    %sub3A_173 = arith.subi %add3A_171, %sub3A_172 : i32
    %jit3A_174 = arith.constant 128 : i32
    %div3A_175 = arith.divsi %sub3A_173, %jit3A_174 : i32
    %sign3A_176 = arith.constant 0 : i32
    %sign3A_177 = arith.cmpi sgt, %sub3A_173, %sign3A_176 : i32
    %sign3A_178 = arith.extui %sign3A_177 : i1 to i32
    %sign3A_179 = arith.constant 0 : i32
    %sign3A_180 = arith.cmpi slt, %sub3A_173, %sign3A_179 : i32
    %sign3A_181 = arith.extui %sign3A_180 : i1 to i32
    %sign3A_182 = arith.subi %sign3A_178, %sign3A_181 : i32
    %sign3A_183 = arith.constant 0 : i32
    %sign3A_184 = arith.cmpi sgt, %jit3A_174, %sign3A_183 : i32
    %sign3A_185 = arith.extui %sign3A_184 : i1 to i32
    %sign3A_186 = arith.constant 0 : i32
    %sign3A_187 = arith.cmpi slt, %jit3A_174, %sign3A_186 : i32
    %sign3A_188 = arith.extui %sign3A_187 : i1 to i32
    %sign3A_189 = arith.subi %sign3A_185, %sign3A_188 : i32
    %ne3A_190 = arith.cmpi ne, %sign3A_182, %sign3A_189 : i32
    %rem3A_191 = arith.remsi %sub3A_173, %jit3A_174 : i32
    %ne3A_192 = arith.constant 0 : i32
    %ne3A_193 = arith.cmpi ne, %rem3A_191, %ne3A_192 : i32
    %and3A_194 = arith.andi %ne3A_190, %ne3A_193 : i1
    %sub3A_195 = arith.constant 1 : i32
    %sub3A_196 = arith.subi %div3A_175, %sub3A_195 : i32
    %select_n3A_197 = arith.select %and3A_194, %sub3A_196, %div3A_175 : i32
    %add3A_198 = arith.constant 1 : i32
    %add3A_199 = arith.addi %select_n3A_197, %add3A_198 : i32
    %jit3A_200 = arith.constant 2 : i32
    %div3A_201 = arith.divsi %add3A_199, %jit3A_200 : i32
    %sign3A_202 = arith.constant 0 : i32
    %sign3A_203 = arith.cmpi sgt, %add3A_199, %sign3A_202 : i32
    %sign3A_204 = arith.extui %sign3A_203 : i1 to i32
    %sign3A_205 = arith.constant 0 : i32
    %sign3A_206 = arith.cmpi slt, %add3A_199, %sign3A_205 : i32
    %sign3A_207 = arith.extui %sign3A_206 : i1 to i32
    %sign3A_208 = arith.subi %sign3A_204, %sign3A_207 : i32
    %sign3A_209 = arith.constant 0 : i32
    %sign3A_210 = arith.cmpi sgt, %jit3A_200, %sign3A_209 : i32
    %sign3A_211 = arith.extui %sign3A_210 : i1 to i32
    %sign3A_212 = arith.constant 0 : i32
    %sign3A_213 = arith.cmpi slt, %jit3A_200, %sign3A_212 : i32
    %sign3A_214 = arith.extui %sign3A_213 : i1 to i32
    %sign3A_215 = arith.subi %sign3A_211, %sign3A_214 : i32
    %ne3A_216 = arith.cmpi ne, %sign3A_208, %sign3A_215 : i32
    %rem3A_217 = arith.remsi %add3A_199, %jit3A_200 : i32
    %ne3A_218 = arith.constant 0 : i32
    %ne3A_219 = arith.cmpi ne, %rem3A_217, %ne3A_218 : i32
    %and3A_220 = arith.andi %ne3A_216, %ne3A_219 : i1
    %sub3A_221 = arith.constant 1 : i32
    %sub3A_222 = arith.subi %div3A_201, %sub3A_221 : i32
    %select_n3A_223 = arith.select %and3A_220, %sub3A_222, %div3A_201 : i32
    %mul3A_224 = arith.constant 2 : i32
    %mul3A_225 = arith.muli %select_n3A_223, %mul3A_224 : i32
    %eq3A_226 = arith.constant 2 : i32
    %eq3A_227 = vector.broadcast %eq3A_226 : i32 to vector<16xi32>
    %eq3A_228 = arith.cmpi eq, %iota3A, %eq3A_227 : vector<16xi32>
    %jit3A_229 = arith.constant 0 : i32
    %broadcast_in_dim3A_230 = vector.broadcast %mul3A_225 : i32 to vector<16xi32>
    %broadcast_in_dim3A_231 = vector.broadcast %jit3A_229 : i32 to vector<16xi32>
    %select_n3A_232 = arith.select %eq3A_228, %broadcast_in_dim3A_230, %broadcast_in_dim3A_231 : vector<16xi1>, vector<16xi32>
    %add3A_233 = arith.addi %add3A_150, %select_n3A_232 : vector<16xi32>
    %eq3A_234 = arith.constant 2 : i32
    %eq3A_235 = vector.broadcast %eq3A_234 : i32 to vector<16xi32>
    %eq3A_236 = arith.cmpi eq, %iota3A, %eq3A_235 : vector<16xi32>
    %jit3A_237 = arith.constant 0 : i32
    %broadcast_in_dim3A_238 = vector.broadcast %add3A_159 : i32 to vector<16xi32>
    %broadcast_in_dim3A_239 = vector.broadcast %jit3A_237 : i32 to vector<16xi32>
    %select_n3A_240 = arith.select %eq3A_236, %broadcast_in_dim3A_238, %broadcast_in_dim3A_239 : vector<16xi1>, vector<16xi32>
    %add3A_241 = arith.addi %add3A_158, %select_n3A_240 : vector<16xi32>
    %add3A_242 = arith.addi %add3A_159, %mul3A_225 : i32
    %scan3A = arith.constant 0 : i32
    %scan3A_243 = arith.constant 0 : i32
    %scan3A_244 = arith.constant 896 : i32
    %scan3A_245 = arith.addi %scan3A_243, %scan3A_244 : i32
    %scan3A_246 = arith.constant 1 : i32
    scf.for %scan3A_256 = %scan3A_243 to %scan3A_245 step %scan3A_246  : i32 {
      %jit3A_257 = arith.constant 8 : i32
      %div3A_258 = arith.divsi %scan3A_256, %jit3A_257 : i32
      %sign3A_259 = arith.constant 0 : i32
      %sign3A_260 = arith.cmpi sgt, %scan3A_256, %sign3A_259 : i32
      %sign3A_261 = arith.extui %sign3A_260 : i1 to i32
      %sign3A_262 = arith.constant 0 : i32
      %sign3A_263 = arith.cmpi slt, %scan3A_256, %sign3A_262 : i32
      %sign3A_264 = arith.extui %sign3A_263 : i1 to i32
      %sign3A_265 = arith.subi %sign3A_261, %sign3A_264 : i32
      %sign3A_266 = arith.constant 0 : i32
      %sign3A_267 = arith.cmpi sgt, %jit3A_257, %sign3A_266 : i32
      %sign3A_268 = arith.extui %sign3A_267 : i1 to i32
      %sign3A_269 = arith.constant 0 : i32
      %sign3A_270 = arith.cmpi slt, %jit3A_257, %sign3A_269 : i32
      %sign3A_271 = arith.extui %sign3A_270 : i1 to i32
      %sign3A_272 = arith.subi %sign3A_268, %sign3A_271 : i32
      %ne3A_273 = arith.cmpi ne, %sign3A_265, %sign3A_272 : i32
      %rem3A_274 = arith.remsi %scan3A_256, %jit3A_257 : i32
      %ne3A_275 = arith.constant 0 : i32
      %ne3A_276 = arith.cmpi ne, %rem3A_274, %ne3A_275 : i32
      %and3A_277 = arith.andi %ne3A_273, %ne3A_276 : i1
      %sub3A_278 = arith.constant 1 : i32
      %sub3A_279 = arith.subi %div3A_258, %sub3A_278 : i32
      %select_n3A_280 = arith.select %and3A_277, %sub3A_279, %div3A_258 : i32
      %jit3A_281 = arith.constant 8 : i32
      %eq3A_282 = arith.constant 0 : i32
      %eq3A_283 = arith.cmpi eq, %jit3A_281, %eq3A_282 : i32
      %jit3A_284 = arith.constant 1 : i32
      %select_n3A_285 = arith.select %eq3A_283, %jit3A_284, %jit3A_281 : i32
      %rem3A_286 = arith.remsi %scan3A_256, %select_n3A_285 : i32
      %ne3A_287 = arith.constant 0 : i32
      %ne3A_288 = arith.cmpi ne, %rem3A_286, %ne3A_287 : i32
      %lt3A = arith.constant 0 : i32
      %lt3A_289 = arith.cmpi slt, %rem3A_286, %lt3A : i32
      %lt3A_290 = arith.constant 0 : i32
      %lt3A_291 = arith.cmpi slt, %select_n3A_285, %lt3A_290 : i32
      %ne3A_292 = arith.xori %lt3A_289, %lt3A_291 : i1
      %and3A_293 = arith.andi %ne3A_292, %ne3A_288 : i1
      %add3A_294 = arith.addi %rem3A_286, %select_n3A_285 : i32
      %select_n3A_295 = arith.select %and3A_293, %add3A_294, %rem3A_286 : i32
      %mul3A_296 = arith.constant 16 : i32
      %mul3A_297 = arith.muli %select_n3A_295, %mul3A_296 : i32
      %broadcast_in_dim3A_298 = arith.constant 0.000000e+00 : f32
      %broadcast_in_dim3A_299 = vector.broadcast %broadcast_in_dim3A_298 : f32 to vector<16xf32>
      %swap3A = arith.index_cast %select_n3A_280 : i32 to index
      %swap3A_300 = arith.index_cast %mul3A_297 : i32 to index
      %swap3A_301 = tpu.vector_load %arg18[%swap3A, %swap3A_300] {strides = array<i32>} : memref<112x128xf32, #tpu.memory_space<vmem>>, vector<16xf32>,
      tpu.vector_store %arg18[%swap3A, %swap3A_300], %broadcast_in_dim3A_299 {strides = array<i32>} : memref<112x128xf32, #tpu.memory_space<vmem>>, vector<16xf32>,
    }
    %scan3A_247 = arith.constant 896 : i32
    %eq3A_248 = arith.constant 0 : i32
    %eq3A_249 = arith.cmpi eq, %arg0, %eq3A_248 : i32
    %convert_element_type3A = arith.extui %eq3A_249 : i1 to i32
    %cond3A = arith.constant 0 : i32
    %cond3A_250 = arith.cmpi ne, %convert_element_type3A, %cond3A : i32
    scf.if %cond3A_250 {
      %scan3A_256 = arith.constant 0 : i32
      %scan3A_257 = arith.constant 0 : i32
      %scan3A_258 = arith.constant 3 : i32
      %scan3A_259 = arith.addi %scan3A_257, %scan3A_258 : i32
      %scan3A_260 = arith.constant 1 : i32
      scf.for %scan3A_268 = %scan3A_257 to %scan3A_259 step %scan3A_260  : i32 {
        %mul3A_269 = arith.constant 224 : i32
        %mul3A_270 = arith.muli %arg1, %mul3A_269 : i32
        %multiple_of3A = tpu.assume_multiple %mul3A_270, 8 : i32
        "tpu.region"() ({
          %run_scoped3A = tpu.sem_alloc : memref<!tpu.dma_semaphore, #tpu.memory_space<semaphore_mem>>
          %dma_start3A = arith.constant 0 : i32
          %dma_start3A_342 = tpu.memref_slice %arg19[%multiple_of3A, %dma_start3A] : memref<3584x128xf32, #tpu.memory_space<vmem_shared>> -> memref<112x128xf32, #tpu.memory_space<vmem_shared>>
          %dma_start3A_343 = arith.constant 0 : i32
          %dma_start3A_344 = tpu.memref_slice %arg19[%multiple_of3A, %dma_start3A_343] : memref<3584x128xf32, #tpu.memory_space<vmem_shared>> -> memref<112x128xf32, #tpu.memory_space<vmem_shared>>
          tpu.enqueue_dma source(%arg18 : memref<112x128xf32, #tpu.memory_space<vmem>>) target(%dma_start3A_344 : memref<112x128xf32, #tpu.memory_space<vmem_shared>>) target_semaphore(%run_scoped3A : memref<!tpu.dma_semaphore, #tpu.memory_space<semaphore_mem>>)
          %dma_wait3A = arith.constant 0 : i32
          %dma_wait3A_345 = tpu.memref_slice %arg19[%multiple_of3A, %dma_wait3A] : memref<3584x128xf32, #tpu.memory_space<vmem_shared>> -> memref<112x128xf32, #tpu.memory_space<vmem_shared>>
          %dma_wait3A_346 = arith.constant 0 : i32
          %dma_wait3A_347 = tpu.memref_slice %arg19[%multiple_of3A, %dma_wait3A_346] : memref<3584x128xf32, #tpu.memory_space<vmem_shared>> -> memref<112x128xf32, #tpu.memory_space<vmem_shared>>
          tpu.wait_dma2 semaphore(%run_scoped3A : memref<!tpu.dma_semaphore, #tpu.memory_space<semaphore_mem>>) src(%arg18 : memref<112x128xf32, #tpu.memory_space<vmem>>) dst(%dma_wait3A_347 : memref<112x128xf32, #tpu.memory_space<vmem_shared>>)
          tpu.yield
        }) : () -> ()
        %mul3A_271 = arith.constant 224 : i32
        %mul3A_272 = arith.muli %arg1, %mul3A_271 : i32
        %add3A_273 = arith.constant 112 : i32
        %add3A_274 = arith.addi %mul3A_272, %add3A_273 : i32
        %multiple_of3A_275 = tpu.assume_multiple %add3A_274, 8 : i32
        "tpu.region"() ({
          %run_scoped3A = tpu.sem_alloc : memref<!tpu.dma_semaphore, #tpu.memory_space<semaphore_mem>>
          %dma_start3A = arith.constant 0 : i32
          %dma_start3A_342 = tpu.memref_slice %arg19[%multiple_of3A_275, %dma_start3A] : memref<3584x128xf32, #tpu.memory_space<vmem_shared>> -> memref<112x128xf32, #tpu.memory_space<vmem_shared>>
          %dma_start3A_343 = arith.constant 0 : i32
          %dma_start3A_344 = tpu.memref_slice %arg19[%multiple_of3A_275, %dma_start3A_343] : memref<3584x128xf32, #tpu.memory_space<vmem_shared>> -> memref<112x128xf32, #tpu.memory_space<vmem_shared>>
          tpu.enqueue_dma source(%arg18 : memref<112x128xf32, #tpu.memory_space<vmem>>) target(%dma_start3A_344 : memref<112x128xf32, #tpu.memory_space<vmem_shared>>) target_semaphore(%run_scoped3A : memref<!tpu.dma_semaphore, #tpu.memory_space<semaphore_mem>>)
          %dma_wait3A = arith.constant 0 : i32
          %dma_wait3A_345 = tpu.memref_slice %arg19[%multiple_of3A_275, %dma_wait3A] : memref<3584x128xf32, #tpu.memory_space<vmem_shared>> -> memref<112x128xf32, #tpu.memory_space<vmem_shared>>
          %dma_wait3A_346 = arith.constant 0 : i32
          %dma_wait3A_347 = tpu.memref_slice %arg19[%multiple_of3A_275, %dma_wait3A_346] : memref<3584x128xf32, #tpu.memory_space<vmem_shared>> -> memref<112x128xf32, #tpu.memory_space<vmem_shared>>
          tpu.wait_dma2 semaphore(%run_scoped3A : memref<!tpu.dma_semaphore, #tpu.memory_space<semaphore_mem>>) src(%arg18 : memref<112x128xf32, #tpu.memory_space<vmem>>) dst(%dma_wait3A_347 : memref<112x128xf32, #tpu.memory_space<vmem_shared>>)
          tpu.yield
        }) : () -> ()
        %barrier3A = arith.constant 0 : index
        tpu.barrier barrier_id(%barrier3A)
        %eq3A_276 = vector.broadcast %scan3A_268 : i32 to vector<16xi32>
        %eq3A_277 = arith.cmpi eq, %iota3A, %eq3A_276 : vector<16xi32>
        %jit3A_278 = arith.constant 0 : i32
        %broadcast_in_dim3A_279 = vector.broadcast %jit3A_278 : i32 to vector<16xi32>
        %select_n3A_280 = arith.select %eq3A_277, %add3A_233, %broadcast_in_dim3A_279 : vector<16xi1>, vector<16xi32>
        %reduce_sum3A_281 = arith.constant true
        %reduce_sum3A_282 = vector.broadcast %reduce_sum3A_281 : i1 to vector<16xi1>
        %reduce_sum3A_283 = tpu.scan <sum>, %select_n3A_280 masked %reduce_sum3A_282 : vector<16xi32>, vector<16xi1> -> vector<16xi32>
        %reduce_sum3A_284 = vector.extract %reduce_sum3A_283[15] : i32 from vector<16xi32>
        %eq3A_285 = vector.broadcast %scan3A_268 : i32 to vector<16xi32>
        %eq3A_286 = arith.cmpi eq, %iota3A, %eq3A_285 : vector<16xi32>
        %jit3A_287 = arith.constant 0 : i32
        %broadcast_in_dim3A_288 = vector.broadcast %jit3A_287 : i32 to vector<16xi32>
        %select_n3A_289 = arith.select %eq3A_286, %add3A_241, %broadcast_in_dim3A_288 : vector<16xi1>, vector<16xi32>
        %reduce_sum3A_290 = arith.constant true
        %reduce_sum3A_291 = vector.broadcast %reduce_sum3A_290 : i1 to vector<16xi1>
        %reduce_sum3A_292 = tpu.scan <sum>, %select_n3A_289 masked %reduce_sum3A_291 : vector<16xi32>, vector<16xi1> -> vector<16xi32>
        %reduce_sum3A_293 = vector.extract %reduce_sum3A_292[15] : i32 from vector<16xi32>
        %gt3A = arith.constant 0 : i32
        %gt3A_294 = arith.cmpi sgt, %reduce_sum3A_284, %gt3A : i32
        %convert_element_type3A_295 = arith.extui %gt3A_294 : i1 to i32
        %cond3A_296 = arith.constant 0 : i32
        %cond3A_297 = arith.cmpi ne, %convert_element_type3A_295, %cond3A_296 : i32
        scf.if %cond3A_297 {
          %dma_start3A = arith.constant 0 : i32
          %dma_start3A_342 = tpu.memref_slice %arg13[%reduce_sum3A_293, %dma_start3A] : memref<88x128xi32, #tpu.memory_space<vmem>> -> memref<1x128xi32, #tpu.memory_space<vmem>>
          %dma_start3A_343 = tpu.memref_squeeze %dma_start3A_342 : memref<1x128xi32, #tpu.memory_space<vmem>> -> memref<128xi32, #tpu.memory_space<vmem>>
          %dma_start3A_344 = arith.constant 0 : i32
          %dma_start3A_345 = arith.constant 0 : i32
          %dma_start3A_346 = tpu.memref_slice %arg5[%dma_start3A_344, %dma_start3A_345] : memref<10000x128xf32, #tpu.memory_space<hbm>> -> memref<10000x128xf32, #tpu.memory_space<hbm>>
          tpu.enqueue_indirect_dma source(%dma_start3A_346 : memref<10000x128xf32, #tpu.memory_space<hbm>>) target(%arg16 : memref<128x128xf32, #tpu.memory_space<vmem>>) offsets(%dma_start3A_343 : memref<128xi32, #tpu.memory_space<vmem>>) semaphore(%arg20 : memref<!tpu.dma_semaphore, #tpu.memory_space<semaphore_mem>>)
          %add3A_347 = arith.constant 1 : i32
          %add3A_348 = arith.addi %reduce_sum3A_293, %add3A_347 : i32
          %dma_start3A_349 = arith.constant 0 : i32
          %dma_start3A_350 = tpu.memref_slice %arg13[%add3A_348, %dma_start3A_349] : memref<88x128xi32, #tpu.memory_space<vmem>> -> memref<1x128xi32, #tpu.memory_space<vmem>>
          %dma_start3A_351 = tpu.memref_squeeze %dma_start3A_350 : memref<1x128xi32, #tpu.memory_space<vmem>> -> memref<128xi32, #tpu.memory_space<vmem>>
          %dma_start3A_352 = arith.constant 0 : i32
          %dma_start3A_353 = arith.constant 0 : i32
          %dma_start3A_354 = tpu.memref_slice %arg5[%dma_start3A_352, %dma_start3A_353] : memref<10000x128xf32, #tpu.memory_space<hbm>> -> memref<10000x128xf32, #tpu.memory_space<hbm>>
          tpu.enqueue_indirect_dma source(%dma_start3A_354 : memref<10000x128xf32, #tpu.memory_space<hbm>>) target(%arg17 : memref<128x128xf32, #tpu.memory_space<vmem>>) offsets(%dma_start3A_351 : memref<128xi32, #tpu.memory_space<vmem>>) semaphore(%arg21 : memref<!tpu.dma_semaphore, #tpu.memory_space<semaphore_mem>>)
        } else {
        }
        %jit3A_298 = arith.constant 2 : i32
        %div3A_299 = arith.divsi %reduce_sum3A_284, %jit3A_298 : i32
        %sign3A_300 = arith.constant 0 : i32
        %sign3A_301 = arith.cmpi sgt, %reduce_sum3A_284, %sign3A_300 : i32
        %sign3A_302 = arith.extui %sign3A_301 : i1 to i32
        %sign3A_303 = arith.constant 0 : i32
        %sign3A_304 = arith.cmpi slt, %reduce_sum3A_284, %sign3A_303 : i32
        %sign3A_305 = arith.extui %sign3A_304 : i1 to i32
        %sign3A_306 = arith.subi %sign3A_302, %sign3A_305 : i32
        %sign3A_307 = arith.constant 0 : i32
        %sign3A_308 = arith.cmpi sgt, %jit3A_298, %sign3A_307 : i32
        %sign3A_309 = arith.extui %sign3A_308 : i1 to i32
        %sign3A_310 = arith.constant 0 : i32
        %sign3A_311 = arith.cmpi slt, %jit3A_298, %sign3A_310 : i32
        %sign3A_312 = arith.extui %sign3A_311 : i1 to i32
        %sign3A_313 = arith.subi %sign3A_309, %sign3A_312 : i32
        %ne3A_314 = arith.cmpi ne, %sign3A_306, %sign3A_313 : i32
        %rem3A_315 = arith.remsi %reduce_sum3A_284, %jit3A_298 : i32
        %ne3A_316 = arith.constant 0 : i32
        %ne3A_317 = arith.cmpi ne, %rem3A_315, %ne3A_316 : i32
        %and3A_318 = arith.andi %ne3A_314, %ne3A_317 : i1
        %sub3A_319 = arith.constant 1 : i32
        %sub3A_320 = arith.subi %div3A_299, %sub3A_319 : i32
        %select_n3A_321 = arith.select %and3A_318, %sub3A_320, %div3A_299 : i32
        %while3A = arith.constant 0 : i32
        %while3A_322 = arith.constant 0 : i32
        %while3A_323 = arith.subi %select_n3A_321, %while3A_322 : i32
        %while3A_324 = arith.addi %while3A_322, %while3A_323 : i32
        %while3A_325 = arith.constant 1 : i32
        %while3A_326 = arith.divsi %while3A_323, %while3A_325 : i32
        %while3A_327 = arith.muli %while3A_326, %while3A_325 : i32
        %while3A_328 = arith.addi %while3A_322, %while3A_327 : i32
        %while3A_329 = arith.constant 1 : i32
        scf.for %while3A_342 = %while3A_322 to %while3A_328 step %while3A_329  : i32 {
          %mul3A_343 = arith.constant 2 : i32
          %mul3A_344 = arith.muli %mul3A_343, %while3A_342 : i32
          %add3A_345 = arith.addi %reduce_sum3A_293, %mul3A_344 : i32
          %dma_wait3A = arith.constant 0 : i32
          %dma_wait3A_346 = tpu.memref_slice %arg13[%add3A_345, %dma_wait3A] : memref<88x128xi32, #tpu.memory_space<vmem>> -> memref<1x128xi32, #tpu.memory_space<vmem>>
          %dma_wait3A_347 = tpu.memref_squeeze %dma_wait3A_346 : memref<1x128xi32, #tpu.memory_space<vmem>> -> memref<128xi32, #tpu.memory_space<vmem>>
          %dma_wait3A_348 = arith.constant 0 : i32
          %dma_wait3A_349 = arith.constant 0 : i32
          %dma_wait3A_350 = tpu.memref_slice %arg5[%dma_wait3A_348, %dma_wait3A_349] : memref<10000x128xf32, #tpu.memory_space<hbm>> -> memref<10000x128xf32, #tpu.memory_space<hbm>>
          tpu.wait_indirect_dma semaphore(%arg20 : memref<!tpu.dma_semaphore, #tpu.memory_space<semaphore_mem>>) src(%dma_wait3A_350 : memref<10000x128xf32, #tpu.memory_space<hbm>>) dst(%arg16 : memref<128x128xf32, #tpu.memory_space<vmem>>)
          %dma_start3A = arith.constant 0 : i32
          %dma_start3A_351 = tpu.memref_slice %arg14[%add3A_345, %dma_start3A] : memref<88x128xi32, #tpu.memory_space<vmem>> -> memref<1x128xi32, #tpu.memory_space<vmem>>
          %dma_start3A_352 = tpu.memref_squeeze %dma_start3A_351 : memref<1x128xi32, #tpu.memory_space<vmem>> -> memref<128xi32, #tpu.memory_space<vmem>>
          %dma_start3A_353 = arith.constant 0 : i32
          %dma_start3A_354 = arith.constant 0 : i32
          %dma_start3A_355 = tpu.memref_slice %arg19[%dma_start3A_353, %dma_start3A_354] : memref<3584x128xf32, #tpu.memory_space<vmem_shared>> -> memref<3584x128xf32, #tpu.memory_space<vmem_shared>>
          tpu.enqueue_indirect_dma source(%arg16 : memref<128x128xf32, #tpu.memory_space<vmem>>) target(%dma_start3A_355 : memref<3584x128xf32, #tpu.memory_space<vmem_shared>>) offsets(%dma_start3A_352 : memref<128xi32, #tpu.memory_space<vmem>>) semaphore(%arg22 : memref<!tpu.dma_semaphore, #tpu.memory_space<semaphore_mem>>) {add = true}
          %add3A_356 = arith.constant 1 : i32
          %add3A_357 = arith.addi %add3A_345, %add3A_356 : i32
          %dma_wait3A_358 = arith.constant 0 : i32
          %dma_wait3A_359 = tpu.memref_slice %arg13[%add3A_357, %dma_wait3A_358] : memref<88x128xi32, #tpu.memory_space<vmem>> -> memref<1x128xi32, #tpu.memory_space<vmem>>
          %dma_wait3A_360 = tpu.memref_squeeze %dma_wait3A_359 : memref<1x128xi32, #tpu.memory_space<vmem>> -> memref<128xi32, #tpu.memory_space<vmem>>
          %dma_wait3A_361 = arith.constant 0 : i32
          %dma_wait3A_362 = arith.constant 0 : i32
          %dma_wait3A_363 = tpu.memref_slice %arg5[%dma_wait3A_361, %dma_wait3A_362] : memref<10000x128xf32, #tpu.memory_space<hbm>> -> memref<10000x128xf32, #tpu.memory_space<hbm>>
          tpu.wait_indirect_dma semaphore(%arg21 : memref<!tpu.dma_semaphore, #tpu.memory_space<semaphore_mem>>) src(%dma_wait3A_363 : memref<10000x128xf32, #tpu.memory_space<hbm>>) dst(%arg17 : memref<128x128xf32, #tpu.memory_space<vmem>>)
          %add3A_364 = arith.constant 1 : i32
          %add3A_365 = arith.addi %add3A_345, %add3A_364 : i32
          %dma_start3A_366 = arith.constant 0 : i32
          %dma_start3A_367 = tpu.memref_slice %arg14[%add3A_365, %dma_start3A_366] : memref<88x128xi32, #tpu.memory_space<vmem>> -> memref<1x128xi32, #tpu.memory_space<vmem>>
          %dma_start3A_368 = tpu.memref_squeeze %dma_start3A_367 : memref<1x128xi32, #tpu.memory_space<vmem>> -> memref<128xi32, #tpu.memory_space<vmem>>
          %dma_start3A_369 = arith.constant 0 : i32
          %dma_start3A_370 = arith.constant 0 : i32
          %dma_start3A_371 = tpu.memref_slice %arg19[%dma_start3A_369, %dma_start3A_370] : memref<3584x128xf32, #tpu.memory_space<vmem_shared>> -> memref<3584x128xf32, #tpu.memory_space<vmem_shared>>
          tpu.enqueue_indirect_dma source(%arg17 : memref<128x128xf32, #tpu.memory_space<vmem>>) target(%dma_start3A_371 : memref<3584x128xf32, #tpu.memory_space<vmem_shared>>) offsets(%dma_start3A_368 : memref<128xi32, #tpu.memory_space<vmem>>) semaphore(%arg23 : memref<!tpu.dma_semaphore, #tpu.memory_space<semaphore_mem>>) {add = true}
          %dma_wait3A_372 = arith.constant 0 : i32
          %dma_wait3A_373 = tpu.memref_slice %arg14[%add3A_345, %dma_wait3A_372] : memref<88x128xi32, #tpu.memory_space<vmem>> -> memref<1x128xi32, #tpu.memory_space<vmem>>
          %dma_wait3A_374 = tpu.memref_squeeze %dma_wait3A_373 : memref<1x128xi32, #tpu.memory_space<vmem>> -> memref<128xi32, #tpu.memory_space<vmem>>
          %dma_wait3A_375 = arith.constant 0 : i32
          %dma_wait3A_376 = arith.constant 0 : i32
          %dma_wait3A_377 = tpu.memref_slice %arg19[%dma_wait3A_375, %dma_wait3A_376] : memref<3584x128xf32, #tpu.memory_space<vmem_shared>> -> memref<3584x128xf32, #tpu.memory_space<vmem_shared>>
          tpu.wait_indirect_dma semaphore(%arg22 : memref<!tpu.dma_semaphore, #tpu.memory_space<semaphore_mem>>) src(%arg16 : memref<128x128xf32, #tpu.memory_space<vmem>>) dst(%dma_wait3A_377 : memref<3584x128xf32, #tpu.memory_space<vmem_shared>>)
          %mul3A_378 = arith.constant 2 : i32
          %mul3A_379 = arith.muli %mul3A_378, %while3A_342 : i32
          %add3A_380 = arith.constant 2 : i32
          %add3A_381 = arith.addi %mul3A_379, %add3A_380 : i32
          %lt3A = arith.cmpi slt, %add3A_381, %reduce_sum3A_284 : i32
          %convert_element_type3A_382 = arith.extui %lt3A : i1 to i32
          %cond3A_383 = arith.constant 0 : i32
          %cond3A_384 = arith.cmpi ne, %convert_element_type3A_382, %cond3A_383 : i32
          scf.if %cond3A_384 {
            %add3A_401 = arith.constant 2 : i32
            %add3A_402 = arith.addi %add3A_345, %add3A_401 : i32
            %dma_start3A_403 = arith.constant 0 : i32
            %dma_start3A_404 = tpu.memref_slice %arg13[%add3A_402, %dma_start3A_403] : memref<88x128xi32, #tpu.memory_space<vmem>> -> memref<1x128xi32, #tpu.memory_space<vmem>>
            %dma_start3A_405 = tpu.memref_squeeze %dma_start3A_404 : memref<1x128xi32, #tpu.memory_space<vmem>> -> memref<128xi32, #tpu.memory_space<vmem>>
            %dma_start3A_406 = arith.constant 0 : i32
            %dma_start3A_407 = arith.constant 0 : i32
            %dma_start3A_408 = tpu.memref_slice %arg5[%dma_start3A_406, %dma_start3A_407] : memref<10000x128xf32, #tpu.memory_space<hbm>> -> memref<10000x128xf32, #tpu.memory_space<hbm>>
            tpu.enqueue_indirect_dma source(%dma_start3A_408 : memref<10000x128xf32, #tpu.memory_space<hbm>>) target(%arg16 : memref<128x128xf32, #tpu.memory_space<vmem>>) offsets(%dma_start3A_405 : memref<128xi32, #tpu.memory_space<vmem>>) semaphore(%arg20 : memref<!tpu.dma_semaphore, #tpu.memory_space<semaphore_mem>>)
          } else {
          }
          %add3A_385 = arith.constant 1 : i32
          %add3A_386 = arith.addi %add3A_345, %add3A_385 : i32
          %dma_wait3A_387 = arith.constant 0 : i32
          %dma_wait3A_388 = tpu.memref_slice %arg14[%add3A_386, %dma_wait3A_387] : memref<88x128xi32, #tpu.memory_space<vmem>> -> memref<1x128xi32, #tpu.memory_space<vmem>>
          %dma_wait3A_389 = tpu.memref_squeeze %dma_wait3A_388 : memref<1x128xi32, #tpu.memory_space<vmem>> -> memref<128xi32, #tpu.memory_space<vmem>>
          %dma_wait3A_390 = arith.constant 0 : i32
          %dma_wait3A_391 = arith.constant 0 : i32
          %dma_wait3A_392 = tpu.memref_slice %arg19[%dma_wait3A_390, %dma_wait3A_391] : memref<3584x128xf32, #tpu.memory_space<vmem_shared>> -> memref<3584x128xf32, #tpu.memory_space<vmem_shared>>
          tpu.wait_indirect_dma semaphore(%arg23 : memref<!tpu.dma_semaphore, #tpu.memory_space<semaphore_mem>>) src(%arg17 : memref<128x128xf32, #tpu.memory_space<vmem>>) dst(%dma_wait3A_392 : memref<3584x128xf32, #tpu.memory_space<vmem_shared>>)
          %mul3A_393 = arith.constant 2 : i32
          %mul3A_394 = arith.muli %mul3A_393, %while3A_342 : i32
          %add3A_395 = arith.constant 3 : i32
          %add3A_396 = arith.addi %mul3A_394, %add3A_395 : i32
          %lt3A_397 = arith.cmpi slt, %add3A_396, %reduce_sum3A_284 : i32
          %convert_element_type3A_398 = arith.extui %lt3A_397 : i1 to i32
          %cond3A_399 = arith.constant 0 : i32
          %cond3A_400 = arith.cmpi ne, %convert_element_type3A_398, %cond3A_399 : i32
          scf.if %cond3A_400 {
            %add3A_401 = arith.constant 3 : i32
            %add3A_402 = arith.addi %add3A_345, %add3A_401 : i32
            %dma_start3A_403 = arith.constant 0 : i32
            %dma_start3A_404 = tpu.memref_slice %arg13[%add3A_402, %dma_start3A_403] : memref<88x128xi32, #tpu.memory_space<vmem>> -> memref<1x128xi32, #tpu.memory_space<vmem>>
            %dma_start3A_405 = tpu.memref_squeeze %dma_start3A_404 : memref<1x128xi32, #tpu.memory_space<vmem>> -> memref<128xi32, #tpu.memory_space<vmem>>
            %dma_start3A_406 = arith.constant 0 : i32
            %dma_start3A_407 = arith.constant 0 : i32
            %dma_start3A_408 = tpu.memref_slice %arg5[%dma_start3A_406, %dma_start3A_407] : memref<10000x128xf32, #tpu.memory_space<hbm>> -> memref<10000x128xf32, #tpu.memory_space<hbm>>
            tpu.enqueue_indirect_dma source(%dma_start3A_408 : memref<10000x128xf32, #tpu.memory_space<hbm>>) target(%arg17 : memref<128x128xf32, #tpu.memory_space<vmem>>) offsets(%dma_start3A_405 : memref<128xi32, #tpu.memory_space<vmem>>) semaphore(%arg21 : memref<!tpu.dma_semaphore, #tpu.memory_space<semaphore_mem>>)
          } else {
          }
        }
        %while3A_330 = arith.constant 1 : i32
        scf.for %while3A_342 = %while3A_328 to %while3A_324 step %while3A_330  : i32 {
          %mul3A_343 = arith.constant 2 : i32
          %mul3A_344 = arith.muli %mul3A_343, %while3A_342 : i32
          %add3A_345 = arith.addi %reduce_sum3A_293, %mul3A_344 : i32
          %dma_wait3A = arith.constant 0 : i32
          %dma_wait3A_346 = tpu.memref_slice %arg13[%add3A_345, %dma_wait3A] : memref<88x128xi32, #tpu.memory_space<vmem>> -> memref<1x128xi32, #tpu.memory_space<vmem>>
          %dma_wait3A_347 = tpu.memref_squeeze %dma_wait3A_346 : memref<1x128xi32, #tpu.memory_space<vmem>> -> memref<128xi32, #tpu.memory_space<vmem>>
          %dma_wait3A_348 = arith.constant 0 : i32
          %dma_wait3A_349 = arith.constant 0 : i32
          %dma_wait3A_350 = tpu.memref_slice %arg5[%dma_wait3A_348, %dma_wait3A_349] : memref<10000x128xf32, #tpu.memory_space<hbm>> -> memref<10000x128xf32, #tpu.memory_space<hbm>>
          tpu.wait_indirect_dma semaphore(%arg20 : memref<!tpu.dma_semaphore, #tpu.memory_space<semaphore_mem>>) src(%dma_wait3A_350 : memref<10000x128xf32, #tpu.memory_space<hbm>>) dst(%arg16 : memref<128x128xf32, #tpu.memory_space<vmem>>)
          %dma_start3A = arith.constant 0 : i32
          %dma_start3A_351 = tpu.memref_slice %arg14[%add3A_345, %dma_start3A] : memref<88x128xi32, #tpu.memory_space<vmem>> -> memref<1x128xi32, #tpu.memory_space<vmem>>
          %dma_start3A_352 = tpu.memref_squeeze %dma_start3A_351 : memref<1x128xi32, #tpu.memory_space<vmem>> -> memref<128xi32, #tpu.memory_space<vmem>>
          %dma_start3A_353 = arith.constant 0 : i32
          %dma_start3A_354 = arith.constant 0 : i32
          %dma_start3A_355 = tpu.memref_slice %arg19[%dma_start3A_353, %dma_start3A_354] : memref<3584x128xf32, #tpu.memory_space<vmem_shared>> -> memref<3584x128xf32, #tpu.memory_space<vmem_shared>>
          tpu.enqueue_indirect_dma source(%arg16 : memref<128x128xf32, #tpu.memory_space<vmem>>) target(%dma_start3A_355 : memref<3584x128xf32, #tpu.memory_space<vmem_shared>>) offsets(%dma_start3A_352 : memref<128xi32, #tpu.memory_space<vmem>>) semaphore(%arg22 : memref<!tpu.dma_semaphore, #tpu.memory_space<semaphore_mem>>) {add = true}
          %add3A_356 = arith.constant 1 : i32
          %add3A_357 = arith.addi %add3A_345, %add3A_356 : i32
          %dma_wait3A_358 = arith.constant 0 : i32
          %dma_wait3A_359 = tpu.memref_slice %arg13[%add3A_357, %dma_wait3A_358] : memref<88x128xi32, #tpu.memory_space<vmem>> -> memref<1x128xi32, #tpu.memory_space<vmem>>
          %dma_wait3A_360 = tpu.memref_squeeze %dma_wait3A_359 : memref<1x128xi32, #tpu.memory_space<vmem>> -> memref<128xi32, #tpu.memory_space<vmem>>
          %dma_wait3A_361 = arith.constant 0 : i32
          %dma_wait3A_362 = arith.constant 0 : i32
          %dma_wait3A_363 = tpu.memref_slice %arg5[%dma_wait3A_361, %dma_wait3A_362] : memref<10000x128xf32, #tpu.memory_space<hbm>> -> memref<10000x128xf32, #tpu.memory_space<hbm>>
          tpu.wait_indirect_dma semaphore(%arg21 : memref<!tpu.dma_semaphore, #tpu.memory_space<semaphore_mem>>) src(%dma_wait3A_363 : memref<10000x128xf32, #tpu.memory_space<hbm>>) dst(%arg17 : memref<128x128xf32, #tpu.memory_space<vmem>>)
          %add3A_364 = arith.constant 1 : i32
          %add3A_365 = arith.addi %add3A_345, %add3A_364 : i32
          %dma_start3A_366 = arith.constant 0 : i32
          %dma_start3A_367 = tpu.memref_slice %arg14[%add3A_365, %dma_start3A_366] : memref<88x128xi32, #tpu.memory_space<vmem>> -> memref<1x128xi32, #tpu.memory_space<vmem>>
          %dma_start3A_368 = tpu.memref_squeeze %dma_start3A_367 : memref<1x128xi32, #tpu.memory_space<vmem>> -> memref<128xi32, #tpu.memory_space<vmem>>
          %dma_start3A_369 = arith.constant 0 : i32
          %dma_start3A_370 = arith.constant 0 : i32
          %dma_start3A_371 = tpu.memref_slice %arg19[%dma_start3A_369, %dma_start3A_370] : memref<3584x128xf32, #tpu.memory_space<vmem_shared>> -> memref<3584x128xf32, #tpu.memory_space<vmem_shared>>
          tpu.enqueue_indirect_dma source(%arg17 : memref<128x128xf32, #tpu.memory_space<vmem>>) target(%dma_start3A_371 : memref<3584x128xf32, #tpu.memory_space<vmem_shared>>) offsets(%dma_start3A_368 : memref<128xi32, #tpu.memory_space<vmem>>) semaphore(%arg23 : memref<!tpu.dma_semaphore, #tpu.memory_space<semaphore_mem>>) {add = true}
          %dma_wait3A_372 = arith.constant 0 : i32
          %dma_wait3A_373 = tpu.memref_slice %arg14[%add3A_345, %dma_wait3A_372] : memref<88x128xi32, #tpu.memory_space<vmem>> -> memref<1x128xi32, #tpu.memory_space<vmem>>
          %dma_wait3A_374 = tpu.memref_squeeze %dma_wait3A_373 : memref<1x128xi32, #tpu.memory_space<vmem>> -> memref<128xi32, #tpu.memory_space<vmem>>
          %dma_wait3A_375 = arith.constant 0 : i32
          %dma_wait3A_376 = arith.constant 0 : i32
          %dma_wait3A_377 = tpu.memref_slice %arg19[%dma_wait3A_375, %dma_wait3A_376] : memref<3584x128xf32, #tpu.memory_space<vmem_shared>> -> memref<3584x128xf32, #tpu.memory_space<vmem_shared>>
          tpu.wait_indirect_dma semaphore(%arg22 : memref<!tpu.dma_semaphore, #tpu.memory_space<semaphore_mem>>) src(%arg16 : memref<128x128xf32, #tpu.memory_space<vmem>>) dst(%dma_wait3A_377 : memref<3584x128xf32, #tpu.memory_space<vmem_shared>>)
          %mul3A_378 = arith.constant 2 : i32
          %mul3A_379 = arith.muli %mul3A_378, %while3A_342 : i32
          %add3A_380 = arith.constant 2 : i32
          %add3A_381 = arith.addi %mul3A_379, %add3A_380 : i32
          %lt3A = arith.cmpi slt, %add3A_381, %reduce_sum3A_284 : i32
          %convert_element_type3A_382 = arith.extui %lt3A : i1 to i32
          %cond3A_383 = arith.constant 0 : i32
          %cond3A_384 = arith.cmpi ne, %convert_element_type3A_382, %cond3A_383 : i32
          scf.if %cond3A_384 {
            %add3A_401 = arith.constant 2 : i32
            %add3A_402 = arith.addi %add3A_345, %add3A_401 : i32
            %dma_start3A_403 = arith.constant 0 : i32
            %dma_start3A_404 = tpu.memref_slice %arg13[%add3A_402, %dma_start3A_403] : memref<88x128xi32, #tpu.memory_space<vmem>> -> memref<1x128xi32, #tpu.memory_space<vmem>>
            %dma_start3A_405 = tpu.memref_squeeze %dma_start3A_404 : memref<1x128xi32, #tpu.memory_space<vmem>> -> memref<128xi32, #tpu.memory_space<vmem>>
            %dma_start3A_406 = arith.constant 0 : i32
            %dma_start3A_407 = arith.constant 0 : i32
            %dma_start3A_408 = tpu.memref_slice %arg5[%dma_start3A_406, %dma_start3A_407] : memref<10000x128xf32, #tpu.memory_space<hbm>> -> memref<10000x128xf32, #tpu.memory_space<hbm>>
            tpu.enqueue_indirect_dma source(%dma_start3A_408 : memref<10000x128xf32, #tpu.memory_space<hbm>>) target(%arg16 : memref<128x128xf32, #tpu.memory_space<vmem>>) offsets(%dma_start3A_405 : memref<128xi32, #tpu.memory_space<vmem>>) semaphore(%arg20 : memref<!tpu.dma_semaphore, #tpu.memory_space<semaphore_mem>>)
          } else {
          }
          %add3A_385 = arith.constant 1 : i32
          %add3A_386 = arith.addi %add3A_345, %add3A_385 : i32
          %dma_wait3A_387 = arith.constant 0 : i32
          %dma_wait3A_388 = tpu.memref_slice %arg14[%add3A_386, %dma_wait3A_387] : memref<88x128xi32, #tpu.memory_space<vmem>> -> memref<1x128xi32, #tpu.memory_space<vmem>>
          %dma_wait3A_389 = tpu.memref_squeeze %dma_wait3A_388 : memref<1x128xi32, #tpu.memory_space<vmem>> -> memref<128xi32, #tpu.memory_space<vmem>>
          %dma_wait3A_390 = arith.constant 0 : i32
          %dma_wait3A_391 = arith.constant 0 : i32
          %dma_wait3A_392 = tpu.memref_slice %arg19[%dma_wait3A_390, %dma_wait3A_391] : memref<3584x128xf32, #tpu.memory_space<vmem_shared>> -> memref<3584x128xf32, #tpu.memory_space<vmem_shared>>
          tpu.wait_indirect_dma semaphore(%arg23 : memref<!tpu.dma_semaphore, #tpu.memory_space<semaphore_mem>>) src(%arg17 : memref<128x128xf32, #tpu.memory_space<vmem>>) dst(%dma_wait3A_392 : memref<3584x128xf32, #tpu.memory_space<vmem_shared>>)
          %mul3A_393 = arith.constant 2 : i32
          %mul3A_394 = arith.muli %mul3A_393, %while3A_342 : i32
          %add3A_395 = arith.constant 3 : i32
          %add3A_396 = arith.addi %mul3A_394, %add3A_395 : i32
          %lt3A_397 = arith.cmpi slt, %add3A_396, %reduce_sum3A_284 : i32
          %convert_element_type3A_398 = arith.extui %lt3A_397 : i1 to i32
          %cond3A_399 = arith.constant 0 : i32
          %cond3A_400 = arith.cmpi ne, %convert_element_type3A_398, %cond3A_399 : i32
          scf.if %cond3A_400 {
            %add3A_401 = arith.constant 3 : i32
            %add3A_402 = arith.addi %add3A_345, %add3A_401 : i32
            %dma_start3A_403 = arith.constant 0 : i32
            %dma_start3A_404 = tpu.memref_slice %arg13[%add3A_402, %dma_start3A_403] : memref<88x128xi32, #tpu.memory_space<vmem>> -> memref<1x128xi32, #tpu.memory_space<vmem>>
            %dma_start3A_405 = tpu.memref_squeeze %dma_start3A_404 : memref<1x128xi32, #tpu.memory_space<vmem>> -> memref<128xi32, #tpu.memory_space<vmem>>
            %dma_start3A_406 = arith.constant 0 : i32
            %dma_start3A_407 = arith.constant 0 : i32
            %dma_start3A_408 = tpu.memref_slice %arg5[%dma_start3A_406, %dma_start3A_407] : memref<10000x128xf32, #tpu.memory_space<hbm>> -> memref<10000x128xf32, #tpu.memory_space<hbm>>
            tpu.enqueue_indirect_dma source(%dma_start3A_408 : memref<10000x128xf32, #tpu.memory_space<hbm>>) target(%arg17 : memref<128x128xf32, #tpu.memory_space<vmem>>) offsets(%dma_start3A_405 : memref<128xi32, #tpu.memory_space<vmem>>) semaphore(%arg21 : memref<!tpu.dma_semaphore, #tpu.memory_space<semaphore_mem>>)
          } else {
          }
        }
        %barrier3A_331 = arith.constant 0 : index
        tpu.barrier barrier_id(%barrier3A_331)
        %mul3A_332 = arith.constant 216 : i32
        %mul3A_333 = arith.muli %arg1, %mul3A_332 : i32
        %multiple_of3A_334 = tpu.assume_multiple %mul3A_333, 8 : i32
        %mul3A_335 = arith.constant 3456 : i32
        %mul3A_336 = arith.muli %scan3A_268, %mul3A_335 : i32
        %mul3A_337 = arith.constant 216 : i32
        %mul3A_338 = arith.muli %arg1, %mul3A_337 : i32
        %add3A_339 = arith.addi %mul3A_336, %mul3A_338 : i32
        %multiple_of3A_340 = tpu.assume_multiple %add3A_339, 8 : i32
        "tpu.region"() ({
          %run_scoped3A = tpu.sem_alloc : memref<!tpu.dma_semaphore, #tpu.memory_space<semaphore_mem>>
          %dma_start3A = arith.constant 0 : i32
          %dma_start3A_342 = tpu.memref_slice %arg9[%multiple_of3A_340, %dma_start3A] : memref<10368x128xf32, #tpu.memory_space<hbm>> -> memref<216x128xf32, #tpu.memory_space<hbm>>
          %dma_start3A_343 = arith.constant 0 : i32
          %dma_start3A_344 = tpu.memref_slice %arg19[%multiple_of3A_334, %dma_start3A_343] : memref<3584x128xf32, #tpu.memory_space<vmem_shared>> -> memref<216x128xf32, #tpu.memory_space<vmem_shared>>
          tpu.enqueue_dma source(%dma_start3A_344 : memref<216x128xf32, #tpu.memory_space<vmem_shared>>) target(%dma_start3A_342 : memref<216x128xf32, #tpu.memory_space<hbm>>) target_semaphore(%run_scoped3A : memref<!tpu.dma_semaphore, #tpu.memory_space<semaphore_mem>>)
          %dma_wait3A = arith.constant 0 : i32
          %dma_wait3A_345 = tpu.memref_slice %arg9[%multiple_of3A_340, %dma_wait3A] : memref<10368x128xf32, #tpu.memory_space<hbm>> -> memref<216x128xf32, #tpu.memory_space<hbm>>
          %dma_wait3A_346 = arith.constant 0 : i32
          %dma_wait3A_347 = tpu.memref_slice %arg19[%multiple_of3A_334, %dma_wait3A_346] : memref<3584x128xf32, #tpu.memory_space<vmem_shared>> -> memref<216x128xf32, #tpu.memory_space<vmem_shared>>
          tpu.wait_dma2 semaphore(%run_scoped3A : memref<!tpu.dma_semaphore, #tpu.memory_space<semaphore_mem>>) src(%dma_wait3A_347 : memref<216x128xf32, #tpu.memory_space<vmem_shared>>) dst(%dma_wait3A_345 : memref<216x128xf32, #tpu.memory_space<hbm>>)
          tpu.yield
        }) : () -> ()
        %barrier3A_341 = arith.constant 0 : index
        tpu.barrier barrier_id(%barrier3A_341)
      }
      %scan3A_261 = arith.constant 3 : i32
      %scan3A_262 = arith.constant 0 : i32
      %scan3A_263 = arith.constant 0 : i32
      %scan3A_264 = arith.constant 3 : i32
      %scan3A_265 = arith.addi %scan3A_263, %scan3A_264 : i32
      %scan3A_266 = arith.constant 1 : i32
      scf.for %scan3A_268 = %scan3A_263 to %scan3A_265 step %scan3A_266  : i32 {
        %mul3A_269 = arith.constant 224 : i32
        %mul3A_270 = arith.muli %arg1, %mul3A_269 : i32
        %multiple_of3A = tpu.assume_multiple %mul3A_270, 8 : i32
        "tpu.region"() ({
          %run_scoped3A = tpu.sem_alloc : memref<!tpu.dma_semaphore, #tpu.memory_space<semaphore_mem>>
          %dma_start3A = arith.constant 0 : i32
          %dma_start3A_342 = tpu.memref_slice %arg19[%multiple_of3A, %dma_start3A] : memref<3584x128xf32, #tpu.memory_space<vmem_shared>> -> memref<112x128xf32, #tpu.memory_space<vmem_shared>>
          %dma_start3A_343 = arith.constant 0 : i32
          %dma_start3A_344 = tpu.memref_slice %arg19[%multiple_of3A, %dma_start3A_343] : memref<3584x128xf32, #tpu.memory_space<vmem_shared>> -> memref<112x128xf32, #tpu.memory_space<vmem_shared>>
          tpu.enqueue_dma source(%arg18 : memref<112x128xf32, #tpu.memory_space<vmem>>) target(%dma_start3A_344 : memref<112x128xf32, #tpu.memory_space<vmem_shared>>) target_semaphore(%run_scoped3A : memref<!tpu.dma_semaphore, #tpu.memory_space<semaphore_mem>>)
          %dma_wait3A = arith.constant 0 : i32
          %dma_wait3A_345 = tpu.memref_slice %arg19[%multiple_of3A, %dma_wait3A] : memref<3584x128xf32, #tpu.memory_space<vmem_shared>> -> memref<112x128xf32, #tpu.memory_space<vmem_shared>>
          %dma_wait3A_346 = arith.constant 0 : i32
          %dma_wait3A_347 = tpu.memref_slice %arg19[%multiple_of3A, %dma_wait3A_346] : memref<3584x128xf32, #tpu.memory_space<vmem_shared>> -> memref<112x128xf32, #tpu.memory_space<vmem_shared>>
          tpu.wait_dma2 semaphore(%run_scoped3A : memref<!tpu.dma_semaphore, #tpu.memory_space<semaphore_mem>>) src(%arg18 : memref<112x128xf32, #tpu.memory_space<vmem>>) dst(%dma_wait3A_347 : memref<112x128xf32, #tpu.memory_space<vmem_shared>>)
          tpu.yield
        }) : () -> ()
        %mul3A_271 = arith.constant 224 : i32
        %mul3A_272 = arith.muli %arg1, %mul3A_271 : i32
        %add3A_273 = arith.constant 112 : i32
        %add3A_274 = arith.addi %mul3A_272, %add3A_273 : i32
        %multiple_of3A_275 = tpu.assume_multiple %add3A_274, 8 : i32
        "tpu.region"() ({
          %run_scoped3A = tpu.sem_alloc : memref<!tpu.dma_semaphore, #tpu.memory_space<semaphore_mem>>
          %dma_start3A = arith.constant 0 : i32
          %dma_start3A_342 = tpu.memref_slice %arg19[%multiple_of3A_275, %dma_start3A] : memref<3584x128xf32, #tpu.memory_space<vmem_shared>> -> memref<112x128xf32, #tpu.memory_space<vmem_shared>>
          %dma_start3A_343 = arith.constant 0 : i32
          %dma_start3A_344 = tpu.memref_slice %arg19[%multiple_of3A_275, %dma_start3A_343] : memref<3584x128xf32, #tpu.memory_space<vmem_shared>> -> memref<112x128xf32, #tpu.memory_space<vmem_shared>>
          tpu.enqueue_dma source(%arg18 : memref<112x128xf32, #tpu.memory_space<vmem>>) target(%dma_start3A_344 : memref<112x128xf32, #tpu.memory_space<vmem_shared>>) target_semaphore(%run_scoped3A : memref<!tpu.dma_semaphore, #tpu.memory_space<semaphore_mem>>)
          %dma_wait3A = arith.constant 0 : i32
          %dma_wait3A_345 = tpu.memref_slice %arg19[%multiple_of3A_275, %dma_wait3A] : memref<3584x128xf32, #tpu.memory_space<vmem_shared>> -> memref<112x128xf32, #tpu.memory_space<vmem_shared>>
          %dma_wait3A_346 = arith.constant 0 : i32
          %dma_wait3A_347 = tpu.memref_slice %arg19[%multiple_of3A_275, %dma_wait3A_346] : memref<3584x128xf32, #tpu.memory_space<vmem_shared>> -> memref<112x128xf32, #tpu.memory_space<vmem_shared>>
          tpu.wait_dma2 semaphore(%run_scoped3A : memref<!tpu.dma_semaphore, #tpu.memory_space<semaphore_mem>>) src(%arg18 : memref<112x128xf32, #tpu.memory_space<vmem>>) dst(%dma_wait3A_347 : memref<112x128xf32, #tpu.memory_space<vmem_shared>>)
          tpu.yield
        }) : () -> ()
        %barrier3A = arith.constant 0 : index
        tpu.barrier barrier_id(%barrier3A)
        %eq3A_276 = vector.broadcast %scan3A_268 : i32 to vector<16xi32>
        %eq3A_277 = arith.cmpi eq, %iota3A, %eq3A_276 : vector<16xi32>
        %jit3A_278 = arith.constant 0 : i32
        %broadcast_in_dim3A_279 = vector.broadcast %jit3A_278 : i32 to vector<16xi32>
        %select_n3A_280 = arith.select %eq3A_277, %add3A_233, %broadcast_in_dim3A_279 : vector<16xi1>, vector<16xi32>
        %reduce_sum3A_281 = arith.constant true
        %reduce_sum3A_282 = vector.broadcast %reduce_sum3A_281 : i1 to vector<16xi1>
        %reduce_sum3A_283 = tpu.scan <sum>, %select_n3A_280 masked %reduce_sum3A_282 : vector<16xi32>, vector<16xi1> -> vector<16xi32>
        %reduce_sum3A_284 = vector.extract %reduce_sum3A_283[15] : i32 from vector<16xi32>
        %eq3A_285 = vector.broadcast %scan3A_268 : i32 to vector<16xi32>
        %eq3A_286 = arith.cmpi eq, %iota3A, %eq3A_285 : vector<16xi32>
        %jit3A_287 = arith.constant 0 : i32
        %broadcast_in_dim3A_288 = vector.broadcast %jit3A_287 : i32 to vector<16xi32>
        %select_n3A_289 = arith.select %eq3A_286, %add3A_241, %broadcast_in_dim3A_288 : vector<16xi1>, vector<16xi32>
        %reduce_sum3A_290 = arith.constant true
        %reduce_sum3A_291 = vector.broadcast %reduce_sum3A_290 : i1 to vector<16xi1>
        %reduce_sum3A_292 = tpu.scan <sum>, %select_n3A_289 masked %reduce_sum3A_291 : vector<16xi32>, vector<16xi1> -> vector<16xi32>
        %reduce_sum3A_293 = vector.extract %reduce_sum3A_292[15] : i32 from vector<16xi32>
        %gt3A = arith.constant 0 : i32
        %gt3A_294 = arith.cmpi sgt, %reduce_sum3A_284, %gt3A : i32
        %convert_element_type3A_295 = arith.extui %gt3A_294 : i1 to i32
        %cond3A_296 = arith.constant 0 : i32
        %cond3A_297 = arith.cmpi ne, %convert_element_type3A_295, %cond3A_296 : i32
        scf.if %cond3A_297 {
          %dma_start3A = arith.constant 0 : i32
          %dma_start3A_342 = tpu.memref_slice %arg13[%reduce_sum3A_293, %dma_start3A] : memref<88x128xi32, #tpu.memory_space<vmem>> -> memref<1x128xi32, #tpu.memory_space<vmem>>
          %dma_start3A_343 = tpu.memref_squeeze %dma_start3A_342 : memref<1x128xi32, #tpu.memory_space<vmem>> -> memref<128xi32, #tpu.memory_space<vmem>>
          %dma_start3A_344 = arith.constant 0 : i32
          %dma_start3A_345 = arith.constant 0 : i32
          %dma_start3A_346 = tpu.memref_slice %arg7[%dma_start3A_344, %dma_start3A_345] : memref<10000x128xf32, #tpu.memory_space<hbm>> -> memref<10000x128xf32, #tpu.memory_space<hbm>>
          tpu.enqueue_indirect_dma source(%dma_start3A_346 : memref<10000x128xf32, #tpu.memory_space<hbm>>) target(%arg16 : memref<128x128xf32, #tpu.memory_space<vmem>>) offsets(%dma_start3A_343 : memref<128xi32, #tpu.memory_space<vmem>>) semaphore(%arg20 : memref<!tpu.dma_semaphore, #tpu.memory_space<semaphore_mem>>)
          %add3A_347 = arith.constant 1 : i32
          %add3A_348 = arith.addi %reduce_sum3A_293, %add3A_347 : i32
          %dma_start3A_349 = arith.constant 0 : i32
          %dma_start3A_350 = tpu.memref_slice %arg13[%add3A_348, %dma_start3A_349] : memref<88x128xi32, #tpu.memory_space<vmem>> -> memref<1x128xi32, #tpu.memory_space<vmem>>
          %dma_start3A_351 = tpu.memref_squeeze %dma_start3A_350 : memref<1x128xi32, #tpu.memory_space<vmem>> -> memref<128xi32, #tpu.memory_space<vmem>>
          %dma_start3A_352 = arith.constant 0 : i32
          %dma_start3A_353 = arith.constant 0 : i32
          %dma_start3A_354 = tpu.memref_slice %arg7[%dma_start3A_352, %dma_start3A_353] : memref<10000x128xf32, #tpu.memory_space<hbm>> -> memref<10000x128xf32, #tpu.memory_space<hbm>>
          tpu.enqueue_indirect_dma source(%dma_start3A_354 : memref<10000x128xf32, #tpu.memory_space<hbm>>) target(%arg17 : memref<128x128xf32, #tpu.memory_space<vmem>>) offsets(%dma_start3A_351 : memref<128xi32, #tpu.memory_space<vmem>>) semaphore(%arg21 : memref<!tpu.dma_semaphore, #tpu.memory_space<semaphore_mem>>)
        } else {
        }
        %jit3A_298 = arith.constant 2 : i32
        %div3A_299 = arith.divsi %reduce_sum3A_284, %jit3A_298 : i32
        %sign3A_300 = arith.constant 0 : i32
        %sign3A_301 = arith.cmpi sgt, %reduce_sum3A_284, %sign3A_300 : i32
        %sign3A_302 = arith.extui %sign3A_301 : i1 to i32
        %sign3A_303 = arith.constant 0 : i32
        %sign3A_304 = arith.cmpi slt, %reduce_sum3A_284, %sign3A_303 : i32
        %sign3A_305 = arith.extui %sign3A_304 : i1 to i32
        %sign3A_306 = arith.subi %sign3A_302, %sign3A_305 : i32
        %sign3A_307 = arith.constant 0 : i32
        %sign3A_308 = arith.cmpi sgt, %jit3A_298, %sign3A_307 : i32
        %sign3A_309 = arith.extui %sign3A_308 : i1 to i32
        %sign3A_310 = arith.constant 0 : i32
        %sign3A_311 = arith.cmpi slt, %jit3A_298, %sign3A_310 : i32
        %sign3A_312 = arith.extui %sign3A_311 : i1 to i32
        %sign3A_313 = arith.subi %sign3A_309, %sign3A_312 : i32
        %ne3A_314 = arith.cmpi ne, %sign3A_306, %sign3A_313 : i32
        %rem3A_315 = arith.remsi %reduce_sum3A_284, %jit3A_298 : i32
        %ne3A_316 = arith.constant 0 : i32
        %ne3A_317 = arith.cmpi ne, %rem3A_315, %ne3A_316 : i32
        %and3A_318 = arith.andi %ne3A_314, %ne3A_317 : i1
        %sub3A_319 = arith.constant 1 : i32
        %sub3A_320 = arith.subi %div3A_299, %sub3A_319 : i32
        %select_n3A_321 = arith.select %and3A_318, %sub3A_320, %div3A_299 : i32
        %while3A = arith.constant 0 : i32
        %while3A_322 = arith.constant 0 : i32
        %while3A_323 = arith.subi %select_n3A_321, %while3A_322 : i32
        %while3A_324 = arith.addi %while3A_322, %while3A_323 : i32
        %while3A_325 = arith.constant 1 : i32
        %while3A_326 = arith.divsi %while3A_323, %while3A_325 : i32
        %while3A_327 = arith.muli %while3A_326, %while3A_325 : i32
        %while3A_328 = arith.addi %while3A_322, %while3A_327 : i32
        %while3A_329 = arith.constant 1 : i32
        scf.for %while3A_342 = %while3A_322 to %while3A_328 step %while3A_329  : i32 {
          %mul3A_343 = arith.constant 2 : i32
          %mul3A_344 = arith.muli %mul3A_343, %while3A_342 : i32
          %add3A_345 = arith.addi %reduce_sum3A_293, %mul3A_344 : i32
          %dma_wait3A = arith.constant 0 : i32
          %dma_wait3A_346 = tpu.memref_slice %arg13[%add3A_345, %dma_wait3A] : memref<88x128xi32, #tpu.memory_space<vmem>> -> memref<1x128xi32, #tpu.memory_space<vmem>>
          %dma_wait3A_347 = tpu.memref_squeeze %dma_wait3A_346 : memref<1x128xi32, #tpu.memory_space<vmem>> -> memref<128xi32, #tpu.memory_space<vmem>>
          %dma_wait3A_348 = arith.constant 0 : i32
          %dma_wait3A_349 = arith.constant 0 : i32
          %dma_wait3A_350 = tpu.memref_slice %arg7[%dma_wait3A_348, %dma_wait3A_349] : memref<10000x128xf32, #tpu.memory_space<hbm>> -> memref<10000x128xf32, #tpu.memory_space<hbm>>
          tpu.wait_indirect_dma semaphore(%arg20 : memref<!tpu.dma_semaphore, #tpu.memory_space<semaphore_mem>>) src(%dma_wait3A_350 : memref<10000x128xf32, #tpu.memory_space<hbm>>) dst(%arg16 : memref<128x128xf32, #tpu.memory_space<vmem>>)
          %dma_start3A = arith.constant 0 : i32
          %dma_start3A_351 = tpu.memref_slice %arg14[%add3A_345, %dma_start3A] : memref<88x128xi32, #tpu.memory_space<vmem>> -> memref<1x128xi32, #tpu.memory_space<vmem>>
          %dma_start3A_352 = tpu.memref_squeeze %dma_start3A_351 : memref<1x128xi32, #tpu.memory_space<vmem>> -> memref<128xi32, #tpu.memory_space<vmem>>
          %dma_start3A_353 = arith.constant 0 : i32
          %dma_start3A_354 = arith.constant 0 : i32
          %dma_start3A_355 = tpu.memref_slice %arg19[%dma_start3A_353, %dma_start3A_354] : memref<3584x128xf32, #tpu.memory_space<vmem_shared>> -> memref<3584x128xf32, #tpu.memory_space<vmem_shared>>
          tpu.enqueue_indirect_dma source(%arg16 : memref<128x128xf32, #tpu.memory_space<vmem>>) target(%dma_start3A_355 : memref<3584x128xf32, #tpu.memory_space<vmem_shared>>) offsets(%dma_start3A_352 : memref<128xi32, #tpu.memory_space<vmem>>) semaphore(%arg22 : memref<!tpu.dma_semaphore, #tpu.memory_space<semaphore_mem>>) {add = true}
          %add3A_356 = arith.constant 1 : i32
          %add3A_357 = arith.addi %add3A_345, %add3A_356 : i32
          %dma_wait3A_358 = arith.constant 0 : i32
          %dma_wait3A_359 = tpu.memref_slice %arg13[%add3A_357, %dma_wait3A_358] : memref<88x128xi32, #tpu.memory_space<vmem>> -> memref<1x128xi32, #tpu.memory_space<vmem>>
          %dma_wait3A_360 = tpu.memref_squeeze %dma_wait3A_359 : memref<1x128xi32, #tpu.memory_space<vmem>> -> memref<128xi32, #tpu.memory_space<vmem>>
          %dma_wait3A_361 = arith.constant 0 : i32
          %dma_wait3A_362 = arith.constant 0 : i32
          %dma_wait3A_363 = tpu.memref_slice %arg7[%dma_wait3A_361, %dma_wait3A_362] : memref<10000x128xf32, #tpu.memory_space<hbm>> -> memref<10000x128xf32, #tpu.memory_space<hbm>>
          tpu.wait_indirect_dma semaphore(%arg21 : memref<!tpu.dma_semaphore, #tpu.memory_space<semaphore_mem>>) src(%dma_wait3A_363 : memref<10000x128xf32, #tpu.memory_space<hbm>>) dst(%arg17 : memref<128x128xf32, #tpu.memory_space<vmem>>)
          %add3A_364 = arith.constant 1 : i32
          %add3A_365 = arith.addi %add3A_345, %add3A_364 : i32
          %dma_start3A_366 = arith.constant 0 : i32
          %dma_start3A_367 = tpu.memref_slice %arg14[%add3A_365, %dma_start3A_366] : memref<88x128xi32, #tpu.memory_space<vmem>> -> memref<1x128xi32, #tpu.memory_space<vmem>>
          %dma_start3A_368 = tpu.memref_squeeze %dma_start3A_367 : memref<1x128xi32, #tpu.memory_space<vmem>> -> memref<128xi32, #tpu.memory_space<vmem>>
          %dma_start3A_369 = arith.constant 0 : i32
          %dma_start3A_370 = arith.constant 0 : i32
          %dma_start3A_371 = tpu.memref_slice %arg19[%dma_start3A_369, %dma_start3A_370] : memref<3584x128xf32, #tpu.memory_space<vmem_shared>> -> memref<3584x128xf32, #tpu.memory_space<vmem_shared>>
          tpu.enqueue_indirect_dma source(%arg17 : memref<128x128xf32, #tpu.memory_space<vmem>>) target(%dma_start3A_371 : memref<3584x128xf32, #tpu.memory_space<vmem_shared>>) offsets(%dma_start3A_368 : memref<128xi32, #tpu.memory_space<vmem>>) semaphore(%arg23 : memref<!tpu.dma_semaphore, #tpu.memory_space<semaphore_mem>>) {add = true}
          %dma_wait3A_372 = arith.constant 0 : i32
          %dma_wait3A_373 = tpu.memref_slice %arg14[%add3A_345, %dma_wait3A_372] : memref<88x128xi32, #tpu.memory_space<vmem>> -> memref<1x128xi32, #tpu.memory_space<vmem>>
          %dma_wait3A_374 = tpu.memref_squeeze %dma_wait3A_373 : memref<1x128xi32, #tpu.memory_space<vmem>> -> memref<128xi32, #tpu.memory_space<vmem>>
          %dma_wait3A_375 = arith.constant 0 : i32
          %dma_wait3A_376 = arith.constant 0 : i32
          %dma_wait3A_377 = tpu.memref_slice %arg19[%dma_wait3A_375, %dma_wait3A_376] : memref<3584x128xf32, #tpu.memory_space<vmem_shared>> -> memref<3584x128xf32, #tpu.memory_space<vmem_shared>>
          tpu.wait_indirect_dma semaphore(%arg22 : memref<!tpu.dma_semaphore, #tpu.memory_space<semaphore_mem>>) src(%arg16 : memref<128x128xf32, #tpu.memory_space<vmem>>) dst(%dma_wait3A_377 : memref<3584x128xf32, #tpu.memory_space<vmem_shared>>)
          %mul3A_378 = arith.constant 2 : i32
          %mul3A_379 = arith.muli %mul3A_378, %while3A_342 : i32
          %add3A_380 = arith.constant 2 : i32
          %add3A_381 = arith.addi %mul3A_379, %add3A_380 : i32
          %lt3A = arith.cmpi slt, %add3A_381, %reduce_sum3A_284 : i32
          %convert_element_type3A_382 = arith.extui %lt3A : i1 to i32
          %cond3A_383 = arith.constant 0 : i32
          %cond3A_384 = arith.cmpi ne, %convert_element_type3A_382, %cond3A_383 : i32
          scf.if %cond3A_384 {
            %add3A_401 = arith.constant 2 : i32
            %add3A_402 = arith.addi %add3A_345, %add3A_401 : i32
            %dma_start3A_403 = arith.constant 0 : i32
            %dma_start3A_404 = tpu.memref_slice %arg13[%add3A_402, %dma_start3A_403] : memref<88x128xi32, #tpu.memory_space<vmem>> -> memref<1x128xi32, #tpu.memory_space<vmem>>
            %dma_start3A_405 = tpu.memref_squeeze %dma_start3A_404 : memref<1x128xi32, #tpu.memory_space<vmem>> -> memref<128xi32, #tpu.memory_space<vmem>>
            %dma_start3A_406 = arith.constant 0 : i32
            %dma_start3A_407 = arith.constant 0 : i32
            %dma_start3A_408 = tpu.memref_slice %arg7[%dma_start3A_406, %dma_start3A_407] : memref<10000x128xf32, #tpu.memory_space<hbm>> -> memref<10000x128xf32, #tpu.memory_space<hbm>>
            tpu.enqueue_indirect_dma source(%dma_start3A_408 : memref<10000x128xf32, #tpu.memory_space<hbm>>) target(%arg16 : memref<128x128xf32, #tpu.memory_space<vmem>>) offsets(%dma_start3A_405 : memref<128xi32, #tpu.memory_space<vmem>>) semaphore(%arg20 : memref<!tpu.dma_semaphore, #tpu.memory_space<semaphore_mem>>)
          } else {
          }
          %add3A_385 = arith.constant 1 : i32
          %add3A_386 = arith.addi %add3A_345, %add3A_385 : i32
          %dma_wait3A_387 = arith.constant 0 : i32
          %dma_wait3A_388 = tpu.memref_slice %arg14[%add3A_386, %dma_wait3A_387] : memref<88x128xi32, #tpu.memory_space<vmem>> -> memref<1x128xi32, #tpu.memory_space<vmem>>
          %dma_wait3A_389 = tpu.memref_squeeze %dma_wait3A_388 : memref<1x128xi32, #tpu.memory_space<vmem>> -> memref<128xi32, #tpu.memory_space<vmem>>
          %dma_wait3A_390 = arith.constant 0 : i32
          %dma_wait3A_391 = arith.constant 0 : i32
          %dma_wait3A_392 = tpu.memref_slice %arg19[%dma_wait3A_390, %dma_wait3A_391] : memref<3584x128xf32, #tpu.memory_space<vmem_shared>> -> memref<3584x128xf32, #tpu.memory_space<vmem_shared>>
          tpu.wait_indirect_dma semaphore(%arg23 : memref<!tpu.dma_semaphore, #tpu.memory_space<semaphore_mem>>) src(%arg17 : memref<128x128xf32, #tpu.memory_space<vmem>>) dst(%dma_wait3A_392 : memref<3584x128xf32, #tpu.memory_space<vmem_shared>>)
          %mul3A_393 = arith.constant 2 : i32
          %mul3A_394 = arith.muli %mul3A_393, %while3A_342 : i32
          %add3A_395 = arith.constant 3 : i32
          %add3A_396 = arith.addi %mul3A_394, %add3A_395 : i32
          %lt3A_397 = arith.cmpi slt, %add3A_396, %reduce_sum3A_284 : i32
          %convert_element_type3A_398 = arith.extui %lt3A_397 : i1 to i32
          %cond3A_399 = arith.constant 0 : i32
          %cond3A_400 = arith.cmpi ne, %convert_element_type3A_398, %cond3A_399 : i32
          scf.if %cond3A_400 {
            %add3A_401 = arith.constant 3 : i32
            %add3A_402 = arith.addi %add3A_345, %add3A_401 : i32
            %dma_start3A_403 = arith.constant 0 : i32
            %dma_start3A_404 = tpu.memref_slice %arg13[%add3A_402, %dma_start3A_403] : memref<88x128xi32, #tpu.memory_space<vmem>> -> memref<1x128xi32, #tpu.memory_space<vmem>>
            %dma_start3A_405 = tpu.memref_squeeze %dma_start3A_404 : memref<1x128xi32, #tpu.memory_space<vmem>> -> memref<128xi32, #tpu.memory_space<vmem>>
            %dma_start3A_406 = arith.constant 0 : i32
            %dma_start3A_407 = arith.constant 0 : i32
            %dma_start3A_408 = tpu.memref_slice %arg7[%dma_start3A_406, %dma_start3A_407] : memref<10000x128xf32, #tpu.memory_space<hbm>> -> memref<10000x128xf32, #tpu.memory_space<hbm>>
            tpu.enqueue_indirect_dma source(%dma_start3A_408 : memref<10000x128xf32, #tpu.memory_space<hbm>>) target(%arg17 : memref<128x128xf32, #tpu.memory_space<vmem>>) offsets(%dma_start3A_405 : memref<128xi32, #tpu.memory_space<vmem>>) semaphore(%arg21 : memref<!tpu.dma_semaphore, #tpu.memory_space<semaphore_mem>>)
          } else {
          }
        }
        %while3A_330 = arith.constant 1 : i32
        scf.for %while3A_342 = %while3A_328 to %while3A_324 step %while3A_330  : i32 {
          %mul3A_343 = arith.constant 2 : i32
          %mul3A_344 = arith.muli %mul3A_343, %while3A_342 : i32
          %add3A_345 = arith.addi %reduce_sum3A_293, %mul3A_344 : i32
          %dma_wait3A = arith.constant 0 : i32
          %dma_wait3A_346 = tpu.memref_slice %arg13[%add3A_345, %dma_wait3A] : memref<88x128xi32, #tpu.memory_space<vmem>> -> memref<1x128xi32, #tpu.memory_space<vmem>>
          %dma_wait3A_347 = tpu.memref_squeeze %dma_wait3A_346 : memref<1x128xi32, #tpu.memory_space<vmem>> -> memref<128xi32, #tpu.memory_space<vmem>>
          %dma_wait3A_348 = arith.constant 0 : i32
          %dma_wait3A_349 = arith.constant 0 : i32
          %dma_wait3A_350 = tpu.memref_slice %arg7[%dma_wait3A_348, %dma_wait3A_349] : memref<10000x128xf32, #tpu.memory_space<hbm>> -> memref<10000x128xf32, #tpu.memory_space<hbm>>
          tpu.wait_indirect_dma semaphore(%arg20 : memref<!tpu.dma_semaphore, #tpu.memory_space<semaphore_mem>>) src(%dma_wait3A_350 : memref<10000x128xf32, #tpu.memory_space<hbm>>) dst(%arg16 : memref<128x128xf32, #tpu.memory_space<vmem>>)
          %dma_start3A = arith.constant 0 : i32
          %dma_start3A_351 = tpu.memref_slice %arg14[%add3A_345, %dma_start3A] : memref<88x128xi32, #tpu.memory_space<vmem>> -> memref<1x128xi32, #tpu.memory_space<vmem>>
          %dma_start3A_352 = tpu.memref_squeeze %dma_start3A_351 : memref<1x128xi32, #tpu.memory_space<vmem>> -> memref<128xi32, #tpu.memory_space<vmem>>
          %dma_start3A_353 = arith.constant 0 : i32
          %dma_start3A_354 = arith.constant 0 : i32
          %dma_start3A_355 = tpu.memref_slice %arg19[%dma_start3A_353, %dma_start3A_354] : memref<3584x128xf32, #tpu.memory_space<vmem_shared>> -> memref<3584x128xf32, #tpu.memory_space<vmem_shared>>
          tpu.enqueue_indirect_dma source(%arg16 : memref<128x128xf32, #tpu.memory_space<vmem>>) target(%dma_start3A_355 : memref<3584x128xf32, #tpu.memory_space<vmem_shared>>) offsets(%dma_start3A_352 : memref<128xi32, #tpu.memory_space<vmem>>) semaphore(%arg22 : memref<!tpu.dma_semaphore, #tpu.memory_space<semaphore_mem>>) {add = true}
          %add3A_356 = arith.constant 1 : i32
          %add3A_357 = arith.addi %add3A_345, %add3A_356 : i32
          %dma_wait3A_358 = arith.constant 0 : i32
          %dma_wait3A_359 = tpu.memref_slice %arg13[%add3A_357, %dma_wait3A_358] : memref<88x128xi32, #tpu.memory_space<vmem>> -> memref<1x128xi32, #tpu.memory_space<vmem>>
          %dma_wait3A_360 = tpu.memref_squeeze %dma_wait3A_359 : memref<1x128xi32, #tpu.memory_space<vmem>> -> memref<128xi32, #tpu.memory_space<vmem>>
          %dma_wait3A_361 = arith.constant 0 : i32
          %dma_wait3A_362 = arith.constant 0 : i32
          %dma_wait3A_363 = tpu.memref_slice %arg7[%dma_wait3A_361, %dma_wait3A_362] : memref<10000x128xf32, #tpu.memory_space<hbm>> -> memref<10000x128xf32, #tpu.memory_space<hbm>>
          tpu.wait_indirect_dma semaphore(%arg21 : memref<!tpu.dma_semaphore, #tpu.memory_space<semaphore_mem>>) src(%dma_wait3A_363 : memref<10000x128xf32, #tpu.memory_space<hbm>>) dst(%arg17 : memref<128x128xf32, #tpu.memory_space<vmem>>)
          %add3A_364 = arith.constant 1 : i32
          %add3A_365 = arith.addi %add3A_345, %add3A_364 : i32
          %dma_start3A_366 = arith.constant 0 : i32
          %dma_start3A_367 = tpu.memref_slice %arg14[%add3A_365, %dma_start3A_366] : memref<88x128xi32, #tpu.memory_space<vmem>> -> memref<1x128xi32, #tpu.memory_space<vmem>>
          %dma_start3A_368 = tpu.memref_squeeze %dma_start3A_367 : memref<1x128xi32, #tpu.memory_space<vmem>> -> memref<128xi32, #tpu.memory_space<vmem>>
          %dma_start3A_369 = arith.constant 0 : i32
          %dma_start3A_370 = arith.constant 0 : i32
          %dma_start3A_371 = tpu.memref_slice %arg19[%dma_start3A_369, %dma_start3A_370] : memref<3584x128xf32, #tpu.memory_space<vmem_shared>> -> memref<3584x128xf32, #tpu.memory_space<vmem_shared>>
          tpu.enqueue_indirect_dma source(%arg17 : memref<128x128xf32, #tpu.memory_space<vmem>>) target(%dma_start3A_371 : memref<3584x128xf32, #tpu.memory_space<vmem_shared>>) offsets(%dma_start3A_368 : memref<128xi32, #tpu.memory_space<vmem>>) semaphore(%arg23 : memref<!tpu.dma_semaphore, #tpu.memory_space<semaphore_mem>>) {add = true}
          %dma_wait3A_372 = arith.constant 0 : i32
          %dma_wait3A_373 = tpu.memref_slice %arg14[%add3A_345, %dma_wait3A_372] : memref<88x128xi32, #tpu.memory_space<vmem>> -> memref<1x128xi32, #tpu.memory_space<vmem>>
          %dma_wait3A_374 = tpu.memref_squeeze %dma_wait3A_373 : memref<1x128xi32, #tpu.memory_space<vmem>> -> memref<128xi32, #tpu.memory_space<vmem>>
          %dma_wait3A_375 = arith.constant 0 : i32
          %dma_wait3A_376 = arith.constant 0 : i32
          %dma_wait3A_377 = tpu.memref_slice %arg19[%dma_wait3A_375, %dma_wait3A_376] : memref<3584x128xf32, #tpu.memory_space<vmem_shared>> -> memref<3584x128xf32, #tpu.memory_space<vmem_shared>>
          tpu.wait_indirect_dma semaphore(%arg22 : memref<!tpu.dma_semaphore, #tpu.memory_space<semaphore_mem>>) src(%arg16 : memref<128x128xf32, #tpu.memory_space<vmem>>) dst(%dma_wait3A_377 : memref<3584x128xf32, #tpu.memory_space<vmem_shared>>)
          %mul3A_378 = arith.constant 2 : i32
          %mul3A_379 = arith.muli %mul3A_378, %while3A_342 : i32
          %add3A_380 = arith.constant 2 : i32
          %add3A_381 = arith.addi %mul3A_379, %add3A_380 : i32
          %lt3A = arith.cmpi slt, %add3A_381, %reduce_sum3A_284 : i32
          %convert_element_type3A_382 = arith.extui %lt3A : i1 to i32
          %cond3A_383 = arith.constant 0 : i32
          %cond3A_384 = arith.cmpi ne, %convert_element_type3A_382, %cond3A_383 : i32
          scf.if %cond3A_384 {
            %add3A_401 = arith.constant 2 : i32
            %add3A_402 = arith.addi %add3A_345, %add3A_401 : i32
            %dma_start3A_403 = arith.constant 0 : i32
            %dma_start3A_404 = tpu.memref_slice %arg13[%add3A_402, %dma_start3A_403] : memref<88x128xi32, #tpu.memory_space<vmem>> -> memref<1x128xi32, #tpu.memory_space<vmem>>
            %dma_start3A_405 = tpu.memref_squeeze %dma_start3A_404 : memref<1x128xi32, #tpu.memory_space<vmem>> -> memref<128xi32, #tpu.memory_space<vmem>>
            %dma_start3A_406 = arith.constant 0 : i32
            %dma_start3A_407 = arith.constant 0 : i32
            %dma_start3A_408 = tpu.memref_slice %arg7[%dma_start3A_406, %dma_start3A_407] : memref<10000x128xf32, #tpu.memory_space<hbm>> -> memref<10000x128xf32, #tpu.memory_space<hbm>>
            tpu.enqueue_indirect_dma source(%dma_start3A_408 : memref<10000x128xf32, #tpu.memory_space<hbm>>) target(%arg16 : memref<128x128xf32, #tpu.memory_space<vmem>>) offsets(%dma_start3A_405 : memref<128xi32, #tpu.memory_space<vmem>>) semaphore(%arg20 : memref<!tpu.dma_semaphore, #tpu.memory_space<semaphore_mem>>)
          } else {
          }
          %add3A_385 = arith.constant 1 : i32
          %add3A_386 = arith.addi %add3A_345, %add3A_385 : i32
          %dma_wait3A_387 = arith.constant 0 : i32
          %dma_wait3A_388 = tpu.memref_slice %arg14[%add3A_386, %dma_wait3A_387] : memref<88x128xi32, #tpu.memory_space<vmem>> -> memref<1x128xi32, #tpu.memory_space<vmem>>
          %dma_wait3A_389 = tpu.memref_squeeze %dma_wait3A_388 : memref<1x128xi32, #tpu.memory_space<vmem>> -> memref<128xi32, #tpu.memory_space<vmem>>
          %dma_wait3A_390 = arith.constant 0 : i32
          %dma_wait3A_391 = arith.constant 0 : i32
          %dma_wait3A_392 = tpu.memref_slice %arg19[%dma_wait3A_390, %dma_wait3A_391] : memref<3584x128xf32, #tpu.memory_space<vmem_shared>> -> memref<3584x128xf32, #tpu.memory_space<vmem_shared>>
          tpu.wait_indirect_dma semaphore(%arg23 : memref<!tpu.dma_semaphore, #tpu.memory_space<semaphore_mem>>) src(%arg17 : memref<128x128xf32, #tpu.memory_space<vmem>>) dst(%dma_wait3A_392 : memref<3584x128xf32, #tpu.memory_space<vmem_shared>>)
          %mul3A_393 = arith.constant 2 : i32
          %mul3A_394 = arith.muli %mul3A_393, %while3A_342 : i32
          %add3A_395 = arith.constant 3 : i32
          %add3A_396 = arith.addi %mul3A_394, %add3A_395 : i32
          %lt3A_397 = arith.cmpi slt, %add3A_396, %reduce_sum3A_284 : i32
          %convert_element_type3A_398 = arith.extui %lt3A_397 : i1 to i32
          %cond3A_399 = arith.constant 0 : i32
          %cond3A_400 = arith.cmpi ne, %convert_element_type3A_398, %cond3A_399 : i32
          scf.if %cond3A_400 {
            %add3A_401 = arith.constant 3 : i32
            %add3A_402 = arith.addi %add3A_345, %add3A_401 : i32
            %dma_start3A_403 = arith.constant 0 : i32
            %dma_start3A_404 = tpu.memref_slice %arg13[%add3A_402, %dma_start3A_403] : memref<88x128xi32, #tpu.memory_space<vmem>> -> memref<1x128xi32, #tpu.memory_space<vmem>>
            %dma_start3A_405 = tpu.memref_squeeze %dma_start3A_404 : memref<1x128xi32, #tpu.memory_space<vmem>> -> memref<128xi32, #tpu.memory_space<vmem>>
            %dma_start3A_406 = arith.constant 0 : i32
            %dma_start3A_407 = arith.constant 0 : i32
            %dma_start3A_408 = tpu.memref_slice %arg7[%dma_start3A_406, %dma_start3A_407] : memref<10000x128xf32, #tpu.memory_space<hbm>> -> memref<10000x128xf32, #tpu.memory_space<hbm>>
            tpu.enqueue_indirect_dma source(%dma_start3A_408 : memref<10000x128xf32, #tpu.memory_space<hbm>>) target(%arg17 : memref<128x128xf32, #tpu.memory_space<vmem>>) offsets(%dma_start3A_405 : memref<128xi32, #tpu.memory_space<vmem>>) semaphore(%arg21 : memref<!tpu.dma_semaphore, #tpu.memory_space<semaphore_mem>>)
          } else {
          }
        }
        %barrier3A_331 = arith.constant 0 : index
        tpu.barrier barrier_id(%barrier3A_331)
        %mul3A_332 = arith.constant 216 : i32
        %mul3A_333 = arith.muli %arg1, %mul3A_332 : i32
        %multiple_of3A_334 = tpu.assume_multiple %mul3A_333, 8 : i32
        %mul3A_335 = arith.constant 3456 : i32
        %mul3A_336 = arith.muli %scan3A_268, %mul3A_335 : i32
        %mul3A_337 = arith.constant 216 : i32
        %mul3A_338 = arith.muli %arg1, %mul3A_337 : i32
        %add3A_339 = arith.addi %mul3A_336, %mul3A_338 : i32
        %multiple_of3A_340 = tpu.assume_multiple %add3A_339, 8 : i32
        "tpu.region"() ({
          %run_scoped3A = tpu.sem_alloc : memref<!tpu.dma_semaphore, #tpu.memory_space<semaphore_mem>>
          %dma_start3A = arith.constant 0 : i32
          %dma_start3A_342 = tpu.memref_slice %arg11[%multiple_of3A_340, %dma_start3A] : memref<10368x128xf32, #tpu.memory_space<hbm>> -> memref<216x128xf32, #tpu.memory_space<hbm>>
          %dma_start3A_343 = arith.constant 0 : i32
          %dma_start3A_344 = tpu.memref_slice %arg19[%multiple_of3A_334, %dma_start3A_343] : memref<3584x128xf32, #tpu.memory_space<vmem_shared>> -> memref<216x128xf32, #tpu.memory_space<vmem_shared>>
          tpu.enqueue_dma source(%dma_start3A_344 : memref<216x128xf32, #tpu.memory_space<vmem_shared>>) target(%dma_start3A_342 : memref<216x128xf32, #tpu.memory_space<hbm>>) target_semaphore(%run_scoped3A : memref<!tpu.dma_semaphore, #tpu.memory_space<semaphore_mem>>)
          %dma_wait3A = arith.constant 0 : i32
          %dma_wait3A_345 = tpu.memref_slice %arg11[%multiple_of3A_340, %dma_wait3A] : memref<10368x128xf32, #tpu.memory_space<hbm>> -> memref<216x128xf32, #tpu.memory_space<hbm>>
          %dma_wait3A_346 = arith.constant 0 : i32
          %dma_wait3A_347 = tpu.memref_slice %arg19[%multiple_of3A_334, %dma_wait3A_346] : memref<3584x128xf32, #tpu.memory_space<vmem_shared>> -> memref<216x128xf32, #tpu.memory_space<vmem_shared>>
          tpu.wait_dma2 semaphore(%run_scoped3A : memref<!tpu.dma_semaphore, #tpu.memory_space<semaphore_mem>>) src(%dma_wait3A_347 : memref<216x128xf32, #tpu.memory_space<vmem_shared>>) dst(%dma_wait3A_345 : memref<216x128xf32, #tpu.memory_space<hbm>>)
          tpu.yield
        }) : () -> ()
        %barrier3A_341 = arith.constant 0 : index
        tpu.barrier barrier_id(%barrier3A_341)
      }
      %scan3A_267 = arith.constant 3 : i32
    } else {
    }
    %eq3A_251 = arith.constant 1 : i32
    %eq3A_252 = arith.cmpi eq, %arg0, %eq3A_251 : i32
    %convert_element_type3A_253 = arith.extui %eq3A_252 : i1 to i32
    %cond3A_254 = arith.constant 0 : i32
    %cond3A_255 = arith.cmpi ne, %convert_element_type3A_253, %cond3A_254 : i32
    scf.if %cond3A_255 {
      %scan3A_256 = arith.constant 0 : i32
      %scan3A_257 = arith.constant 0 : i32
      %scan3A_258 = arith.constant 3 : i32
      %scan3A_259 = arith.addi %scan3A_257, %scan3A_258 : i32
      %scan3A_260 = arith.constant 1 : i32
      scf.for %scan3A_268 = %scan3A_257 to %scan3A_259 step %scan3A_260  : i32 {
        %mul3A_269 = arith.constant 224 : i32
        %mul3A_270 = arith.muli %arg1, %mul3A_269 : i32
        %multiple_of3A = tpu.assume_multiple %mul3A_270, 8 : i32
        "tpu.region"() ({
          %run_scoped3A = tpu.sem_alloc : memref<!tpu.dma_semaphore, #tpu.memory_space<semaphore_mem>>
          %dma_start3A = arith.constant 0 : i32
          %dma_start3A_342 = tpu.memref_slice %arg19[%multiple_of3A, %dma_start3A] : memref<3584x128xf32, #tpu.memory_space<vmem_shared>> -> memref<112x128xf32, #tpu.memory_space<vmem_shared>>
          %dma_start3A_343 = arith.constant 0 : i32
          %dma_start3A_344 = tpu.memref_slice %arg19[%multiple_of3A, %dma_start3A_343] : memref<3584x128xf32, #tpu.memory_space<vmem_shared>> -> memref<112x128xf32, #tpu.memory_space<vmem_shared>>
          tpu.enqueue_dma source(%arg18 : memref<112x128xf32, #tpu.memory_space<vmem>>) target(%dma_start3A_344 : memref<112x128xf32, #tpu.memory_space<vmem_shared>>) target_semaphore(%run_scoped3A : memref<!tpu.dma_semaphore, #tpu.memory_space<semaphore_mem>>)
          %dma_wait3A = arith.constant 0 : i32
          %dma_wait3A_345 = tpu.memref_slice %arg19[%multiple_of3A, %dma_wait3A] : memref<3584x128xf32, #tpu.memory_space<vmem_shared>> -> memref<112x128xf32, #tpu.memory_space<vmem_shared>>
          %dma_wait3A_346 = arith.constant 0 : i32
          %dma_wait3A_347 = tpu.memref_slice %arg19[%multiple_of3A, %dma_wait3A_346] : memref<3584x128xf32, #tpu.memory_space<vmem_shared>> -> memref<112x128xf32, #tpu.memory_space<vmem_shared>>
          tpu.wait_dma2 semaphore(%run_scoped3A : memref<!tpu.dma_semaphore, #tpu.memory_space<semaphore_mem>>) src(%arg18 : memref<112x128xf32, #tpu.memory_space<vmem>>) dst(%dma_wait3A_347 : memref<112x128xf32, #tpu.memory_space<vmem_shared>>)
          tpu.yield
        }) : () -> ()
        %mul3A_271 = arith.constant 224 : i32
        %mul3A_272 = arith.muli %arg1, %mul3A_271 : i32
        %add3A_273 = arith.constant 112 : i32
        %add3A_274 = arith.addi %mul3A_272, %add3A_273 : i32
        %multiple_of3A_275 = tpu.assume_multiple %add3A_274, 8 : i32
        "tpu.region"() ({
          %run_scoped3A = tpu.sem_alloc : memref<!tpu.dma_semaphore, #tpu.memory_space<semaphore_mem>>
          %dma_start3A = arith.constant 0 : i32
          %dma_start3A_342 = tpu.memref_slice %arg19[%multiple_of3A_275, %dma_start3A] : memref<3584x128xf32, #tpu.memory_space<vmem_shared>> -> memref<112x128xf32, #tpu.memory_space<vmem_shared>>
          %dma_start3A_343 = arith.constant 0 : i32
          %dma_start3A_344 = tpu.memref_slice %arg19[%multiple_of3A_275, %dma_start3A_343] : memref<3584x128xf32, #tpu.memory_space<vmem_shared>> -> memref<112x128xf32, #tpu.memory_space<vmem_shared>>
          tpu.enqueue_dma source(%arg18 : memref<112x128xf32, #tpu.memory_space<vmem>>) target(%dma_start3A_344 : memref<112x128xf32, #tpu.memory_space<vmem_shared>>) target_semaphore(%run_scoped3A : memref<!tpu.dma_semaphore, #tpu.memory_space<semaphore_mem>>)
          %dma_wait3A = arith.constant 0 : i32
          %dma_wait3A_345 = tpu.memref_slice %arg19[%multiple_of3A_275, %dma_wait3A] : memref<3584x128xf32, #tpu.memory_space<vmem_shared>> -> memref<112x128xf32, #tpu.memory_space<vmem_shared>>
          %dma_wait3A_346 = arith.constant 0 : i32
          %dma_wait3A_347 = tpu.memref_slice %arg19[%multiple_of3A_275, %dma_wait3A_346] : memref<3584x128xf32, #tpu.memory_space<vmem_shared>> -> memref<112x128xf32, #tpu.memory_space<vmem_shared>>
          tpu.wait_dma2 semaphore(%run_scoped3A : memref<!tpu.dma_semaphore, #tpu.memory_space<semaphore_mem>>) src(%arg18 : memref<112x128xf32, #tpu.memory_space<vmem>>) dst(%dma_wait3A_347 : memref<112x128xf32, #tpu.memory_space<vmem_shared>>)
          tpu.yield
        }) : () -> ()
        %barrier3A = arith.constant 0 : index
        tpu.barrier barrier_id(%barrier3A)
        %eq3A_276 = vector.broadcast %scan3A_268 : i32 to vector<16xi32>
        %eq3A_277 = arith.cmpi eq, %iota3A, %eq3A_276 : vector<16xi32>
        %jit3A_278 = arith.constant 0 : i32
        %broadcast_in_dim3A_279 = vector.broadcast %jit3A_278 : i32 to vector<16xi32>
        %select_n3A_280 = arith.select %eq3A_277, %add3A_233, %broadcast_in_dim3A_279 : vector<16xi1>, vector<16xi32>
        %reduce_sum3A_281 = arith.constant true
        %reduce_sum3A_282 = vector.broadcast %reduce_sum3A_281 : i1 to vector<16xi1>
        %reduce_sum3A_283 = tpu.scan <sum>, %select_n3A_280 masked %reduce_sum3A_282 : vector<16xi32>, vector<16xi1> -> vector<16xi32>
        %reduce_sum3A_284 = vector.extract %reduce_sum3A_283[15] : i32 from vector<16xi32>
        %eq3A_285 = vector.broadcast %scan3A_268 : i32 to vector<16xi32>
        %eq3A_286 = arith.cmpi eq, %iota3A, %eq3A_285 : vector<16xi32>
        %jit3A_287 = arith.constant 0 : i32
        %broadcast_in_dim3A_288 = vector.broadcast %jit3A_287 : i32 to vector<16xi32>
        %select_n3A_289 = arith.select %eq3A_286, %add3A_241, %broadcast_in_dim3A_288 : vector<16xi1>, vector<16xi32>
        %reduce_sum3A_290 = arith.constant true
        %reduce_sum3A_291 = vector.broadcast %reduce_sum3A_290 : i1 to vector<16xi1>
        %reduce_sum3A_292 = tpu.scan <sum>, %select_n3A_289 masked %reduce_sum3A_291 : vector<16xi32>, vector<16xi1> -> vector<16xi32>
        %reduce_sum3A_293 = vector.extract %reduce_sum3A_292[15] : i32 from vector<16xi32>
        %gt3A = arith.constant 0 : i32
        %gt3A_294 = arith.cmpi sgt, %reduce_sum3A_284, %gt3A : i32
        %convert_element_type3A_295 = arith.extui %gt3A_294 : i1 to i32
        %cond3A_296 = arith.constant 0 : i32
        %cond3A_297 = arith.cmpi ne, %convert_element_type3A_295, %cond3A_296 : i32
        scf.if %cond3A_297 {
          %dma_start3A = arith.constant 0 : i32
          %dma_start3A_342 = tpu.memref_slice %arg13[%reduce_sum3A_293, %dma_start3A] : memref<88x128xi32, #tpu.memory_space<vmem>> -> memref<1x128xi32, #tpu.memory_space<vmem>>
          %dma_start3A_343 = tpu.memref_squeeze %dma_start3A_342 : memref<1x128xi32, #tpu.memory_space<vmem>> -> memref<128xi32, #tpu.memory_space<vmem>>
          %dma_start3A_344 = arith.constant 0 : i32
          %dma_start3A_345 = arith.constant 0 : i32
          %dma_start3A_346 = tpu.memref_slice %arg6[%dma_start3A_344, %dma_start3A_345] : memref<10000x128xf32, #tpu.memory_space<hbm>> -> memref<10000x128xf32, #tpu.memory_space<hbm>>
          tpu.enqueue_indirect_dma source(%dma_start3A_346 : memref<10000x128xf32, #tpu.memory_space<hbm>>) target(%arg16 : memref<128x128xf32, #tpu.memory_space<vmem>>) offsets(%dma_start3A_343 : memref<128xi32, #tpu.memory_space<vmem>>) semaphore(%arg20 : memref<!tpu.dma_semaphore, #tpu.memory_space<semaphore_mem>>)
          %add3A_347 = arith.constant 1 : i32
          %add3A_348 = arith.addi %reduce_sum3A_293, %add3A_347 : i32
          %dma_start3A_349 = arith.constant 0 : i32
          %dma_start3A_350 = tpu.memref_slice %arg13[%add3A_348, %dma_start3A_349] : memref<88x128xi32, #tpu.memory_space<vmem>> -> memref<1x128xi32, #tpu.memory_space<vmem>>
          %dma_start3A_351 = tpu.memref_squeeze %dma_start3A_350 : memref<1x128xi32, #tpu.memory_space<vmem>> -> memref<128xi32, #tpu.memory_space<vmem>>
          %dma_start3A_352 = arith.constant 0 : i32
          %dma_start3A_353 = arith.constant 0 : i32
          %dma_start3A_354 = tpu.memref_slice %arg6[%dma_start3A_352, %dma_start3A_353] : memref<10000x128xf32, #tpu.memory_space<hbm>> -> memref<10000x128xf32, #tpu.memory_space<hbm>>
          tpu.enqueue_indirect_dma source(%dma_start3A_354 : memref<10000x128xf32, #tpu.memory_space<hbm>>) target(%arg17 : memref<128x128xf32, #tpu.memory_space<vmem>>) offsets(%dma_start3A_351 : memref<128xi32, #tpu.memory_space<vmem>>) semaphore(%arg21 : memref<!tpu.dma_semaphore, #tpu.memory_space<semaphore_mem>>)
        } else {
        }
        %jit3A_298 = arith.constant 2 : i32
        %div3A_299 = arith.divsi %reduce_sum3A_284, %jit3A_298 : i32
        %sign3A_300 = arith.constant 0 : i32
        %sign3A_301 = arith.cmpi sgt, %reduce_sum3A_284, %sign3A_300 : i32
        %sign3A_302 = arith.extui %sign3A_301 : i1 to i32
        %sign3A_303 = arith.constant 0 : i32
        %sign3A_304 = arith.cmpi slt, %reduce_sum3A_284, %sign3A_303 : i32
        %sign3A_305 = arith.extui %sign3A_304 : i1 to i32
        %sign3A_306 = arith.subi %sign3A_302, %sign3A_305 : i32
        %sign3A_307 = arith.constant 0 : i32
        %sign3A_308 = arith.cmpi sgt, %jit3A_298, %sign3A_307 : i32
        %sign3A_309 = arith.extui %sign3A_308 : i1 to i32
        %sign3A_310 = arith.constant 0 : i32
        %sign3A_311 = arith.cmpi slt, %jit3A_298, %sign3A_310 : i32
        %sign3A_312 = arith.extui %sign3A_311 : i1 to i32
        %sign3A_313 = arith.subi %sign3A_309, %sign3A_312 : i32
        %ne3A_314 = arith.cmpi ne, %sign3A_306, %sign3A_313 : i32
        %rem3A_315 = arith.remsi %reduce_sum3A_284, %jit3A_298 : i32
        %ne3A_316 = arith.constant 0 : i32
        %ne3A_317 = arith.cmpi ne, %rem3A_315, %ne3A_316 : i32
        %and3A_318 = arith.andi %ne3A_314, %ne3A_317 : i1
        %sub3A_319 = arith.constant 1 : i32
        %sub3A_320 = arith.subi %div3A_299, %sub3A_319 : i32
        %select_n3A_321 = arith.select %and3A_318, %sub3A_320, %div3A_299 : i32
        %while3A = arith.constant 0 : i32
        %while3A_322 = arith.constant 0 : i32
        %while3A_323 = arith.subi %select_n3A_321, %while3A_322 : i32
        %while3A_324 = arith.addi %while3A_322, %while3A_323 : i32
        %while3A_325 = arith.constant 1 : i32
        %while3A_326 = arith.divsi %while3A_323, %while3A_325 : i32
        %while3A_327 = arith.muli %while3A_326, %while3A_325 : i32
        %while3A_328 = arith.addi %while3A_322, %while3A_327 : i32
        %while3A_329 = arith.constant 1 : i32
        scf.for %while3A_342 = %while3A_322 to %while3A_328 step %while3A_329  : i32 {
          %mul3A_343 = arith.constant 2 : i32
          %mul3A_344 = arith.muli %mul3A_343, %while3A_342 : i32
          %add3A_345 = arith.addi %reduce_sum3A_293, %mul3A_344 : i32
          %dma_wait3A = arith.constant 0 : i32
          %dma_wait3A_346 = tpu.memref_slice %arg13[%add3A_345, %dma_wait3A] : memref<88x128xi32, #tpu.memory_space<vmem>> -> memref<1x128xi32, #tpu.memory_space<vmem>>
          %dma_wait3A_347 = tpu.memref_squeeze %dma_wait3A_346 : memref<1x128xi32, #tpu.memory_space<vmem>> -> memref<128xi32, #tpu.memory_space<vmem>>
          %dma_wait3A_348 = arith.constant 0 : i32
          %dma_wait3A_349 = arith.constant 0 : i32
          %dma_wait3A_350 = tpu.memref_slice %arg6[%dma_wait3A_348, %dma_wait3A_349] : memref<10000x128xf32, #tpu.memory_space<hbm>> -> memref<10000x128xf32, #tpu.memory_space<hbm>>
          tpu.wait_indirect_dma semaphore(%arg20 : memref<!tpu.dma_semaphore, #tpu.memory_space<semaphore_mem>>) src(%dma_wait3A_350 : memref<10000x128xf32, #tpu.memory_space<hbm>>) dst(%arg16 : memref<128x128xf32, #tpu.memory_space<vmem>>)
          %dma_start3A = arith.constant 0 : i32
          %dma_start3A_351 = tpu.memref_slice %arg14[%add3A_345, %dma_start3A] : memref<88x128xi32, #tpu.memory_space<vmem>> -> memref<1x128xi32, #tpu.memory_space<vmem>>
          %dma_start3A_352 = tpu.memref_squeeze %dma_start3A_351 : memref<1x128xi32, #tpu.memory_space<vmem>> -> memref<128xi32, #tpu.memory_space<vmem>>
          %dma_start3A_353 = arith.constant 0 : i32
          %dma_start3A_354 = arith.constant 0 : i32
          %dma_start3A_355 = tpu.memref_slice %arg19[%dma_start3A_353, %dma_start3A_354] : memref<3584x128xf32, #tpu.memory_space<vmem_shared>> -> memref<3584x128xf32, #tpu.memory_space<vmem_shared>>
          tpu.enqueue_indirect_dma source(%arg16 : memref<128x128xf32, #tpu.memory_space<vmem>>) target(%dma_start3A_355 : memref<3584x128xf32, #tpu.memory_space<vmem_shared>>) offsets(%dma_start3A_352 : memref<128xi32, #tpu.memory_space<vmem>>) semaphore(%arg22 : memref<!tpu.dma_semaphore, #tpu.memory_space<semaphore_mem>>) {add = true}
          %add3A_356 = arith.constant 1 : i32
          %add3A_357 = arith.addi %add3A_345, %add3A_356 : i32
          %dma_wait3A_358 = arith.constant 0 : i32
          %dma_wait3A_359 = tpu.memref_slice %arg13[%add3A_357, %dma_wait3A_358] : memref<88x128xi32, #tpu.memory_space<vmem>> -> memref<1x128xi32, #tpu.memory_space<vmem>>
          %dma_wait3A_360 = tpu.memref_squeeze %dma_wait3A_359 : memref<1x128xi32, #tpu.memory_space<vmem>> -> memref<128xi32, #tpu.memory_space<vmem>>
          %dma_wait3A_361 = arith.constant 0 : i32
          %dma_wait3A_362 = arith.constant 0 : i32
          %dma_wait3A_363 = tpu.memref_slice %arg6[%dma_wait3A_361, %dma_wait3A_362] : memref<10000x128xf32, #tpu.memory_space<hbm>> -> memref<10000x128xf32, #tpu.memory_space<hbm>>
          tpu.wait_indirect_dma semaphore(%arg21 : memref<!tpu.dma_semaphore, #tpu.memory_space<semaphore_mem>>) src(%dma_wait3A_363 : memref<10000x128xf32, #tpu.memory_space<hbm>>) dst(%arg17 : memref<128x128xf32, #tpu.memory_space<vmem>>)
          %add3A_364 = arith.constant 1 : i32
          %add3A_365 = arith.addi %add3A_345, %add3A_364 : i32
          %dma_start3A_366 = arith.constant 0 : i32
          %dma_start3A_367 = tpu.memref_slice %arg14[%add3A_365, %dma_start3A_366] : memref<88x128xi32, #tpu.memory_space<vmem>> -> memref<1x128xi32, #tpu.memory_space<vmem>>
          %dma_start3A_368 = tpu.memref_squeeze %dma_start3A_367 : memref<1x128xi32, #tpu.memory_space<vmem>> -> memref<128xi32, #tpu.memory_space<vmem>>
          %dma_start3A_369 = arith.constant 0 : i32
          %dma_start3A_370 = arith.constant 0 : i32
          %dma_start3A_371 = tpu.memref_slice %arg19[%dma_start3A_369, %dma_start3A_370] : memref<3584x128xf32, #tpu.memory_space<vmem_shared>> -> memref<3584x128xf32, #tpu.memory_space<vmem_shared>>
          tpu.enqueue_indirect_dma source(%arg17 : memref<128x128xf32, #tpu.memory_space<vmem>>) target(%dma_start3A_371 : memref<3584x128xf32, #tpu.memory_space<vmem_shared>>) offsets(%dma_start3A_368 : memref<128xi32, #tpu.memory_space<vmem>>) semaphore(%arg23 : memref<!tpu.dma_semaphore, #tpu.memory_space<semaphore_mem>>) {add = true}
          %dma_wait3A_372 = arith.constant 0 : i32
          %dma_wait3A_373 = tpu.memref_slice %arg14[%add3A_345, %dma_wait3A_372] : memref<88x128xi32, #tpu.memory_space<vmem>> -> memref<1x128xi32, #tpu.memory_space<vmem>>
          %dma_wait3A_374 = tpu.memref_squeeze %dma_wait3A_373 : memref<1x128xi32, #tpu.memory_space<vmem>> -> memref<128xi32, #tpu.memory_space<vmem>>
          %dma_wait3A_375 = arith.constant 0 : i32
          %dma_wait3A_376 = arith.constant 0 : i32
          %dma_wait3A_377 = tpu.memref_slice %arg19[%dma_wait3A_375, %dma_wait3A_376] : memref<3584x128xf32, #tpu.memory_space<vmem_shared>> -> memref<3584x128xf32, #tpu.memory_space<vmem_shared>>
          tpu.wait_indirect_dma semaphore(%arg22 : memref<!tpu.dma_semaphore, #tpu.memory_space<semaphore_mem>>) src(%arg16 : memref<128x128xf32, #tpu.memory_space<vmem>>) dst(%dma_wait3A_377 : memref<3584x128xf32, #tpu.memory_space<vmem_shared>>)
          %mul3A_378 = arith.constant 2 : i32
          %mul3A_379 = arith.muli %mul3A_378, %while3A_342 : i32
          %add3A_380 = arith.constant 2 : i32
          %add3A_381 = arith.addi %mul3A_379, %add3A_380 : i32
          %lt3A = arith.cmpi slt, %add3A_381, %reduce_sum3A_284 : i32
          %convert_element_type3A_382 = arith.extui %lt3A : i1 to i32
          %cond3A_383 = arith.constant 0 : i32
          %cond3A_384 = arith.cmpi ne, %convert_element_type3A_382, %cond3A_383 : i32
          scf.if %cond3A_384 {
            %add3A_401 = arith.constant 2 : i32
            %add3A_402 = arith.addi %add3A_345, %add3A_401 : i32
            %dma_start3A_403 = arith.constant 0 : i32
            %dma_start3A_404 = tpu.memref_slice %arg13[%add3A_402, %dma_start3A_403] : memref<88x128xi32, #tpu.memory_space<vmem>> -> memref<1x128xi32, #tpu.memory_space<vmem>>
            %dma_start3A_405 = tpu.memref_squeeze %dma_start3A_404 : memref<1x128xi32, #tpu.memory_space<vmem>> -> memref<128xi32, #tpu.memory_space<vmem>>
            %dma_start3A_406 = arith.constant 0 : i32
            %dma_start3A_407 = arith.constant 0 : i32
            %dma_start3A_408 = tpu.memref_slice %arg6[%dma_start3A_406, %dma_start3A_407] : memref<10000x128xf32, #tpu.memory_space<hbm>> -> memref<10000x128xf32, #tpu.memory_space<hbm>>
            tpu.enqueue_indirect_dma source(%dma_start3A_408 : memref<10000x128xf32, #tpu.memory_space<hbm>>) target(%arg16 : memref<128x128xf32, #tpu.memory_space<vmem>>) offsets(%dma_start3A_405 : memref<128xi32, #tpu.memory_space<vmem>>) semaphore(%arg20 : memref<!tpu.dma_semaphore, #tpu.memory_space<semaphore_mem>>)
          } else {
          }
          %add3A_385 = arith.constant 1 : i32
          %add3A_386 = arith.addi %add3A_345, %add3A_385 : i32
          %dma_wait3A_387 = arith.constant 0 : i32
          %dma_wait3A_388 = tpu.memref_slice %arg14[%add3A_386, %dma_wait3A_387] : memref<88x128xi32, #tpu.memory_space<vmem>> -> memref<1x128xi32, #tpu.memory_space<vmem>>
          %dma_wait3A_389 = tpu.memref_squeeze %dma_wait3A_388 : memref<1x128xi32, #tpu.memory_space<vmem>> -> memref<128xi32, #tpu.memory_space<vmem>>
          %dma_wait3A_390 = arith.constant 0 : i32
          %dma_wait3A_391 = arith.constant 0 : i32
          %dma_wait3A_392 = tpu.memref_slice %arg19[%dma_wait3A_390, %dma_wait3A_391] : memref<3584x128xf32, #tpu.memory_space<vmem_shared>> -> memref<3584x128xf32, #tpu.memory_space<vmem_shared>>
          tpu.wait_indirect_dma semaphore(%arg23 : memref<!tpu.dma_semaphore, #tpu.memory_space<semaphore_mem>>) src(%arg17 : memref<128x128xf32, #tpu.memory_space<vmem>>) dst(%dma_wait3A_392 : memref<3584x128xf32, #tpu.memory_space<vmem_shared>>)
          %mul3A_393 = arith.constant 2 : i32
          %mul3A_394 = arith.muli %mul3A_393, %while3A_342 : i32
          %add3A_395 = arith.constant 3 : i32
          %add3A_396 = arith.addi %mul3A_394, %add3A_395 : i32
          %lt3A_397 = arith.cmpi slt, %add3A_396, %reduce_sum3A_284 : i32
          %convert_element_type3A_398 = arith.extui %lt3A_397 : i1 to i32
          %cond3A_399 = arith.constant 0 : i32
          %cond3A_400 = arith.cmpi ne, %convert_element_type3A_398, %cond3A_399 : i32
          scf.if %cond3A_400 {
            %add3A_401 = arith.constant 3 : i32
            %add3A_402 = arith.addi %add3A_345, %add3A_401 : i32
            %dma_start3A_403 = arith.constant 0 : i32
            %dma_start3A_404 = tpu.memref_slice %arg13[%add3A_402, %dma_start3A_403] : memref<88x128xi32, #tpu.memory_space<vmem>> -> memref<1x128xi32, #tpu.memory_space<vmem>>
            %dma_start3A_405 = tpu.memref_squeeze %dma_start3A_404 : memref<1x128xi32, #tpu.memory_space<vmem>> -> memref<128xi32, #tpu.memory_space<vmem>>
            %dma_start3A_406 = arith.constant 0 : i32
            %dma_start3A_407 = arith.constant 0 : i32
            %dma_start3A_408 = tpu.memref_slice %arg6[%dma_start3A_406, %dma_start3A_407] : memref<10000x128xf32, #tpu.memory_space<hbm>> -> memref<10000x128xf32, #tpu.memory_space<hbm>>
            tpu.enqueue_indirect_dma source(%dma_start3A_408 : memref<10000x128xf32, #tpu.memory_space<hbm>>) target(%arg17 : memref<128x128xf32, #tpu.memory_space<vmem>>) offsets(%dma_start3A_405 : memref<128xi32, #tpu.memory_space<vmem>>) semaphore(%arg21 : memref<!tpu.dma_semaphore, #tpu.memory_space<semaphore_mem>>)
          } else {
          }
        }
        %while3A_330 = arith.constant 1 : i32
        scf.for %while3A_342 = %while3A_328 to %while3A_324 step %while3A_330  : i32 {
          %mul3A_343 = arith.constant 2 : i32
          %mul3A_344 = arith.muli %mul3A_343, %while3A_342 : i32
          %add3A_345 = arith.addi %reduce_sum3A_293, %mul3A_344 : i32
          %dma_wait3A = arith.constant 0 : i32
          %dma_wait3A_346 = tpu.memref_slice %arg13[%add3A_345, %dma_wait3A] : memref<88x128xi32, #tpu.memory_space<vmem>> -> memref<1x128xi32, #tpu.memory_space<vmem>>
          %dma_wait3A_347 = tpu.memref_squeeze %dma_wait3A_346 : memref<1x128xi32, #tpu.memory_space<vmem>> -> memref<128xi32, #tpu.memory_space<vmem>>
          %dma_wait3A_348 = arith.constant 0 : i32
          %dma_wait3A_349 = arith.constant 0 : i32
          %dma_wait3A_350 = tpu.memref_slice %arg6[%dma_wait3A_348, %dma_wait3A_349] : memref<10000x128xf32, #tpu.memory_space<hbm>> -> memref<10000x128xf32, #tpu.memory_space<hbm>>
          tpu.wait_indirect_dma semaphore(%arg20 : memref<!tpu.dma_semaphore, #tpu.memory_space<semaphore_mem>>) src(%dma_wait3A_350 : memref<10000x128xf32, #tpu.memory_space<hbm>>) dst(%arg16 : memref<128x128xf32, #tpu.memory_space<vmem>>)
          %dma_start3A = arith.constant 0 : i32
          %dma_start3A_351 = tpu.memref_slice %arg14[%add3A_345, %dma_start3A] : memref<88x128xi32, #tpu.memory_space<vmem>> -> memref<1x128xi32, #tpu.memory_space<vmem>>
          %dma_start3A_352 = tpu.memref_squeeze %dma_start3A_351 : memref<1x128xi32, #tpu.memory_space<vmem>> -> memref<128xi32, #tpu.memory_space<vmem>>
          %dma_start3A_353 = arith.constant 0 : i32
          %dma_start3A_354 = arith.constant 0 : i32
          %dma_start3A_355 = tpu.memref_slice %arg19[%dma_start3A_353, %dma_start3A_354] : memref<3584x128xf32, #tpu.memory_space<vmem_shared>> -> memref<3584x128xf32, #tpu.memory_space<vmem_shared>>
          tpu.enqueue_indirect_dma source(%arg16 : memref<128x128xf32, #tpu.memory_space<vmem>>) target(%dma_start3A_355 : memref<3584x128xf32, #tpu.memory_space<vmem_shared>>) offsets(%dma_start3A_352 : memref<128xi32, #tpu.memory_space<vmem>>) semaphore(%arg22 : memref<!tpu.dma_semaphore, #tpu.memory_space<semaphore_mem>>) {add = true}
          %add3A_356 = arith.constant 1 : i32
          %add3A_357 = arith.addi %add3A_345, %add3A_356 : i32
          %dma_wait3A_358 = arith.constant 0 : i32
          %dma_wait3A_359 = tpu.memref_slice %arg13[%add3A_357, %dma_wait3A_358] : memref<88x128xi32, #tpu.memory_space<vmem>> -> memref<1x128xi32, #tpu.memory_space<vmem>>
          %dma_wait3A_360 = tpu.memref_squeeze %dma_wait3A_359 : memref<1x128xi32, #tpu.memory_space<vmem>> -> memref<128xi32, #tpu.memory_space<vmem>>
          %dma_wait3A_361 = arith.constant 0 : i32
          %dma_wait3A_362 = arith.constant 0 : i32
          %dma_wait3A_363 = tpu.memref_slice %arg6[%dma_wait3A_361, %dma_wait3A_362] : memref<10000x128xf32, #tpu.memory_space<hbm>> -> memref<10000x128xf32, #tpu.memory_space<hbm>>
          tpu.wait_indirect_dma semaphore(%arg21 : memref<!tpu.dma_semaphore, #tpu.memory_space<semaphore_mem>>) src(%dma_wait3A_363 : memref<10000x128xf32, #tpu.memory_space<hbm>>) dst(%arg17 : memref<128x128xf32, #tpu.memory_space<vmem>>)
          %add3A_364 = arith.constant 1 : i32
          %add3A_365 = arith.addi %add3A_345, %add3A_364 : i32
          %dma_start3A_366 = arith.constant 0 : i32
          %dma_start3A_367 = tpu.memref_slice %arg14[%add3A_365, %dma_start3A_366] : memref<88x128xi32, #tpu.memory_space<vmem>> -> memref<1x128xi32, #tpu.memory_space<vmem>>
          %dma_start3A_368 = tpu.memref_squeeze %dma_start3A_367 : memref<1x128xi32, #tpu.memory_space<vmem>> -> memref<128xi32, #tpu.memory_space<vmem>>
          %dma_start3A_369 = arith.constant 0 : i32
          %dma_start3A_370 = arith.constant 0 : i32
          %dma_start3A_371 = tpu.memref_slice %arg19[%dma_start3A_369, %dma_start3A_370] : memref<3584x128xf32, #tpu.memory_space<vmem_shared>> -> memref<3584x128xf32, #tpu.memory_space<vmem_shared>>
          tpu.enqueue_indirect_dma source(%arg17 : memref<128x128xf32, #tpu.memory_space<vmem>>) target(%dma_start3A_371 : memref<3584x128xf32, #tpu.memory_space<vmem_shared>>) offsets(%dma_start3A_368 : memref<128xi32, #tpu.memory_space<vmem>>) semaphore(%arg23 : memref<!tpu.dma_semaphore, #tpu.memory_space<semaphore_mem>>) {add = true}
          %dma_wait3A_372 = arith.constant 0 : i32
          %dma_wait3A_373 = tpu.memref_slice %arg14[%add3A_345, %dma_wait3A_372] : memref<88x128xi32, #tpu.memory_space<vmem>> -> memref<1x128xi32, #tpu.memory_space<vmem>>
          %dma_wait3A_374 = tpu.memref_squeeze %dma_wait3A_373 : memref<1x128xi32, #tpu.memory_space<vmem>> -> memref<128xi32, #tpu.memory_space<vmem>>
          %dma_wait3A_375 = arith.constant 0 : i32
          %dma_wait3A_376 = arith.constant 0 : i32
          %dma_wait3A_377 = tpu.memref_slice %arg19[%dma_wait3A_375, %dma_wait3A_376] : memref<3584x128xf32, #tpu.memory_space<vmem_shared>> -> memref<3584x128xf32, #tpu.memory_space<vmem_shared>>
          tpu.wait_indirect_dma semaphore(%arg22 : memref<!tpu.dma_semaphore, #tpu.memory_space<semaphore_mem>>) src(%arg16 : memref<128x128xf32, #tpu.memory_space<vmem>>) dst(%dma_wait3A_377 : memref<3584x128xf32, #tpu.memory_space<vmem_shared>>)
          %mul3A_378 = arith.constant 2 : i32
          %mul3A_379 = arith.muli %mul3A_378, %while3A_342 : i32
          %add3A_380 = arith.constant 2 : i32
          %add3A_381 = arith.addi %mul3A_379, %add3A_380 : i32
          %lt3A = arith.cmpi slt, %add3A_381, %reduce_sum3A_284 : i32
          %convert_element_type3A_382 = arith.extui %lt3A : i1 to i32
          %cond3A_383 = arith.constant 0 : i32
          %cond3A_384 = arith.cmpi ne, %convert_element_type3A_382, %cond3A_383 : i32
          scf.if %cond3A_384 {
            %add3A_401 = arith.constant 2 : i32
            %add3A_402 = arith.addi %add3A_345, %add3A_401 : i32
            %dma_start3A_403 = arith.constant 0 : i32
            %dma_start3A_404 = tpu.memref_slice %arg13[%add3A_402, %dma_start3A_403] : memref<88x128xi32, #tpu.memory_space<vmem>> -> memref<1x128xi32, #tpu.memory_space<vmem>>
            %dma_start3A_405 = tpu.memref_squeeze %dma_start3A_404 : memref<1x128xi32, #tpu.memory_space<vmem>> -> memref<128xi32, #tpu.memory_space<vmem>>
            %dma_start3A_406 = arith.constant 0 : i32
            %dma_start3A_407 = arith.constant 0 : i32
            %dma_start3A_408 = tpu.memref_slice %arg6[%dma_start3A_406, %dma_start3A_407] : memref<10000x128xf32, #tpu.memory_space<hbm>> -> memref<10000x128xf32, #tpu.memory_space<hbm>>
            tpu.enqueue_indirect_dma source(%dma_start3A_408 : memref<10000x128xf32, #tpu.memory_space<hbm>>) target(%arg16 : memref<128x128xf32, #tpu.memory_space<vmem>>) offsets(%dma_start3A_405 : memref<128xi32, #tpu.memory_space<vmem>>) semaphore(%arg20 : memref<!tpu.dma_semaphore, #tpu.memory_space<semaphore_mem>>)
          } else {
          }
          %add3A_385 = arith.constant 1 : i32
          %add3A_386 = arith.addi %add3A_345, %add3A_385 : i32
          %dma_wait3A_387 = arith.constant 0 : i32
          %dma_wait3A_388 = tpu.memref_slice %arg14[%add3A_386, %dma_wait3A_387] : memref<88x128xi32, #tpu.memory_space<vmem>> -> memref<1x128xi32, #tpu.memory_space<vmem>>
          %dma_wait3A_389 = tpu.memref_squeeze %dma_wait3A_388 : memref<1x128xi32, #tpu.memory_space<vmem>> -> memref<128xi32, #tpu.memory_space<vmem>>
          %dma_wait3A_390 = arith.constant 0 : i32
          %dma_wait3A_391 = arith.constant 0 : i32
          %dma_wait3A_392 = tpu.memref_slice %arg19[%dma_wait3A_390, %dma_wait3A_391] : memref<3584x128xf32, #tpu.memory_space<vmem_shared>> -> memref<3584x128xf32, #tpu.memory_space<vmem_shared>>
          tpu.wait_indirect_dma semaphore(%arg23 : memref<!tpu.dma_semaphore, #tpu.memory_space<semaphore_mem>>) src(%arg17 : memref<128x128xf32, #tpu.memory_space<vmem>>) dst(%dma_wait3A_392 : memref<3584x128xf32, #tpu.memory_space<vmem_shared>>)
          %mul3A_393 = arith.constant 2 : i32
          %mul3A_394 = arith.muli %mul3A_393, %while3A_342 : i32
          %add3A_395 = arith.constant 3 : i32
          %add3A_396 = arith.addi %mul3A_394, %add3A_395 : i32
          %lt3A_397 = arith.cmpi slt, %add3A_396, %reduce_sum3A_284 : i32
          %convert_element_type3A_398 = arith.extui %lt3A_397 : i1 to i32
          %cond3A_399 = arith.constant 0 : i32
          %cond3A_400 = arith.cmpi ne, %convert_element_type3A_398, %cond3A_399 : i32
          scf.if %cond3A_400 {
            %add3A_401 = arith.constant 3 : i32
            %add3A_402 = arith.addi %add3A_345, %add3A_401 : i32
            %dma_start3A_403 = arith.constant 0 : i32
            %dma_start3A_404 = tpu.memref_slice %arg13[%add3A_402, %dma_start3A_403] : memref<88x128xi32, #tpu.memory_space<vmem>> -> memref<1x128xi32, #tpu.memory_space<vmem>>
            %dma_start3A_405 = tpu.memref_squeeze %dma_start3A_404 : memref<1x128xi32, #tpu.memory_space<vmem>> -> memref<128xi32, #tpu.memory_space<vmem>>
            %dma_start3A_406 = arith.constant 0 : i32
            %dma_start3A_407 = arith.constant 0 : i32
            %dma_start3A_408 = tpu.memref_slice %arg6[%dma_start3A_406, %dma_start3A_407] : memref<10000x128xf32, #tpu.memory_space<hbm>> -> memref<10000x128xf32, #tpu.memory_space<hbm>>
            tpu.enqueue_indirect_dma source(%dma_start3A_408 : memref<10000x128xf32, #tpu.memory_space<hbm>>) target(%arg17 : memref<128x128xf32, #tpu.memory_space<vmem>>) offsets(%dma_start3A_405 : memref<128xi32, #tpu.memory_space<vmem>>) semaphore(%arg21 : memref<!tpu.dma_semaphore, #tpu.memory_space<semaphore_mem>>)
          } else {
          }
        }
        %barrier3A_331 = arith.constant 0 : index
        tpu.barrier barrier_id(%barrier3A_331)
        %mul3A_332 = arith.constant 216 : i32
        %mul3A_333 = arith.muli %arg1, %mul3A_332 : i32
        %multiple_of3A_334 = tpu.assume_multiple %mul3A_333, 8 : i32
        %mul3A_335 = arith.constant 3456 : i32
        %mul3A_336 = arith.muli %scan3A_268, %mul3A_335 : i32
        %mul3A_337 = arith.constant 216 : i32
        %mul3A_338 = arith.muli %arg1, %mul3A_337 : i32
        %add3A_339 = arith.addi %mul3A_336, %mul3A_338 : i32
        %multiple_of3A_340 = tpu.assume_multiple %add3A_339, 8 : i32
        "tpu.region"() ({
          %run_scoped3A = tpu.sem_alloc : memref<!tpu.dma_semaphore, #tpu.memory_space<semaphore_mem>>
          %dma_start3A = arith.constant 0 : i32
          %dma_start3A_342 = tpu.memref_slice %arg10[%multiple_of3A_340, %dma_start3A] : memref<10368x128xf32, #tpu.memory_space<hbm>> -> memref<216x128xf32, #tpu.memory_space<hbm>>
          %dma_start3A_343 = arith.constant 0 : i32
          %dma_start3A_344 = tpu.memref_slice %arg19[%multiple_of3A_334, %dma_start3A_343] : memref<3584x128xf32, #tpu.memory_space<vmem_shared>> -> memref<216x128xf32, #tpu.memory_space<vmem_shared>>
          tpu.enqueue_dma source(%dma_start3A_344 : memref<216x128xf32, #tpu.memory_space<vmem_shared>>) target(%dma_start3A_342 : memref<216x128xf32, #tpu.memory_space<hbm>>) target_semaphore(%run_scoped3A : memref<!tpu.dma_semaphore, #tpu.memory_space<semaphore_mem>>)
          %dma_wait3A = arith.constant 0 : i32
          %dma_wait3A_345 = tpu.memref_slice %arg10[%multiple_of3A_340, %dma_wait3A] : memref<10368x128xf32, #tpu.memory_space<hbm>> -> memref<216x128xf32, #tpu.memory_space<hbm>>
          %dma_wait3A_346 = arith.constant 0 : i32
          %dma_wait3A_347 = tpu.memref_slice %arg19[%multiple_of3A_334, %dma_wait3A_346] : memref<3584x128xf32, #tpu.memory_space<vmem_shared>> -> memref<216x128xf32, #tpu.memory_space<vmem_shared>>
          tpu.wait_dma2 semaphore(%run_scoped3A : memref<!tpu.dma_semaphore, #tpu.memory_space<semaphore_mem>>) src(%dma_wait3A_347 : memref<216x128xf32, #tpu.memory_space<vmem_shared>>) dst(%dma_wait3A_345 : memref<216x128xf32, #tpu.memory_space<hbm>>)
          tpu.yield
        }) : () -> ()
        %barrier3A_341 = arith.constant 0 : index
        tpu.barrier barrier_id(%barrier3A_341)
      }
      %scan3A_261 = arith.constant 3 : i32
      %scan3A_262 = arith.constant 0 : i32
      %scan3A_263 = arith.constant 0 : i32
      %scan3A_264 = arith.constant 3 : i32
      %scan3A_265 = arith.addi %scan3A_263, %scan3A_264 : i32
      %scan3A_266 = arith.constant 1 : i32
      scf.for %scan3A_268 = %scan3A_263 to %scan3A_265 step %scan3A_266  : i32 {
        %mul3A_269 = arith.constant 224 : i32
        %mul3A_270 = arith.muli %arg1, %mul3A_269 : i32
        %multiple_of3A = tpu.assume_multiple %mul3A_270, 8 : i32
        "tpu.region"() ({
          %run_scoped3A = tpu.sem_alloc : memref<!tpu.dma_semaphore, #tpu.memory_space<semaphore_mem>>
          %dma_start3A = arith.constant 0 : i32
          %dma_start3A_342 = tpu.memref_slice %arg19[%multiple_of3A, %dma_start3A] : memref<3584x128xf32, #tpu.memory_space<vmem_shared>> -> memref<112x128xf32, #tpu.memory_space<vmem_shared>>
          %dma_start3A_343 = arith.constant 0 : i32
          %dma_start3A_344 = tpu.memref_slice %arg19[%multiple_of3A, %dma_start3A_343] : memref<3584x128xf32, #tpu.memory_space<vmem_shared>> -> memref<112x128xf32, #tpu.memory_space<vmem_shared>>
          tpu.enqueue_dma source(%arg18 : memref<112x128xf32, #tpu.memory_space<vmem>>) target(%dma_start3A_344 : memref<112x128xf32, #tpu.memory_space<vmem_shared>>) target_semaphore(%run_scoped3A : memref<!tpu.dma_semaphore, #tpu.memory_space<semaphore_mem>>)
          %dma_wait3A = arith.constant 0 : i32
          %dma_wait3A_345 = tpu.memref_slice %arg19[%multiple_of3A, %dma_wait3A] : memref<3584x128xf32, #tpu.memory_space<vmem_shared>> -> memref<112x128xf32, #tpu.memory_space<vmem_shared>>
          %dma_wait3A_346 = arith.constant 0 : i32
          %dma_wait3A_347 = tpu.memref_slice %arg19[%multiple_of3A, %dma_wait3A_346] : memref<3584x128xf32, #tpu.memory_space<vmem_shared>> -> memref<112x128xf32, #tpu.memory_space<vmem_shared>>
          tpu.wait_dma2 semaphore(%run_scoped3A : memref<!tpu.dma_semaphore, #tpu.memory_space<semaphore_mem>>) src(%arg18 : memref<112x128xf32, #tpu.memory_space<vmem>>) dst(%dma_wait3A_347 : memref<112x128xf32, #tpu.memory_space<vmem_shared>>)
          tpu.yield
        }) : () -> ()
        %mul3A_271 = arith.constant 224 : i32
        %mul3A_272 = arith.muli %arg1, %mul3A_271 : i32
        %add3A_273 = arith.constant 112 : i32
        %add3A_274 = arith.addi %mul3A_272, %add3A_273 : i32
        %multiple_of3A_275 = tpu.assume_multiple %add3A_274, 8 : i32
        "tpu.region"() ({
          %run_scoped3A = tpu.sem_alloc : memref<!tpu.dma_semaphore, #tpu.memory_space<semaphore_mem>>
          %dma_start3A = arith.constant 0 : i32
          %dma_start3A_342 = tpu.memref_slice %arg19[%multiple_of3A_275, %dma_start3A] : memref<3584x128xf32, #tpu.memory_space<vmem_shared>> -> memref<112x128xf32, #tpu.memory_space<vmem_shared>>
          %dma_start3A_343 = arith.constant 0 : i32
          %dma_start3A_344 = tpu.memref_slice %arg19[%multiple_of3A_275, %dma_start3A_343] : memref<3584x128xf32, #tpu.memory_space<vmem_shared>> -> memref<112x128xf32, #tpu.memory_space<vmem_shared>>
          tpu.enqueue_dma source(%arg18 : memref<112x128xf32, #tpu.memory_space<vmem>>) target(%dma_start3A_344 : memref<112x128xf32, #tpu.memory_space<vmem_shared>>) target_semaphore(%run_scoped3A : memref<!tpu.dma_semaphore, #tpu.memory_space<semaphore_mem>>)
          %dma_wait3A = arith.constant 0 : i32
          %dma_wait3A_345 = tpu.memref_slice %arg19[%multiple_of3A_275, %dma_wait3A] : memref<3584x128xf32, #tpu.memory_space<vmem_shared>> -> memref<112x128xf32, #tpu.memory_space<vmem_shared>>
          %dma_wait3A_346 = arith.constant 0 : i32
          %dma_wait3A_347 = tpu.memref_slice %arg19[%multiple_of3A_275, %dma_wait3A_346] : memref<3584x128xf32, #tpu.memory_space<vmem_shared>> -> memref<112x128xf32, #tpu.memory_space<vmem_shared>>
          tpu.wait_dma2 semaphore(%run_scoped3A : memref<!tpu.dma_semaphore, #tpu.memory_space<semaphore_mem>>) src(%arg18 : memref<112x128xf32, #tpu.memory_space<vmem>>) dst(%dma_wait3A_347 : memref<112x128xf32, #tpu.memory_space<vmem_shared>>)
          tpu.yield
        }) : () -> ()
        %barrier3A = arith.constant 0 : index
        tpu.barrier barrier_id(%barrier3A)
        %eq3A_276 = vector.broadcast %scan3A_268 : i32 to vector<16xi32>
        %eq3A_277 = arith.cmpi eq, %iota3A, %eq3A_276 : vector<16xi32>
        %jit3A_278 = arith.constant 0 : i32
        %broadcast_in_dim3A_279 = vector.broadcast %jit3A_278 : i32 to vector<16xi32>
        %select_n3A_280 = arith.select %eq3A_277, %add3A_233, %broadcast_in_dim3A_279 : vector<16xi1>, vector<16xi32>
        %reduce_sum3A_281 = arith.constant true
        %reduce_sum3A_282 = vector.broadcast %reduce_sum3A_281 : i1 to vector<16xi1>
        %reduce_sum3A_283 = tpu.scan <sum>, %select_n3A_280 masked %reduce_sum3A_282 : vector<16xi32>, vector<16xi1> -> vector<16xi32>
        %reduce_sum3A_284 = vector.extract %reduce_sum3A_283[15] : i32 from vector<16xi32>
        %eq3A_285 = vector.broadcast %scan3A_268 : i32 to vector<16xi32>
        %eq3A_286 = arith.cmpi eq, %iota3A, %eq3A_285 : vector<16xi32>
        %jit3A_287 = arith.constant 0 : i32
        %broadcast_in_dim3A_288 = vector.broadcast %jit3A_287 : i32 to vector<16xi32>
        %select_n3A_289 = arith.select %eq3A_286, %add3A_241, %broadcast_in_dim3A_288 : vector<16xi1>, vector<16xi32>
        %reduce_sum3A_290 = arith.constant true
        %reduce_sum3A_291 = vector.broadcast %reduce_sum3A_290 : i1 to vector<16xi1>
        %reduce_sum3A_292 = tpu.scan <sum>, %select_n3A_289 masked %reduce_sum3A_291 : vector<16xi32>, vector<16xi1> -> vector<16xi32>
        %reduce_sum3A_293 = vector.extract %reduce_sum3A_292[15] : i32 from vector<16xi32>
        %gt3A = arith.constant 0 : i32
        %gt3A_294 = arith.cmpi sgt, %reduce_sum3A_284, %gt3A : i32
        %convert_element_type3A_295 = arith.extui %gt3A_294 : i1 to i32
        %cond3A_296 = arith.constant 0 : i32
        %cond3A_297 = arith.cmpi ne, %convert_element_type3A_295, %cond3A_296 : i32
        scf.if %cond3A_297 {
          %dma_start3A = arith.constant 0 : i32
          %dma_start3A_342 = tpu.memref_slice %arg13[%reduce_sum3A_293, %dma_start3A] : memref<88x128xi32, #tpu.memory_space<vmem>> -> memref<1x128xi32, #tpu.memory_space<vmem>>
          %dma_start3A_343 = tpu.memref_squeeze %dma_start3A_342 : memref<1x128xi32, #tpu.memory_space<vmem>> -> memref<128xi32, #tpu.memory_space<vmem>>
          %dma_start3A_344 = arith.constant 0 : i32
          %dma_start3A_345 = arith.constant 0 : i32
          %dma_start3A_346 = tpu.memref_slice %arg8[%dma_start3A_344, %dma_start3A_345] : memref<10000x128xf32, #tpu.memory_space<hbm>> -> memref<10000x128xf32, #tpu.memory_space<hbm>>
          tpu.enqueue_indirect_dma source(%dma_start3A_346 : memref<10000x128xf32, #tpu.memory_space<hbm>>) target(%arg16 : memref<128x128xf32, #tpu.memory_space<vmem>>) offsets(%dma_start3A_343 : memref<128xi32, #tpu.memory_space<vmem>>) semaphore(%arg20 : memref<!tpu.dma_semaphore, #tpu.memory_space<semaphore_mem>>)
          %add3A_347 = arith.constant 1 : i32
          %add3A_348 = arith.addi %reduce_sum3A_293, %add3A_347 : i32
          %dma_start3A_349 = arith.constant 0 : i32
          %dma_start3A_350 = tpu.memref_slice %arg13[%add3A_348, %dma_start3A_349] : memref<88x128xi32, #tpu.memory_space<vmem>> -> memref<1x128xi32, #tpu.memory_space<vmem>>
          %dma_start3A_351 = tpu.memref_squeeze %dma_start3A_350 : memref<1x128xi32, #tpu.memory_space<vmem>> -> memref<128xi32, #tpu.memory_space<vmem>>
          %dma_start3A_352 = arith.constant 0 : i32
          %dma_start3A_353 = arith.constant 0 : i32
          %dma_start3A_354 = tpu.memref_slice %arg8[%dma_start3A_352, %dma_start3A_353] : memref<10000x128xf32, #tpu.memory_space<hbm>> -> memref<10000x128xf32, #tpu.memory_space<hbm>>
          tpu.enqueue_indirect_dma source(%dma_start3A_354 : memref<10000x128xf32, #tpu.memory_space<hbm>>) target(%arg17 : memref<128x128xf32, #tpu.memory_space<vmem>>) offsets(%dma_start3A_351 : memref<128xi32, #tpu.memory_space<vmem>>) semaphore(%arg21 : memref<!tpu.dma_semaphore, #tpu.memory_space<semaphore_mem>>)
        } else {
        }
        %jit3A_298 = arith.constant 2 : i32
        %div3A_299 = arith.divsi %reduce_sum3A_284, %jit3A_298 : i32
        %sign3A_300 = arith.constant 0 : i32
        %sign3A_301 = arith.cmpi sgt, %reduce_sum3A_284, %sign3A_300 : i32
        %sign3A_302 = arith.extui %sign3A_301 : i1 to i32
        %sign3A_303 = arith.constant 0 : i32
        %sign3A_304 = arith.cmpi slt, %reduce_sum3A_284, %sign3A_303 : i32
        %sign3A_305 = arith.extui %sign3A_304 : i1 to i32
        %sign3A_306 = arith.subi %sign3A_302, %sign3A_305 : i32
        %sign3A_307 = arith.constant 0 : i32
        %sign3A_308 = arith.cmpi sgt, %jit3A_298, %sign3A_307 : i32
        %sign3A_309 = arith.extui %sign3A_308 : i1 to i32
        %sign3A_310 = arith.constant 0 : i32
        %sign3A_311 = arith.cmpi slt, %jit3A_298, %sign3A_310 : i32
        %sign3A_312 = arith.extui %sign3A_311 : i1 to i32
        %sign3A_313 = arith.subi %sign3A_309, %sign3A_312 : i32
        %ne3A_314 = arith.cmpi ne, %sign3A_306, %sign3A_313 : i32
        %rem3A_315 = arith.remsi %reduce_sum3A_284, %jit3A_298 : i32
        %ne3A_316 = arith.constant 0 : i32
        %ne3A_317 = arith.cmpi ne, %rem3A_315, %ne3A_316 : i32
        %and3A_318 = arith.andi %ne3A_314, %ne3A_317 : i1
        %sub3A_319 = arith.constant 1 : i32
        %sub3A_320 = arith.subi %div3A_299, %sub3A_319 : i32
        %select_n3A_321 = arith.select %and3A_318, %sub3A_320, %div3A_299 : i32
        %while3A = arith.constant 0 : i32
        %while3A_322 = arith.constant 0 : i32
        %while3A_323 = arith.subi %select_n3A_321, %while3A_322 : i32
        %while3A_324 = arith.addi %while3A_322, %while3A_323 : i32
        %while3A_325 = arith.constant 1 : i32
        %while3A_326 = arith.divsi %while3A_323, %while3A_325 : i32
        %while3A_327 = arith.muli %while3A_326, %while3A_325 : i32
        %while3A_328 = arith.addi %while3A_322, %while3A_327 : i32
        %while3A_329 = arith.constant 1 : i32
        scf.for %while3A_342 = %while3A_322 to %while3A_328 step %while3A_329  : i32 {
          %mul3A_343 = arith.constant 2 : i32
          %mul3A_344 = arith.muli %mul3A_343, %while3A_342 : i32
          %add3A_345 = arith.addi %reduce_sum3A_293, %mul3A_344 : i32
          %dma_wait3A = arith.constant 0 : i32
          %dma_wait3A_346 = tpu.memref_slice %arg13[%add3A_345, %dma_wait3A] : memref<88x128xi32, #tpu.memory_space<vmem>> -> memref<1x128xi32, #tpu.memory_space<vmem>>
          %dma_wait3A_347 = tpu.memref_squeeze %dma_wait3A_346 : memref<1x128xi32, #tpu.memory_space<vmem>> -> memref<128xi32, #tpu.memory_space<vmem>>
          %dma_wait3A_348 = arith.constant 0 : i32
          %dma_wait3A_349 = arith.constant 0 : i32
          %dma_wait3A_350 = tpu.memref_slice %arg8[%dma_wait3A_348, %dma_wait3A_349] : memref<10000x128xf32, #tpu.memory_space<hbm>> -> memref<10000x128xf32, #tpu.memory_space<hbm>>
          tpu.wait_indirect_dma semaphore(%arg20 : memref<!tpu.dma_semaphore, #tpu.memory_space<semaphore_mem>>) src(%dma_wait3A_350 : memref<10000x128xf32, #tpu.memory_space<hbm>>) dst(%arg16 : memref<128x128xf32, #tpu.memory_space<vmem>>)
          %dma_start3A = arith.constant 0 : i32
          %dma_start3A_351 = tpu.memref_slice %arg14[%add3A_345, %dma_start3A] : memref<88x128xi32, #tpu.memory_space<vmem>> -> memref<1x128xi32, #tpu.memory_space<vmem>>
          %dma_start3A_352 = tpu.memref_squeeze %dma_start3A_351 : memref<1x128xi32, #tpu.memory_space<vmem>> -> memref<128xi32, #tpu.memory_space<vmem>>
          %dma_start3A_353 = arith.constant 0 : i32
          %dma_start3A_354 = arith.constant 0 : i32
          %dma_start3A_355 = tpu.memref_slice %arg19[%dma_start3A_353, %dma_start3A_354] : memref<3584x128xf32, #tpu.memory_space<vmem_shared>> -> memref<3584x128xf32, #tpu.memory_space<vmem_shared>>
          tpu.enqueue_indirect_dma source(%arg16 : memref<128x128xf32, #tpu.memory_space<vmem>>) target(%dma_start3A_355 : memref<3584x128xf32, #tpu.memory_space<vmem_shared>>) offsets(%dma_start3A_352 : memref<128xi32, #tpu.memory_space<vmem>>) semaphore(%arg22 : memref<!tpu.dma_semaphore, #tpu.memory_space<semaphore_mem>>) {add = true}
          %add3A_356 = arith.constant 1 : i32
          %add3A_357 = arith.addi %add3A_345, %add3A_356 : i32
          %dma_wait3A_358 = arith.constant 0 : i32
          %dma_wait3A_359 = tpu.memref_slice %arg13[%add3A_357, %dma_wait3A_358] : memref<88x128xi32, #tpu.memory_space<vmem>> -> memref<1x128xi32, #tpu.memory_space<vmem>>
          %dma_wait3A_360 = tpu.memref_squeeze %dma_wait3A_359 : memref<1x128xi32, #tpu.memory_space<vmem>> -> memref<128xi32, #tpu.memory_space<vmem>>
          %dma_wait3A_361 = arith.constant 0 : i32
          %dma_wait3A_362 = arith.constant 0 : i32
          %dma_wait3A_363 = tpu.memref_slice %arg8[%dma_wait3A_361, %dma_wait3A_362] : memref<10000x128xf32, #tpu.memory_space<hbm>> -> memref<10000x128xf32, #tpu.memory_space<hbm>>
          tpu.wait_indirect_dma semaphore(%arg21 : memref<!tpu.dma_semaphore, #tpu.memory_space<semaphore_mem>>) src(%dma_wait3A_363 : memref<10000x128xf32, #tpu.memory_space<hbm>>) dst(%arg17 : memref<128x128xf32, #tpu.memory_space<vmem>>)
          %add3A_364 = arith.constant 1 : i32
          %add3A_365 = arith.addi %add3A_345, %add3A_364 : i32
          %dma_start3A_366 = arith.constant 0 : i32
          %dma_start3A_367 = tpu.memref_slice %arg14[%add3A_365, %dma_start3A_366] : memref<88x128xi32, #tpu.memory_space<vmem>> -> memref<1x128xi32, #tpu.memory_space<vmem>>
          %dma_start3A_368 = tpu.memref_squeeze %dma_start3A_367 : memref<1x128xi32, #tpu.memory_space<vmem>> -> memref<128xi32, #tpu.memory_space<vmem>>
          %dma_start3A_369 = arith.constant 0 : i32
          %dma_start3A_370 = arith.constant 0 : i32
          %dma_start3A_371 = tpu.memref_slice %arg19[%dma_start3A_369, %dma_start3A_370] : memref<3584x128xf32, #tpu.memory_space<vmem_shared>> -> memref<3584x128xf32, #tpu.memory_space<vmem_shared>>
          tpu.enqueue_indirect_dma source(%arg17 : memref<128x128xf32, #tpu.memory_space<vmem>>) target(%dma_start3A_371 : memref<3584x128xf32, #tpu.memory_space<vmem_shared>>) offsets(%dma_start3A_368 : memref<128xi32, #tpu.memory_space<vmem>>) semaphore(%arg23 : memref<!tpu.dma_semaphore, #tpu.memory_space<semaphore_mem>>) {add = true}
          %dma_wait3A_372 = arith.constant 0 : i32
          %dma_wait3A_373 = tpu.memref_slice %arg14[%add3A_345, %dma_wait3A_372] : memref<88x128xi32, #tpu.memory_space<vmem>> -> memref<1x128xi32, #tpu.memory_space<vmem>>
          %dma_wait3A_374 = tpu.memref_squeeze %dma_wait3A_373 : memref<1x128xi32, #tpu.memory_space<vmem>> -> memref<128xi32, #tpu.memory_space<vmem>>
          %dma_wait3A_375 = arith.constant 0 : i32
          %dma_wait3A_376 = arith.constant 0 : i32
          %dma_wait3A_377 = tpu.memref_slice %arg19[%dma_wait3A_375, %dma_wait3A_376] : memref<3584x128xf32, #tpu.memory_space<vmem_shared>> -> memref<3584x128xf32, #tpu.memory_space<vmem_shared>>
          tpu.wait_indirect_dma semaphore(%arg22 : memref<!tpu.dma_semaphore, #tpu.memory_space<semaphore_mem>>) src(%arg16 : memref<128x128xf32, #tpu.memory_space<vmem>>) dst(%dma_wait3A_377 : memref<3584x128xf32, #tpu.memory_space<vmem_shared>>)
          %mul3A_378 = arith.constant 2 : i32
          %mul3A_379 = arith.muli %mul3A_378, %while3A_342 : i32
          %add3A_380 = arith.constant 2 : i32
          %add3A_381 = arith.addi %mul3A_379, %add3A_380 : i32
          %lt3A = arith.cmpi slt, %add3A_381, %reduce_sum3A_284 : i32
          %convert_element_type3A_382 = arith.extui %lt3A : i1 to i32
          %cond3A_383 = arith.constant 0 : i32
          %cond3A_384 = arith.cmpi ne, %convert_element_type3A_382, %cond3A_383 : i32
          scf.if %cond3A_384 {
            %add3A_401 = arith.constant 2 : i32
            %add3A_402 = arith.addi %add3A_345, %add3A_401 : i32
            %dma_start3A_403 = arith.constant 0 : i32
            %dma_start3A_404 = tpu.memref_slice %arg13[%add3A_402, %dma_start3A_403] : memref<88x128xi32, #tpu.memory_space<vmem>> -> memref<1x128xi32, #tpu.memory_space<vmem>>
            %dma_start3A_405 = tpu.memref_squeeze %dma_start3A_404 : memref<1x128xi32, #tpu.memory_space<vmem>> -> memref<128xi32, #tpu.memory_space<vmem>>
            %dma_start3A_406 = arith.constant 0 : i32
            %dma_start3A_407 = arith.constant 0 : i32
            %dma_start3A_408 = tpu.memref_slice %arg8[%dma_start3A_406, %dma_start3A_407] : memref<10000x128xf32, #tpu.memory_space<hbm>> -> memref<10000x128xf32, #tpu.memory_space<hbm>>
            tpu.enqueue_indirect_dma source(%dma_start3A_408 : memref<10000x128xf32, #tpu.memory_space<hbm>>) target(%arg16 : memref<128x128xf32, #tpu.memory_space<vmem>>) offsets(%dma_start3A_405 : memref<128xi32, #tpu.memory_space<vmem>>) semaphore(%arg20 : memref<!tpu.dma_semaphore, #tpu.memory_space<semaphore_mem>>)
          } else {
          }
          %add3A_385 = arith.constant 1 : i32
          %add3A_386 = arith.addi %add3A_345, %add3A_385 : i32
          %dma_wait3A_387 = arith.constant 0 : i32
          %dma_wait3A_388 = tpu.memref_slice %arg14[%add3A_386, %dma_wait3A_387] : memref<88x128xi32, #tpu.memory_space<vmem>> -> memref<1x128xi32, #tpu.memory_space<vmem>>
          %dma_wait3A_389 = tpu.memref_squeeze %dma_wait3A_388 : memref<1x128xi32, #tpu.memory_space<vmem>> -> memref<128xi32, #tpu.memory_space<vmem>>
          %dma_wait3A_390 = arith.constant 0 : i32
          %dma_wait3A_391 = arith.constant 0 : i32
          %dma_wait3A_392 = tpu.memref_slice %arg19[%dma_wait3A_390, %dma_wait3A_391] : memref<3584x128xf32, #tpu.memory_space<vmem_shared>> -> memref<3584x128xf32, #tpu.memory_space<vmem_shared>>
          tpu.wait_indirect_dma semaphore(%arg23 : memref<!tpu.dma_semaphore, #tpu.memory_space<semaphore_mem>>) src(%arg17 : memref<128x128xf32, #tpu.memory_space<vmem>>) dst(%dma_wait3A_392 : memref<3584x128xf32, #tpu.memory_space<vmem_shared>>)
          %mul3A_393 = arith.constant 2 : i32
          %mul3A_394 = arith.muli %mul3A_393, %while3A_342 : i32
          %add3A_395 = arith.constant 3 : i32
          %add3A_396 = arith.addi %mul3A_394, %add3A_395 : i32
          %lt3A_397 = arith.cmpi slt, %add3A_396, %reduce_sum3A_284 : i32
          %convert_element_type3A_398 = arith.extui %lt3A_397 : i1 to i32
          %cond3A_399 = arith.constant 0 : i32
          %cond3A_400 = arith.cmpi ne, %convert_element_type3A_398, %cond3A_399 : i32
          scf.if %cond3A_400 {
            %add3A_401 = arith.constant 3 : i32
            %add3A_402 = arith.addi %add3A_345, %add3A_401 : i32
            %dma_start3A_403 = arith.constant 0 : i32
            %dma_start3A_404 = tpu.memref_slice %arg13[%add3A_402, %dma_start3A_403] : memref<88x128xi32, #tpu.memory_space<vmem>> -> memref<1x128xi32, #tpu.memory_space<vmem>>
            %dma_start3A_405 = tpu.memref_squeeze %dma_start3A_404 : memref<1x128xi32, #tpu.memory_space<vmem>> -> memref<128xi32, #tpu.memory_space<vmem>>
            %dma_start3A_406 = arith.constant 0 : i32
            %dma_start3A_407 = arith.constant 0 : i32
            %dma_start3A_408 = tpu.memref_slice %arg8[%dma_start3A_406, %dma_start3A_407] : memref<10000x128xf32, #tpu.memory_space<hbm>> -> memref<10000x128xf32, #tpu.memory_space<hbm>>
            tpu.enqueue_indirect_dma source(%dma_start3A_408 : memref<10000x128xf32, #tpu.memory_space<hbm>>) target(%arg17 : memref<128x128xf32, #tpu.memory_space<vmem>>) offsets(%dma_start3A_405 : memref<128xi32, #tpu.memory_space<vmem>>) semaphore(%arg21 : memref<!tpu.dma_semaphore, #tpu.memory_space<semaphore_mem>>)
          } else {
          }
        }
        %while3A_330 = arith.constant 1 : i32
        scf.for %while3A_342 = %while3A_328 to %while3A_324 step %while3A_330  : i32 {
          %mul3A_343 = arith.constant 2 : i32
          %mul3A_344 = arith.muli %mul3A_343, %while3A_342 : i32
          %add3A_345 = arith.addi %reduce_sum3A_293, %mul3A_344 : i32
          %dma_wait3A = arith.constant 0 : i32
          %dma_wait3A_346 = tpu.memref_slice %arg13[%add3A_345, %dma_wait3A] : memref<88x128xi32, #tpu.memory_space<vmem>> -> memref<1x128xi32, #tpu.memory_space<vmem>>
          %dma_wait3A_347 = tpu.memref_squeeze %dma_wait3A_346 : memref<1x128xi32, #tpu.memory_space<vmem>> -> memref<128xi32, #tpu.memory_space<vmem>>
          %dma_wait3A_348 = arith.constant 0 : i32
          %dma_wait3A_349 = arith.constant 0 : i32
          %dma_wait3A_350 = tpu.memref_slice %arg8[%dma_wait3A_348, %dma_wait3A_349] : memref<10000x128xf32, #tpu.memory_space<hbm>> -> memref<10000x128xf32, #tpu.memory_space<hbm>>
          tpu.wait_indirect_dma semaphore(%arg20 : memref<!tpu.dma_semaphore, #tpu.memory_space<semaphore_mem>>) src(%dma_wait3A_350 : memref<10000x128xf32, #tpu.memory_space<hbm>>) dst(%arg16 : memref<128x128xf32, #tpu.memory_space<vmem>>)
          %dma_start3A = arith.constant 0 : i32
          %dma_start3A_351 = tpu.memref_slice %arg14[%add3A_345, %dma_start3A] : memref<88x128xi32, #tpu.memory_space<vmem>> -> memref<1x128xi32, #tpu.memory_space<vmem>>
          %dma_start3A_352 = tpu.memref_squeeze %dma_start3A_351 : memref<1x128xi32, #tpu.memory_space<vmem>> -> memref<128xi32, #tpu.memory_space<vmem>>
          %dma_start3A_353 = arith.constant 0 : i32
          %dma_start3A_354 = arith.constant 0 : i32
          %dma_start3A_355 = tpu.memref_slice %arg19[%dma_start3A_353, %dma_start3A_354] : memref<3584x128xf32, #tpu.memory_space<vmem_shared>> -> memref<3584x128xf32, #tpu.memory_space<vmem_shared>>
          tpu.enqueue_indirect_dma source(%arg16 : memref<128x128xf32, #tpu.memory_space<vmem>>) target(%dma_start3A_355 : memref<3584x128xf32, #tpu.memory_space<vmem_shared>>) offsets(%dma_start3A_352 : memref<128xi32, #tpu.memory_space<vmem>>) semaphore(%arg22 : memref<!tpu.dma_semaphore, #tpu.memory_space<semaphore_mem>>) {add = true}
          %add3A_356 = arith.constant 1 : i32
          %add3A_357 = arith.addi %add3A_345, %add3A_356 : i32
          %dma_wait3A_358 = arith.constant 0 : i32
          %dma_wait3A_359 = tpu.memref_slice %arg13[%add3A_357, %dma_wait3A_358] : memref<88x128xi32, #tpu.memory_space<vmem>> -> memref<1x128xi32, #tpu.memory_space<vmem>>
          %dma_wait3A_360 = tpu.memref_squeeze %dma_wait3A_359 : memref<1x128xi32, #tpu.memory_space<vmem>> -> memref<128xi32, #tpu.memory_space<vmem>>
          %dma_wait3A_361 = arith.constant 0 : i32
          %dma_wait3A_362 = arith.constant 0 : i32
          %dma_wait3A_363 = tpu.memref_slice %arg8[%dma_wait3A_361, %dma_wait3A_362] : memref<10000x128xf32, #tpu.memory_space<hbm>> -> memref<10000x128xf32, #tpu.memory_space<hbm>>
          tpu.wait_indirect_dma semaphore(%arg21 : memref<!tpu.dma_semaphore, #tpu.memory_space<semaphore_mem>>) src(%dma_wait3A_363 : memref<10000x128xf32, #tpu.memory_space<hbm>>) dst(%arg17 : memref<128x128xf32, #tpu.memory_space<vmem>>)
          %add3A_364 = arith.constant 1 : i32
          %add3A_365 = arith.addi %add3A_345, %add3A_364 : i32
          %dma_start3A_366 = arith.constant 0 : i32
          %dma_start3A_367 = tpu.memref_slice %arg14[%add3A_365, %dma_start3A_366] : memref<88x128xi32, #tpu.memory_space<vmem>> -> memref<1x128xi32, #tpu.memory_space<vmem>>
          %dma_start3A_368 = tpu.memref_squeeze %dma_start3A_367 : memref<1x128xi32, #tpu.memory_space<vmem>> -> memref<128xi32, #tpu.memory_space<vmem>>
          %dma_start3A_369 = arith.constant 0 : i32
          %dma_start3A_370 = arith.constant 0 : i32
          %dma_start3A_371 = tpu.memref_slice %arg19[%dma_start3A_369, %dma_start3A_370] : memref<3584x128xf32, #tpu.memory_space<vmem_shared>> -> memref<3584x128xf32, #tpu.memory_space<vmem_shared>>
          tpu.enqueue_indirect_dma source(%arg17 : memref<128x128xf32, #tpu.memory_space<vmem>>) target(%dma_start3A_371 : memref<3584x128xf32, #tpu.memory_space<vmem_shared>>) offsets(%dma_start3A_368 : memref<128xi32, #tpu.memory_space<vmem>>) semaphore(%arg23 : memref<!tpu.dma_semaphore, #tpu.memory_space<semaphore_mem>>) {add = true}
          %dma_wait3A_372 = arith.constant 0 : i32
          %dma_wait3A_373 = tpu.memref_slice %arg14[%add3A_345, %dma_wait3A_372] : memref<88x128xi32, #tpu.memory_space<vmem>> -> memref<1x128xi32, #tpu.memory_space<vmem>>
          %dma_wait3A_374 = tpu.memref_squeeze %dma_wait3A_373 : memref<1x128xi32, #tpu.memory_space<vmem>> -> memref<128xi32, #tpu.memory_space<vmem>>
          %dma_wait3A_375 = arith.constant 0 : i32
          %dma_wait3A_376 = arith.constant 0 : i32
          %dma_wait3A_377 = tpu.memref_slice %arg19[%dma_wait3A_375, %dma_wait3A_376] : memref<3584x128xf32, #tpu.memory_space<vmem_shared>> -> memref<3584x128xf32, #tpu.memory_space<vmem_shared>>
          tpu.wait_indirect_dma semaphore(%arg22 : memref<!tpu.dma_semaphore, #tpu.memory_space<semaphore_mem>>) src(%arg16 : memref<128x128xf32, #tpu.memory_space<vmem>>) dst(%dma_wait3A_377 : memref<3584x128xf32, #tpu.memory_space<vmem_shared>>)
          %mul3A_378 = arith.constant 2 : i32
          %mul3A_379 = arith.muli %mul3A_378, %while3A_342 : i32
          %add3A_380 = arith.constant 2 : i32
          %add3A_381 = arith.addi %mul3A_379, %add3A_380 : i32
          %lt3A = arith.cmpi slt, %add3A_381, %reduce_sum3A_284 : i32
          %convert_element_type3A_382 = arith.extui %lt3A : i1 to i32
          %cond3A_383 = arith.constant 0 : i32
          %cond3A_384 = arith.cmpi ne, %convert_element_type3A_382, %cond3A_383 : i32
          scf.if %cond3A_384 {
            %add3A_401 = arith.constant 2 : i32
            %add3A_402 = arith.addi %add3A_345, %add3A_401 : i32
            %dma_start3A_403 = arith.constant 0 : i32
            %dma_start3A_404 = tpu.memref_slice %arg13[%add3A_402, %dma_start3A_403] : memref<88x128xi32, #tpu.memory_space<vmem>> -> memref<1x128xi32, #tpu.memory_space<vmem>>
            %dma_start3A_405 = tpu.memref_squeeze %dma_start3A_404 : memref<1x128xi32, #tpu.memory_space<vmem>> -> memref<128xi32, #tpu.memory_space<vmem>>
            %dma_start3A_406 = arith.constant 0 : i32
            %dma_start3A_407 = arith.constant 0 : i32
            %dma_start3A_408 = tpu.memref_slice %arg8[%dma_start3A_406, %dma_start3A_407] : memref<10000x128xf32, #tpu.memory_space<hbm>> -> memref<10000x128xf32, #tpu.memory_space<hbm>>
            tpu.enqueue_indirect_dma source(%dma_start3A_408 : memref<10000x128xf32, #tpu.memory_space<hbm>>) target(%arg16 : memref<128x128xf32, #tpu.memory_space<vmem>>) offsets(%dma_start3A_405 : memref<128xi32, #tpu.memory_space<vmem>>) semaphore(%arg20 : memref<!tpu.dma_semaphore, #tpu.memory_space<semaphore_mem>>)
          } else {
          }
          %add3A_385 = arith.constant 1 : i32
          %add3A_386 = arith.addi %add3A_345, %add3A_385 : i32
          %dma_wait3A_387 = arith.constant 0 : i32
          %dma_wait3A_388 = tpu.memref_slice %arg14[%add3A_386, %dma_wait3A_387] : memref<88x128xi32, #tpu.memory_space<vmem>> -> memref<1x128xi32, #tpu.memory_space<vmem>>
          %dma_wait3A_389 = tpu.memref_squeeze %dma_wait3A_388 : memref<1x128xi32, #tpu.memory_space<vmem>> -> memref<128xi32, #tpu.memory_space<vmem>>
          %dma_wait3A_390 = arith.constant 0 : i32
          %dma_wait3A_391 = arith.constant 0 : i32
          %dma_wait3A_392 = tpu.memref_slice %arg19[%dma_wait3A_390, %dma_wait3A_391] : memref<3584x128xf32, #tpu.memory_space<vmem_shared>> -> memref<3584x128xf32, #tpu.memory_space<vmem_shared>>
          tpu.wait_indirect_dma semaphore(%arg23 : memref<!tpu.dma_semaphore, #tpu.memory_space<semaphore_mem>>) src(%arg17 : memref<128x128xf32, #tpu.memory_space<vmem>>) dst(%dma_wait3A_392 : memref<3584x128xf32, #tpu.memory_space<vmem_shared>>)
          %mul3A_393 = arith.constant 2 : i32
          %mul3A_394 = arith.muli %mul3A_393, %while3A_342 : i32
          %add3A_395 = arith.constant 3 : i32
          %add3A_396 = arith.addi %mul3A_394, %add3A_395 : i32
          %lt3A_397 = arith.cmpi slt, %add3A_396, %reduce_sum3A_284 : i32
          %convert_element_type3A_398 = arith.extui %lt3A_397 : i1 to i32
          %cond3A_399 = arith.constant 0 : i32
          %cond3A_400 = arith.cmpi ne, %convert_element_type3A_398, %cond3A_399 : i32
          scf.if %cond3A_400 {
            %add3A_401 = arith.constant 3 : i32
            %add3A_402 = arith.addi %add3A_345, %add3A_401 : i32
            %dma_start3A_403 = arith.constant 0 : i32
            %dma_start3A_404 = tpu.memref_slice %arg13[%add3A_402, %dma_start3A_403] : memref<88x128xi32, #tpu.memory_space<vmem>> -> memref<1x128xi32, #tpu.memory_space<vmem>>
            %dma_start3A_405 = tpu.memref_squeeze %dma_start3A_404 : memref<1x128xi32, #tpu.memory_space<vmem>> -> memref<128xi32, #tpu.memory_space<vmem>>
            %dma_start3A_406 = arith.constant 0 : i32
            %dma_start3A_407 = arith.constant 0 : i32
            %dma_start3A_408 = tpu.memref_slice %arg8[%dma_start3A_406, %dma_start3A_407] : memref<10000x128xf32, #tpu.memory_space<hbm>> -> memref<10000x128xf32, #tpu.memory_space<hbm>>
            tpu.enqueue_indirect_dma source(%dma_start3A_408 : memref<10000x128xf32, #tpu.memory_space<hbm>>) target(%arg17 : memref<128x128xf32, #tpu.memory_space<vmem>>) offsets(%dma_start3A_405 : memref<128xi32, #tpu.memory_space<vmem>>) semaphore(%arg21 : memref<!tpu.dma_semaphore, #tpu.memory_space<semaphore_mem>>)
          } else {
          }
        }
        %barrier3A_331 = arith.constant 0 : index
        tpu.barrier barrier_id(%barrier3A_331)
        %mul3A_332 = arith.constant 216 : i32
        %mul3A_333 = arith.muli %arg1, %mul3A_332 : i32
        %multiple_of3A_334 = tpu.assume_multiple %mul3A_333, 8 : i32
        %mul3A_335 = arith.constant 3456 : i32
        %mul3A_336 = arith.muli %scan3A_268, %mul3A_335 : i32
        %mul3A_337 = arith.constant 216 : i32
        %mul3A_338 = arith.muli %arg1, %mul3A_337 : i32
        %add3A_339 = arith.addi %mul3A_336, %mul3A_338 : i32
        %multiple_of3A_340 = tpu.assume_multiple %add3A_339, 8 : i32
        "tpu.region"() ({
          %run_scoped3A = tpu.sem_alloc : memref<!tpu.dma_semaphore, #tpu.memory_space<semaphore_mem>>
          %dma_start3A = arith.constant 0 : i32
          %dma_start3A_342 = tpu.memref_slice %arg12[%multiple_of3A_340, %dma_start3A] : memref<10368x128xf32, #tpu.memory_space<hbm>> -> memref<216x128xf32, #tpu.memory_space<hbm>>
          %dma_start3A_343 = arith.constant 0 : i32
          %dma_start3A_344 = tpu.memref_slice %arg19[%multiple_of3A_334, %dma_start3A_343] : memref<3584x128xf32, #tpu.memory_space<vmem_shared>> -> memref<216x128xf32, #tpu.memory_space<vmem_shared>>
          tpu.enqueue_dma source(%dma_start3A_344 : memref<216x128xf32, #tpu.memory_space<vmem_shared>>) target(%dma_start3A_342 : memref<216x128xf32, #tpu.memory_space<hbm>>) target_semaphore(%run_scoped3A : memref<!tpu.dma_semaphore, #tpu.memory_space<semaphore_mem>>)
          %dma_wait3A = arith.constant 0 : i32
          %dma_wait3A_345 = tpu.memref_slice %arg12[%multiple_of3A_340, %dma_wait3A] : memref<10368x128xf32, #tpu.memory_space<hbm>> -> memref<216x128xf32, #tpu.memory_space<hbm>>
          %dma_wait3A_346 = arith.constant 0 : i32
          %dma_wait3A_347 = tpu.memref_slice %arg19[%multiple_of3A_334, %dma_wait3A_346] : memref<3584x128xf32, #tpu.memory_space<vmem_shared>> -> memref<216x128xf32, #tpu.memory_space<vmem_shared>>
          tpu.wait_dma2 semaphore(%run_scoped3A : memref<!tpu.dma_semaphore, #tpu.memory_space<semaphore_mem>>) src(%dma_wait3A_347 : memref<216x128xf32, #tpu.memory_space<vmem_shared>>) dst(%dma_wait3A_345 : memref<216x128xf32, #tpu.memory_space<hbm>>)
          tpu.yield
        }) : () -> ()
        %barrier3A_341 = arith.constant 0 : index
        tpu.barrier barrier_id(%barrier3A_341)
      }
      %scan3A_267 = arith.constant 3 : i32
    } else {
    }
    return
  }
}

#map = affine_map<(d0, d1) -> (0, 0, 0)>
#map1 = affine_map<(d0, d1) -> (0, 0)>
module attributes {stable_mosaic.version = 14 : i64} {
  func.func @_prop(%arg0: i32, %arg1: i32, %arg2: memref<16x88x128xi32, #tpu.memory_space<hbm>>, %arg3: memref<16x88x128xi32, #tpu.memory_space<hbm>>, %arg4: memref<16x16xi32, #tpu.memory_space<hbm>>, %arg5: memref<10000x128xf32, #tpu.memory_space<hbm>>, %arg6: memref<10000x128xf32, #tpu.memory_space<hbm>>, %arg7: memref<10368x128xf32, #tpu.memory_space<hbm>>, %arg8: memref<10368x128xf32, #tpu.memory_space<hbm>>, %arg9: memref<88x128xi32, #tpu.memory_space<vmem>>, %arg10: memref<88x128xi32, #tpu.memory_space<vmem>>, %arg11: memref<16xi32, #tpu.memory_space<vmem>>, %arg12: memref<128x128xf32, #tpu.memory_space<vmem>>, %arg13: memref<128x128xf32, #tpu.memory_space<vmem>>, %arg14: memref<112x128xf32, #tpu.memory_space<vmem>>, %arg15: memref<3584x128xf32, #tpu.memory_space<vmem_shared>>, %arg16: memref<!tpu.dma_semaphore, #tpu.memory_space<semaphore_mem>>, %arg17: memref<!tpu.dma_semaphore, #tpu.memory_space<semaphore_mem>>, %arg18: memref<!tpu.dma_semaphore, #tpu.memory_space<semaphore_mem>>, %arg19: memref<!tpu.dma_semaphore, #tpu.memory_space<semaphore_mem>>) attributes {dimension_semantics = [#tpu.dimension_semantics<core_parallel>, #tpu.dimension_semantics<subcore_parallel>], iteration_bounds = array<i64: 2, 16>, scalar_prefetch = 0 : i64, scratch_operands = 11 : i64, tpu.core_type = #tpu.core_type<sc_vector_subcore>, window_params = [{transform_indices = #map}, {transform_indices = #map}, {transform_indices = #map1}, {transform_indices = #map1}, {transform_indices = #map1}, {transform_indices = #map1}, {transform_indices = #map1}]} {
    "tpu.region"() ({
      %run_scoped3A = tpu.sem_alloc : memref<!tpu.dma_semaphore, #tpu.memory_space<semaphore_mem>>
      %dma_start3A = arith.constant 0 : i32
      %dma_start3A_256 = arith.constant 0 : i32
      %dma_start3A_257 = tpu.memref_slice %arg2[%arg1, %dma_start3A, %dma_start3A_256] : memref<16x88x128xi32, #tpu.memory_space<hbm>> -> memref<1x88x128xi32, #tpu.memory_space<hbm>>
      %dma_start3A_258 = tpu.memref_squeeze %dma_start3A_257 : memref<1x88x128xi32, #tpu.memory_space<hbm>> -> memref<88x128xi32, #tpu.memory_space<hbm>>
      %dma_start3A_259 = arith.constant 0 : i32
      %dma_start3A_260 = arith.constant 0 : i32
      %dma_start3A_261 = tpu.memref_slice %arg2[%arg1, %dma_start3A_259, %dma_start3A_260] : memref<16x88x128xi32, #tpu.memory_space<hbm>> -> memref<1x88x128xi32, #tpu.memory_space<hbm>>
      %dma_start3A_262 = tpu.memref_squeeze %dma_start3A_261 : memref<1x88x128xi32, #tpu.memory_space<hbm>> -> memref<88x128xi32, #tpu.memory_space<hbm>>
      tpu.enqueue_dma source(%dma_start3A_262 : memref<88x128xi32, #tpu.memory_space<hbm>>) target(%arg9 : memref<88x128xi32, #tpu.memory_space<vmem>>) target_semaphore(%run_scoped3A : memref<!tpu.dma_semaphore, #tpu.memory_space<semaphore_mem>>)
      %dma_wait3A = arith.constant 0 : i32
      %dma_wait3A_263 = arith.constant 0 : i32
      %dma_wait3A_264 = tpu.memref_slice %arg2[%arg1, %dma_wait3A, %dma_wait3A_263] : memref<16x88x128xi32, #tpu.memory_space<hbm>> -> memref<1x88x128xi32, #tpu.memory_space<hbm>>
      %dma_wait3A_265 = tpu.memref_squeeze %dma_wait3A_264 : memref<1x88x128xi32, #tpu.memory_space<hbm>> -> memref<88x128xi32, #tpu.memory_space<hbm>>
      %dma_wait3A_266 = arith.constant 0 : i32
      %dma_wait3A_267 = arith.constant 0 : i32
      %dma_wait3A_268 = tpu.memref_slice %arg2[%arg1, %dma_wait3A_266, %dma_wait3A_267] : memref<16x88x128xi32, #tpu.memory_space<hbm>> -> memref<1x88x128xi32, #tpu.memory_space<hbm>>
      %dma_wait3A_269 = tpu.memref_squeeze %dma_wait3A_268 : memref<1x88x128xi32, #tpu.memory_space<hbm>> -> memref<88x128xi32, #tpu.memory_space<hbm>>
      tpu.wait_dma2 semaphore(%run_scoped3A : memref<!tpu.dma_semaphore, #tpu.memory_space<semaphore_mem>>) src(%dma_wait3A_269 : memref<88x128xi32, #tpu.memory_space<hbm>>) dst(%arg9 : memref<88x128xi32, #tpu.memory_space<vmem>>)
      tpu.yield
    }) : () -> ()
    "tpu.region"() ({
      %run_scoped3A = tpu.sem_alloc : memref<!tpu.dma_semaphore, #tpu.memory_space<semaphore_mem>>
      %dma_start3A = arith.constant 0 : i32
      %dma_start3A_256 = arith.constant 0 : i32
      %dma_start3A_257 = tpu.memref_slice %arg3[%arg1, %dma_start3A, %dma_start3A_256] : memref<16x88x128xi32, #tpu.memory_space<hbm>> -> memref<1x88x128xi32, #tpu.memory_space<hbm>>
      %dma_start3A_258 = tpu.memref_squeeze %dma_start3A_257 : memref<1x88x128xi32, #tpu.memory_space<hbm>> -> memref<88x128xi32, #tpu.memory_space<hbm>>
      %dma_start3A_259 = arith.constant 0 : i32
      %dma_start3A_260 = arith.constant 0 : i32
      %dma_start3A_261 = tpu.memref_slice %arg3[%arg1, %dma_start3A_259, %dma_start3A_260] : memref<16x88x128xi32, #tpu.memory_space<hbm>> -> memref<1x88x128xi32, #tpu.memory_space<hbm>>
      %dma_start3A_262 = tpu.memref_squeeze %dma_start3A_261 : memref<1x88x128xi32, #tpu.memory_space<hbm>> -> memref<88x128xi32, #tpu.memory_space<hbm>>
      tpu.enqueue_dma source(%dma_start3A_262 : memref<88x128xi32, #tpu.memory_space<hbm>>) target(%arg10 : memref<88x128xi32, #tpu.memory_space<vmem>>) target_semaphore(%run_scoped3A : memref<!tpu.dma_semaphore, #tpu.memory_space<semaphore_mem>>)
      %dma_wait3A = arith.constant 0 : i32
      %dma_wait3A_263 = arith.constant 0 : i32
      %dma_wait3A_264 = tpu.memref_slice %arg3[%arg1, %dma_wait3A, %dma_wait3A_263] : memref<16x88x128xi32, #tpu.memory_space<hbm>> -> memref<1x88x128xi32, #tpu.memory_space<hbm>>
      %dma_wait3A_265 = tpu.memref_squeeze %dma_wait3A_264 : memref<1x88x128xi32, #tpu.memory_space<hbm>> -> memref<88x128xi32, #tpu.memory_space<hbm>>
      %dma_wait3A_266 = arith.constant 0 : i32
      %dma_wait3A_267 = arith.constant 0 : i32
      %dma_wait3A_268 = tpu.memref_slice %arg3[%arg1, %dma_wait3A_266, %dma_wait3A_267] : memref<16x88x128xi32, #tpu.memory_space<hbm>> -> memref<1x88x128xi32, #tpu.memory_space<hbm>>
      %dma_wait3A_269 = tpu.memref_squeeze %dma_wait3A_268 : memref<1x88x128xi32, #tpu.memory_space<hbm>> -> memref<88x128xi32, #tpu.memory_space<hbm>>
      tpu.wait_dma2 semaphore(%run_scoped3A : memref<!tpu.dma_semaphore, #tpu.memory_space<semaphore_mem>>) src(%dma_wait3A_269 : memref<88x128xi32, #tpu.memory_space<hbm>>) dst(%arg10 : memref<88x128xi32, #tpu.memory_space<vmem>>)
      tpu.yield
    }) : () -> ()
    "tpu.region"() ({
      %run_scoped3A = tpu.sem_alloc : memref<!tpu.dma_semaphore, #tpu.memory_space<semaphore_mem>>
      %dma_start3A = arith.constant 0 : i32
      %dma_start3A_256 = tpu.memref_slice %arg4[%arg1, %dma_start3A] : memref<16x16xi32, #tpu.memory_space<hbm>> -> memref<1x16xi32, #tpu.memory_space<hbm>>
      %dma_start3A_257 = tpu.memref_squeeze %dma_start3A_256 : memref<1x16xi32, #tpu.memory_space<hbm>> -> memref<16xi32, #tpu.memory_space<hbm>>
      %dma_start3A_258 = arith.constant 0 : i32
      %dma_start3A_259 = tpu.memref_slice %arg4[%arg1, %dma_start3A_258] : memref<16x16xi32, #tpu.memory_space<hbm>> -> memref<1x16xi32, #tpu.memory_space<hbm>>
      %dma_start3A_260 = tpu.memref_squeeze %dma_start3A_259 : memref<1x16xi32, #tpu.memory_space<hbm>> -> memref<16xi32, #tpu.memory_space<hbm>>
      tpu.enqueue_dma source(%dma_start3A_260 : memref<16xi32, #tpu.memory_space<hbm>>) target(%arg11 : memref<16xi32, #tpu.memory_space<vmem>>) target_semaphore(%run_scoped3A : memref<!tpu.dma_semaphore, #tpu.memory_space<semaphore_mem>>)
      %dma_wait3A = arith.constant 0 : i32
      %dma_wait3A_261 = tpu.memref_slice %arg4[%arg1, %dma_wait3A] : memref<16x16xi32, #tpu.memory_space<hbm>> -> memref<1x16xi32, #tpu.memory_space<hbm>>
      %dma_wait3A_262 = tpu.memref_squeeze %dma_wait3A_261 : memref<1x16xi32, #tpu.memory_space<hbm>> -> memref<16xi32, #tpu.memory_space<hbm>>
      %dma_wait3A_263 = arith.constant 0 : i32
      %dma_wait3A_264 = tpu.memref_slice %arg4[%arg1, %dma_wait3A_263] : memref<16x16xi32, #tpu.memory_space<hbm>> -> memref<1x16xi32, #tpu.memory_space<hbm>>
      %dma_wait3A_265 = tpu.memref_squeeze %dma_wait3A_264 : memref<1x16xi32, #tpu.memory_space<hbm>> -> memref<16xi32, #tpu.memory_space<hbm>>
      tpu.wait_dma2 semaphore(%run_scoped3A : memref<!tpu.dma_semaphore, #tpu.memory_space<semaphore_mem>>) src(%dma_wait3A_265 : memref<16xi32, #tpu.memory_space<hbm>>) dst(%arg11 : memref<16xi32, #tpu.memory_space<vmem>>)
      tpu.yield
    }) : () -> ()
    %get3A = arith.constant 0 : index
    %get3A_0 = tpu.vector_load %arg11[%get3A] {strides = array<i32>} : memref<16xi32, #tpu.memory_space<vmem>>, vector<16xi32>,
    %iota3A = tpu.iota {dimensions = array<i32: 0>} : vector<16xi32>
    %broadcast_in_dim3A = arith.constant 0 : i32
    %broadcast_in_dim3A_1 = vector.broadcast %broadcast_in_dim3A : i32 to vector<16xi32>
    %broadcast_in_dim3A_2 = arith.constant 0 : i32
    %broadcast_in_dim3A_3 = vector.broadcast %broadcast_in_dim3A_2 : i32 to vector<16xi32>
    %eq3A = arith.constant 0 : i32
    %eq3A_4 = vector.broadcast %eq3A : i32 to vector<16xi32>
    %eq3A_5 = arith.cmpi eq, %iota3A, %eq3A_4 : vector<16xi32>
    %jit3A = arith.constant 0 : i32
    %broadcast_in_dim3A_6 = vector.broadcast %jit3A : i32 to vector<16xi32>
    %select_n3A = arith.select %eq3A_5, %get3A_0, %broadcast_in_dim3A_6 : vector<16xi1>, vector<16xi32>
    %reduce_sum3A = arith.constant true
    %reduce_sum3A_7 = vector.broadcast %reduce_sum3A : i1 to vector<16xi1>
    %reduce_sum3A_8 = tpu.scan <sum>, %select_n3A masked %reduce_sum3A_7 : vector<16xi32>, vector<16xi1> -> vector<16xi32>
    %reduce_sum3A_9 = vector.extract %reduce_sum3A_8[15] : i32 from vector<16xi32>
    %add3A = arith.constant 128 : i32
    %add3A_10 = arith.addi %reduce_sum3A_9, %add3A : i32
    %sub3A = arith.constant 1 : i32
    %sub3A_11 = arith.subi %add3A_10, %sub3A : i32
    %jit3A_12 = arith.constant 128 : i32
    %div3A = arith.divsi %sub3A_11, %jit3A_12 : i32
    %sign3A = arith.constant 0 : i32
    %sign3A_13 = arith.cmpi sgt, %sub3A_11, %sign3A : i32
    %sign3A_14 = arith.extui %sign3A_13 : i1 to i32
    %sign3A_15 = arith.constant 0 : i32
    %sign3A_16 = arith.cmpi slt, %sub3A_11, %sign3A_15 : i32
    %sign3A_17 = arith.extui %sign3A_16 : i1 to i32
    %sign3A_18 = arith.subi %sign3A_14, %sign3A_17 : i32
    %sign3A_19 = arith.constant 0 : i32
    %sign3A_20 = arith.cmpi sgt, %jit3A_12, %sign3A_19 : i32
    %sign3A_21 = arith.extui %sign3A_20 : i1 to i32
    %sign3A_22 = arith.constant 0 : i32
    %sign3A_23 = arith.cmpi slt, %jit3A_12, %sign3A_22 : i32
    %sign3A_24 = arith.extui %sign3A_23 : i1 to i32
    %sign3A_25 = arith.subi %sign3A_21, %sign3A_24 : i32
    %ne3A = arith.cmpi ne, %sign3A_18, %sign3A_25 : i32
    %rem3A = arith.remsi %sub3A_11, %jit3A_12 : i32
    %ne3A_26 = arith.constant 0 : i32
    %ne3A_27 = arith.cmpi ne, %rem3A, %ne3A_26 : i32
    %and3A = arith.andi %ne3A, %ne3A_27 : i1
    %sub3A_28 = arith.constant 1 : i32
    %sub3A_29 = arith.subi %div3A, %sub3A_28 : i32
    %select_n3A_30 = arith.select %and3A, %sub3A_29, %div3A : i32
    %add3A_31 = arith.constant 1 : i32
    %add3A_32 = arith.addi %select_n3A_30, %add3A_31 : i32
    %jit3A_33 = arith.constant 2 : i32
    %div3A_34 = arith.divsi %add3A_32, %jit3A_33 : i32
    %sign3A_35 = arith.constant 0 : i32
    %sign3A_36 = arith.cmpi sgt, %add3A_32, %sign3A_35 : i32
    %sign3A_37 = arith.extui %sign3A_36 : i1 to i32
    %sign3A_38 = arith.constant 0 : i32
    %sign3A_39 = arith.cmpi slt, %add3A_32, %sign3A_38 : i32
    %sign3A_40 = arith.extui %sign3A_39 : i1 to i32
    %sign3A_41 = arith.subi %sign3A_37, %sign3A_40 : i32
    %sign3A_42 = arith.constant 0 : i32
    %sign3A_43 = arith.cmpi sgt, %jit3A_33, %sign3A_42 : i32
    %sign3A_44 = arith.extui %sign3A_43 : i1 to i32
    %sign3A_45 = arith.constant 0 : i32
    %sign3A_46 = arith.cmpi slt, %jit3A_33, %sign3A_45 : i32
    %sign3A_47 = arith.extui %sign3A_46 : i1 to i32
    %sign3A_48 = arith.subi %sign3A_44, %sign3A_47 : i32
    %ne3A_49 = arith.cmpi ne, %sign3A_41, %sign3A_48 : i32
    %rem3A_50 = arith.remsi %add3A_32, %jit3A_33 : i32
    %ne3A_51 = arith.constant 0 : i32
    %ne3A_52 = arith.cmpi ne, %rem3A_50, %ne3A_51 : i32
    %and3A_53 = arith.andi %ne3A_49, %ne3A_52 : i1
    %sub3A_54 = arith.constant 1 : i32
    %sub3A_55 = arith.subi %div3A_34, %sub3A_54 : i32
    %select_n3A_56 = arith.select %and3A_53, %sub3A_55, %div3A_34 : i32
    %mul3A = arith.constant 2 : i32
    %mul3A_57 = arith.muli %select_n3A_56, %mul3A : i32
    %eq3A_58 = arith.constant 0 : i32
    %eq3A_59 = vector.broadcast %eq3A_58 : i32 to vector<16xi32>
    %eq3A_60 = arith.cmpi eq, %iota3A, %eq3A_59 : vector<16xi32>
    %jit3A_61 = arith.constant 0 : i32
    %broadcast_in_dim3A_62 = vector.broadcast %mul3A_57 : i32 to vector<16xi32>
    %broadcast_in_dim3A_63 = vector.broadcast %jit3A_61 : i32 to vector<16xi32>
    %select_n3A_64 = arith.select %eq3A_60, %broadcast_in_dim3A_62, %broadcast_in_dim3A_63 : vector<16xi1>, vector<16xi32>
    %add3A_65 = arith.addi %broadcast_in_dim3A_1, %select_n3A_64 : vector<16xi32>
    %eq3A_66 = arith.constant 0 : i32
    %eq3A_67 = vector.broadcast %eq3A_66 : i32 to vector<16xi32>
    %eq3A_68 = arith.cmpi eq, %iota3A, %eq3A_67 : vector<16xi32>
    %jit3A_69 = arith.constant 0 : i32
    %jit3A_70 = arith.constant 0 : i32
    %broadcast_in_dim3A_71 = vector.broadcast %jit3A_69 : i32 to vector<16xi32>
    %broadcast_in_dim3A_72 = vector.broadcast %jit3A_70 : i32 to vector<16xi32>
    %select_n3A_73 = arith.select %eq3A_68, %broadcast_in_dim3A_71, %broadcast_in_dim3A_72 : vector<16xi1>, vector<16xi32>
    %add3A_74 = arith.addi %broadcast_in_dim3A_3, %select_n3A_73 : vector<16xi32>
    %add3A_75 = arith.constant 0 : i32
    %add3A_76 = arith.addi %add3A_75, %mul3A_57 : i32
    %eq3A_77 = arith.constant 1 : i32
    %eq3A_78 = vector.broadcast %eq3A_77 : i32 to vector<16xi32>
    %eq3A_79 = arith.cmpi eq, %iota3A, %eq3A_78 : vector<16xi32>
    %jit3A_80 = arith.constant 0 : i32
    %broadcast_in_dim3A_81 = vector.broadcast %jit3A_80 : i32 to vector<16xi32>
    %select_n3A_82 = arith.select %eq3A_79, %get3A_0, %broadcast_in_dim3A_81 : vector<16xi1>, vector<16xi32>
    %reduce_sum3A_83 = arith.constant true
    %reduce_sum3A_84 = vector.broadcast %reduce_sum3A_83 : i1 to vector<16xi1>
    %reduce_sum3A_85 = tpu.scan <sum>, %select_n3A_82 masked %reduce_sum3A_84 : vector<16xi32>, vector<16xi1> -> vector<16xi32>
    %reduce_sum3A_86 = vector.extract %reduce_sum3A_85[15] : i32 from vector<16xi32>
    %add3A_87 = arith.constant 128 : i32
    %add3A_88 = arith.addi %reduce_sum3A_86, %add3A_87 : i32
    %sub3A_89 = arith.constant 1 : i32
    %sub3A_90 = arith.subi %add3A_88, %sub3A_89 : i32
    %jit3A_91 = arith.constant 128 : i32
    %div3A_92 = arith.divsi %sub3A_90, %jit3A_91 : i32
    %sign3A_93 = arith.constant 0 : i32
    %sign3A_94 = arith.cmpi sgt, %sub3A_90, %sign3A_93 : i32
    %sign3A_95 = arith.extui %sign3A_94 : i1 to i32
    %sign3A_96 = arith.constant 0 : i32
    %sign3A_97 = arith.cmpi slt, %sub3A_90, %sign3A_96 : i32
    %sign3A_98 = arith.extui %sign3A_97 : i1 to i32
    %sign3A_99 = arith.subi %sign3A_95, %sign3A_98 : i32
    %sign3A_100 = arith.constant 0 : i32
    %sign3A_101 = arith.cmpi sgt, %jit3A_91, %sign3A_100 : i32
    %sign3A_102 = arith.extui %sign3A_101 : i1 to i32
    %sign3A_103 = arith.constant 0 : i32
    %sign3A_104 = arith.cmpi slt, %jit3A_91, %sign3A_103 : i32
    %sign3A_105 = arith.extui %sign3A_104 : i1 to i32
    %sign3A_106 = arith.subi %sign3A_102, %sign3A_105 : i32
    %ne3A_107 = arith.cmpi ne, %sign3A_99, %sign3A_106 : i32
    %rem3A_108 = arith.remsi %sub3A_90, %jit3A_91 : i32
    %ne3A_109 = arith.constant 0 : i32
    %ne3A_110 = arith.cmpi ne, %rem3A_108, %ne3A_109 : i32
    %and3A_111 = arith.andi %ne3A_107, %ne3A_110 : i1
    %sub3A_112 = arith.constant 1 : i32
    %sub3A_113 = arith.subi %div3A_92, %sub3A_112 : i32
    %select_n3A_114 = arith.select %and3A_111, %sub3A_113, %div3A_92 : i32
    %add3A_115 = arith.constant 1 : i32
    %add3A_116 = arith.addi %select_n3A_114, %add3A_115 : i32
    %jit3A_117 = arith.constant 2 : i32
    %div3A_118 = arith.divsi %add3A_116, %jit3A_117 : i32
    %sign3A_119 = arith.constant 0 : i32
    %sign3A_120 = arith.cmpi sgt, %add3A_116, %sign3A_119 : i32
    %sign3A_121 = arith.extui %sign3A_120 : i1 to i32
    %sign3A_122 = arith.constant 0 : i32
    %sign3A_123 = arith.cmpi slt, %add3A_116, %sign3A_122 : i32
    %sign3A_124 = arith.extui %sign3A_123 : i1 to i32
    %sign3A_125 = arith.subi %sign3A_121, %sign3A_124 : i32
    %sign3A_126 = arith.constant 0 : i32
    %sign3A_127 = arith.cmpi sgt, %jit3A_117, %sign3A_126 : i32
    %sign3A_128 = arith.extui %sign3A_127 : i1 to i32
    %sign3A_129 = arith.constant 0 : i32
    %sign3A_130 = arith.cmpi slt, %jit3A_117, %sign3A_129 : i32
    %sign3A_131 = arith.extui %sign3A_130 : i1 to i32
    %sign3A_132 = arith.subi %sign3A_128, %sign3A_131 : i32
    %ne3A_133 = arith.cmpi ne, %sign3A_125, %sign3A_132 : i32
    %rem3A_134 = arith.remsi %add3A_116, %jit3A_117 : i32
    %ne3A_135 = arith.constant 0 : i32
    %ne3A_136 = arith.cmpi ne, %rem3A_134, %ne3A_135 : i32
    %and3A_137 = arith.andi %ne3A_133, %ne3A_136 : i1
    %sub3A_138 = arith.constant 1 : i32
    %sub3A_139 = arith.subi %div3A_118, %sub3A_138 : i32
    %select_n3A_140 = arith.select %and3A_137, %sub3A_139, %div3A_118 : i32
    %mul3A_141 = arith.constant 2 : i32
    %mul3A_142 = arith.muli %select_n3A_140, %mul3A_141 : i32
    %eq3A_143 = arith.constant 1 : i32
    %eq3A_144 = vector.broadcast %eq3A_143 : i32 to vector<16xi32>
    %eq3A_145 = arith.cmpi eq, %iota3A, %eq3A_144 : vector<16xi32>
    %jit3A_146 = arith.constant 0 : i32
    %broadcast_in_dim3A_147 = vector.broadcast %mul3A_142 : i32 to vector<16xi32>
    %broadcast_in_dim3A_148 = vector.broadcast %jit3A_146 : i32 to vector<16xi32>
    %select_n3A_149 = arith.select %eq3A_145, %broadcast_in_dim3A_147, %broadcast_in_dim3A_148 : vector<16xi1>, vector<16xi32>
    %add3A_150 = arith.addi %add3A_65, %select_n3A_149 : vector<16xi32>
    %eq3A_151 = arith.constant 1 : i32
    %eq3A_152 = vector.broadcast %eq3A_151 : i32 to vector<16xi32>
    %eq3A_153 = arith.cmpi eq, %iota3A, %eq3A_152 : vector<16xi32>
    %jit3A_154 = arith.constant 0 : i32
    %broadcast_in_dim3A_155 = vector.broadcast %add3A_76 : i32 to vector<16xi32>
    %broadcast_in_dim3A_156 = vector.broadcast %jit3A_154 : i32 to vector<16xi32>
    %select_n3A_157 = arith.select %eq3A_153, %broadcast_in_dim3A_155, %broadcast_in_dim3A_156 : vector<16xi1>, vector<16xi32>
    %add3A_158 = arith.addi %add3A_74, %select_n3A_157 : vector<16xi32>
    %add3A_159 = arith.addi %add3A_76, %mul3A_142 : i32
    %eq3A_160 = arith.constant 2 : i32
    %eq3A_161 = vector.broadcast %eq3A_160 : i32 to vector<16xi32>
    %eq3A_162 = arith.cmpi eq, %iota3A, %eq3A_161 : vector<16xi32>
    %jit3A_163 = arith.constant 0 : i32
    %broadcast_in_dim3A_164 = vector.broadcast %jit3A_163 : i32 to vector<16xi32>
    %select_n3A_165 = arith.select %eq3A_162, %get3A_0, %broadcast_in_dim3A_164 : vector<16xi1>, vector<16xi32>
    %reduce_sum3A_166 = arith.constant true
    %reduce_sum3A_167 = vector.broadcast %reduce_sum3A_166 : i1 to vector<16xi1>
    %reduce_sum3A_168 = tpu.scan <sum>, %select_n3A_165 masked %reduce_sum3A_167 : vector<16xi32>, vector<16xi1> -> vector<16xi32>
    %reduce_sum3A_169 = vector.extract %reduce_sum3A_168[15] : i32 from vector<16xi32>
    %add3A_170 = arith.constant 128 : i32
    %add3A_171 = arith.addi %reduce_sum3A_169, %add3A_170 : i32
    %sub3A_172 = arith.constant 1 : i32
    %sub3A_173 = arith.subi %add3A_171, %sub3A_172 : i32
    %jit3A_174 = arith.constant 128 : i32
    %div3A_175 = arith.divsi %sub3A_173, %jit3A_174 : i32
    %sign3A_176 = arith.constant 0 : i32
    %sign3A_177 = arith.cmpi sgt, %sub3A_173, %sign3A_176 : i32
    %sign3A_178 = arith.extui %sign3A_177 : i1 to i32
    %sign3A_179 = arith.constant 0 : i32
    %sign3A_180 = arith.cmpi slt, %sub3A_173, %sign3A_179 : i32
    %sign3A_181 = arith.extui %sign3A_180 : i1 to i32
    %sign3A_182 = arith.subi %sign3A_178, %sign3A_181 : i32
    %sign3A_183 = arith.constant 0 : i32
    %sign3A_184 = arith.cmpi sgt, %jit3A_174, %sign3A_183 : i32
    %sign3A_185 = arith.extui %sign3A_184 : i1 to i32
    %sign3A_186 = arith.constant 0 : i32
    %sign3A_187 = arith.cmpi slt, %jit3A_174, %sign3A_186 : i32
    %sign3A_188 = arith.extui %sign3A_187 : i1 to i32
    %sign3A_189 = arith.subi %sign3A_185, %sign3A_188 : i32
    %ne3A_190 = arith.cmpi ne, %sign3A_182, %sign3A_189 : i32
    %rem3A_191 = arith.remsi %sub3A_173, %jit3A_174 : i32
    %ne3A_192 = arith.constant 0 : i32
    %ne3A_193 = arith.cmpi ne, %rem3A_191, %ne3A_192 : i32
    %and3A_194 = arith.andi %ne3A_190, %ne3A_193 : i1
    %sub3A_195 = arith.constant 1 : i32
    %sub3A_196 = arith.subi %div3A_175, %sub3A_195 : i32
    %select_n3A_197 = arith.select %and3A_194, %sub3A_196, %div3A_175 : i32
    %add3A_198 = arith.constant 1 : i32
    %add3A_199 = arith.addi %select_n3A_197, %add3A_198 : i32
    %jit3A_200 = arith.constant 2 : i32
    %div3A_201 = arith.divsi %add3A_199, %jit3A_200 : i32
    %sign3A_202 = arith.constant 0 : i32
    %sign3A_203 = arith.cmpi sgt, %add3A_199, %sign3A_202 : i32
    %sign3A_204 = arith.extui %sign3A_203 : i1 to i32
    %sign3A_205 = arith.constant 0 : i32
    %sign3A_206 = arith.cmpi slt, %add3A_199, %sign3A_205 : i32
    %sign3A_207 = arith.extui %sign3A_206 : i1 to i32
    %sign3A_208 = arith.subi %sign3A_204, %sign3A_207 : i32
    %sign3A_209 = arith.constant 0 : i32
    %sign3A_210 = arith.cmpi sgt, %jit3A_200, %sign3A_209 : i32
    %sign3A_211 = arith.extui %sign3A_210 : i1 to i32
    %sign3A_212 = arith.constant 0 : i32
    %sign3A_213 = arith.cmpi slt, %jit3A_200, %sign3A_212 : i32
    %sign3A_214 = arith.extui %sign3A_213 : i1 to i32
    %sign3A_215 = arith.subi %sign3A_211, %sign3A_214 : i32
    %ne3A_216 = arith.cmpi ne, %sign3A_208, %sign3A_215 : i32
    %rem3A_217 = arith.remsi %add3A_199, %jit3A_200 : i32
    %ne3A_218 = arith.constant 0 : i32
    %ne3A_219 = arith.cmpi ne, %rem3A_217, %ne3A_218 : i32
    %and3A_220 = arith.andi %ne3A_216, %ne3A_219 : i1
    %sub3A_221 = arith.constant 1 : i32
    %sub3A_222 = arith.subi %div3A_201, %sub3A_221 : i32
    %select_n3A_223 = arith.select %and3A_220, %sub3A_222, %div3A_201 : i32
    %mul3A_224 = arith.constant 2 : i32
    %mul3A_225 = arith.muli %select_n3A_223, %mul3A_224 : i32
    %eq3A_226 = arith.constant 2 : i32
    %eq3A_227 = vector.broadcast %eq3A_226 : i32 to vector<16xi32>
    %eq3A_228 = arith.cmpi eq, %iota3A, %eq3A_227 : vector<16xi32>
    %jit3A_229 = arith.constant 0 : i32
    %broadcast_in_dim3A_230 = vector.broadcast %mul3A_225 : i32 to vector<16xi32>
    %broadcast_in_dim3A_231 = vector.broadcast %jit3A_229 : i32 to vector<16xi32>
    %select_n3A_232 = arith.select %eq3A_228, %broadcast_in_dim3A_230, %broadcast_in_dim3A_231 : vector<16xi1>, vector<16xi32>
    %add3A_233 = arith.addi %add3A_150, %select_n3A_232 : vector<16xi32>
    %eq3A_234 = arith.constant 2 : i32
    %eq3A_235 = vector.broadcast %eq3A_234 : i32 to vector<16xi32>
    %eq3A_236 = arith.cmpi eq, %iota3A, %eq3A_235 : vector<16xi32>
    %jit3A_237 = arith.constant 0 : i32
    %broadcast_in_dim3A_238 = vector.broadcast %add3A_159 : i32 to vector<16xi32>
    %broadcast_in_dim3A_239 = vector.broadcast %jit3A_237 : i32 to vector<16xi32>
    %select_n3A_240 = arith.select %eq3A_236, %broadcast_in_dim3A_238, %broadcast_in_dim3A_239 : vector<16xi1>, vector<16xi32>
    %add3A_241 = arith.addi %add3A_158, %select_n3A_240 : vector<16xi32>
    %add3A_242 = arith.addi %add3A_159, %mul3A_225 : i32
    %scan3A = arith.constant 0 : i32
    %scan3A_243 = arith.constant 0 : i32
    %scan3A_244 = arith.constant 896 : i32
    %scan3A_245 = arith.addi %scan3A_243, %scan3A_244 : i32
    %scan3A_246 = arith.constant 1 : i32
    scf.for %scan3A_256 = %scan3A_243 to %scan3A_245 step %scan3A_246  : i32 {
      %jit3A_257 = arith.constant 8 : i32
      %div3A_258 = arith.divsi %scan3A_256, %jit3A_257 : i32
      %sign3A_259 = arith.constant 0 : i32
      %sign3A_260 = arith.cmpi sgt, %scan3A_256, %sign3A_259 : i32
      %sign3A_261 = arith.extui %sign3A_260 : i1 to i32
      %sign3A_262 = arith.constant 0 : i32
      %sign3A_263 = arith.cmpi slt, %scan3A_256, %sign3A_262 : i32
      %sign3A_264 = arith.extui %sign3A_263 : i1 to i32
      %sign3A_265 = arith.subi %sign3A_261, %sign3A_264 : i32
      %sign3A_266 = arith.constant 0 : i32
      %sign3A_267 = arith.cmpi sgt, %jit3A_257, %sign3A_266 : i32
      %sign3A_268 = arith.extui %sign3A_267 : i1 to i32
      %sign3A_269 = arith.constant 0 : i32
      %sign3A_270 = arith.cmpi slt, %jit3A_257, %sign3A_269 : i32
      %sign3A_271 = arith.extui %sign3A_270 : i1 to i32
      %sign3A_272 = arith.subi %sign3A_268, %sign3A_271 : i32
      %ne3A_273 = arith.cmpi ne, %sign3A_265, %sign3A_272 : i32
      %rem3A_274 = arith.remsi %scan3A_256, %jit3A_257 : i32
      %ne3A_275 = arith.constant 0 : i32
      %ne3A_276 = arith.cmpi ne, %rem3A_274, %ne3A_275 : i32
      %and3A_277 = arith.andi %ne3A_273, %ne3A_276 : i1
      %sub3A_278 = arith.constant 1 : i32
      %sub3A_279 = arith.subi %div3A_258, %sub3A_278 : i32
      %select_n3A_280 = arith.select %and3A_277, %sub3A_279, %div3A_258 : i32
      %jit3A_281 = arith.constant 8 : i32
      %eq3A_282 = arith.constant 0 : i32
      %eq3A_283 = arith.cmpi eq, %jit3A_281, %eq3A_282 : i32
      %jit3A_284 = arith.constant 1 : i32
      %select_n3A_285 = arith.select %eq3A_283, %jit3A_284, %jit3A_281 : i32
      %rem3A_286 = arith.remsi %scan3A_256, %select_n3A_285 : i32
      %ne3A_287 = arith.constant 0 : i32
      %ne3A_288 = arith.cmpi ne, %rem3A_286, %ne3A_287 : i32
      %lt3A = arith.constant 0 : i32
      %lt3A_289 = arith.cmpi slt, %rem3A_286, %lt3A : i32
      %lt3A_290 = arith.constant 0 : i32
      %lt3A_291 = arith.cmpi slt, %select_n3A_285, %lt3A_290 : i32
      %ne3A_292 = arith.xori %lt3A_289, %lt3A_291 : i1
      %and3A_293 = arith.andi %ne3A_292, %ne3A_288 : i1
      %add3A_294 = arith.addi %rem3A_286, %select_n3A_285 : i32
      %select_n3A_295 = arith.select %and3A_293, %add3A_294, %rem3A_286 : i32
      %mul3A_296 = arith.constant 16 : i32
      %mul3A_297 = arith.muli %select_n3A_295, %mul3A_296 : i32
      %broadcast_in_dim3A_298 = arith.constant 0.000000e+00 : f32
      %broadcast_in_dim3A_299 = vector.broadcast %broadcast_in_dim3A_298 : f32 to vector<16xf32>
      %swap3A = arith.index_cast %select_n3A_280 : i32 to index
      %swap3A_300 = arith.index_cast %mul3A_297 : i32 to index
      %swap3A_301 = tpu.vector_load %arg14[%swap3A, %swap3A_300] {strides = array<i32>} : memref<112x128xf32, #tpu.memory_space<vmem>>, vector<16xf32>,
      tpu.vector_store %arg14[%swap3A, %swap3A_300], %broadcast_in_dim3A_299 {strides = array<i32>} : memref<112x128xf32, #tpu.memory_space<vmem>>, vector<16xf32>,
    }
    %scan3A_247 = arith.constant 896 : i32
    %eq3A_248 = arith.constant 0 : i32
    %eq3A_249 = arith.cmpi eq, %arg0, %eq3A_248 : i32
    %convert_element_type3A = arith.extui %eq3A_249 : i1 to i32
    %cond3A = arith.constant 0 : i32
    %cond3A_250 = arith.cmpi ne, %convert_element_type3A, %cond3A : i32
    scf.if %cond3A_250 {
      %scan3A_256 = arith.constant 0 : i32
      %scan3A_257 = arith.constant 0 : i32
      %scan3A_258 = arith.constant 3 : i32
      %scan3A_259 = arith.addi %scan3A_257, %scan3A_258 : i32
      %scan3A_260 = arith.constant 1 : i32
      scf.for %scan3A_262 = %scan3A_257 to %scan3A_259 step %scan3A_260  : i32 {
        %mul3A_263 = arith.constant 224 : i32
        %mul3A_264 = arith.muli %arg1, %mul3A_263 : i32
        %multiple_of3A = tpu.assume_multiple %mul3A_264, 8 : i32
        "tpu.region"() ({
          %run_scoped3A = tpu.sem_alloc : memref<!tpu.dma_semaphore, #tpu.memory_space<semaphore_mem>>
          %dma_start3A = arith.constant 0 : i32
          %dma_start3A_336 = tpu.memref_slice %arg15[%multiple_of3A, %dma_start3A] : memref<3584x128xf32, #tpu.memory_space<vmem_shared>> -> memref<112x128xf32, #tpu.memory_space<vmem_shared>>
          %dma_start3A_337 = arith.constant 0 : i32
          %dma_start3A_338 = tpu.memref_slice %arg15[%multiple_of3A, %dma_start3A_337] : memref<3584x128xf32, #tpu.memory_space<vmem_shared>> -> memref<112x128xf32, #tpu.memory_space<vmem_shared>>
          tpu.enqueue_dma source(%arg14 : memref<112x128xf32, #tpu.memory_space<vmem>>) target(%dma_start3A_338 : memref<112x128xf32, #tpu.memory_space<vmem_shared>>) target_semaphore(%run_scoped3A : memref<!tpu.dma_semaphore, #tpu.memory_space<semaphore_mem>>)
          %dma_wait3A = arith.constant 0 : i32
          %dma_wait3A_339 = tpu.memref_slice %arg15[%multiple_of3A, %dma_wait3A] : memref<3584x128xf32, #tpu.memory_space<vmem_shared>> -> memref<112x128xf32, #tpu.memory_space<vmem_shared>>
          %dma_wait3A_340 = arith.constant 0 : i32
          %dma_wait3A_341 = tpu.memref_slice %arg15[%multiple_of3A, %dma_wait3A_340] : memref<3584x128xf32, #tpu.memory_space<vmem_shared>> -> memref<112x128xf32, #tpu.memory_space<vmem_shared>>
          tpu.wait_dma2 semaphore(%run_scoped3A : memref<!tpu.dma_semaphore, #tpu.memory_space<semaphore_mem>>) src(%arg14 : memref<112x128xf32, #tpu.memory_space<vmem>>) dst(%dma_wait3A_341 : memref<112x128xf32, #tpu.memory_space<vmem_shared>>)
          tpu.yield
        }) : () -> ()
        %mul3A_265 = arith.constant 224 : i32
        %mul3A_266 = arith.muli %arg1, %mul3A_265 : i32
        %add3A_267 = arith.constant 112 : i32
        %add3A_268 = arith.addi %mul3A_266, %add3A_267 : i32
        %multiple_of3A_269 = tpu.assume_multiple %add3A_268, 8 : i32
        "tpu.region"() ({
          %run_scoped3A = tpu.sem_alloc : memref<!tpu.dma_semaphore, #tpu.memory_space<semaphore_mem>>
          %dma_start3A = arith.constant 0 : i32
          %dma_start3A_336 = tpu.memref_slice %arg15[%multiple_of3A_269, %dma_start3A] : memref<3584x128xf32, #tpu.memory_space<vmem_shared>> -> memref<112x128xf32, #tpu.memory_space<vmem_shared>>
          %dma_start3A_337 = arith.constant 0 : i32
          %dma_start3A_338 = tpu.memref_slice %arg15[%multiple_of3A_269, %dma_start3A_337] : memref<3584x128xf32, #tpu.memory_space<vmem_shared>> -> memref<112x128xf32, #tpu.memory_space<vmem_shared>>
          tpu.enqueue_dma source(%arg14 : memref<112x128xf32, #tpu.memory_space<vmem>>) target(%dma_start3A_338 : memref<112x128xf32, #tpu.memory_space<vmem_shared>>) target_semaphore(%run_scoped3A : memref<!tpu.dma_semaphore, #tpu.memory_space<semaphore_mem>>)
          %dma_wait3A = arith.constant 0 : i32
          %dma_wait3A_339 = tpu.memref_slice %arg15[%multiple_of3A_269, %dma_wait3A] : memref<3584x128xf32, #tpu.memory_space<vmem_shared>> -> memref<112x128xf32, #tpu.memory_space<vmem_shared>>
          %dma_wait3A_340 = arith.constant 0 : i32
          %dma_wait3A_341 = tpu.memref_slice %arg15[%multiple_of3A_269, %dma_wait3A_340] : memref<3584x128xf32, #tpu.memory_space<vmem_shared>> -> memref<112x128xf32, #tpu.memory_space<vmem_shared>>
          tpu.wait_dma2 semaphore(%run_scoped3A : memref<!tpu.dma_semaphore, #tpu.memory_space<semaphore_mem>>) src(%arg14 : memref<112x128xf32, #tpu.memory_space<vmem>>) dst(%dma_wait3A_341 : memref<112x128xf32, #tpu.memory_space<vmem_shared>>)
          tpu.yield
        }) : () -> ()
        %barrier3A = arith.constant 0 : index
        tpu.barrier barrier_id(%barrier3A)
        %eq3A_270 = vector.broadcast %scan3A_262 : i32 to vector<16xi32>
        %eq3A_271 = arith.cmpi eq, %iota3A, %eq3A_270 : vector<16xi32>
        %jit3A_272 = arith.constant 0 : i32
        %broadcast_in_dim3A_273 = vector.broadcast %jit3A_272 : i32 to vector<16xi32>
        %select_n3A_274 = arith.select %eq3A_271, %add3A_233, %broadcast_in_dim3A_273 : vector<16xi1>, vector<16xi32>
        %reduce_sum3A_275 = arith.constant true
        %reduce_sum3A_276 = vector.broadcast %reduce_sum3A_275 : i1 to vector<16xi1>
        %reduce_sum3A_277 = tpu.scan <sum>, %select_n3A_274 masked %reduce_sum3A_276 : vector<16xi32>, vector<16xi1> -> vector<16xi32>
        %reduce_sum3A_278 = vector.extract %reduce_sum3A_277[15] : i32 from vector<16xi32>
        %eq3A_279 = vector.broadcast %scan3A_262 : i32 to vector<16xi32>
        %eq3A_280 = arith.cmpi eq, %iota3A, %eq3A_279 : vector<16xi32>
        %jit3A_281 = arith.constant 0 : i32
        %broadcast_in_dim3A_282 = vector.broadcast %jit3A_281 : i32 to vector<16xi32>
        %select_n3A_283 = arith.select %eq3A_280, %add3A_241, %broadcast_in_dim3A_282 : vector<16xi1>, vector<16xi32>
        %reduce_sum3A_284 = arith.constant true
        %reduce_sum3A_285 = vector.broadcast %reduce_sum3A_284 : i1 to vector<16xi1>
        %reduce_sum3A_286 = tpu.scan <sum>, %select_n3A_283 masked %reduce_sum3A_285 : vector<16xi32>, vector<16xi1> -> vector<16xi32>
        %reduce_sum3A_287 = vector.extract %reduce_sum3A_286[15] : i32 from vector<16xi32>
        %gt3A = arith.constant 0 : i32
        %gt3A_288 = arith.cmpi sgt, %reduce_sum3A_278, %gt3A : i32
        %convert_element_type3A_289 = arith.extui %gt3A_288 : i1 to i32
        %cond3A_290 = arith.constant 0 : i32
        %cond3A_291 = arith.cmpi ne, %convert_element_type3A_289, %cond3A_290 : i32
        scf.if %cond3A_291 {
          %dma_start3A = arith.constant 0 : i32
          %dma_start3A_336 = tpu.memref_slice %arg9[%reduce_sum3A_287, %dma_start3A] : memref<88x128xi32, #tpu.memory_space<vmem>> -> memref<1x128xi32, #tpu.memory_space<vmem>>
          %dma_start3A_337 = tpu.memref_squeeze %dma_start3A_336 : memref<1x128xi32, #tpu.memory_space<vmem>> -> memref<128xi32, #tpu.memory_space<vmem>>
          %dma_start3A_338 = arith.constant 0 : i32
          %dma_start3A_339 = arith.constant 0 : i32
          %dma_start3A_340 = tpu.memref_slice %arg5[%dma_start3A_338, %dma_start3A_339] : memref<10000x128xf32, #tpu.memory_space<hbm>> -> memref<10000x128xf32, #tpu.memory_space<hbm>>
          tpu.enqueue_indirect_dma source(%dma_start3A_340 : memref<10000x128xf32, #tpu.memory_space<hbm>>) target(%arg12 : memref<128x128xf32, #tpu.memory_space<vmem>>) offsets(%dma_start3A_337 : memref<128xi32, #tpu.memory_space<vmem>>) semaphore(%arg16 : memref<!tpu.dma_semaphore, #tpu.memory_space<semaphore_mem>>)
          %add3A_341 = arith.constant 1 : i32
          %add3A_342 = arith.addi %reduce_sum3A_287, %add3A_341 : i32
          %dma_start3A_343 = arith.constant 0 : i32
          %dma_start3A_344 = tpu.memref_slice %arg9[%add3A_342, %dma_start3A_343] : memref<88x128xi32, #tpu.memory_space<vmem>> -> memref<1x128xi32, #tpu.memory_space<vmem>>
          %dma_start3A_345 = tpu.memref_squeeze %dma_start3A_344 : memref<1x128xi32, #tpu.memory_space<vmem>> -> memref<128xi32, #tpu.memory_space<vmem>>
          %dma_start3A_346 = arith.constant 0 : i32
          %dma_start3A_347 = arith.constant 0 : i32
          %dma_start3A_348 = tpu.memref_slice %arg5[%dma_start3A_346, %dma_start3A_347] : memref<10000x128xf32, #tpu.memory_space<hbm>> -> memref<10000x128xf32, #tpu.memory_space<hbm>>
          tpu.enqueue_indirect_dma source(%dma_start3A_348 : memref<10000x128xf32, #tpu.memory_space<hbm>>) target(%arg13 : memref<128x128xf32, #tpu.memory_space<vmem>>) offsets(%dma_start3A_345 : memref<128xi32, #tpu.memory_space<vmem>>) semaphore(%arg17 : memref<!tpu.dma_semaphore, #tpu.memory_space<semaphore_mem>>)
        } else {
        }
        %jit3A_292 = arith.constant 2 : i32
        %div3A_293 = arith.divsi %reduce_sum3A_278, %jit3A_292 : i32
        %sign3A_294 = arith.constant 0 : i32
        %sign3A_295 = arith.cmpi sgt, %reduce_sum3A_278, %sign3A_294 : i32
        %sign3A_296 = arith.extui %sign3A_295 : i1 to i32
        %sign3A_297 = arith.constant 0 : i32
        %sign3A_298 = arith.cmpi slt, %reduce_sum3A_278, %sign3A_297 : i32
        %sign3A_299 = arith.extui %sign3A_298 : i1 to i32
        %sign3A_300 = arith.subi %sign3A_296, %sign3A_299 : i32
        %sign3A_301 = arith.constant 0 : i32
        %sign3A_302 = arith.cmpi sgt, %jit3A_292, %sign3A_301 : i32
        %sign3A_303 = arith.extui %sign3A_302 : i1 to i32
        %sign3A_304 = arith.constant 0 : i32
        %sign3A_305 = arith.cmpi slt, %jit3A_292, %sign3A_304 : i32
        %sign3A_306 = arith.extui %sign3A_305 : i1 to i32
        %sign3A_307 = arith.subi %sign3A_303, %sign3A_306 : i32
        %ne3A_308 = arith.cmpi ne, %sign3A_300, %sign3A_307 : i32
        %rem3A_309 = arith.remsi %reduce_sum3A_278, %jit3A_292 : i32
        %ne3A_310 = arith.constant 0 : i32
        %ne3A_311 = arith.cmpi ne, %rem3A_309, %ne3A_310 : i32
        %and3A_312 = arith.andi %ne3A_308, %ne3A_311 : i1
        %sub3A_313 = arith.constant 1 : i32
        %sub3A_314 = arith.subi %div3A_293, %sub3A_313 : i32
        %select_n3A_315 = arith.select %and3A_312, %sub3A_314, %div3A_293 : i32
        %while3A = arith.constant 0 : i32
        %while3A_316 = arith.constant 0 : i32
        %while3A_317 = arith.subi %select_n3A_315, %while3A_316 : i32
        %while3A_318 = arith.addi %while3A_316, %while3A_317 : i32
        %while3A_319 = arith.constant 1 : i32
        %while3A_320 = arith.divsi %while3A_317, %while3A_319 : i32
        %while3A_321 = arith.muli %while3A_320, %while3A_319 : i32
        %while3A_322 = arith.addi %while3A_316, %while3A_321 : i32
        %while3A_323 = arith.constant 1 : i32
        scf.for %while3A_336 = %while3A_316 to %while3A_322 step %while3A_323  : i32 {
          %mul3A_337 = arith.constant 2 : i32
          %mul3A_338 = arith.muli %mul3A_337, %while3A_336 : i32
          %add3A_339 = arith.addi %reduce_sum3A_287, %mul3A_338 : i32
          %dma_wait3A = arith.constant 0 : i32
          %dma_wait3A_340 = tpu.memref_slice %arg9[%add3A_339, %dma_wait3A] : memref<88x128xi32, #tpu.memory_space<vmem>> -> memref<1x128xi32, #tpu.memory_space<vmem>>
          %dma_wait3A_341 = tpu.memref_squeeze %dma_wait3A_340 : memref<1x128xi32, #tpu.memory_space<vmem>> -> memref<128xi32, #tpu.memory_space<vmem>>
          %dma_wait3A_342 = arith.constant 0 : i32
          %dma_wait3A_343 = arith.constant 0 : i32
          %dma_wait3A_344 = tpu.memref_slice %arg5[%dma_wait3A_342, %dma_wait3A_343] : memref<10000x128xf32, #tpu.memory_space<hbm>> -> memref<10000x128xf32, #tpu.memory_space<hbm>>
          tpu.wait_indirect_dma semaphore(%arg16 : memref<!tpu.dma_semaphore, #tpu.memory_space<semaphore_mem>>) src(%dma_wait3A_344 : memref<10000x128xf32, #tpu.memory_space<hbm>>) dst(%arg12 : memref<128x128xf32, #tpu.memory_space<vmem>>)
          %dma_start3A = arith.constant 0 : i32
          %dma_start3A_345 = tpu.memref_slice %arg10[%add3A_339, %dma_start3A] : memref<88x128xi32, #tpu.memory_space<vmem>> -> memref<1x128xi32, #tpu.memory_space<vmem>>
          %dma_start3A_346 = tpu.memref_squeeze %dma_start3A_345 : memref<1x128xi32, #tpu.memory_space<vmem>> -> memref<128xi32, #tpu.memory_space<vmem>>
          %dma_start3A_347 = arith.constant 0 : i32
          %dma_start3A_348 = arith.constant 0 : i32
          %dma_start3A_349 = tpu.memref_slice %arg15[%dma_start3A_347, %dma_start3A_348] : memref<3584x128xf32, #tpu.memory_space<vmem_shared>> -> memref<3584x128xf32, #tpu.memory_space<vmem_shared>>
          tpu.enqueue_indirect_dma source(%arg12 : memref<128x128xf32, #tpu.memory_space<vmem>>) target(%dma_start3A_349 : memref<3584x128xf32, #tpu.memory_space<vmem_shared>>) offsets(%dma_start3A_346 : memref<128xi32, #tpu.memory_space<vmem>>) semaphore(%arg18 : memref<!tpu.dma_semaphore, #tpu.memory_space<semaphore_mem>>) {add = true}
          %add3A_350 = arith.constant 1 : i32
          %add3A_351 = arith.addi %add3A_339, %add3A_350 : i32
          %dma_wait3A_352 = arith.constant 0 : i32
          %dma_wait3A_353 = tpu.memref_slice %arg9[%add3A_351, %dma_wait3A_352] : memref<88x128xi32, #tpu.memory_space<vmem>> -> memref<1x128xi32, #tpu.memory_space<vmem>>
          %dma_wait3A_354 = tpu.memref_squeeze %dma_wait3A_353 : memref<1x128xi32, #tpu.memory_space<vmem>> -> memref<128xi32, #tpu.memory_space<vmem>>
          %dma_wait3A_355 = arith.constant 0 : i32
          %dma_wait3A_356 = arith.constant 0 : i32
          %dma_wait3A_357 = tpu.memref_slice %arg5[%dma_wait3A_355, %dma_wait3A_356] : memref<10000x128xf32, #tpu.memory_space<hbm>> -> memref<10000x128xf32, #tpu.memory_space<hbm>>
          tpu.wait_indirect_dma semaphore(%arg17 : memref<!tpu.dma_semaphore, #tpu.memory_space<semaphore_mem>>) src(%dma_wait3A_357 : memref<10000x128xf32, #tpu.memory_space<hbm>>) dst(%arg13 : memref<128x128xf32, #tpu.memory_space<vmem>>)
          %add3A_358 = arith.constant 1 : i32
          %add3A_359 = arith.addi %add3A_339, %add3A_358 : i32
          %dma_start3A_360 = arith.constant 0 : i32
          %dma_start3A_361 = tpu.memref_slice %arg10[%add3A_359, %dma_start3A_360] : memref<88x128xi32, #tpu.memory_space<vmem>> -> memref<1x128xi32, #tpu.memory_space<vmem>>
          %dma_start3A_362 = tpu.memref_squeeze %dma_start3A_361 : memref<1x128xi32, #tpu.memory_space<vmem>> -> memref<128xi32, #tpu.memory_space<vmem>>
          %dma_start3A_363 = arith.constant 0 : i32
          %dma_start3A_364 = arith.constant 0 : i32
          %dma_start3A_365 = tpu.memref_slice %arg15[%dma_start3A_363, %dma_start3A_364] : memref<3584x128xf32, #tpu.memory_space<vmem_shared>> -> memref<3584x128xf32, #tpu.memory_space<vmem_shared>>
          tpu.enqueue_indirect_dma source(%arg13 : memref<128x128xf32, #tpu.memory_space<vmem>>) target(%dma_start3A_365 : memref<3584x128xf32, #tpu.memory_space<vmem_shared>>) offsets(%dma_start3A_362 : memref<128xi32, #tpu.memory_space<vmem>>) semaphore(%arg19 : memref<!tpu.dma_semaphore, #tpu.memory_space<semaphore_mem>>) {add = true}
          %dma_wait3A_366 = arith.constant 0 : i32
          %dma_wait3A_367 = tpu.memref_slice %arg10[%add3A_339, %dma_wait3A_366] : memref<88x128xi32, #tpu.memory_space<vmem>> -> memref<1x128xi32, #tpu.memory_space<vmem>>
          %dma_wait3A_368 = tpu.memref_squeeze %dma_wait3A_367 : memref<1x128xi32, #tpu.memory_space<vmem>> -> memref<128xi32, #tpu.memory_space<vmem>>
          %dma_wait3A_369 = arith.constant 0 : i32
          %dma_wait3A_370 = arith.constant 0 : i32
          %dma_wait3A_371 = tpu.memref_slice %arg15[%dma_wait3A_369, %dma_wait3A_370] : memref<3584x128xf32, #tpu.memory_space<vmem_shared>> -> memref<3584x128xf32, #tpu.memory_space<vmem_shared>>
          tpu.wait_indirect_dma semaphore(%arg18 : memref<!tpu.dma_semaphore, #tpu.memory_space<semaphore_mem>>) src(%arg12 : memref<128x128xf32, #tpu.memory_space<vmem>>) dst(%dma_wait3A_371 : memref<3584x128xf32, #tpu.memory_space<vmem_shared>>)
          %mul3A_372 = arith.constant 2 : i32
          %mul3A_373 = arith.muli %mul3A_372, %while3A_336 : i32
          %add3A_374 = arith.constant 2 : i32
          %add3A_375 = arith.addi %mul3A_373, %add3A_374 : i32
          %lt3A = arith.cmpi slt, %add3A_375, %reduce_sum3A_278 : i32
          %convert_element_type3A_376 = arith.extui %lt3A : i1 to i32
          %cond3A_377 = arith.constant 0 : i32
          %cond3A_378 = arith.cmpi ne, %convert_element_type3A_376, %cond3A_377 : i32
          scf.if %cond3A_378 {
            %add3A_395 = arith.constant 2 : i32
            %add3A_396 = arith.addi %add3A_339, %add3A_395 : i32
            %dma_start3A_397 = arith.constant 0 : i32
            %dma_start3A_398 = tpu.memref_slice %arg9[%add3A_396, %dma_start3A_397] : memref<88x128xi32, #tpu.memory_space<vmem>> -> memref<1x128xi32, #tpu.memory_space<vmem>>
            %dma_start3A_399 = tpu.memref_squeeze %dma_start3A_398 : memref<1x128xi32, #tpu.memory_space<vmem>> -> memref<128xi32, #tpu.memory_space<vmem>>
            %dma_start3A_400 = arith.constant 0 : i32
            %dma_start3A_401 = arith.constant 0 : i32
            %dma_start3A_402 = tpu.memref_slice %arg5[%dma_start3A_400, %dma_start3A_401] : memref<10000x128xf32, #tpu.memory_space<hbm>> -> memref<10000x128xf32, #tpu.memory_space<hbm>>
            tpu.enqueue_indirect_dma source(%dma_start3A_402 : memref<10000x128xf32, #tpu.memory_space<hbm>>) target(%arg12 : memref<128x128xf32, #tpu.memory_space<vmem>>) offsets(%dma_start3A_399 : memref<128xi32, #tpu.memory_space<vmem>>) semaphore(%arg16 : memref<!tpu.dma_semaphore, #tpu.memory_space<semaphore_mem>>)
          } else {
          }
          %add3A_379 = arith.constant 1 : i32
          %add3A_380 = arith.addi %add3A_339, %add3A_379 : i32
          %dma_wait3A_381 = arith.constant 0 : i32
          %dma_wait3A_382 = tpu.memref_slice %arg10[%add3A_380, %dma_wait3A_381] : memref<88x128xi32, #tpu.memory_space<vmem>> -> memref<1x128xi32, #tpu.memory_space<vmem>>
          %dma_wait3A_383 = tpu.memref_squeeze %dma_wait3A_382 : memref<1x128xi32, #tpu.memory_space<vmem>> -> memref<128xi32, #tpu.memory_space<vmem>>
          %dma_wait3A_384 = arith.constant 0 : i32
          %dma_wait3A_385 = arith.constant 0 : i32
          %dma_wait3A_386 = tpu.memref_slice %arg15[%dma_wait3A_384, %dma_wait3A_385] : memref<3584x128xf32, #tpu.memory_space<vmem_shared>> -> memref<3584x128xf32, #tpu.memory_space<vmem_shared>>
          tpu.wait_indirect_dma semaphore(%arg19 : memref<!tpu.dma_semaphore, #tpu.memory_space<semaphore_mem>>) src(%arg13 : memref<128x128xf32, #tpu.memory_space<vmem>>) dst(%dma_wait3A_386 : memref<3584x128xf32, #tpu.memory_space<vmem_shared>>)
          %mul3A_387 = arith.constant 2 : i32
          %mul3A_388 = arith.muli %mul3A_387, %while3A_336 : i32
          %add3A_389 = arith.constant 3 : i32
          %add3A_390 = arith.addi %mul3A_388, %add3A_389 : i32
          %lt3A_391 = arith.cmpi slt, %add3A_390, %reduce_sum3A_278 : i32
          %convert_element_type3A_392 = arith.extui %lt3A_391 : i1 to i32
          %cond3A_393 = arith.constant 0 : i32
          %cond3A_394 = arith.cmpi ne, %convert_element_type3A_392, %cond3A_393 : i32
          scf.if %cond3A_394 {
            %add3A_395 = arith.constant 3 : i32
            %add3A_396 = arith.addi %add3A_339, %add3A_395 : i32
            %dma_start3A_397 = arith.constant 0 : i32
            %dma_start3A_398 = tpu.memref_slice %arg9[%add3A_396, %dma_start3A_397] : memref<88x128xi32, #tpu.memory_space<vmem>> -> memref<1x128xi32, #tpu.memory_space<vmem>>
            %dma_start3A_399 = tpu.memref_squeeze %dma_start3A_398 : memref<1x128xi32, #tpu.memory_space<vmem>> -> memref<128xi32, #tpu.memory_space<vmem>>
            %dma_start3A_400 = arith.constant 0 : i32
            %dma_start3A_401 = arith.constant 0 : i32
            %dma_start3A_402 = tpu.memref_slice %arg5[%dma_start3A_400, %dma_start3A_401] : memref<10000x128xf32, #tpu.memory_space<hbm>> -> memref<10000x128xf32, #tpu.memory_space<hbm>>
            tpu.enqueue_indirect_dma source(%dma_start3A_402 : memref<10000x128xf32, #tpu.memory_space<hbm>>) target(%arg13 : memref<128x128xf32, #tpu.memory_space<vmem>>) offsets(%dma_start3A_399 : memref<128xi32, #tpu.memory_space<vmem>>) semaphore(%arg17 : memref<!tpu.dma_semaphore, #tpu.memory_space<semaphore_mem>>)
          } else {
          }
        }
        %while3A_324 = arith.constant 1 : i32
        scf.for %while3A_336 = %while3A_322 to %while3A_318 step %while3A_324  : i32 {
          %mul3A_337 = arith.constant 2 : i32
          %mul3A_338 = arith.muli %mul3A_337, %while3A_336 : i32
          %add3A_339 = arith.addi %reduce_sum3A_287, %mul3A_338 : i32
          %dma_wait3A = arith.constant 0 : i32
          %dma_wait3A_340 = tpu.memref_slice %arg9[%add3A_339, %dma_wait3A] : memref<88x128xi32, #tpu.memory_space<vmem>> -> memref<1x128xi32, #tpu.memory_space<vmem>>
          %dma_wait3A_341 = tpu.memref_squeeze %dma_wait3A_340 : memref<1x128xi32, #tpu.memory_space<vmem>> -> memref<128xi32, #tpu.memory_space<vmem>>
          %dma_wait3A_342 = arith.constant 0 : i32
          %dma_wait3A_343 = arith.constant 0 : i32
          %dma_wait3A_344 = tpu.memref_slice %arg5[%dma_wait3A_342, %dma_wait3A_343] : memref<10000x128xf32, #tpu.memory_space<hbm>> -> memref<10000x128xf32, #tpu.memory_space<hbm>>
          tpu.wait_indirect_dma semaphore(%arg16 : memref<!tpu.dma_semaphore, #tpu.memory_space<semaphore_mem>>) src(%dma_wait3A_344 : memref<10000x128xf32, #tpu.memory_space<hbm>>) dst(%arg12 : memref<128x128xf32, #tpu.memory_space<vmem>>)
          %dma_start3A = arith.constant 0 : i32
          %dma_start3A_345 = tpu.memref_slice %arg10[%add3A_339, %dma_start3A] : memref<88x128xi32, #tpu.memory_space<vmem>> -> memref<1x128xi32, #tpu.memory_space<vmem>>
          %dma_start3A_346 = tpu.memref_squeeze %dma_start3A_345 : memref<1x128xi32, #tpu.memory_space<vmem>> -> memref<128xi32, #tpu.memory_space<vmem>>
          %dma_start3A_347 = arith.constant 0 : i32
          %dma_start3A_348 = arith.constant 0 : i32
          %dma_start3A_349 = tpu.memref_slice %arg15[%dma_start3A_347, %dma_start3A_348] : memref<3584x128xf32, #tpu.memory_space<vmem_shared>> -> memref<3584x128xf32, #tpu.memory_space<vmem_shared>>
          tpu.enqueue_indirect_dma source(%arg12 : memref<128x128xf32, #tpu.memory_space<vmem>>) target(%dma_start3A_349 : memref<3584x128xf32, #tpu.memory_space<vmem_shared>>) offsets(%dma_start3A_346 : memref<128xi32, #tpu.memory_space<vmem>>) semaphore(%arg18 : memref<!tpu.dma_semaphore, #tpu.memory_space<semaphore_mem>>) {add = true}
          %add3A_350 = arith.constant 1 : i32
          %add3A_351 = arith.addi %add3A_339, %add3A_350 : i32
          %dma_wait3A_352 = arith.constant 0 : i32
          %dma_wait3A_353 = tpu.memref_slice %arg9[%add3A_351, %dma_wait3A_352] : memref<88x128xi32, #tpu.memory_space<vmem>> -> memref<1x128xi32, #tpu.memory_space<vmem>>
          %dma_wait3A_354 = tpu.memref_squeeze %dma_wait3A_353 : memref<1x128xi32, #tpu.memory_space<vmem>> -> memref<128xi32, #tpu.memory_space<vmem>>
          %dma_wait3A_355 = arith.constant 0 : i32
          %dma_wait3A_356 = arith.constant 0 : i32
          %dma_wait3A_357 = tpu.memref_slice %arg5[%dma_wait3A_355, %dma_wait3A_356] : memref<10000x128xf32, #tpu.memory_space<hbm>> -> memref<10000x128xf32, #tpu.memory_space<hbm>>
          tpu.wait_indirect_dma semaphore(%arg17 : memref<!tpu.dma_semaphore, #tpu.memory_space<semaphore_mem>>) src(%dma_wait3A_357 : memref<10000x128xf32, #tpu.memory_space<hbm>>) dst(%arg13 : memref<128x128xf32, #tpu.memory_space<vmem>>)
          %add3A_358 = arith.constant 1 : i32
          %add3A_359 = arith.addi %add3A_339, %add3A_358 : i32
          %dma_start3A_360 = arith.constant 0 : i32
          %dma_start3A_361 = tpu.memref_slice %arg10[%add3A_359, %dma_start3A_360] : memref<88x128xi32, #tpu.memory_space<vmem>> -> memref<1x128xi32, #tpu.memory_space<vmem>>
          %dma_start3A_362 = tpu.memref_squeeze %dma_start3A_361 : memref<1x128xi32, #tpu.memory_space<vmem>> -> memref<128xi32, #tpu.memory_space<vmem>>
          %dma_start3A_363 = arith.constant 0 : i32
          %dma_start3A_364 = arith.constant 0 : i32
          %dma_start3A_365 = tpu.memref_slice %arg15[%dma_start3A_363, %dma_start3A_364] : memref<3584x128xf32, #tpu.memory_space<vmem_shared>> -> memref<3584x128xf32, #tpu.memory_space<vmem_shared>>
          tpu.enqueue_indirect_dma source(%arg13 : memref<128x128xf32, #tpu.memory_space<vmem>>) target(%dma_start3A_365 : memref<3584x128xf32, #tpu.memory_space<vmem_shared>>) offsets(%dma_start3A_362 : memref<128xi32, #tpu.memory_space<vmem>>) semaphore(%arg19 : memref<!tpu.dma_semaphore, #tpu.memory_space<semaphore_mem>>) {add = true}
          %dma_wait3A_366 = arith.constant 0 : i32
          %dma_wait3A_367 = tpu.memref_slice %arg10[%add3A_339, %dma_wait3A_366] : memref<88x128xi32, #tpu.memory_space<vmem>> -> memref<1x128xi32, #tpu.memory_space<vmem>>
          %dma_wait3A_368 = tpu.memref_squeeze %dma_wait3A_367 : memref<1x128xi32, #tpu.memory_space<vmem>> -> memref<128xi32, #tpu.memory_space<vmem>>
          %dma_wait3A_369 = arith.constant 0 : i32
          %dma_wait3A_370 = arith.constant 0 : i32
          %dma_wait3A_371 = tpu.memref_slice %arg15[%dma_wait3A_369, %dma_wait3A_370] : memref<3584x128xf32, #tpu.memory_space<vmem_shared>> -> memref<3584x128xf32, #tpu.memory_space<vmem_shared>>
          tpu.wait_indirect_dma semaphore(%arg18 : memref<!tpu.dma_semaphore, #tpu.memory_space<semaphore_mem>>) src(%arg12 : memref<128x128xf32, #tpu.memory_space<vmem>>) dst(%dma_wait3A_371 : memref<3584x128xf32, #tpu.memory_space<vmem_shared>>)
          %mul3A_372 = arith.constant 2 : i32
          %mul3A_373 = arith.muli %mul3A_372, %while3A_336 : i32
          %add3A_374 = arith.constant 2 : i32
          %add3A_375 = arith.addi %mul3A_373, %add3A_374 : i32
          %lt3A = arith.cmpi slt, %add3A_375, %reduce_sum3A_278 : i32
          %convert_element_type3A_376 = arith.extui %lt3A : i1 to i32
          %cond3A_377 = arith.constant 0 : i32
          %cond3A_378 = arith.cmpi ne, %convert_element_type3A_376, %cond3A_377 : i32
          scf.if %cond3A_378 {
            %add3A_395 = arith.constant 2 : i32
            %add3A_396 = arith.addi %add3A_339, %add3A_395 : i32
            %dma_start3A_397 = arith.constant 0 : i32
            %dma_start3A_398 = tpu.memref_slice %arg9[%add3A_396, %dma_start3A_397] : memref<88x128xi32, #tpu.memory_space<vmem>> -> memref<1x128xi32, #tpu.memory_space<vmem>>
            %dma_start3A_399 = tpu.memref_squeeze %dma_start3A_398 : memref<1x128xi32, #tpu.memory_space<vmem>> -> memref<128xi32, #tpu.memory_space<vmem>>
            %dma_start3A_400 = arith.constant 0 : i32
            %dma_start3A_401 = arith.constant 0 : i32
            %dma_start3A_402 = tpu.memref_slice %arg5[%dma_start3A_400, %dma_start3A_401] : memref<10000x128xf32, #tpu.memory_space<hbm>> -> memref<10000x128xf32, #tpu.memory_space<hbm>>
            tpu.enqueue_indirect_dma source(%dma_start3A_402 : memref<10000x128xf32, #tpu.memory_space<hbm>>) target(%arg12 : memref<128x128xf32, #tpu.memory_space<vmem>>) offsets(%dma_start3A_399 : memref<128xi32, #tpu.memory_space<vmem>>) semaphore(%arg16 : memref<!tpu.dma_semaphore, #tpu.memory_space<semaphore_mem>>)
          } else {
          }
          %add3A_379 = arith.constant 1 : i32
          %add3A_380 = arith.addi %add3A_339, %add3A_379 : i32
          %dma_wait3A_381 = arith.constant 0 : i32
          %dma_wait3A_382 = tpu.memref_slice %arg10[%add3A_380, %dma_wait3A_381] : memref<88x128xi32, #tpu.memory_space<vmem>> -> memref<1x128xi32, #tpu.memory_space<vmem>>
          %dma_wait3A_383 = tpu.memref_squeeze %dma_wait3A_382 : memref<1x128xi32, #tpu.memory_space<vmem>> -> memref<128xi32, #tpu.memory_space<vmem>>
          %dma_wait3A_384 = arith.constant 0 : i32
          %dma_wait3A_385 = arith.constant 0 : i32
          %dma_wait3A_386 = tpu.memref_slice %arg15[%dma_wait3A_384, %dma_wait3A_385] : memref<3584x128xf32, #tpu.memory_space<vmem_shared>> -> memref<3584x128xf32, #tpu.memory_space<vmem_shared>>
          tpu.wait_indirect_dma semaphore(%arg19 : memref<!tpu.dma_semaphore, #tpu.memory_space<semaphore_mem>>) src(%arg13 : memref<128x128xf32, #tpu.memory_space<vmem>>) dst(%dma_wait3A_386 : memref<3584x128xf32, #tpu.memory_space<vmem_shared>>)
          %mul3A_387 = arith.constant 2 : i32
          %mul3A_388 = arith.muli %mul3A_387, %while3A_336 : i32
          %add3A_389 = arith.constant 3 : i32
          %add3A_390 = arith.addi %mul3A_388, %add3A_389 : i32
          %lt3A_391 = arith.cmpi slt, %add3A_390, %reduce_sum3A_278 : i32
          %convert_element_type3A_392 = arith.extui %lt3A_391 : i1 to i32
          %cond3A_393 = arith.constant 0 : i32
          %cond3A_394 = arith.cmpi ne, %convert_element_type3A_392, %cond3A_393 : i32
          scf.if %cond3A_394 {
            %add3A_395 = arith.constant 3 : i32
            %add3A_396 = arith.addi %add3A_339, %add3A_395 : i32
            %dma_start3A_397 = arith.constant 0 : i32
            %dma_start3A_398 = tpu.memref_slice %arg9[%add3A_396, %dma_start3A_397] : memref<88x128xi32, #tpu.memory_space<vmem>> -> memref<1x128xi32, #tpu.memory_space<vmem>>
            %dma_start3A_399 = tpu.memref_squeeze %dma_start3A_398 : memref<1x128xi32, #tpu.memory_space<vmem>> -> memref<128xi32, #tpu.memory_space<vmem>>
            %dma_start3A_400 = arith.constant 0 : i32
            %dma_start3A_401 = arith.constant 0 : i32
            %dma_start3A_402 = tpu.memref_slice %arg5[%dma_start3A_400, %dma_start3A_401] : memref<10000x128xf32, #tpu.memory_space<hbm>> -> memref<10000x128xf32, #tpu.memory_space<hbm>>
            tpu.enqueue_indirect_dma source(%dma_start3A_402 : memref<10000x128xf32, #tpu.memory_space<hbm>>) target(%arg13 : memref<128x128xf32, #tpu.memory_space<vmem>>) offsets(%dma_start3A_399 : memref<128xi32, #tpu.memory_space<vmem>>) semaphore(%arg17 : memref<!tpu.dma_semaphore, #tpu.memory_space<semaphore_mem>>)
          } else {
          }
        }
        %barrier3A_325 = arith.constant 0 : index
        tpu.barrier barrier_id(%barrier3A_325)
        %mul3A_326 = arith.constant 216 : i32
        %mul3A_327 = arith.muli %arg1, %mul3A_326 : i32
        %multiple_of3A_328 = tpu.assume_multiple %mul3A_327, 8 : i32
        %mul3A_329 = arith.constant 3456 : i32
        %mul3A_330 = arith.muli %scan3A_262, %mul3A_329 : i32
        %mul3A_331 = arith.constant 216 : i32
        %mul3A_332 = arith.muli %arg1, %mul3A_331 : i32
        %add3A_333 = arith.addi %mul3A_330, %mul3A_332 : i32
        %multiple_of3A_334 = tpu.assume_multiple %add3A_333, 8 : i32
        "tpu.region"() ({
          %run_scoped3A = tpu.sem_alloc : memref<!tpu.dma_semaphore, #tpu.memory_space<semaphore_mem>>
          %dma_start3A = arith.constant 0 : i32
          %dma_start3A_336 = tpu.memref_slice %arg7[%multiple_of3A_334, %dma_start3A] : memref<10368x128xf32, #tpu.memory_space<hbm>> -> memref<216x128xf32, #tpu.memory_space<hbm>>
          %dma_start3A_337 = arith.constant 0 : i32
          %dma_start3A_338 = tpu.memref_slice %arg15[%multiple_of3A_328, %dma_start3A_337] : memref<3584x128xf32, #tpu.memory_space<vmem_shared>> -> memref<216x128xf32, #tpu.memory_space<vmem_shared>>
          tpu.enqueue_dma source(%dma_start3A_338 : memref<216x128xf32, #tpu.memory_space<vmem_shared>>) target(%dma_start3A_336 : memref<216x128xf32, #tpu.memory_space<hbm>>) target_semaphore(%run_scoped3A : memref<!tpu.dma_semaphore, #tpu.memory_space<semaphore_mem>>)
          %dma_wait3A = arith.constant 0 : i32
          %dma_wait3A_339 = tpu.memref_slice %arg7[%multiple_of3A_334, %dma_wait3A] : memref<10368x128xf32, #tpu.memory_space<hbm>> -> memref<216x128xf32, #tpu.memory_space<hbm>>
          %dma_wait3A_340 = arith.constant 0 : i32
          %dma_wait3A_341 = tpu.memref_slice %arg15[%multiple_of3A_328, %dma_wait3A_340] : memref<3584x128xf32, #tpu.memory_space<vmem_shared>> -> memref<216x128xf32, #tpu.memory_space<vmem_shared>>
          tpu.wait_dma2 semaphore(%run_scoped3A : memref<!tpu.dma_semaphore, #tpu.memory_space<semaphore_mem>>) src(%dma_wait3A_341 : memref<216x128xf32, #tpu.memory_space<vmem_shared>>) dst(%dma_wait3A_339 : memref<216x128xf32, #tpu.memory_space<hbm>>)
          tpu.yield
        }) : () -> ()
        %barrier3A_335 = arith.constant 0 : index
        tpu.barrier barrier_id(%barrier3A_335)
      }
      %scan3A_261 = arith.constant 3 : i32
    } else {
    }
    %eq3A_251 = arith.constant 1 : i32
    %eq3A_252 = arith.cmpi eq, %arg0, %eq3A_251 : i32
    %convert_element_type3A_253 = arith.extui %eq3A_252 : i1 to i32
    %cond3A_254 = arith.constant 0 : i32
    %cond3A_255 = arith.cmpi ne, %convert_element_type3A_253, %cond3A_254 : i32
    scf.if %cond3A_255 {
      %scan3A_256 = arith.constant 0 : i32
      %scan3A_257 = arith.constant 0 : i32
      %scan3A_258 = arith.constant 3 : i32
      %scan3A_259 = arith.addi %scan3A_257, %scan3A_258 : i32
      %scan3A_260 = arith.constant 1 : i32
      scf.for %scan3A_262 = %scan3A_257 to %scan3A_259 step %scan3A_260  : i32 {
        %mul3A_263 = arith.constant 224 : i32
        %mul3A_264 = arith.muli %arg1, %mul3A_263 : i32
        %multiple_of3A = tpu.assume_multiple %mul3A_264, 8 : i32
        "tpu.region"() ({
          %run_scoped3A = tpu.sem_alloc : memref<!tpu.dma_semaphore, #tpu.memory_space<semaphore_mem>>
          %dma_start3A = arith.constant 0 : i32
          %dma_start3A_336 = tpu.memref_slice %arg15[%multiple_of3A, %dma_start3A] : memref<3584x128xf32, #tpu.memory_space<vmem_shared>> -> memref<112x128xf32, #tpu.memory_space<vmem_shared>>
          %dma_start3A_337 = arith.constant 0 : i32
          %dma_start3A_338 = tpu.memref_slice %arg15[%multiple_of3A, %dma_start3A_337] : memref<3584x128xf32, #tpu.memory_space<vmem_shared>> -> memref<112x128xf32, #tpu.memory_space<vmem_shared>>
          tpu.enqueue_dma source(%arg14 : memref<112x128xf32, #tpu.memory_space<vmem>>) target(%dma_start3A_338 : memref<112x128xf32, #tpu.memory_space<vmem_shared>>) target_semaphore(%run_scoped3A : memref<!tpu.dma_semaphore, #tpu.memory_space<semaphore_mem>>)
          %dma_wait3A = arith.constant 0 : i32
          %dma_wait3A_339 = tpu.memref_slice %arg15[%multiple_of3A, %dma_wait3A] : memref<3584x128xf32, #tpu.memory_space<vmem_shared>> -> memref<112x128xf32, #tpu.memory_space<vmem_shared>>
          %dma_wait3A_340 = arith.constant 0 : i32
          %dma_wait3A_341 = tpu.memref_slice %arg15[%multiple_of3A, %dma_wait3A_340] : memref<3584x128xf32, #tpu.memory_space<vmem_shared>> -> memref<112x128xf32, #tpu.memory_space<vmem_shared>>
          tpu.wait_dma2 semaphore(%run_scoped3A : memref<!tpu.dma_semaphore, #tpu.memory_space<semaphore_mem>>) src(%arg14 : memref<112x128xf32, #tpu.memory_space<vmem>>) dst(%dma_wait3A_341 : memref<112x128xf32, #tpu.memory_space<vmem_shared>>)
          tpu.yield
        }) : () -> ()
        %mul3A_265 = arith.constant 224 : i32
        %mul3A_266 = arith.muli %arg1, %mul3A_265 : i32
        %add3A_267 = arith.constant 112 : i32
        %add3A_268 = arith.addi %mul3A_266, %add3A_267 : i32
        %multiple_of3A_269 = tpu.assume_multiple %add3A_268, 8 : i32
        "tpu.region"() ({
          %run_scoped3A = tpu.sem_alloc : memref<!tpu.dma_semaphore, #tpu.memory_space<semaphore_mem>>
          %dma_start3A = arith.constant 0 : i32
          %dma_start3A_336 = tpu.memref_slice %arg15[%multiple_of3A_269, %dma_start3A] : memref<3584x128xf32, #tpu.memory_space<vmem_shared>> -> memref<112x128xf32, #tpu.memory_space<vmem_shared>>
          %dma_start3A_337 = arith.constant 0 : i32
          %dma_start3A_338 = tpu.memref_slice %arg15[%multiple_of3A_269, %dma_start3A_337] : memref<3584x128xf32, #tpu.memory_space<vmem_shared>> -> memref<112x128xf32, #tpu.memory_space<vmem_shared>>
          tpu.enqueue_dma source(%arg14 : memref<112x128xf32, #tpu.memory_space<vmem>>) target(%dma_start3A_338 : memref<112x128xf32, #tpu.memory_space<vmem_shared>>) target_semaphore(%run_scoped3A : memref<!tpu.dma_semaphore, #tpu.memory_space<semaphore_mem>>)
          %dma_wait3A = arith.constant 0 : i32
          %dma_wait3A_339 = tpu.memref_slice %arg15[%multiple_of3A_269, %dma_wait3A] : memref<3584x128xf32, #tpu.memory_space<vmem_shared>> -> memref<112x128xf32, #tpu.memory_space<vmem_shared>>
          %dma_wait3A_340 = arith.constant 0 : i32
          %dma_wait3A_341 = tpu.memref_slice %arg15[%multiple_of3A_269, %dma_wait3A_340] : memref<3584x128xf32, #tpu.memory_space<vmem_shared>> -> memref<112x128xf32, #tpu.memory_space<vmem_shared>>
          tpu.wait_dma2 semaphore(%run_scoped3A : memref<!tpu.dma_semaphore, #tpu.memory_space<semaphore_mem>>) src(%arg14 : memref<112x128xf32, #tpu.memory_space<vmem>>) dst(%dma_wait3A_341 : memref<112x128xf32, #tpu.memory_space<vmem_shared>>)
          tpu.yield
        }) : () -> ()
        %barrier3A = arith.constant 0 : index
        tpu.barrier barrier_id(%barrier3A)
        %eq3A_270 = vector.broadcast %scan3A_262 : i32 to vector<16xi32>
        %eq3A_271 = arith.cmpi eq, %iota3A, %eq3A_270 : vector<16xi32>
        %jit3A_272 = arith.constant 0 : i32
        %broadcast_in_dim3A_273 = vector.broadcast %jit3A_272 : i32 to vector<16xi32>
        %select_n3A_274 = arith.select %eq3A_271, %add3A_233, %broadcast_in_dim3A_273 : vector<16xi1>, vector<16xi32>
        %reduce_sum3A_275 = arith.constant true
        %reduce_sum3A_276 = vector.broadcast %reduce_sum3A_275 : i1 to vector<16xi1>
        %reduce_sum3A_277 = tpu.scan <sum>, %select_n3A_274 masked %reduce_sum3A_276 : vector<16xi32>, vector<16xi1> -> vector<16xi32>
        %reduce_sum3A_278 = vector.extract %reduce_sum3A_277[15] : i32 from vector<16xi32>
        %eq3A_279 = vector.broadcast %scan3A_262 : i32 to vector<16xi32>
        %eq3A_280 = arith.cmpi eq, %iota3A, %eq3A_279 : vector<16xi32>
        %jit3A_281 = arith.constant 0 : i32
        %broadcast_in_dim3A_282 = vector.broadcast %jit3A_281 : i32 to vector<16xi32>
        %select_n3A_283 = arith.select %eq3A_280, %add3A_241, %broadcast_in_dim3A_282 : vector<16xi1>, vector<16xi32>
        %reduce_sum3A_284 = arith.constant true
        %reduce_sum3A_285 = vector.broadcast %reduce_sum3A_284 : i1 to vector<16xi1>
        %reduce_sum3A_286 = tpu.scan <sum>, %select_n3A_283 masked %reduce_sum3A_285 : vector<16xi32>, vector<16xi1> -> vector<16xi32>
        %reduce_sum3A_287 = vector.extract %reduce_sum3A_286[15] : i32 from vector<16xi32>
        %gt3A = arith.constant 0 : i32
        %gt3A_288 = arith.cmpi sgt, %reduce_sum3A_278, %gt3A : i32
        %convert_element_type3A_289 = arith.extui %gt3A_288 : i1 to i32
        %cond3A_290 = arith.constant 0 : i32
        %cond3A_291 = arith.cmpi ne, %convert_element_type3A_289, %cond3A_290 : i32
        scf.if %cond3A_291 {
          %dma_start3A = arith.constant 0 : i32
          %dma_start3A_336 = tpu.memref_slice %arg9[%reduce_sum3A_287, %dma_start3A] : memref<88x128xi32, #tpu.memory_space<vmem>> -> memref<1x128xi32, #tpu.memory_space<vmem>>
          %dma_start3A_337 = tpu.memref_squeeze %dma_start3A_336 : memref<1x128xi32, #tpu.memory_space<vmem>> -> memref<128xi32, #tpu.memory_space<vmem>>
          %dma_start3A_338 = arith.constant 0 : i32
          %dma_start3A_339 = arith.constant 0 : i32
          %dma_start3A_340 = tpu.memref_slice %arg6[%dma_start3A_338, %dma_start3A_339] : memref<10000x128xf32, #tpu.memory_space<hbm>> -> memref<10000x128xf32, #tpu.memory_space<hbm>>
          tpu.enqueue_indirect_dma source(%dma_start3A_340 : memref<10000x128xf32, #tpu.memory_space<hbm>>) target(%arg12 : memref<128x128xf32, #tpu.memory_space<vmem>>) offsets(%dma_start3A_337 : memref<128xi32, #tpu.memory_space<vmem>>) semaphore(%arg16 : memref<!tpu.dma_semaphore, #tpu.memory_space<semaphore_mem>>)
          %add3A_341 = arith.constant 1 : i32
          %add3A_342 = arith.addi %reduce_sum3A_287, %add3A_341 : i32
          %dma_start3A_343 = arith.constant 0 : i32
          %dma_start3A_344 = tpu.memref_slice %arg9[%add3A_342, %dma_start3A_343] : memref<88x128xi32, #tpu.memory_space<vmem>> -> memref<1x128xi32, #tpu.memory_space<vmem>>
          %dma_start3A_345 = tpu.memref_squeeze %dma_start3A_344 : memref<1x128xi32, #tpu.memory_space<vmem>> -> memref<128xi32, #tpu.memory_space<vmem>>
          %dma_start3A_346 = arith.constant 0 : i32
          %dma_start3A_347 = arith.constant 0 : i32
          %dma_start3A_348 = tpu.memref_slice %arg6[%dma_start3A_346, %dma_start3A_347] : memref<10000x128xf32, #tpu.memory_space<hbm>> -> memref<10000x128xf32, #tpu.memory_space<hbm>>
          tpu.enqueue_indirect_dma source(%dma_start3A_348 : memref<10000x128xf32, #tpu.memory_space<hbm>>) target(%arg13 : memref<128x128xf32, #tpu.memory_space<vmem>>) offsets(%dma_start3A_345 : memref<128xi32, #tpu.memory_space<vmem>>) semaphore(%arg17 : memref<!tpu.dma_semaphore, #tpu.memory_space<semaphore_mem>>)
        } else {
        }
        %jit3A_292 = arith.constant 2 : i32
        %div3A_293 = arith.divsi %reduce_sum3A_278, %jit3A_292 : i32
        %sign3A_294 = arith.constant 0 : i32
        %sign3A_295 = arith.cmpi sgt, %reduce_sum3A_278, %sign3A_294 : i32
        %sign3A_296 = arith.extui %sign3A_295 : i1 to i32
        %sign3A_297 = arith.constant 0 : i32
        %sign3A_298 = arith.cmpi slt, %reduce_sum3A_278, %sign3A_297 : i32
        %sign3A_299 = arith.extui %sign3A_298 : i1 to i32
        %sign3A_300 = arith.subi %sign3A_296, %sign3A_299 : i32
        %sign3A_301 = arith.constant 0 : i32
        %sign3A_302 = arith.cmpi sgt, %jit3A_292, %sign3A_301 : i32
        %sign3A_303 = arith.extui %sign3A_302 : i1 to i32
        %sign3A_304 = arith.constant 0 : i32
        %sign3A_305 = arith.cmpi slt, %jit3A_292, %sign3A_304 : i32
        %sign3A_306 = arith.extui %sign3A_305 : i1 to i32
        %sign3A_307 = arith.subi %sign3A_303, %sign3A_306 : i32
        %ne3A_308 = arith.cmpi ne, %sign3A_300, %sign3A_307 : i32
        %rem3A_309 = arith.remsi %reduce_sum3A_278, %jit3A_292 : i32
        %ne3A_310 = arith.constant 0 : i32
        %ne3A_311 = arith.cmpi ne, %rem3A_309, %ne3A_310 : i32
        %and3A_312 = arith.andi %ne3A_308, %ne3A_311 : i1
        %sub3A_313 = arith.constant 1 : i32
        %sub3A_314 = arith.subi %div3A_293, %sub3A_313 : i32
        %select_n3A_315 = arith.select %and3A_312, %sub3A_314, %div3A_293 : i32
        %while3A = arith.constant 0 : i32
        %while3A_316 = arith.constant 0 : i32
        %while3A_317 = arith.subi %select_n3A_315, %while3A_316 : i32
        %while3A_318 = arith.addi %while3A_316, %while3A_317 : i32
        %while3A_319 = arith.constant 1 : i32
        %while3A_320 = arith.divsi %while3A_317, %while3A_319 : i32
        %while3A_321 = arith.muli %while3A_320, %while3A_319 : i32
        %while3A_322 = arith.addi %while3A_316, %while3A_321 : i32
        %while3A_323 = arith.constant 1 : i32
        scf.for %while3A_336 = %while3A_316 to %while3A_322 step %while3A_323  : i32 {
          %mul3A_337 = arith.constant 2 : i32
          %mul3A_338 = arith.muli %mul3A_337, %while3A_336 : i32
          %add3A_339 = arith.addi %reduce_sum3A_287, %mul3A_338 : i32
          %dma_wait3A = arith.constant 0 : i32
          %dma_wait3A_340 = tpu.memref_slice %arg9[%add3A_339, %dma_wait3A] : memref<88x128xi32, #tpu.memory_space<vmem>> -> memref<1x128xi32, #tpu.memory_space<vmem>>
          %dma_wait3A_341 = tpu.memref_squeeze %dma_wait3A_340 : memref<1x128xi32, #tpu.memory_space<vmem>> -> memref<128xi32, #tpu.memory_space<vmem>>
          %dma_wait3A_342 = arith.constant 0 : i32
          %dma_wait3A_343 = arith.constant 0 : i32
          %dma_wait3A_344 = tpu.memref_slice %arg6[%dma_wait3A_342, %dma_wait3A_343] : memref<10000x128xf32, #tpu.memory_space<hbm>> -> memref<10000x128xf32, #tpu.memory_space<hbm>>
          tpu.wait_indirect_dma semaphore(%arg16 : memref<!tpu.dma_semaphore, #tpu.memory_space<semaphore_mem>>) src(%dma_wait3A_344 : memref<10000x128xf32, #tpu.memory_space<hbm>>) dst(%arg12 : memref<128x128xf32, #tpu.memory_space<vmem>>)
          %dma_start3A = arith.constant 0 : i32
          %dma_start3A_345 = tpu.memref_slice %arg10[%add3A_339, %dma_start3A] : memref<88x128xi32, #tpu.memory_space<vmem>> -> memref<1x128xi32, #tpu.memory_space<vmem>>
          %dma_start3A_346 = tpu.memref_squeeze %dma_start3A_345 : memref<1x128xi32, #tpu.memory_space<vmem>> -> memref<128xi32, #tpu.memory_space<vmem>>
          %dma_start3A_347 = arith.constant 0 : i32
          %dma_start3A_348 = arith.constant 0 : i32
          %dma_start3A_349 = tpu.memref_slice %arg15[%dma_start3A_347, %dma_start3A_348] : memref<3584x128xf32, #tpu.memory_space<vmem_shared>> -> memref<3584x128xf32, #tpu.memory_space<vmem_shared>>
          tpu.enqueue_indirect_dma source(%arg12 : memref<128x128xf32, #tpu.memory_space<vmem>>) target(%dma_start3A_349 : memref<3584x128xf32, #tpu.memory_space<vmem_shared>>) offsets(%dma_start3A_346 : memref<128xi32, #tpu.memory_space<vmem>>) semaphore(%arg18 : memref<!tpu.dma_semaphore, #tpu.memory_space<semaphore_mem>>) {add = true}
          %add3A_350 = arith.constant 1 : i32
          %add3A_351 = arith.addi %add3A_339, %add3A_350 : i32
          %dma_wait3A_352 = arith.constant 0 : i32
          %dma_wait3A_353 = tpu.memref_slice %arg9[%add3A_351, %dma_wait3A_352] : memref<88x128xi32, #tpu.memory_space<vmem>> -> memref<1x128xi32, #tpu.memory_space<vmem>>
          %dma_wait3A_354 = tpu.memref_squeeze %dma_wait3A_353 : memref<1x128xi32, #tpu.memory_space<vmem>> -> memref<128xi32, #tpu.memory_space<vmem>>
          %dma_wait3A_355 = arith.constant 0 : i32
          %dma_wait3A_356 = arith.constant 0 : i32
          %dma_wait3A_357 = tpu.memref_slice %arg6[%dma_wait3A_355, %dma_wait3A_356] : memref<10000x128xf32, #tpu.memory_space<hbm>> -> memref<10000x128xf32, #tpu.memory_space<hbm>>
          tpu.wait_indirect_dma semaphore(%arg17 : memref<!tpu.dma_semaphore, #tpu.memory_space<semaphore_mem>>) src(%dma_wait3A_357 : memref<10000x128xf32, #tpu.memory_space<hbm>>) dst(%arg13 : memref<128x128xf32, #tpu.memory_space<vmem>>)
          %add3A_358 = arith.constant 1 : i32
          %add3A_359 = arith.addi %add3A_339, %add3A_358 : i32
          %dma_start3A_360 = arith.constant 0 : i32
          %dma_start3A_361 = tpu.memref_slice %arg10[%add3A_359, %dma_start3A_360] : memref<88x128xi32, #tpu.memory_space<vmem>> -> memref<1x128xi32, #tpu.memory_space<vmem>>
          %dma_start3A_362 = tpu.memref_squeeze %dma_start3A_361 : memref<1x128xi32, #tpu.memory_space<vmem>> -> memref<128xi32, #tpu.memory_space<vmem>>
          %dma_start3A_363 = arith.constant 0 : i32
          %dma_start3A_364 = arith.constant 0 : i32
          %dma_start3A_365 = tpu.memref_slice %arg15[%dma_start3A_363, %dma_start3A_364] : memref<3584x128xf32, #tpu.memory_space<vmem_shared>> -> memref<3584x128xf32, #tpu.memory_space<vmem_shared>>
          tpu.enqueue_indirect_dma source(%arg13 : memref<128x128xf32, #tpu.memory_space<vmem>>) target(%dma_start3A_365 : memref<3584x128xf32, #tpu.memory_space<vmem_shared>>) offsets(%dma_start3A_362 : memref<128xi32, #tpu.memory_space<vmem>>) semaphore(%arg19 : memref<!tpu.dma_semaphore, #tpu.memory_space<semaphore_mem>>) {add = true}
          %dma_wait3A_366 = arith.constant 0 : i32
          %dma_wait3A_367 = tpu.memref_slice %arg10[%add3A_339, %dma_wait3A_366] : memref<88x128xi32, #tpu.memory_space<vmem>> -> memref<1x128xi32, #tpu.memory_space<vmem>>
          %dma_wait3A_368 = tpu.memref_squeeze %dma_wait3A_367 : memref<1x128xi32, #tpu.memory_space<vmem>> -> memref<128xi32, #tpu.memory_space<vmem>>
          %dma_wait3A_369 = arith.constant 0 : i32
          %dma_wait3A_370 = arith.constant 0 : i32
          %dma_wait3A_371 = tpu.memref_slice %arg15[%dma_wait3A_369, %dma_wait3A_370] : memref<3584x128xf32, #tpu.memory_space<vmem_shared>> -> memref<3584x128xf32, #tpu.memory_space<vmem_shared>>
          tpu.wait_indirect_dma semaphore(%arg18 : memref<!tpu.dma_semaphore, #tpu.memory_space<semaphore_mem>>) src(%arg12 : memref<128x128xf32, #tpu.memory_space<vmem>>) dst(%dma_wait3A_371 : memref<3584x128xf32, #tpu.memory_space<vmem_shared>>)
          %mul3A_372 = arith.constant 2 : i32
          %mul3A_373 = arith.muli %mul3A_372, %while3A_336 : i32
          %add3A_374 = arith.constant 2 : i32
          %add3A_375 = arith.addi %mul3A_373, %add3A_374 : i32
          %lt3A = arith.cmpi slt, %add3A_375, %reduce_sum3A_278 : i32
          %convert_element_type3A_376 = arith.extui %lt3A : i1 to i32
          %cond3A_377 = arith.constant 0 : i32
          %cond3A_378 = arith.cmpi ne, %convert_element_type3A_376, %cond3A_377 : i32
          scf.if %cond3A_378 {
            %add3A_395 = arith.constant 2 : i32
            %add3A_396 = arith.addi %add3A_339, %add3A_395 : i32
            %dma_start3A_397 = arith.constant 0 : i32
            %dma_start3A_398 = tpu.memref_slice %arg9[%add3A_396, %dma_start3A_397] : memref<88x128xi32, #tpu.memory_space<vmem>> -> memref<1x128xi32, #tpu.memory_space<vmem>>
            %dma_start3A_399 = tpu.memref_squeeze %dma_start3A_398 : memref<1x128xi32, #tpu.memory_space<vmem>> -> memref<128xi32, #tpu.memory_space<vmem>>
            %dma_start3A_400 = arith.constant 0 : i32
            %dma_start3A_401 = arith.constant 0 : i32
            %dma_start3A_402 = tpu.memref_slice %arg6[%dma_start3A_400, %dma_start3A_401] : memref<10000x128xf32, #tpu.memory_space<hbm>> -> memref<10000x128xf32, #tpu.memory_space<hbm>>
            tpu.enqueue_indirect_dma source(%dma_start3A_402 : memref<10000x128xf32, #tpu.memory_space<hbm>>) target(%arg12 : memref<128x128xf32, #tpu.memory_space<vmem>>) offsets(%dma_start3A_399 : memref<128xi32, #tpu.memory_space<vmem>>) semaphore(%arg16 : memref<!tpu.dma_semaphore, #tpu.memory_space<semaphore_mem>>)
          } else {
          }
          %add3A_379 = arith.constant 1 : i32
          %add3A_380 = arith.addi %add3A_339, %add3A_379 : i32
          %dma_wait3A_381 = arith.constant 0 : i32
          %dma_wait3A_382 = tpu.memref_slice %arg10[%add3A_380, %dma_wait3A_381] : memref<88x128xi32, #tpu.memory_space<vmem>> -> memref<1x128xi32, #tpu.memory_space<vmem>>
          %dma_wait3A_383 = tpu.memref_squeeze %dma_wait3A_382 : memref<1x128xi32, #tpu.memory_space<vmem>> -> memref<128xi32, #tpu.memory_space<vmem>>
          %dma_wait3A_384 = arith.constant 0 : i32
          %dma_wait3A_385 = arith.constant 0 : i32
          %dma_wait3A_386 = tpu.memref_slice %arg15[%dma_wait3A_384, %dma_wait3A_385] : memref<3584x128xf32, #tpu.memory_space<vmem_shared>> -> memref<3584x128xf32, #tpu.memory_space<vmem_shared>>
          tpu.wait_indirect_dma semaphore(%arg19 : memref<!tpu.dma_semaphore, #tpu.memory_space<semaphore_mem>>) src(%arg13 : memref<128x128xf32, #tpu.memory_space<vmem>>) dst(%dma_wait3A_386 : memref<3584x128xf32, #tpu.memory_space<vmem_shared>>)
          %mul3A_387 = arith.constant 2 : i32
          %mul3A_388 = arith.muli %mul3A_387, %while3A_336 : i32
          %add3A_389 = arith.constant 3 : i32
          %add3A_390 = arith.addi %mul3A_388, %add3A_389 : i32
          %lt3A_391 = arith.cmpi slt, %add3A_390, %reduce_sum3A_278 : i32
          %convert_element_type3A_392 = arith.extui %lt3A_391 : i1 to i32
          %cond3A_393 = arith.constant 0 : i32
          %cond3A_394 = arith.cmpi ne, %convert_element_type3A_392, %cond3A_393 : i32
          scf.if %cond3A_394 {
            %add3A_395 = arith.constant 3 : i32
            %add3A_396 = arith.addi %add3A_339, %add3A_395 : i32
            %dma_start3A_397 = arith.constant 0 : i32
            %dma_start3A_398 = tpu.memref_slice %arg9[%add3A_396, %dma_start3A_397] : memref<88x128xi32, #tpu.memory_space<vmem>> -> memref<1x128xi32, #tpu.memory_space<vmem>>
            %dma_start3A_399 = tpu.memref_squeeze %dma_start3A_398 : memref<1x128xi32, #tpu.memory_space<vmem>> -> memref<128xi32, #tpu.memory_space<vmem>>
            %dma_start3A_400 = arith.constant 0 : i32
            %dma_start3A_401 = arith.constant 0 : i32
            %dma_start3A_402 = tpu.memref_slice %arg6[%dma_start3A_400, %dma_start3A_401] : memref<10000x128xf32, #tpu.memory_space<hbm>> -> memref<10000x128xf32, #tpu.memory_space<hbm>>
            tpu.enqueue_indirect_dma source(%dma_start3A_402 : memref<10000x128xf32, #tpu.memory_space<hbm>>) target(%arg13 : memref<128x128xf32, #tpu.memory_space<vmem>>) offsets(%dma_start3A_399 : memref<128xi32, #tpu.memory_space<vmem>>) semaphore(%arg17 : memref<!tpu.dma_semaphore, #tpu.memory_space<semaphore_mem>>)
          } else {
          }
        }
        %while3A_324 = arith.constant 1 : i32
        scf.for %while3A_336 = %while3A_322 to %while3A_318 step %while3A_324  : i32 {
          %mul3A_337 = arith.constant 2 : i32
          %mul3A_338 = arith.muli %mul3A_337, %while3A_336 : i32
          %add3A_339 = arith.addi %reduce_sum3A_287, %mul3A_338 : i32
          %dma_wait3A = arith.constant 0 : i32
          %dma_wait3A_340 = tpu.memref_slice %arg9[%add3A_339, %dma_wait3A] : memref<88x128xi32, #tpu.memory_space<vmem>> -> memref<1x128xi32, #tpu.memory_space<vmem>>
          %dma_wait3A_341 = tpu.memref_squeeze %dma_wait3A_340 : memref<1x128xi32, #tpu.memory_space<vmem>> -> memref<128xi32, #tpu.memory_space<vmem>>
          %dma_wait3A_342 = arith.constant 0 : i32
          %dma_wait3A_343 = arith.constant 0 : i32
          %dma_wait3A_344 = tpu.memref_slice %arg6[%dma_wait3A_342, %dma_wait3A_343] : memref<10000x128xf32, #tpu.memory_space<hbm>> -> memref<10000x128xf32, #tpu.memory_space<hbm>>
          tpu.wait_indirect_dma semaphore(%arg16 : memref<!tpu.dma_semaphore, #tpu.memory_space<semaphore_mem>>) src(%dma_wait3A_344 : memref<10000x128xf32, #tpu.memory_space<hbm>>) dst(%arg12 : memref<128x128xf32, #tpu.memory_space<vmem>>)
          %dma_start3A = arith.constant 0 : i32
          %dma_start3A_345 = tpu.memref_slice %arg10[%add3A_339, %dma_start3A] : memref<88x128xi32, #tpu.memory_space<vmem>> -> memref<1x128xi32, #tpu.memory_space<vmem>>
          %dma_start3A_346 = tpu.memref_squeeze %dma_start3A_345 : memref<1x128xi32, #tpu.memory_space<vmem>> -> memref<128xi32, #tpu.memory_space<vmem>>
          %dma_start3A_347 = arith.constant 0 : i32
          %dma_start3A_348 = arith.constant 0 : i32
          %dma_start3A_349 = tpu.memref_slice %arg15[%dma_start3A_347, %dma_start3A_348] : memref<3584x128xf32, #tpu.memory_space<vmem_shared>> -> memref<3584x128xf32, #tpu.memory_space<vmem_shared>>
          tpu.enqueue_indirect_dma source(%arg12 : memref<128x128xf32, #tpu.memory_space<vmem>>) target(%dma_start3A_349 : memref<3584x128xf32, #tpu.memory_space<vmem_shared>>) offsets(%dma_start3A_346 : memref<128xi32, #tpu.memory_space<vmem>>) semaphore(%arg18 : memref<!tpu.dma_semaphore, #tpu.memory_space<semaphore_mem>>) {add = true}
          %add3A_350 = arith.constant 1 : i32
          %add3A_351 = arith.addi %add3A_339, %add3A_350 : i32
          %dma_wait3A_352 = arith.constant 0 : i32
          %dma_wait3A_353 = tpu.memref_slice %arg9[%add3A_351, %dma_wait3A_352] : memref<88x128xi32, #tpu.memory_space<vmem>> -> memref<1x128xi32, #tpu.memory_space<vmem>>
          %dma_wait3A_354 = tpu.memref_squeeze %dma_wait3A_353 : memref<1x128xi32, #tpu.memory_space<vmem>> -> memref<128xi32, #tpu.memory_space<vmem>>
          %dma_wait3A_355 = arith.constant 0 : i32
          %dma_wait3A_356 = arith.constant 0 : i32
          %dma_wait3A_357 = tpu.memref_slice %arg6[%dma_wait3A_355, %dma_wait3A_356] : memref<10000x128xf32, #tpu.memory_space<hbm>> -> memref<10000x128xf32, #tpu.memory_space<hbm>>
          tpu.wait_indirect_dma semaphore(%arg17 : memref<!tpu.dma_semaphore, #tpu.memory_space<semaphore_mem>>) src(%dma_wait3A_357 : memref<10000x128xf32, #tpu.memory_space<hbm>>) dst(%arg13 : memref<128x128xf32, #tpu.memory_space<vmem>>)
          %add3A_358 = arith.constant 1 : i32
          %add3A_359 = arith.addi %add3A_339, %add3A_358 : i32
          %dma_start3A_360 = arith.constant 0 : i32
          %dma_start3A_361 = tpu.memref_slice %arg10[%add3A_359, %dma_start3A_360] : memref<88x128xi32, #tpu.memory_space<vmem>> -> memref<1x128xi32, #tpu.memory_space<vmem>>
          %dma_start3A_362 = tpu.memref_squeeze %dma_start3A_361 : memref<1x128xi32, #tpu.memory_space<vmem>> -> memref<128xi32, #tpu.memory_space<vmem>>
          %dma_start3A_363 = arith.constant 0 : i32
          %dma_start3A_364 = arith.constant 0 : i32
          %dma_start3A_365 = tpu.memref_slice %arg15[%dma_start3A_363, %dma_start3A_364] : memref<3584x128xf32, #tpu.memory_space<vmem_shared>> -> memref<3584x128xf32, #tpu.memory_space<vmem_shared>>
          tpu.enqueue_indirect_dma source(%arg13 : memref<128x128xf32, #tpu.memory_space<vmem>>) target(%dma_start3A_365 : memref<3584x128xf32, #tpu.memory_space<vmem_shared>>) offsets(%dma_start3A_362 : memref<128xi32, #tpu.memory_space<vmem>>) semaphore(%arg19 : memref<!tpu.dma_semaphore, #tpu.memory_space<semaphore_mem>>) {add = true}
          %dma_wait3A_366 = arith.constant 0 : i32
          %dma_wait3A_367 = tpu.memref_slice %arg10[%add3A_339, %dma_wait3A_366] : memref<88x128xi32, #tpu.memory_space<vmem>> -> memref<1x128xi32, #tpu.memory_space<vmem>>
          %dma_wait3A_368 = tpu.memref_squeeze %dma_wait3A_367 : memref<1x128xi32, #tpu.memory_space<vmem>> -> memref<128xi32, #tpu.memory_space<vmem>>
          %dma_wait3A_369 = arith.constant 0 : i32
          %dma_wait3A_370 = arith.constant 0 : i32
          %dma_wait3A_371 = tpu.memref_slice %arg15[%dma_wait3A_369, %dma_wait3A_370] : memref<3584x128xf32, #tpu.memory_space<vmem_shared>> -> memref<3584x128xf32, #tpu.memory_space<vmem_shared>>
          tpu.wait_indirect_dma semaphore(%arg18 : memref<!tpu.dma_semaphore, #tpu.memory_space<semaphore_mem>>) src(%arg12 : memref<128x128xf32, #tpu.memory_space<vmem>>) dst(%dma_wait3A_371 : memref<3584x128xf32, #tpu.memory_space<vmem_shared>>)
          %mul3A_372 = arith.constant 2 : i32
          %mul3A_373 = arith.muli %mul3A_372, %while3A_336 : i32
          %add3A_374 = arith.constant 2 : i32
          %add3A_375 = arith.addi %mul3A_373, %add3A_374 : i32
          %lt3A = arith.cmpi slt, %add3A_375, %reduce_sum3A_278 : i32
          %convert_element_type3A_376 = arith.extui %lt3A : i1 to i32
          %cond3A_377 = arith.constant 0 : i32
          %cond3A_378 = arith.cmpi ne, %convert_element_type3A_376, %cond3A_377 : i32
          scf.if %cond3A_378 {
            %add3A_395 = arith.constant 2 : i32
            %add3A_396 = arith.addi %add3A_339, %add3A_395 : i32
            %dma_start3A_397 = arith.constant 0 : i32
            %dma_start3A_398 = tpu.memref_slice %arg9[%add3A_396, %dma_start3A_397] : memref<88x128xi32, #tpu.memory_space<vmem>> -> memref<1x128xi32, #tpu.memory_space<vmem>>
            %dma_start3A_399 = tpu.memref_squeeze %dma_start3A_398 : memref<1x128xi32, #tpu.memory_space<vmem>> -> memref<128xi32, #tpu.memory_space<vmem>>
            %dma_start3A_400 = arith.constant 0 : i32
            %dma_start3A_401 = arith.constant 0 : i32
            %dma_start3A_402 = tpu.memref_slice %arg6[%dma_start3A_400, %dma_start3A_401] : memref<10000x128xf32, #tpu.memory_space<hbm>> -> memref<10000x128xf32, #tpu.memory_space<hbm>>
            tpu.enqueue_indirect_dma source(%dma_start3A_402 : memref<10000x128xf32, #tpu.memory_space<hbm>>) target(%arg12 : memref<128x128xf32, #tpu.memory_space<vmem>>) offsets(%dma_start3A_399 : memref<128xi32, #tpu.memory_space<vmem>>) semaphore(%arg16 : memref<!tpu.dma_semaphore, #tpu.memory_space<semaphore_mem>>)
          } else {
          }
          %add3A_379 = arith.constant 1 : i32
          %add3A_380 = arith.addi %add3A_339, %add3A_379 : i32
          %dma_wait3A_381 = arith.constant 0 : i32
          %dma_wait3A_382 = tpu.memref_slice %arg10[%add3A_380, %dma_wait3A_381] : memref<88x128xi32, #tpu.memory_space<vmem>> -> memref<1x128xi32, #tpu.memory_space<vmem>>
          %dma_wait3A_383 = tpu.memref_squeeze %dma_wait3A_382 : memref<1x128xi32, #tpu.memory_space<vmem>> -> memref<128xi32, #tpu.memory_space<vmem>>
          %dma_wait3A_384 = arith.constant 0 : i32
          %dma_wait3A_385 = arith.constant 0 : i32
          %dma_wait3A_386 = tpu.memref_slice %arg15[%dma_wait3A_384, %dma_wait3A_385] : memref<3584x128xf32, #tpu.memory_space<vmem_shared>> -> memref<3584x128xf32, #tpu.memory_space<vmem_shared>>
          tpu.wait_indirect_dma semaphore(%arg19 : memref<!tpu.dma_semaphore, #tpu.memory_space<semaphore_mem>>) src(%arg13 : memref<128x128xf32, #tpu.memory_space<vmem>>) dst(%dma_wait3A_386 : memref<3584x128xf32, #tpu.memory_space<vmem_shared>>)
          %mul3A_387 = arith.constant 2 : i32
          %mul3A_388 = arith.muli %mul3A_387, %while3A_336 : i32
          %add3A_389 = arith.constant 3 : i32
          %add3A_390 = arith.addi %mul3A_388, %add3A_389 : i32
          %lt3A_391 = arith.cmpi slt, %add3A_390, %reduce_sum3A_278 : i32
          %convert_element_type3A_392 = arith.extui %lt3A_391 : i1 to i32
          %cond3A_393 = arith.constant 0 : i32
          %cond3A_394 = arith.cmpi ne, %convert_element_type3A_392, %cond3A_393 : i32
          scf.if %cond3A_394 {
            %add3A_395 = arith.constant 3 : i32
            %add3A_396 = arith.addi %add3A_339, %add3A_395 : i32
            %dma_start3A_397 = arith.constant 0 : i32
            %dma_start3A_398 = tpu.memref_slice %arg9[%add3A_396, %dma_start3A_397] : memref<88x128xi32, #tpu.memory_space<vmem>> -> memref<1x128xi32, #tpu.memory_space<vmem>>
            %dma_start3A_399 = tpu.memref_squeeze %dma_start3A_398 : memref<1x128xi32, #tpu.memory_space<vmem>> -> memref<128xi32, #tpu.memory_space<vmem>>
            %dma_start3A_400 = arith.constant 0 : i32
            %dma_start3A_401 = arith.constant 0 : i32
            %dma_start3A_402 = tpu.memref_slice %arg6[%dma_start3A_400, %dma_start3A_401] : memref<10000x128xf32, #tpu.memory_space<hbm>> -> memref<10000x128xf32, #tpu.memory_space<hbm>>
            tpu.enqueue_indirect_dma source(%dma_start3A_402 : memref<10000x128xf32, #tpu.memory_space<hbm>>) target(%arg13 : memref<128x128xf32, #tpu.memory_space<vmem>>) offsets(%dma_start3A_399 : memref<128xi32, #tpu.memory_space<vmem>>) semaphore(%arg17 : memref<!tpu.dma_semaphore, #tpu.memory_space<semaphore_mem>>)
          } else {
          }
        }
        %barrier3A_325 = arith.constant 0 : index
        tpu.barrier barrier_id(%barrier3A_325)
        %mul3A_326 = arith.constant 216 : i32
        %mul3A_327 = arith.muli %arg1, %mul3A_326 : i32
        %multiple_of3A_328 = tpu.assume_multiple %mul3A_327, 8 : i32
        %mul3A_329 = arith.constant 3456 : i32
        %mul3A_330 = arith.muli %scan3A_262, %mul3A_329 : i32
        %mul3A_331 = arith.constant 216 : i32
        %mul3A_332 = arith.muli %arg1, %mul3A_331 : i32
        %add3A_333 = arith.addi %mul3A_330, %mul3A_332 : i32
        %multiple_of3A_334 = tpu.assume_multiple %add3A_333, 8 : i32
        "tpu.region"() ({
          %run_scoped3A = tpu.sem_alloc : memref<!tpu.dma_semaphore, #tpu.memory_space<semaphore_mem>>
          %dma_start3A = arith.constant 0 : i32
          %dma_start3A_336 = tpu.memref_slice %arg8[%multiple_of3A_334, %dma_start3A] : memref<10368x128xf32, #tpu.memory_space<hbm>> -> memref<216x128xf32, #tpu.memory_space<hbm>>
          %dma_start3A_337 = arith.constant 0 : i32
          %dma_start3A_338 = tpu.memref_slice %arg15[%multiple_of3A_328, %dma_start3A_337] : memref<3584x128xf32, #tpu.memory_space<vmem_shared>> -> memref<216x128xf32, #tpu.memory_space<vmem_shared>>
          tpu.enqueue_dma source(%dma_start3A_338 : memref<216x128xf32, #tpu.memory_space<vmem_shared>>) target(%dma_start3A_336 : memref<216x128xf32, #tpu.memory_space<hbm>>) target_semaphore(%run_scoped3A : memref<!tpu.dma_semaphore, #tpu.memory_space<semaphore_mem>>)
          %dma_wait3A = arith.constant 0 : i32
          %dma_wait3A_339 = tpu.memref_slice %arg8[%multiple_of3A_334, %dma_wait3A] : memref<10368x128xf32, #tpu.memory_space<hbm>> -> memref<216x128xf32, #tpu.memory_space<hbm>>
          %dma_wait3A_340 = arith.constant 0 : i32
          %dma_wait3A_341 = tpu.memref_slice %arg15[%multiple_of3A_328, %dma_wait3A_340] : memref<3584x128xf32, #tpu.memory_space<vmem_shared>> -> memref<216x128xf32, #tpu.memory_space<vmem_shared>>
          tpu.wait_dma2 semaphore(%run_scoped3A : memref<!tpu.dma_semaphore, #tpu.memory_space<semaphore_mem>>) src(%dma_wait3A_341 : memref<216x128xf32, #tpu.memory_space<vmem_shared>>) dst(%dma_wait3A_339 : memref<216x128xf32, #tpu.memory_space<hbm>>)
          tpu.yield
        }) : () -> ()
        %barrier3A_335 = arith.constant 0 : index
        tpu.barrier barrier_id(%barrier3A_335)
      }
      %scan3A_261 = arith.constant 3 : i32
    } else {
    }
    return
  }
}

module attributes {stable_mosaic.version = 14 : i64} {
  func.func @_tc_a_body(%arg0: i32, %arg1: memref<1000x16xf32, #tpu.memory_space<vmem>>, %arg2: memref<1000x256xf32, #tpu.memory_space<vmem>>, %arg3: memref<1000x16xf32, #tpu.memory_space<vmem>>, %arg4: memref<1000x128xf32, #tpu.memory_space<vmem>>, %arg5: memref<1000x128xf32, #tpu.memory_space<vmem>>) attributes {dimension_semantics = [#tpu.dimension_semantics<arbitrary>], iteration_bounds = array<i64: 10>, scalar_prefetch = 0 : i64, scratch_operands = 0 : i64, tpu.core_type = #tpu.core_type<tc>, window_params = [{transform_indices = @transform_0, window_bounds = array<i64: 1000, 16>}, {transform_indices = @transform_1, window_bounds = array<i64: 1000, 256>}, {transform_indices = @transform_2, window_bounds = array<i64: 1000, 16>}, {transform_indices = @transform_3, window_bounds = array<i64: 1000, 128>}, {transform_indices = @transform_4, window_bounds = array<i64: 1000, 128>}]} {
    %get3A = arith.constant 0 : index
    %get3A_0 = arith.constant 0 : index
    %get3A_1 = vector.load %arg1[%get3A, %get3A_0] : memref<1000x16xf32, #tpu.memory_space<vmem>>, vector<1000x16xf32>
    %rsqrt3A = math.rsqrt %get3A_1 : vector<1000x16xf32>
    %swap3A = arith.constant 0 : index
    %swap3A_2 = arith.constant 0 : index
    %swap3A_3 = vector.load %arg3[%swap3A, %swap3A_2] : memref<1000x16xf32, #tpu.memory_space<vmem>>, vector<1000x16xf32>
    tpu.vector_store %arg3[%swap3A, %swap3A_2], %rsqrt3A {strides = array<i32>} : memref<1000x16xf32, #tpu.memory_space<vmem>>, vector<1000x16xf32>,
    %get3A_4 = arith.constant 0 : index
    %get3A_5 = arith.constant 0 : index
    %get3A_6 = vector.load %arg2[%get3A_4, %get3A_5] : memref<1000x256xf32, #tpu.memory_space<vmem>>, vector<1000x256xf32>
    %slice3A = vector.extract_strided_slice %rsqrt3A {offsets = [0, 0], sizes = [1000, 1], strides = [1, 1]} : vector<1000x16xf32> to vector<1000x1xf32>
    %mul3A = vector.broadcast %slice3A : vector<1000x1xf32> to vector<1000x256xf32>
    %mul3A_7 = arith.mulf %get3A_6, %mul3A : vector<1000x256xf32>
    %slice3A_8 = vector.extract_strided_slice %mul3A_7 {offsets = [0, 0], sizes = [1000, 128], strides = [1, 1]} : vector<1000x256xf32> to vector<1000x128xf32>
    %swap3A_9 = arith.constant 0 : index
    %swap3A_10 = arith.constant 0 : index
    %swap3A_11 = vector.load %arg4[%swap3A_9, %swap3A_10] : memref<1000x128xf32, #tpu.memory_space<vmem>>, vector<1000x128xf32>
    tpu.vector_store %arg4[%swap3A_9, %swap3A_10], %slice3A_8 {strides = array<i32>} : memref<1000x128xf32, #tpu.memory_space<vmem>>, vector<1000x128xf32>,
    %slice3A_12 = vector.extract_strided_slice %mul3A_7 {offsets = [0, 128], sizes = [1000, 128], strides = [1, 1]} : vector<1000x256xf32> to vector<1000x128xf32>
    %swap3A_13 = arith.constant 0 : index
    %swap3A_14 = arith.constant 0 : index
    %swap3A_15 = vector.load %arg5[%swap3A_13, %swap3A_14] : memref<1000x128xf32, #tpu.memory_space<vmem>>, vector<1000x128xf32>
    tpu.vector_store %arg5[%swap3A_13, %swap3A_14], %slice3A_12 {strides = array<i32>} : memref<1000x128xf32, #tpu.memory_space<vmem>>, vector<1000x128xf32>,
    return
  }
  func.func @transform_0(%arg0: i32) -> (i32, i32) {
    %c0_i32 = arith.constant 0 : i32
    %c0_i32_0 = arith.constant 0 : i32
    return %arg0, %c0_i32 : i32, i32
  }
  func.func @transform_1(%arg0: i32) -> (i32, i32) {
    %c0_i32 = arith.constant 0 : i32
    %c0_i32_0 = arith.constant 0 : i32
    return %arg0, %c0_i32 : i32, i32
  }
  func.func @transform_2(%arg0: i32) -> (i32, i32) {
    %c0_i32 = arith.constant 0 : i32
    %c0_i32_0 = arith.constant 0 : i32
    return %arg0, %c0_i32 : i32, i32
  }
  func.func @transform_3(%arg0: i32) -> (i32, i32) {
    %c0_i32 = arith.constant 0 : i32
    %c0_i32_0 = arith.constant 0 : i32
    return %arg0, %c0_i32 : i32, i32
  }
  func.func @transform_4(%arg0: i32) -> (i32, i32) {
    %c0_i32 = arith.constant 0 : i32
    %c0_i32_0 = arith.constant 0 : i32
    return %arg0, %c0_i32 : i32, i32
  }
}

module attributes {stable_mosaic.version = 14 : i64} {
  func.func @_tc_c_body(%arg0: i32, %arg1: memref<1000x128xf32, #tpu.memory_space<vmem>>, %arg2: memref<1000x128xf32, #tpu.memory_space<vmem>>, %arg3: memref<1000x128xf32, #tpu.memory_space<vmem>>, %arg4: memref<1000x128xf32, #tpu.memory_space<vmem>>, %arg5: memref<1000x128xf32, #tpu.memory_space<vmem>>, %arg6: memref<1000x128xf32, #tpu.memory_space<vmem>>, %arg7: memref<1000x128xf32, #tpu.memory_space<vmem>>, %arg8: memref<1000x128xf32, #tpu.memory_space<vmem>>, %arg9: memref<1000x16xf32, #tpu.memory_space<vmem>>, %arg10: memref<512x512xf32, #tpu.memory_space<vmem>>, %arg11: memref<1x512xf32, #tpu.memory_space<vmem>>, %arg12: memref<512x16xf32, #tpu.memory_space<vmem>>, %arg13: memref<1x16xf32, #tpu.memory_space<vmem>>, %arg14: memref<1000x16xf32, #tpu.memory_space<vmem>>) attributes {dimension_semantics = [#tpu.dimension_semantics<arbitrary>], iteration_bounds = array<i64: 10>, scalar_prefetch = 0 : i64, scratch_operands = 0 : i64, tpu.core_type = #tpu.core_type<tc>, window_params = [{transform_indices = @transform_0, window_bounds = array<i64: 1000, 128>}, {transform_indices = @transform_1, window_bounds = array<i64: 1000, 128>}, {transform_indices = @transform_2, window_bounds = array<i64: 1000, 128>}, {transform_indices = @transform_3, window_bounds = array<i64: 1000, 128>}, {transform_indices = @transform_4, window_bounds = array<i64: 1000, 128>}, {transform_indices = @transform_5, window_bounds = array<i64: 1000, 128>}, {transform_indices = @transform_6, window_bounds = array<i64: 1000, 128>}, {transform_indices = @transform_7, window_bounds = array<i64: 1000, 128>}, {transform_indices = @transform_8, window_bounds = array<i64: 1000, 16>}, {pipeline_mode = #tpu.pipeline_mode<synchronous>, transform_indices = @transform_9, window_bounds = array<i64: 512, 512>}, {pipeline_mode = #tpu.pipeline_mode<synchronous>, transform_indices = @transform_10, window_bounds = array<i64: 1, 512>}, {pipeline_mode = #tpu.pipeline_mode<synchronous>, transform_indices = @transform_11, window_bounds = array<i64: 512, 16>}, {pipeline_mode = #tpu.pipeline_mode<synchronous>, transform_indices = @transform_12, window_bounds = array<i64: 1, 16>}, {transform_indices = @transform_13, window_bounds = array<i64: 1000, 16>}]} {
    %get3A = arith.constant 0 : index
    %get3A_0 = arith.constant 0 : index
    %get3A_1 = vector.load %arg9[%get3A, %get3A_0] : memref<1000x16xf32, #tpu.memory_space<vmem>>, vector<1000x1xf32>
    %get3A_2 = arith.constant 0 : index
    %get3A_3 = arith.constant 0 : index
    %get3A_4 = vector.load %arg1[%get3A_2, %get3A_3] : memref<1000x128xf32, #tpu.memory_space<vmem>>, vector<1000x128xf32>
    %get3A_5 = arith.constant 0 : index
    %get3A_6 = arith.constant 0 : index
    %get3A_7 = vector.load %arg2[%get3A_5, %get3A_6] : memref<1000x128xf32, #tpu.memory_space<vmem>>, vector<1000x128xf32>
    %get3A_8 = arith.constant 0 : index
    %get3A_9 = arith.constant 0 : index
    %get3A_10 = vector.load %arg3[%get3A_8, %get3A_9] : memref<1000x128xf32, #tpu.memory_space<vmem>>, vector<1000x128xf32>
    %get3A_11 = arith.constant 0 : index
    %get3A_12 = arith.constant 0 : index
    %get3A_13 = vector.load %arg4[%get3A_11, %get3A_12] : memref<1000x128xf32, #tpu.memory_space<vmem>>, vector<1000x128xf32>
    %concatenate3A = tpu.concatenate %get3A_4, %get3A_7, %get3A_10, %get3A_13 in 1 : vector<1000x128xf32>, vector<1000x128xf32>, vector<1000x128xf32>, vector<1000x128xf32> -> vector<1000x512xf32>
    %get3A_14 = arith.constant 0 : index
    %get3A_15 = arith.constant 0 : index
    %get3A_16 = vector.load %arg5[%get3A_14, %get3A_15] : memref<1000x128xf32, #tpu.memory_space<vmem>>, vector<1000x128xf32>
    %get3A_17 = arith.constant 0 : index
    %get3A_18 = arith.constant 0 : index
    %get3A_19 = vector.load %arg6[%get3A_17, %get3A_18] : memref<1000x128xf32, #tpu.memory_space<vmem>>, vector<1000x128xf32>
    %get3A_20 = arith.constant 0 : index
    %get3A_21 = arith.constant 0 : index
    %get3A_22 = vector.load %arg7[%get3A_20, %get3A_21] : memref<1000x128xf32, #tpu.memory_space<vmem>>, vector<1000x128xf32>
    %get3A_23 = arith.constant 0 : index
    %get3A_24 = arith.constant 0 : index
    %get3A_25 = vector.load %arg8[%get3A_23, %get3A_24] : memref<1000x128xf32, #tpu.memory_space<vmem>>, vector<1000x128xf32>
    %concatenate3A_26 = tpu.concatenate %get3A_16, %get3A_19, %get3A_22, %get3A_25 in 1 : vector<1000x128xf32>, vector<1000x128xf32>, vector<1000x128xf32>, vector<1000x128xf32> -> vector<1000x512xf32>
    %add3A = arith.addf %concatenate3A, %concatenate3A_26 : vector<1000x512xf32>
    %mul3A = vector.broadcast %get3A_1 : vector<1000x1xf32> to vector<1000x512xf32>
    %mul3A_27 = arith.mulf %mul3A, %add3A : vector<1000x512xf32>
    %get3A_28 = arith.constant 0 : index
    %get3A_29 = arith.constant 0 : index
    %get3A_30 = vector.load %arg10[%get3A_28, %get3A_29] : memref<512x512xf32, #tpu.memory_space<vmem>>, vector<512x512xf32>
    %dot_general3A = arith.constant dense<0.000000e+00> : vector<1000x512xf32>
    %dot_general3A_31 = tpu.matmul %mul3A_27, %get3A_30, %dot_general3A {dimension_numbers = #tpu.dot_dimension_numbers<[1], [0], [0], [1], [0, 0, 1, 1], [], []>, transpose_lhs_hint = false} : vector<1000x512xf32>, vector<512x512xf32>, vector<1000x512xf32> -> vector<1000x512xf32>
    %get3A_32 = arith.constant 0 : index
    %get3A_33 = arith.constant 0 : index
    %get3A_34 = vector.load %arg11[%get3A_32, %get3A_33] : memref<1x512xf32, #tpu.memory_space<vmem>>, vector<1x512xf32>
    %add3A_35 = vector.broadcast %get3A_34 : vector<1x512xf32> to vector<1000x512xf32>
    %add3A_36 = arith.addf %dot_general3A_31, %add3A_35 : vector<1000x512xf32>
    %max3A = arith.constant 0.000000e+00 : f32
    %max3A_37 = vector.broadcast %max3A : f32 to vector<1000x512xf32>
    %max3A_38 = arith.maximumf %add3A_36, %max3A_37 : vector<1000x512xf32>
    %get3A_39 = arith.constant 0 : index
    %get3A_40 = arith.constant 0 : index
    %get3A_41 = vector.load %arg12[%get3A_39, %get3A_40] : memref<512x16xf32, #tpu.memory_space<vmem>>, vector<512x16xf32>
    %dot_general3A_42 = arith.constant dense<0.000000e+00> : vector<1000x16xf32>
    %dot_general3A_43 = tpu.matmul %max3A_38, %get3A_41, %dot_general3A_42 {dimension_numbers = #tpu.dot_dimension_numbers<[1], [0], [0], [1], [0, 0, 1, 1], [], []>, transpose_lhs_hint = false} : vector<1000x512xf32>, vector<512x16xf32>, vector<1000x16xf32> -> vector<1000x16xf32>
    %get3A_44 = arith.constant 0 : index
    %get3A_45 = arith.constant 0 : index
    %get3A_46 = vector.load %arg13[%get3A_44, %get3A_45] : memref<1x16xf32, #tpu.memory_space<vmem>>, vector<1x16xf32>
    %add3A_47 = vector.broadcast %get3A_46 : vector<1x16xf32> to vector<1000x16xf32>
    %add3A_48 = arith.addf %dot_general3A_43, %add3A_47 : vector<1000x16xf32>
    %swap3A = arith.constant 0 : index
    %swap3A_49 = arith.constant 0 : index
    %swap3A_50 = vector.load %arg14[%swap3A, %swap3A_49] : memref<1000x16xf32, #tpu.memory_space<vmem>>, vector<1000x16xf32>
    tpu.vector_store %arg14[%swap3A, %swap3A_49], %add3A_48 {strides = array<i32>} : memref<1000x16xf32, #tpu.memory_space<vmem>>, vector<1000x16xf32>,
    return
  }
  func.func @transform_0(%arg0: i32) -> (i32, i32) {
    %c0_i32 = arith.constant 0 : i32
    %c0_i32_0 = arith.constant 0 : i32
    return %arg0, %c0_i32 : i32, i32
  }
  func.func @transform_1(%arg0: i32) -> (i32, i32) {
    %c0_i32 = arith.constant 0 : i32
    %c0_i32_0 = arith.constant 0 : i32
    return %arg0, %c0_i32 : i32, i32
  }
  func.func @transform_2(%arg0: i32) -> (i32, i32) {
    %c0_i32 = arith.constant 0 : i32
    %c0_i32_0 = arith.constant 0 : i32
    return %arg0, %c0_i32 : i32, i32
  }
  func.func @transform_3(%arg0: i32) -> (i32, i32) {
    %c0_i32 = arith.constant 0 : i32
    %c0_i32_0 = arith.constant 0 : i32
    return %arg0, %c0_i32 : i32, i32
  }
  func.func @transform_4(%arg0: i32) -> (i32, i32) {
    %c0_i32 = arith.constant 0 : i32
    %c0_i32_0 = arith.constant 0 : i32
    return %arg0, %c0_i32 : i32, i32
  }
  func.func @transform_5(%arg0: i32) -> (i32, i32) {
    %c0_i32 = arith.constant 0 : i32
    %c0_i32_0 = arith.constant 0 : i32
    return %arg0, %c0_i32 : i32, i32
  }
  func.func @transform_6(%arg0: i32) -> (i32, i32) {
    %c0_i32 = arith.constant 0 : i32
    %c0_i32_0 = arith.constant 0 : i32
    return %arg0, %c0_i32 : i32, i32
  }
  func.func @transform_7(%arg0: i32) -> (i32, i32) {
    %c0_i32 = arith.constant 0 : i32
    %c0_i32_0 = arith.constant 0 : i32
    return %arg0, %c0_i32 : i32, i32
  }
  func.func @transform_8(%arg0: i32) -> (i32, i32) {
    %c0_i32 = arith.constant 0 : i32
    %c0_i32_0 = arith.constant 0 : i32
    return %arg0, %c0_i32 : i32, i32
  }
  func.func @transform_9(%arg0: i32) -> (i32, i32) {
    %c0_i32 = arith.constant 0 : i32
    %c0_i32_0 = arith.constant 0 : i32
    %c0_i32_1 = arith.constant 0 : i32
    return %c0_i32, %c0_i32_0 : i32, i32
  }
  func.func @transform_10(%arg0: i32) -> (i32, i32) {
    %c0_i32 = arith.constant 0 : i32
    %c0_i32_0 = arith.constant 0 : i32
    %c0_i32_1 = arith.constant 0 : i32
    return %c0_i32, %c0_i32_0 : i32, i32
  }
  func.func @transform_11(%arg0: i32) -> (i32, i32) {
    %c0_i32 = arith.constant 0 : i32
    %c0_i32_0 = arith.constant 0 : i32
    %c0_i32_1 = arith.constant 0 : i32
    return %c0_i32, %c0_i32_0 : i32, i32
  }
  func.func @transform_12(%arg0: i32) -> (i32, i32) {
    %c0_i32 = arith.constant 0 : i32
    %c0_i32_0 = arith.constant 0 : i32
    %c0_i32_1 = arith.constant 0 : i32
    return %c0_i32, %c0_i32_0 : i32, i32
  }
  func.func @transform_13(%arg0: i32) -> (i32, i32) {
    %c0_i32 = arith.constant 0 : i32
    %c0_i32_0 = arith.constant 0 : i32
    return %arg0, %c0_i32 : i32, i32
  }
}

module attributes {stable_mosaic.version = 14 : i64} {
  func.func @_tc_b_body(%arg0: i32, %arg1: memref<1000x128xf32, #tpu.memory_space<vmem>>, %arg2: memref<1000x128xf32, #tpu.memory_space<vmem>>, %arg3: memref<1000x256xf32, #tpu.memory_space<vmem>>, %arg4: memref<1000x16xf32, #tpu.memory_space<vmem>>, %arg5: memref<256x512xf32, #tpu.memory_space<vmem>>, %arg6: memref<1x512xf32, #tpu.memory_space<vmem>>, %arg7: memref<1000x128xf32, #tpu.memory_space<vmem>>, %arg8: memref<1000x128xf32, #tpu.memory_space<vmem>>, %arg9: memref<1000x128xf32, #tpu.memory_space<vmem>>, %arg10: memref<1000x128xf32, #tpu.memory_space<vmem>>) attributes {dimension_semantics = [#tpu.dimension_semantics<arbitrary>], iteration_bounds = array<i64: 10>, scalar_prefetch = 0 : i64, scratch_operands = 0 : i64, tpu.core_type = #tpu.core_type<tc>, window_params = [{transform_indices = @transform_0, window_bounds = array<i64: 1000, 128>}, {transform_indices = @transform_1, window_bounds = array<i64: 1000, 128>}, {transform_indices = @transform_2, window_bounds = array<i64: 1000, 256>}, {transform_indices = @transform_3, window_bounds = array<i64: 1000, 16>}, {pipeline_mode = #tpu.pipeline_mode<synchronous>, transform_indices = @transform_4, window_bounds = array<i64: 256, 512>}, {pipeline_mode = #tpu.pipeline_mode<synchronous>, transform_indices = @transform_5, window_bounds = array<i64: 1, 512>}, {transform_indices = @transform_6, window_bounds = array<i64: 1000, 128>}, {transform_indices = @transform_7, window_bounds = array<i64: 1000, 128>}, {transform_indices = @transform_8, window_bounds = array<i64: 1000, 128>}, {transform_indices = @transform_9, window_bounds = array<i64: 1000, 128>}]} {
    %get3A = arith.constant 0 : index
    %get3A_0 = arith.constant 0 : index
    %get3A_1 = vector.load %arg4[%get3A, %get3A_0] : memref<1000x16xf32, #tpu.memory_space<vmem>>, vector<1000x1xf32>
    %get3A_2 = arith.constant 0 : index
    %get3A_3 = arith.constant 0 : index
    %get3A_4 = vector.load %arg1[%get3A_2, %get3A_3] : memref<1000x128xf32, #tpu.memory_space<vmem>>, vector<1000x128xf32>
    %get3A_5 = arith.constant 0 : index
    %get3A_6 = arith.constant 0 : index
    %get3A_7 = vector.load %arg2[%get3A_5, %get3A_6] : memref<1000x128xf32, #tpu.memory_space<vmem>>, vector<1000x128xf32>
    %concatenate3A = tpu.concatenate %get3A_4, %get3A_7 in 1 : vector<1000x128xf32>, vector<1000x128xf32> -> vector<1000x256xf32>
    %get3A_8 = arith.constant 0 : index
    %get3A_9 = arith.constant 0 : index
    %get3A_10 = vector.load %arg3[%get3A_8, %get3A_9] : memref<1000x256xf32, #tpu.memory_space<vmem>>, vector<1000x256xf32>
    %mul3A = vector.broadcast %get3A_1 : vector<1000x1xf32> to vector<1000x256xf32>
    %mul3A_11 = arith.mulf %mul3A, %get3A_10 : vector<1000x256xf32>
    %add3A = arith.addf %concatenate3A, %mul3A_11 : vector<1000x256xf32>
    %mul3A_12 = vector.broadcast %get3A_1 : vector<1000x1xf32> to vector<1000x256xf32>
    %mul3A_13 = arith.mulf %mul3A_12, %add3A : vector<1000x256xf32>
    %get3A_14 = arith.constant 0 : index
    %get3A_15 = arith.constant 0 : index
    %get3A_16 = vector.load %arg5[%get3A_14, %get3A_15] : memref<256x512xf32, #tpu.memory_space<vmem>>, vector<256x512xf32>
    %dot_general3A = arith.constant dense<0.000000e+00> : vector<1000x512xf32>
    %dot_general3A_17 = tpu.matmul %mul3A_13, %get3A_16, %dot_general3A {dimension_numbers = #tpu.dot_dimension_numbers<[1], [0], [0], [1], [0, 0, 1, 1], [], []>, transpose_lhs_hint = false} : vector<1000x256xf32>, vector<256x512xf32>, vector<1000x512xf32> -> vector<1000x512xf32>
    %get3A_18 = arith.constant 0 : index
    %get3A_19 = arith.constant 0 : index
    %get3A_20 = vector.load %arg6[%get3A_18, %get3A_19] : memref<1x512xf32, #tpu.memory_space<vmem>>, vector<1x512xf32>
    %add3A_21 = vector.broadcast %get3A_20 : vector<1x512xf32> to vector<1000x512xf32>
    %add3A_22 = arith.addf %dot_general3A_17, %add3A_21 : vector<1000x512xf32>
    %max3A = arith.constant 0.000000e+00 : f32
    %max3A_23 = vector.broadcast %max3A : f32 to vector<1000x512xf32>
    %max3A_24 = arith.maximumf %add3A_22, %max3A_23 : vector<1000x512xf32>
    %mul3A_25 = vector.broadcast %get3A_1 : vector<1000x1xf32> to vector<1000x512xf32>
    %mul3A_26 = arith.mulf %mul3A_25, %max3A_24 : vector<1000x512xf32>
    %slice3A = vector.extract_strided_slice %mul3A_26 {offsets = [0, 0], sizes = [1000, 128], strides = [1, 1]} : vector<1000x512xf32> to vector<1000x128xf32>
    %swap3A = arith.constant 0 : index
    %swap3A_27 = arith.constant 0 : index
    %swap3A_28 = vector.load %arg7[%swap3A, %swap3A_27] : memref<1000x128xf32, #tpu.memory_space<vmem>>, vector<1000x128xf32>
    tpu.vector_store %arg7[%swap3A, %swap3A_27], %slice3A {strides = array<i32>} : memref<1000x128xf32, #tpu.memory_space<vmem>>, vector<1000x128xf32>,
    %slice3A_29 = vector.extract_strided_slice %mul3A_26 {offsets = [0, 128], sizes = [1000, 128], strides = [1, 1]} : vector<1000x512xf32> to vector<1000x128xf32>
    %swap3A_30 = arith.constant 0 : index
    %swap3A_31 = arith.constant 0 : index
    %swap3A_32 = vector.load %arg8[%swap3A_30, %swap3A_31] : memref<1000x128xf32, #tpu.memory_space<vmem>>, vector<1000x128xf32>
    tpu.vector_store %arg8[%swap3A_30, %swap3A_31], %slice3A_29 {strides = array<i32>} : memref<1000x128xf32, #tpu.memory_space<vmem>>, vector<1000x128xf32>,
    %slice3A_33 = vector.extract_strided_slice %mul3A_26 {offsets = [0, 256], sizes = [1000, 128], strides = [1, 1]} : vector<1000x512xf32> to vector<1000x128xf32>
    %swap3A_34 = arith.constant 0 : index
    %swap3A_35 = arith.constant 0 : index
    %swap3A_36 = vector.load %arg9[%swap3A_34, %swap3A_35] : memref<1000x128xf32, #tpu.memory_space<vmem>>, vector<1000x128xf32>
    tpu.vector_store %arg9[%swap3A_34, %swap3A_35], %slice3A_33 {strides = array<i32>} : memref<1000x128xf32, #tpu.memory_space<vmem>>, vector<1000x128xf32>,
    %slice3A_37 = vector.extract_strided_slice %mul3A_26 {offsets = [0, 384], sizes = [1000, 128], strides = [1, 1]} : vector<1000x512xf32> to vector<1000x128xf32>
    %swap3A_38 = arith.constant 0 : index
    %swap3A_39 = arith.constant 0 : index
    %swap3A_40 = vector.load %arg10[%swap3A_38, %swap3A_39] : memref<1000x128xf32, #tpu.memory_space<vmem>>, vector<1000x128xf32>
    tpu.vector_store %arg10[%swap3A_38, %swap3A_39], %slice3A_37 {strides = array<i32>} : memref<1000x128xf32, #tpu.memory_space<vmem>>, vector<1000x128xf32>,
    return
  }
  func.func @transform_0(%arg0: i32) -> (i32, i32) {
    %c0_i32 = arith.constant 0 : i32
    %c0_i32_0 = arith.constant 0 : i32
    return %arg0, %c0_i32 : i32, i32
  }
  func.func @transform_1(%arg0: i32) -> (i32, i32) {
    %c0_i32 = arith.constant 0 : i32
    %c0_i32_0 = arith.constant 0 : i32
    return %arg0, %c0_i32 : i32, i32
  }
  func.func @transform_2(%arg0: i32) -> (i32, i32) {
    %c0_i32 = arith.constant 0 : i32
    %c0_i32_0 = arith.constant 0 : i32
    return %arg0, %c0_i32 : i32, i32
  }
  func.func @transform_3(%arg0: i32) -> (i32, i32) {
    %c0_i32 = arith.constant 0 : i32
    %c0_i32_0 = arith.constant 0 : i32
    return %arg0, %c0_i32 : i32, i32
  }
  func.func @transform_4(%arg0: i32) -> (i32, i32) {
    %c0_i32 = arith.constant 0 : i32
    %c0_i32_0 = arith.constant 0 : i32
    %c0_i32_1 = arith.constant 0 : i32
    return %c0_i32, %c0_i32_0 : i32, i32
  }
  func.func @transform_5(%arg0: i32) -> (i32, i32) {
    %c0_i32 = arith.constant 0 : i32
    %c0_i32_0 = arith.constant 0 : i32
    %c0_i32_1 = arith.constant 0 : i32
    return %c0_i32, %c0_i32_0 : i32, i32
  }
  func.func @transform_6(%arg0: i32) -> (i32, i32) {
    %c0_i32 = arith.constant 0 : i32
    %c0_i32_0 = arith.constant 0 : i32
    return %arg0, %c0_i32 : i32, i32
  }
  func.func @transform_7(%arg0: i32) -> (i32, i32) {
    %c0_i32 = arith.constant 0 : i32
    %c0_i32_0 = arith.constant 0 : i32
    return %arg0, %c0_i32 : i32, i32
  }
  func.func @transform_8(%arg0: i32) -> (i32, i32) {
    %c0_i32 = arith.constant 0 : i32
    %c0_i32_0 = arith.constant 0 : i32
    return %arg0, %c0_i32 : i32, i32
  }
  func.func @transform_9(%arg0: i32) -> (i32, i32) {
    %c0_i32 = arith.constant 0 : i32
    %c0_i32_0 = arith.constant 0 : i32
    return %arg0, %c0_i32 : i32, i32
  }
}

</mosaic_0001>

<sc_bundles>
// kernel: kernel.11.cloned.1.call-start
scs
__scs_entry_jumppad:
0x0: {  	(pc) =	sbr.rel $0x88, $3  }
0x1: {  	(tag) =	ssettag $0x0;
	lr =	simm.s32 $0x1  }
0x2: {  	[smem:$0x3F99] =	sst lr;
	_ =	strace $0xD0000000  }
0x3: {  	_ = 	snop  }
0x4: {  	_ = 	snop  }
0x5: {  	_ = 	snop  }
0x6: {  	_ = 	snop  }
0x7: {  	_ = 	snop  }
__scs_overlays_trampoline_lowered:
0x8: {  	[smem:$0x3FA8] =	sst s0  }
0x9: {  	[smem:$0x3FA9] =	sst s1  }
0xa: {  	[smem:$0x3FAA] =	sst s2  }
0xb: {  	[smem:$0x3FAB] =	sst s3  }
0xc: {  	[smem:$0x3FAC] =	sst s4  }
0xd: {  	[smem:$0x3FAD] =	sst s5  }
0xe: {  	[smem:$0x3FAE] =	sst s6  }
0xf: {  	[smem:$0x3FAF] =	sst s7  }
0x10: {  	[smem:$0x3FB0] =	sst s8  }
0x11: {  	[smem:$0x3FB1] =	sst s9;
	s0 =	simm.s32 @!p0 $0x0  }
0x12: {  	s1 =	sld [smem:$0x3F97];
	s0 =	simm.s32 @p0 $0x1  }
0x13: {  	[smem:$0x3FB2] =	sst s0;
	s0 =	simm.s32 @!p1 $0x0  }
0x14: {  	s2 =	sld [smem:$0x3F96];
	s0 =	simm.s32 @p1 $0x1  }
0x15: {  	[smem:$0x3FB3] =	sst s0;
	s0 =	simm.s32 @!p2 $0x0  }
0x16: {  	s3 =	sld [smem:$0x3FDB];
	s0 =	simm.s32 @p2 $0x1  }
0x17: {  	s4 =	simm.s32 $0x1BF5;
	[smem:$0x3FB5] =	sst s0  }
0x18: {  	s0 =	sld [smem:$0x3F98];
	_ =	swait.ge [sflag:s4], $0x0  }
0x19: {  	s7 =	sld [smem:$0x3F99]  }
0x1a: {  	s8 =	sadd.s32 $0xFFFFE003, lr  }
0x1b: {  	s9 =	sadd.s32 $0xFFFFFEF7, lr;
	s5 =	simm.s32 $0xFFFFFFFF;
	p2 =	slt.u32 s8, $0xFFFFF086  }
0x1c: {  	p1 =	slt.u32 s9, $0xF7A;
	s5 =	simm.s32 @!p2 $0x0  }
0x1d: {  	s5 =	simm.s32 @p1 $0x1;
	p0 =	seq.s32 s7, s2  }
0x1e: {  	s7 =	smul.u32 @!p0 $0xF7A, s2;
	p2 =	seq.s32 @!p0 s5, $0x0  }
0x1f: {  	s9 =	smul.u32 $0xF7A, s1;
	s8 =	simm.s32 @!p0 $0x1BF5;
	p2 =	por !p2, p0  }
0x20: {  	[sflag:s8] =	ssyncset.s32 @!p0 $0xFFFFF086;
	s6 =	sadd.s32 @!p0 s3, s7;
	s7 =	simm.s32 @!p0 $0x108  }
0x21: {  	s3 =	sadd.s32 s3, s9;
	s6 =	sadd.s32 @!p0 $0x88, s6;
	s7 =	simm.s32 @p2 $0x1082  }
0x22: {  	[simem:s7], [sflag:s8] =	dma.local @!p0 [hbm:s6], $0xF7A  }
0x23: {  	s9 =	sor.u32 $0xD0000000, s2;
	s6 =	simm.s32 $0x108;
	_ =	swait.ge @!p0 [sflag:s8], $0x0  }
0x24: {  	s3 =	sadd.s32 $0x88, s3;
	s6 =	simm.s32 @!p1 $0x1082;
	[sflag:s4] =	ssyncset.s32 $0xFFFFF086  }
0x25: {  	[simem:s6], [sflag:s4] =	dma.local [hbm:s3], $0xF7A  }
0x26: {  	[smem:$0x3F99] =	sst s1;
	(tag) =	ssettag s2;
	_ =	strace s9  }
0x27: {  	s1 =	sld [smem:$0x3FA9]  }
0x28: {  	s2 =	sld [smem:$0x3FAA]  }
0x29: {  	s4 =	sld [smem:$0x3FAC]  }
0x2a: {  	p0 =	seq.s32 s5, $0x0;
	s5 =	sld [smem:$0x3FAD]  }
0x2b: {  	s6 =	sld [smem:$0x3FAE]  }
0x2c: {  	s7 =	sld [smem:$0x3FAF]  }
0x2d: {  	s3 =	simm.s32 $0x108;
	s8 =	sld [smem:$0x3FB0]  }
0x2e: {  	s3 =	simm.s32 @!p0 $0x1082;
	s9 =	sld [smem:$0x3FB1]  }
0x2f: {  	lr =	sadd.s32 s0, s3;
	s0 =	sld [smem:$0x3FA8]  }
0x30: {  	s3 =	sld [smem:$0x3FAB]  }
0x31: {  	[smem:$0x3FB4] =	sst s10  }
0x32: {  	s10 =	sld [smem:$0x3FB2];
	_ =	sdelay $0x3  }
0x33: {  	p0 =	seq.s32 s10, $0x1;
	s10 =	sld [smem:$0x3FB4];
	_ =	sdelay $0x3  }
0x34: {  	[smem:$0x3FB4] =	sst s10  }
0x35: {  	s10 =	sld [smem:$0x3FB3];
	_ =	sdelay $0x3  }
0x36: {  	p1 =	seq.s32 s10, $0x1;
	s10 =	sld [smem:$0x3FB4];
	_ =	sdelay $0x3  }
0x37: {  	[smem:$0x3FB4] =	sst s10  }
0x38: {  	s10 =	sld [smem:$0x3FB5]  }
0x39: {  	_ = 	snop;
	(pc) =	sbr.ind lr, $3  }
0x3a: {  	_ = 	snop  }
0x3b: {  	_ = 	snop  }
0x3c: {  	p2 =	seq.s32 s10, $0x1;
	s10 =	sld [smem:$0x3FB4]  }
0x3d: {  	_ =	shalt  }
0x3e: {  	_ =	shalt  }
0x3f: {  	_ =	shalt  }
0x40: {  	_ =	shalt  }
0x41: {  	_ =	shalt  }
0x42: {  	_ =	shalt  }
0x43: {  	_ =	shalt  }
0x44: {  	_ =	shalt  }
0x45: {  	_ =	shalt  }
0x46: {  	_ =	shalt  }
0x47: {  	_ =	shalt  }
0x48: {  	_ =	shalt  }
0x49: {  	_ =	shalt  }
0x4a: {  	_ =	shalt  }
0x4b: {  	_ =	shalt  }
0x4c: {  	_ =	shalt  }
0x4d: {  	_ =	shalt  }
0x4e: {  	_ =	shalt  }
0x4f: {  	_ =	shalt  }
0x50: {  	_ =	shalt  }
0x51: {  	_ =	shalt  }
0x52: {  	_ =	shalt  }
0x53: {  	_ =	shalt  }
0x54: {  	_ =	shalt  }
0x55: {  	_ =	shalt  }
0x56: {  	_ =	shalt  }
0x57: {  	_ =	shalt  }
0x58: {  	_ =	shalt  }
0x59: {  	_ =	shalt  }
0x5a: {  	_ =	shalt  }
0x5b: {  	_ =	shalt  }
0x5c: {  	_ =	shalt  }
0x5d: {  	_ =	shalt  }
0x5e: {  	_ =	shalt  }
0x5f: {  	_ =	shalt  }
0x60: {  	_ =	shalt  }
0x61: {  	_ =	shalt  }
0x62: {  	_ =	shalt  }
0x63: {  	_ =	shalt  }
0x64: {  	_ =	shalt  }
0x65: {  	_ =	shalt  }
0x66: {  	_ =	shalt  }
0x67: {  	_ =	shalt  }
0x68: {  	_ =	shalt  }
0x69: {  	_ =	shalt  }
0x6a: {  	_ =	shalt  }
0x6b: {  	_ =	shalt  }
0x6c: {  	_ =	shalt  }
0x6d: {  	_ =	shalt  }
0x6e: {  	_ =	shalt  }
0x6f: {  	_ =	shalt  }
0x70: {  	_ =	shalt  }
0x71: {  	_ =	shalt  }
0x72: {  	_ =	shalt  }
0x73: {  	_ =	shalt  }
0x74: {  	_ =	shalt  }
0x75: {  	_ =	shalt  }
0x76: {  	_ =	shalt  }
0x77: {  	_ =	shalt  }
0x78: {  	_ =	shalt  }
0x79: {  	_ =	shalt  }
0x7a: {  	_ =	shalt  }
0x7b: {  	_ =	shalt  }
0x7c: {  	_ =	shalt  }
0x7d: {  	_ =	shalt  }
0x7e: {  	_ =	shalt  }
0x7f: {  	_ =	shalt  }
0x80: {  	_ =	shalt  }
0x81: {  	_ =	shalt  }
0x82: {  	_ =	shalt  }
0x83: {  	_ =	shalt  }
0x84: {  	_ =	shalt  }
0x85: {  	_ =	shalt  }
0x86: {  	_ =	shalt  }
0x87: {  	_ =	shalt  }
.Lfunc_end0:
.L_simem_size_0:
called_computation.1_lowered:
.L_overlay_start_0:
0x88: {  	s2 =	sld [smem:$0x3FD9]  }
0x89: {  	s3 =	sld [smem:$0x3FFE];
	_ =	sdelay $0x1  }
0x8a: {  	s1 =	srdreg.scid  }
0x8b: {  	s0 =	sand.u32 $0x1, s1  }
0x8c: {  	s17 =	sshll.u32 s0, $0xA;
	s2 =	sadd.s32 s3, s2  }
0x8d: {  	s2 =	sadd.s32 s2, s17  }
0x8e: {  	[smem:$0x3FC0] =	sst s2  }
0x8f: {  	_ = 	snop  }
0x90: {  	s2 =	sld [smem:$0x3FD0];
	(tm) =	ssettm $0x1  }
0x91: {  	s18 =	sld [smem:$0x3FFB];
	_ =	sdelay $0x3  }
0x92: {  	_ =	strace s18  }
0x93: {  	s3 =	sld [smem:$0x3FFC];
	_ =	sdelay $0x3  }
0x94: {  	_ =	strace s3  }
0x95: {  	s3 =	sld [smem:$0x3FFD];
	_ =	sdelay $0x3  }
0x96: {  	_ =	strace s3  }
0x97: {  	_ =	strace $0x8FFFFFFF  }
0x98: {  	s19 =	sld [smem:$0x3FDB];
	_ =	sdelay $0x1  }
0x99: {  	s4 =	simm.s32 $_scs_section_size  }
0x9a: {  	s5 =	simm.s32 $_size__tile_overlayer_lowered;
	s6 =	simm.s32 $_tile_overlayer_lowered  }
0x9b: {  	s22 =	simm.s32 $0x1BFF;
	s21 =	sshll.u32 s6, $0x1;
	s3 =	sadd.s32 s4, s19  }
0x9c: {  	s7 =	simm.s32 $0x0;
	s20 =	sshll.u32 s5, $0x1;
	s5 =	sadd.s32 s21, s3  }
0x9d: {  	[timem:s7], [sflag:s22] =	dma.local [hbm:s5], s20  }
0x9e: {  	_ =	swait.ge [sflag:s22], s20  }
0x9f: {  	s4 =	ssub.s32 $0x0, s20;
	[sflag:s22] =	ssyncset.done $0x0  }
0xa0: {  	[sflag:s22] =	ssyncadd.s32 s4;
	_ =	sdelay $0x1  }
0xa1: {  	s23 =	simm.s32 $0x1B8B  }
0xa2: {  	_ =	swait.ge [sflag:s23], $0x1  }
0xa3: {  	[sflag:s23] =	ssyncset.done $0x0  }
0xa4: {  	s25 =	simm.s32 $0x1B8E;
	s24 =	sld [smem:$0x3FFE];
	[sflag:s23] =	ssyncadd.s32 $0xFFFFFFFF  }
0xa5: {  	s26 =	simm.s32 $execute0_lowered;
	[smem:$0x3FD2] =	sst s25  }
0xa6: {  	s5 =	sshll.u32 s26, $0x1;
	_ =	strace $0x80000049;
	[dreg:$0x1] =	wrdreg $0xFFFFFFFF  }
0xa7: {  	s28 =	simm.s32 $_size_execute0_lowered;
	s3 =	sadd.s32 s3, s5;
	[dreg:$0x0] =	wrdreg $0x0  }
0xa8: {  	s5 =	sshll.u32 s28, $0x1;
	[dreg:$0x2] =	wrdreg s3  }
0xa9: {  	[dreg:$0x3] =	wrdreg s5  }
0xaa: {  	[dreg:$0x4] =	wrdreg $0xC0  }
0xab: {  	_ =	task [dreg:s7], $0x5FFFF  }
0xac: {  	[dreg:$0x1] =	wrdreg $0xFFFFFFFF  }
0xad: {  	[dreg:$0x0] =	wrdreg $0x60  }
0xae: {  	[dreg:$0x2] =	wrdreg s24  }
0xaf: {  	[dreg:$0x3] =	wrdreg s2  }
0xb0: {  	[dreg:$0x4] =	wrdreg $0x110800  }
0xb1: {  	[dreg:$0x5] =	wrdreg $0x9  }
0xb2: {  	_ =	task.clear_ibuf [dreg:s7], $0x6FFFF;
	_ =	strace $0x90000049  }
0xb3: {  	s29 =	simm.s32 $0x9;
	_ =	strace $0x8000004B  }
0xb4: {  	_ =	swait.ge [sflag:s29], $0x1  }
0xb5: {  	[sflag:s29] =	ssyncadd.s32 $0xFFFFFFFF  }
0xb6: {  	_ =	strace $0x9000004B  }
0xb7: {  	_ =	sfence  }
0xb8: {  	s30 =	sld [smem:$0x0];
	_ =	sdelay $0x2  }
0xb9: {  	s31 =	sshll.u32 s1, $0xD;
	s1 =	sshrl.u32 s1, $0x2  }
0xba: {  	s3 =	sand.u32 $0x4000, s31;
	s1 =	sadd.s32 s1, s30  }
0xbb: {  	s0 =	sor.u32 s3, s0;
	s1 =	sshll.u32 s1, $0x11  }
0xbc: {  	s0 =	sor.u32 s1, s0  }
0xbd: {  	s0 =	sadd.s32 $0x8F2B, s0  }
0xbe: {  	[sflag:s0] =	ssyncadd.remote.s32 $0x1  }
0xbf: {  	_ =	sfence.sel $0xFFFF  }
0xc0: {  	[dreg:$0x0] =	wrdreg $0xFFFFFFFF;
	(pc) =	sbr.abs _section_cstart, $3  }
0xc1: {  	[dreg:$0x1] =	wrdreg $0xFFFFFFFF  }
0xc2: {  	_ =	task.clear_ibuf [dreg:s7], $0x2FFFF;
	_ =	strace $0x9FFFFFFF  }
0xc3: {  	(tm) =	ssettm $0x7FFFFFFF  }
tec
execute0_lowered:
.L_overlay_start_1:
0x0: {  	(tag) =	ssettag $0x1  }
0x1: {  	s0 =	rddreg [dreg:$0x0]  }
0x2: {  	s6 =	rddreg [dreg:$0x1]  }
0x3: {  	s2 =	rddreg [dreg:$0x2]  }
0x4: {  	s3 =	simm.s32 $0x0;
	s1 =	stileid.u32;
	s5 =	srdreg.scid  }
0x5: {  	s15 =	simm.s32 $0x5;
	s18 =	simm.s32 $0x1;
	s19 =	simm.s32 $0xD880  }
0x6: {  	s20 =	simm.s32 $0x80;
	s21 =	simm.s32 $0x5880;
	s4 =	smul.u32 $0x580, s1  }
0x7: {  	s22 =	simm.s32 $0x2;
	s23 =	simm.s32 $0x9880;
	s8 =	smul.u32 $0xD80, s1  }
0x8: {  	s24 =	simm.s32 $0x3;
	[smem:$0x7FF] =	sst s3;
	s11 =	smul.u32 $0x1C000, s1  }
0x9: {  	s10 =	sand.u32 $0x1, s5;
	s5 =	sadd.s32 $0x40E00, s0;
	s12 =	smul.u32 $0x1B000, s1  }
0xa: {  	s28 =	sshll.u32 s1, $0x4;
	_ =	strace $0x8000004A;
	s9 =	ssub.s32 $0x2, s10  }
0xb: {  	s6 =	sadd.s32 s6, s28;
	p0 =	seq.s32 s10, $0x1;
	s7 =	sadd.s32 s4, s0  }
0xc: {  	s4 =	sadd.s32 $0x3600, s0;
	s0 =	sadd.s32 s8, s0;
	s25 =	sshrl.u32 s9, $0x1  }
0xd: {  	s29 =	sshrl.u32 s11, $0x2;
	[dreg:$0x6] =	wrdreg s6;
	s30 =	sshrl.u32 s12, $0x2  }
.Ltmp0:
0xe: {  	s14 =	ssub.s32 s9, s25;
	s26 =	sadd.s32 $0x35E00, s7;
	(pc) =	sbr.rel .LBB2_1-.Ltmp0, $4  }
0xf: {  	s7 =	sadd.s32 $0x3B600, s7;
	s9 =	sadd.s32 s29, s2;
	s11 =	sadd.s32 s30, s2  }
0x10: {  	v0 =	vimm.f32 $0.0e+00;
	vm0 =	vmmov $0x1;
	s12 =	sadd.s32 $0x8F200, s0;
	s13 =	sadd.s32 $0xB7A00, s0;
	[dreg:$0x4] =	wrdreg s26  }
0x11: {  	vm1 =	vcmask $0x300;
	vm2 =	vcmask $0x308;
	vm3 =	vcmask $0x704;
	s25 =	simm.s32 $0x4;
	[dreg:$0x5] =	wrdreg s7;
	s31 =	smax.u32 s14, $0x1  }
0x12: {  	vm4 =	vcmask $0x70C;
	vm5 =	vcmask $0xB08;
	v1 =	vlaneseq.u32;
	s10 =	sadd.s32 $0x3800, s9;
	s26 =	simm.s32 $0x0;
	[dreg:$0x7] =	wrdreg s31  }
.LBB2_14:
0x13: {  	s26 =	sadd.s32 $0x1, s26;
	s0 =	rddreg [dreg:$0x7]  }
0x14: {  	p1 =	sne.s32 s26, s0  }
.Ltmp1:
0x15: {  	_ = 	snop;
	(pc) =	sbr.rel @!p1 .LBB2_15-.Ltmp1, $1  }
0x16: {  	_ =	sdelay $0x3  }
.LBB2_1:
0x17: {  	s0 =	rddreg [dreg:$0x4]  }
0x18: {  	[tilespmem:s3], [sflag:$0x5] =	stream.linear.gather [hbm4b:s0+s3], $0x2C00, $0x38;
	[tilespmem:$0x18080] =	vst v63  }
0x19: {  	_ =	swait.ge [sflag:s15], $0x2C00  }
0x1a: {  	[sflag:s15] =	ssyncset.done $0x0  }
0x1b: {  	s6 =	simm.s32 $0x2C00;
	s16 =	rddreg [dreg:$0x5];
	[sflag:s15] =	ssyncadd.s32 $0xFFFFD400  }
0x1c: {  	[tilespmem:s6], [sflag:$0x5] =	stream.linear.gather [hbm4b:s16+s3], $0x2C00, $0x38;
	[tilespmem:$0x18080] =	vst v63  }
0x1d: {  	_ =	swait.ge [sflag:s15], $0x2C00  }
0x1e: {  	[sflag:s15] =	ssyncset.done $0x0  }
0x1f: {  	s29 =	simm.s32 $0x5800;
	s17 =	rddreg [dreg:$0x6];
	[sflag:s15] =	ssyncadd.s32 $0xFFFFD400  }
0x20: {  	[tilespmem:s29], [sflag:$0x5] =	stream.linear.gather [hbm4b:s17+s3], $0x80, $0x38;
	[tilespmem:$0x18080] =	vst v63  }
0x21: {  	_ =	swait.ge [sflag:s15], $0x80  }
0x22: {  	s30 =	sand.u32 $0xFE00, s3;
	[sflag:s15] =	ssyncset.done $0x0  }
0x23: {  	s31 =	sand.u32 $0x70, s3;
	s7 =	sshrl.u32 s30, $0x2;
	[sflag:s15] =	ssyncadd.s32 $0xFFFFFF80  }
0x24: {  	s0 =	simm.s32 $0x40;
	s28 =	sor.u32 s31, s7;
	s16 =	simm.s32 $0x0;
	v2 =	vld [tilespmem:$0x5800]  }
.LBB2_2:
0x25: {  	p1 =	sne.s32 s0, $0xDFC0  }
0x26: {  	[tilespmem:s28+$0xD880] =	vst v0;
	s16 =	sadd.s32 $0x10, s16;
	s6 =	smov.u32 s0;
	s0 =	sadd.s32 $0x40, s0  }
.Ltmp2:
0x27: {  	(pc) =	sbr.rel @p1 .LBB2_2-.Ltmp2, $4  }
0x28: {  	_ = 	snop  }
0x29: {  	s6 =	sand.u32 $0xFE00, s6  }
0x2a: {  	s7 =	sand.u32 $0x70, s16;
	s6 =	sshrl.u32 s6, $0x2  }
0x2b: {  	s28 =	sor.u32 s7, s6  }
0x2c: {  	v3 =	vnsel vm0, $0x0, v2  }
0x2d: {  	(xrf0) =	vadd.scan.msk.s32 $0xffff, v3;
	_ =	sdelay $0x5  }
0x2e: {  	v3, _, _ =	vpop (xrf0)  }
0x2f: {  	(v2sf) =	vpush v3, $0xF  }
0x30: {  	v3 =	vsel vm2, $0x0, v2  }
0x31: {  	(xrf0) =	vadd.scan.msk.s32 $0xffff, v3;
	_ =	sdelay $0x2  }
0x32: {  	v2 =	vsel vm4, $0x0, v2;
	_ =	sdelay $0x2  }
0x33: {  	(xrf0) =	vadd.scan.msk.s32 $0xffff, v2;
	v2, _, _ =	vpop (xrf0)  }
0x34: {  	(v2sf) =	vpush v2, $0xF;
	_ =	sdelay $0x5  }
0x35: {  	v2, _, _ =	vpop (xrf0);
	s0 =	spop (v2sf)  }
0x36: {  	(v2sf) =	vpush v2, $0xF;
	s0 =	sadd.s32 $0x7F, s0  }
0x37: {  	s6 =	sand.u32 $0x7F, s0  }
0x38: {  	s7 =	sshra.s32 s0, $0x1F;
	p1 =	slt.s32 s0, $0x1;
	p2 =	sne.s32 s6, $0x0  }
0x39: {  	s30 =	sshrl.u32 s7, $0x19;
	p1 =	por !p1, !p2  }
0x3a: {  	s6 =	simm.s32 $0x1;
	s0 =	sadd.s32 s30, s0;
	p1 =	por !p1, !p1  }
0x3b: {  	s0 =	sshra.s32 s0, $0x7;
	s6 =	simm.s32 @!p1 $0x0  }
0x3c: {  	s0 =	ssub.s32 s0, s6  }
0x3d: {  	s6 =	sadd.s32 $0x1, s0;
	p4 =	slt.s32 s0, $0x0  }
0x3e: {  	s7 =	spop (v2sf);
	s31 =	sand.u32 $0x1, s6;
	s16 =	sshrl.u32 s6, $0x1F  }
0x3f: {  	s0 =	sadd.s32 $0x7F, s7;
	s7 =	simm.s32 $0x1;
	p5 =	seq.s32 s31, $0x1  }
0x40: {  	s6 =	sadd.s32 s16, s6;
	s8 =	sshra.s32 s0, $0x1F;
	s17 =	sand.u32 $0x7F, s0  }
0x41: {  	p6 =	slt.s32 s0, $0x1;
	p1 =	por !p4, !p5;
	s6 =	sshrl.u32 s6, $0x1  }
0x42: {  	s16 =	sshrl.u32 s8, $0x19;
	p3 =	sne.s32 s17, $0x0;
	p1 =	por !p1, !p1  }
0x43: {  	s0 =	sadd.s32 s16, s0;
	p4 =	por !p6, !p3;
	s16 =	simm.s32 $0x1  }
0x44: {  	s7 =	simm.s32 @!p1 $0x0;
	p1 =	por !p4, !p4;
	s0 =	sshra.s32 s0, $0x7  }
0x45: {  	s16 =	simm.s32 @!p1 $0x0;
	s6 =	ssub.s32 s6, s7;
	s14 =	spop (v2sf)  }
0x46: {  	s0 =	ssub.s32 s0, s16;
	s6 =	sshll.u32 s6, $0x1;
	s17 =	sadd.s32 $0x7F, s14  }
0x47: {  	s31 =	sadd.s32 $0x1, s0;
	p2 =	slt.s32 s0, $0x0;
	s29 =	sand.u32 $0x7F, s17  }
0x48: {  	s30 =	sshra.s32 s17, $0x1F;
	p5 =	slt.s32 s17, $0x1;
	p6 =	sne.s32 s29, $0x0  }
0x49: {  	s7 =	sand.u32 $0x1, s31;
	s16 =	sshrl.u32 s30, $0x19;
	p1 =	por !p5, !p6  }
0x4a: {  	s16 =	sadd.s32 s16, s17;
	s17 =	simm.s32 $0x1;
	p1 =	por !p1, !p1  }
0x4b: {  	s29 =	sshrl.u32 s31, $0x1F;
	s16 =	sshra.s32 s16, $0x7;
	s17 =	simm.s32 @!p1 $0x0  }
0x4c: {  	p3 =	seq.s32 s7, $0x1;
	s7 =	simm.s32 $0x1;
	s16 =	ssub.s32 s16, s17  }
0x4d: {  	s8 =	sadd.s32 s29, s31;
	p1 =	por !p2, !p3;
	s14 =	sadd.s32 $0x1, s16  }
0x4e: {  	s30 =	sshrl.u32 s8, $0x1;
	p1 =	por !p1, !p1;
	s29 =	sand.u32 $0x1, s14  }
0x4f: {  	p4 =	slt.s32 s16, $0x0;
	s7 =	simm.s32 @!p1 $0x0;
	p5 =	seq.s32 s29, $0x1  }
0x50: {  	s16 =	simm.s32 $0x1;
	s31 =	sshrl.u32 s14, $0x1F;
	p6 =	por !p4, !p5  }
0x51: {  	s7 =	ssub.s32 s30, s7;
	s0 =	sadd.s32 s31, s14;
	p1 =	por !p6, !p6  }
0x52: {  	s7 =	sshll.u32 s7, $0x1;
	s0 =	sshrl.u32 s0, $0x1;
	s16 =	simm.s32 @!p1 $0x0  }
.Ltmp3:
0x53: {  	v2 =	vmov s6;
	v3 =	vmov s7;
	s0 =	ssub.s32 s0, s16;
	(pc) =	sbr.rel @p0 .LBB2_9-.Ltmp3, $4  }
.Ltmp4:
0x54: {  	v4 =	vnsel vm1, $0x0, v2;
	s6 =	sadd.s32 s7, s6;
	v3 =	vnsel vm3, $0x0, v3;
	s0 =	sshll.u32 s0, $0x1;
	(pc) =	sbr.rel @!p0 .LBB2_4-.Ltmp4, $4  }
0x55: {  	v5 =	vmov s6;
	v3 =	vadd.s32 v3, v4;
	v4 =	vmov s0  }
0x56: {  	v6 =	vnsel vm3, $0x0, v2;
	v2 =	vnsel vm5, $0x0, v4;
	v4 =	vnsel vm5, $0x0, v5  }
0x57: {  	[tilespmem:s28+$0xD880] =	vst v0;
	s28 =	simm.s32 $0x0;
	v2 =	vadd.s32 v2, v3;
	v3 =	vadd.s32 v6, v4  }
0x58: {  	_ = 	snop  }
.LBB2_12:
0x59: {  	[sflag:s25] =	ssyncadd.s32 $0xFFFFC000  }
0x5a: {  	[tilespmem:s7], [sflag:$0x2] =	stream.indirect.gather @!p2 [hbm4b:s5+s6], $0x80, s30, s6, $0xb8;
	[tilespmem:$0x18080] =	vst v63  }
.LBB2_13:
0x5b: {  	s0 =	smul.u32 $0xD800, s28;
	[bflag:$0x0] =	sbarrier.arrive $0xFFFF  }
0x5c: {  	s6 =	sshll.u32 s1, $0x6;
	s7 =	sshrl.u32 s11, $0x3;
	s28 =	sadd.s32 $0x1, s28  }
0x5d: {  	s6 =	sor.u32 $0x1C05, s6;
	p1 =	sne.s32 s28, $0x3;
	s0 =	sadd.s32 s13, s0  }
0x5e: {  	[hbm:s0], [sflag:s6] =	dma.local [spmem:s7], $0xD80  }
.Ltmp5:
0x5f: {  	_ =	swait.ge [sflag:s15], $0xD80;
	(pc) =	sbr.rel @!p1 .LBB2_14-.Ltmp5, $3  }
0x60: {  	[sflag:s15] =	ssyncset.done $0x0  }
0x61: {  	[sflag:s15] =	ssyncadd.s32 $0xFFFFF280  }
0x62: {  	[bflag:$0x0] =	sbarrier.arrive $0xFFFF;
	_ =	sdelay $0x1  }
.LBB2_9:
0x63: {  	[spmem:s9] =	stream.linear.scatter [tilespmem:s19], [sflag:$0x5], $0x3800, $0x38;
	[tilespmem:$0x18080] =	vst v63  }
0x64: {  	_ =	swait.ge [sflag:s15], $0x3800  }
0x65: {  	[sflag:s15] =	ssyncset.done $0x0  }
0x66: {  	[sflag:s15] =	ssyncadd.s32 $0xFFFFC800  }
0x67: {  	[spmem:s10] =	stream.linear.scatter [tilespmem:s19], [sflag:$0x5], $0x3800, $0x38;
	[tilespmem:$0x18080] =	vst v63  }
0x68: {  	_ =	swait.ge [sflag:s15], $0x3800  }
0x69: {  	v4 =	vmov s28;
	[sflag:s15] =	ssyncset.done $0x0  }
0x6a: {  	vm6 =	veq.s32 v4, v1;
	[sflag:s15] =	ssyncadd.s32 $0xFFFFC800  }
0x6b: {  	v4 =	vnsel vm6, $0x0, v2;
	[bflag:$0x0] =	sbarrier.arrive $0xFFFF  }
0x6c: {  	(xrf0) =	vadd.scan.msk.s32 $0xffff, v4;
	v4 =	vnsel vm6, $0x0, v3  }
0x6d: {  	(xrf0) =	vadd.scan.msk.s32 $0xffff, v4;
	_ =	sdelay $0x4  }
0x6e: {  	v4, _, _ =	vpop (xrf0)  }
0x6f: {  	(v2sf) =	vpush v4, $0xF;
	v4, _, _ =	vpop (xrf0)  }
0x70: {  	(v2sf) =	vpush v4, $0xF;
	_ =	sdelay $0xd  }
0x71: {  	s29 =	spop (v2sf)  }
0x72: {  	s0 =	spop (v2sf);
	p1 =	slt.s32 s29, $0x1  }
0x73: {  	s6 =	sshll.u32 @!p1 s0, $0x9  }
0x74: {  	s7 =	simm.s32 @!p1 $0x80;
	s8 =	simm.s32 @!p1 $0x5880;
	s6 =	sshra.s32 @!p1 s6, $0x2  }
0x75: {  	[tilespmem:s8], [sflag:$0x1] =	stream.indirect.gather @!p1 [hbm4b:s5+s7], $0x80, s6, s7, $0xb8;
	[tilespmem:$0x18080] =	vst v63  }
0x76: {  	s6 =	sadd.s32 @!p1 $0x80, s6;
	s8 =	simm.s32 @!p1 $0x9880  }
0x77: {  	[tilespmem:s8], [sflag:$0x2] =	stream.indirect.gather @!p1 [hbm4b:s5+s7], $0x80, s6, s7, $0xb8;
	[tilespmem:$0x18080] =	vst v63  }
0x78: {  	p1 =	sgt.s32 s29, $0x0;
	s6 =	simm.s32 $0x1  }
0x79: {  	s17 =	sshra.s32 s29, $0x1F;
	s6 =	simm.s32 @!p1 $0x0  }
0x7a: {  	s30 =	sand.u32 $0x1, s29;
	s6 =	sadd.s32 s6, s17  }
0x7b: {  	p2 =	seq.s32 s30, $0x1;
	p6 =	sne.s32 s6, $0x1  }
0x7c: {  	s31 =	sshrl.u32 s29, $0x1F;
	p1 =	por !p6, !p2  }
0x7d: {  	s7 =	simm.s32 $0x1;
	s6 =	sadd.s32 s31, s29;
	p1 =	por !p1, !p1  }
0x7e: {  	s6 =	sshra.s32 s6, $0x1;
	s7 =	simm.s32 @!p1 $0x0  }
0x7f: {  	s16 =	ssub.s32 s6, s7  }
0x80: {  	p1 =	slt.s32 s16, $0x1  }
.Ltmp6:
0x81: {  	_ = 	snop;
	(pc) =	sbr.rel @p1 .LBB2_13-.Ltmp6, $1  }
0x82: {  	_ =	sdelay $0x3  }
0x83: {  	s0 =	sshll.u32 s0, $0x9  }
0x84: {  	_ =	swait.ge [sflag:s18], $0x4000;
	s0 =	sshra.s32 s0, $0x2  }
0x85: {  	[sflag:s18] =	ssyncset.done $0x0;
	s6 =	sadd.s32 $0x2C80, s0  }
0x86: {  	[sflag:s18] =	ssyncadd.s32 $0xFFFFC000;
	s7 =	sadd.s32 $0xFFFFFF80, s6  }
0x87: {  	[spmem:s2] =	stream.indirect.scatter.add.f32 [tilespmem:s21], [sflag:$0x3], $0x80, s7, s20, $0xb8;
	[tilespmem:$0x18080] =	vst v63  }
0x88: {  	_ =	swait.ge [sflag:s22], $0x4000  }
0x89: {  	s31 =	sadd.s32 $0xFFFFFFFF, s16;
	p1 =	sle.s32 s29, $0x2;
	[sflag:s22] =	ssyncset.done $0x0  }
0x8a: {  	p2 =	sle.s32 s29, $0x3;
	p3 =	sne.s32 s31, $0x0;
	[sflag:s22] =	ssyncadd.s32 $0xFFFFC000  }
0x8b: {  	[spmem:s2] =	stream.indirect.scatter.add.f32 [tilespmem:s23], [sflag:$0x4], $0x80, s6, s20, $0xb8;
	[tilespmem:$0x18080] =	vst v63  }
0x8c: {  	s8 =	simm.s32 @!p1 $0x80;
	s14 =	simm.s32 @!p1 $0x5880;
	_ =	swait.ge [sflag:s24], $0x4000  }
.Ltmp7:
0x8d: {  	s30 =	sadd.s32 $0x180, s0;
	[sflag:s24] =	ssyncset.done $0x0;
	(pc) =	sbr.rel @!p3 .LBB2_12-.Ltmp7, $4  }
0x8e: {  	s0 =	simm.s32 $0x4;
	s7 =	sadd.s32 @!p1 $0xFFFFFF80, s30;
	[sflag:s24] =	ssyncadd.s32 $0xFFFFC000  }
0x8f: {  	[tilespmem:s14], [sflag:$0x1] =	stream.indirect.gather @!p1 [hbm4b:s5+s8], $0x80, s7, s8, $0xb8;
	[tilespmem:$0x18080] =	vst v63  }
0x90: {  	s16 =	sadd.s32 $0x100, s6;
	s17 =	smov.u32 s30;
	_ =	swait.ge [sflag:s25], $0x4000  }
0x91: {  	s6 =	simm.s32 @!p2 $0x80;
	s7 =	simm.s32 @!p2 $0x9880;
	[sflag:s25] =	ssyncset.done $0x0  }
.LBB2_11:
0x92: {  	s31 =	sadd.s32 $0xFFFFFFFF, s31;
	[sflag:s25] =	ssyncadd.s32 $0xFFFFC000;
	s17 =	sadd.s32 $0x100, s17  }
0x93: {  	[tilespmem:s7], [sflag:$0x2] =	stream.indirect.gather @!p2 [hbm4b:s5+s6], $0x80, s30, s6, $0xb8;
	[tilespmem:$0x18080] =	vst v63  }
0x94: {  	p1 =	sne.s32 s31, $0x0;
	s30 =	smov.u32 s17;
	_ =	swait.ge [sflag:s18], $0x4000  }
0x95: {  	[sflag:s18] =	ssyncset.done $0x0  }
0x96: {  	s6 =	sadd.s32 $0xFFFFFF80, s16;
	[sflag:s18] =	ssyncadd.s32 $0xFFFFC000  }
0x97: {  	[spmem:s2] =	stream.indirect.scatter.add.f32 [tilespmem:s21], [sflag:$0x3], $0x80, s6, s20, $0xb8;
	[tilespmem:$0x18080] =	vst v63  }
0x98: {  	_ =	swait.ge [sflag:s22], $0x4000  }
0x99: {  	[sflag:s22] =	ssyncset.done $0x0  }
0x9a: {  	[sflag:s22] =	ssyncadd.s32 $0xFFFFC000  }
0x9b: {  	[spmem:s2] =	stream.indirect.scatter.add.f32 [tilespmem:s23], [sflag:$0x4], $0x80, s16, s20, $0xb8;
	[tilespmem:$0x18080] =	vst v63  }
0x9c: {  	p2 =	sge.s32 s0, s29;
	_ =	swait.ge [sflag:s24], $0x4000  }
0x9d: {  	s7 =	simm.s32 @!p2 $0x80;
	[sflag:s24] =	ssyncset.done $0x0  }
.Ltmp8:
0x9e: {  	s6 =	sadd.s32 @!p2 $0xFFFFFF80, s17;
	[sflag:s24] =	ssyncadd.s32 $0xFFFFC000;
	(pc) =	sbr.rel @p1 .LBB2_11-.Ltmp8, $4  }
0x9f: {  	s14 =	sadd.s32 $0x1, s0;
	s0 =	sadd.s32 $0x2, s0;
	s8 =	simm.s32 @!p2 $0x5880  }
0xa0: {  	[tilespmem:s8], [sflag:$0x1] =	stream.indirect.gather @!p2 [hbm4b:s5+s7], $0x80, s6, s7, $0xb8;
	[tilespmem:$0x18080] =	vst v63  }
0xa1: {  	s16 =	sadd.s32 $0x100, s16;
	p2 =	sge.s32 s14, s29;
	_ =	swait.ge [sflag:s25], $0x4000  }
0xa2: {  	s6 =	simm.s32 @!p2 $0x80;
	s7 =	simm.s32 @!p2 $0x9880;
	[sflag:s25] =	ssyncset.done $0x0  }
.Ltmp9:
0xa3: {  	_ = 	snop;
	(pc) =	sbr.rel .LBB2_12-.Ltmp9, $1  }
0xa4: {  	_ =	sdelay $0x3  }
.LBB2_7:
0xa5: {  	[sflag:s25] =	ssyncadd.s32 $0xFFFFC000  }
0xa6: {  	[tilespmem:s7], [sflag:$0x2] =	stream.indirect.gather @!p2 [hbm4b:s4+s6], $0x80, s17, s6, $0xb8;
	[tilespmem:$0x18080] =	vst v63  }
.LBB2_8:
0xa7: {  	s0 =	smul.u32 $0xD800, s28;
	[bflag:$0x0] =	sbarrier.arrive $0xFFFF  }
0xa8: {  	s6 =	sshll.u32 s1, $0x6;
	s7 =	sshrl.u32 s11, $0x3;
	s28 =	sadd.s32 $0x1, s28  }
0xa9: {  	s6 =	sor.u32 $0x1C05, s6;
	p1 =	seq.s32 s28, $0x3;
	s0 =	sadd.s32 s12, s0  }
0xaa: {  	[hbm:s0], [sflag:s6] =	dma.local [spmem:s7], $0xD80  }
.Ltmp10:
0xab: {  	_ =	swait.ge [sflag:s15], $0xD80;
	(pc) =	sbr.rel @p1 .LBB2_14-.Ltmp10, $3  }
0xac: {  	[sflag:s15] =	ssyncset.done $0x0  }
0xad: {  	[sflag:s15] =	ssyncadd.s32 $0xFFFFF280  }
0xae: {  	[bflag:$0x0] =	sbarrier.arrive $0xFFFF;
	_ =	sdelay $0x1  }
.LBB2_4:
0xaf: {  	[spmem:s9] =	stream.linear.scatter [tilespmem:s19], [sflag:$0x5], $0x3800, $0x38;
	[tilespmem:$0x18080] =	vst v63  }
0xb0: {  	_ =	swait.ge [sflag:s15], $0x3800  }
0xb1: {  	[sflag:s15] =	ssyncset.done $0x0  }
0xb2: {  	[sflag:s15] =	ssyncadd.s32 $0xFFFFC800  }
0xb3: {  	[spmem:s10] =	stream.linear.scatter [tilespmem:s19], [sflag:$0x5], $0x3800, $0x38;
	[tilespmem:$0x18080] =	vst v63  }
0xb4: {  	_ =	swait.ge [sflag:s15], $0x3800  }
0xb5: {  	v4 =	vmov s28;
	[sflag:s15] =	ssyncset.done $0x0  }
0xb6: {  	vm6 =	veq.s32 v4, v1;
	[sflag:s15] =	ssyncadd.s32 $0xFFFFC800  }
0xb7: {  	v4 =	vnsel vm6, $0x0, v2;
	[bflag:$0x0] =	sbarrier.arrive $0xFFFF  }
0xb8: {  	(xrf0) =	vadd.scan.msk.s32 $0xffff, v4;
	v4 =	vnsel vm6, $0x0, v3  }
0xb9: {  	(xrf0) =	vadd.scan.msk.s32 $0xffff, v4;
	_ =	sdelay $0x4  }
0xba: {  	v4, _, _ =	vpop (xrf0)  }
0xbb: {  	(v2sf) =	vpush v4, $0xF;
	v4, _, _ =	vpop (xrf0)  }
0xbc: {  	(v2sf) =	vpush v4, $0xF;
	_ =	sdelay $0xd  }
0xbd: {  	s29 =	spop (v2sf)  }
0xbe: {  	s0 =	spop (v2sf);
	p1 =	slt.s32 s29, $0x1  }
0xbf: {  	s6 =	sshll.u32 @!p1 s0, $0x9  }
0xc0: {  	s7 =	simm.s32 @!p1 $0x80;
	s16 =	simm.s32 @!p1 $0x5880;
	s6 =	sshra.s32 @!p1 s6, $0x2  }
0xc1: {  	[tilespmem:s16], [sflag:$0x1] =	stream.indirect.gather @!p1 [hbm4b:s4+s7], $0x80, s6, s7, $0xb8;
	[tilespmem:$0x18080] =	vst v63  }
0xc2: {  	s6 =	sadd.s32 @!p1 $0x80, s6;
	s16 =	simm.s32 @!p1 $0x9880  }
0xc3: {  	[tilespmem:s16], [sflag:$0x2] =	stream.indirect.gather @!p1 [hbm4b:s4+s7], $0x80, s6, s7, $0xb8;
	[tilespmem:$0x18080] =	vst v63  }
0xc4: {  	p1 =	sgt.s32 s29, $0x0;
	s6 =	simm.s32 $0x1  }
0xc5: {  	s17 =	sshra.s32 s29, $0x1F;
	s6 =	simm.s32 @!p1 $0x0  }
0xc6: {  	s30 =	sand.u32 $0x1, s29;
	s6 =	sadd.s32 s6, s17  }
0xc7: {  	p2 =	seq.s32 s30, $0x1;
	p6 =	sne.s32 s6, $0x1  }
0xc8: {  	s31 =	sshrl.u32 s29, $0x1F;
	p1 =	por !p6, !p2  }
0xc9: {  	s7 =	simm.s32 $0x1;
	s6 =	sadd.s32 s31, s29;
	p1 =	por !p1, !p1  }
0xca: {  	s6 =	sshra.s32 s6, $0x1;
	s7 =	simm.s32 @!p1 $0x0  }
0xcb: {  	s16 =	ssub.s32 s6, s7  }
0xcc: {  	p1 =	slt.s32 s16, $0x1  }
.Ltmp11:
0xcd: {  	_ = 	snop;
	(pc) =	sbr.rel @p1 .LBB2_8-.Ltmp11, $1  }
0xce: {  	_ =	sdelay $0x3  }
0xcf: {  	s0 =	sshll.u32 s0, $0x9  }
0xd0: {  	_ =	swait.ge [sflag:s18], $0x4000;
	s0 =	sshra.s32 s0, $0x2  }
0xd1: {  	[sflag:s18] =	ssyncset.done $0x0;
	s6 =	sadd.s32 $0x2C80, s0  }
0xd2: {  	[sflag:s18] =	ssyncadd.s32 $0xFFFFC000;
	s7 =	sadd.s32 $0xFFFFFF80, s6  }
0xd3: {  	[spmem:s2] =	stream.indirect.scatter.add.f32 [tilespmem:s21], [sflag:$0x3], $0x80, s7, s20, $0xb8;
	[tilespmem:$0x18080] =	vst v63  }
0xd4: {  	_ =	swait.ge [sflag:s22], $0x4000  }
0xd5: {  	s31 =	sadd.s32 $0xFFFFFFFF, s16;
	p1 =	sle.s32 s29, $0x2;
	[sflag:s22] =	ssyncset.done $0x0  }
0xd6: {  	p2 =	sle.s32 s29, $0x3;
	p3 =	sne.s32 s31, $0x0;
	[sflag:s22] =	ssyncadd.s32 $0xFFFFC000  }
0xd7: {  	[spmem:s2] =	stream.indirect.scatter.add.f32 [tilespmem:s23], [sflag:$0x4], $0x80, s6, s20, $0xb8;
	[tilespmem:$0x18080] =	vst v63  }
0xd8: {  	s16 =	simm.s32 @!p1 $0x80;
	s30 =	simm.s32 @!p1 $0x5880;
	_ =	swait.ge [sflag:s24], $0x4000  }
.Ltmp12:
0xd9: {  	s17 =	sadd.s32 $0x180, s0;
	[sflag:s24] =	ssyncset.done $0x0;
	(pc) =	sbr.rel @!p3 .LBB2_7-.Ltmp12, $4  }
0xda: {  	s0 =	simm.s32 $0x4;
	s7 =	sadd.s32 @!p1 $0xFFFFFF80, s17;
	[sflag:s24] =	ssyncadd.s32 $0xFFFFC000  }
0xdb: {  	[tilespmem:s30], [sflag:$0x1] =	stream.indirect.gather @!p1 [hbm4b:s4+s16], $0x80, s7, s16, $0xb8;
	[tilespmem:$0x18080] =	vst v63  }
0xdc: {  	s16 =	sadd.s32 $0x100, s6;
	s6 =	simm.s32 @!p2 $0x80;
	_ =	swait.ge [sflag:s25], $0x4000  }
0xdd: {  	s7 =	simm.s32 @!p2 $0x9880;
	s30 =	smov.u32 s17;
	[sflag:s25] =	ssyncset.done $0x0  }
.LBB2_6:
0xde: {  	s31 =	sadd.s32 $0xFFFFFFFF, s31;
	[sflag:s25] =	ssyncadd.s32 $0xFFFFC000;
	s30 =	sadd.s32 $0x100, s30  }
0xdf: {  	[tilespmem:s7], [sflag:$0x2] =	stream.indirect.gather @!p2 [hbm4b:s4+s6], $0x80, s17, s6, $0xb8;
	[tilespmem:$0x18080] =	vst v63  }
0xe0: {  	p1 =	sne.s32 s31, $0x0;
	s17 =	smov.u32 s30;
	_ =	swait.ge [sflag:s18], $0x4000  }
0xe1: {  	[sflag:s18] =	ssyncset.done $0x0  }
0xe2: {  	s6 =	sadd.s32 $0xFFFFFF80, s16;
	[sflag:s18] =	ssyncadd.s32 $0xFFFFC000  }
0xe3: {  	[spmem:s2] =	stream.indirect.scatter.add.f32 [tilespmem:s21], [sflag:$0x3], $0x80, s6, s20, $0xb8;
	[tilespmem:$0x18080] =	vst v63  }
0xe4: {  	_ =	swait.ge [sflag:s22], $0x4000  }
0xe5: {  	[sflag:s22] =	ssyncset.done $0x0  }
0xe6: {  	[sflag:s22] =	ssyncadd.s32 $0xFFFFC000  }
0xe7: {  	[spmem:s2] =	stream.indirect.scatter.add.f32 [tilespmem:s23], [sflag:$0x4], $0x80, s16, s20, $0xb8;
	[tilespmem:$0x18080] =	vst v63  }
0xe8: {  	p2 =	sge.s32 s0, s29;
	_ =	swait.ge [sflag:s24], $0x4000  }
0xe9: {  	s7 =	simm.s32 @!p2 $0x80;
	[sflag:s24] =	ssyncset.done $0x0  }
.Ltmp13:
0xea: {  	s6 =	sadd.s32 @!p2 $0xFFFFFF80, s30;
	[sflag:s24] =	ssyncadd.s32 $0xFFFFC000;
	(pc) =	sbr.rel @p1 .LBB2_6-.Ltmp13, $4  }
0xeb: {  	s14 =	sadd.s32 $0x1, s0;
	s0 =	sadd.s32 $0x2, s0;
	s8 =	simm.s32 @!p2 $0x5880  }
0xec: {  	[tilespmem:s8], [sflag:$0x1] =	stream.indirect.gather @!p2 [hbm4b:s4+s7], $0x80, s6, s7, $0xb8;
	[tilespmem:$0x18080] =	vst v63  }
0xed: {  	s16 =	sadd.s32 $0x100, s16;
	p2 =	sge.s32 s14, s29;
	_ =	swait.ge [sflag:s25], $0x4000  }
0xee: {  	s6 =	simm.s32 @!p2 $0x80;
	s7 =	simm.s32 @!p2 $0x9880;
	[sflag:s25] =	ssyncset.done $0x0  }
.Ltmp14:
0xef: {  	_ = 	snop;
	(pc) =	sbr.rel .LBB2_7-.Ltmp14, $1  }
0xf0: {  	_ =	sdelay $0x3  }
.LBB2_15:
0xf1: {  	_ =	sfence.sel $0x180000  }
0xf2: {  	[bflag:$0x0] =	sbarrier.arrive $0xFFFF  }
0xf3: {  	_ =	strace $0x9000004A  }
0xf4: {  	[bflag:$0x2] =	sbarrier.arrive $0xFFFF  }
0xf5: {  	p0 =	sne.s32 s1, $0x0;
	s0 =	rddreg [dreg:$0x3]  }
0xf6: {  	s0 =	sadd.s32 @!p0 $0x100000, s0  }
0xf7: {  	[sflag:s0] =	ssyncadd.tile.s32 @!p0 $0x1;
	_ =	shalt  }
.Lfunc_end2:
_tile_overlayer_lowered:
.L_overlay_start_2:
0xf8: {  	(tag) =	ssettag $0x2  }
0xf9: {  	s0 =	rddreg [dreg:$0x0];
	s2 =	stileid.u32  }
0xfa: {  	s1 =	rddreg [dreg:$0x1];
	p0 =	sne.s32 s2, $0x0  }
0xfb: {  	s3 =	rddreg [dreg:$0x2];
	[bflag:$0x3] =	sbarrier.arrive $0xFFFF;
	s2 =	simm.s32 @!p0 $0x1C05  }
0xfc: {  	[timem:s3], [sflag:s2] =	dma.local @!p0 [hbm:s0], s1  }
0xfd: {  	s0 =	simm.s32 @!p0 $0x5  }
0xfe: {  	_ =	swait.ge @!p0 [sflag:s0], s1  }
0xff: {  	s1 =	ssub.s32 @!p0 $0x0, s1;
	[sflag:s0] =	ssyncset.done @!p0 $0x0  }
0x100: {  	[sflag:s0] =	ssyncadd.s32 @!p0 s1  }
0x101: {  	[bflag:$0x3] =	sbarrier.arrive $0xFFFF  }
0x102: {  	_ =	shalt  }

// kernel: kernel.14.cloned.1.call-start
scs
__scs_entry_jumppad:
0x0: {  	(pc) =	sbr.rel $0x88, $3  }
0x1: {  	(tag) =	ssettag $0x0;
	lr =	simm.s32 $0x1  }
0x2: {  	[smem:$0x3F99] =	sst lr;
	_ =	strace $0xD0000000  }
0x3: {  	_ = 	snop  }
0x4: {  	_ = 	snop  }
0x5: {  	_ = 	snop  }
0x6: {  	_ = 	snop  }
0x7: {  	_ = 	snop  }
__scs_overlays_trampoline_lowered:
0x8: {  	[smem:$0x3FA8] =	sst s0  }
0x9: {  	[smem:$0x3FA9] =	sst s1  }
0xa: {  	[smem:$0x3FAA] =	sst s2  }
0xb: {  	[smem:$0x3FAB] =	sst s3  }
0xc: {  	[smem:$0x3FAC] =	sst s4  }
0xd: {  	[smem:$0x3FAD] =	sst s5  }
0xe: {  	[smem:$0x3FAE] =	sst s6  }
0xf: {  	[smem:$0x3FAF] =	sst s7  }
0x10: {  	[smem:$0x3FB0] =	sst s8  }
0x11: {  	[smem:$0x3FB1] =	sst s9;
	s0 =	simm.s32 @!p0 $0x0  }
0x12: {  	s1 =	sld [smem:$0x3F97];
	s0 =	simm.s32 @p0 $0x1  }
0x13: {  	[smem:$0x3FB2] =	sst s0;
	s0 =	simm.s32 @!p1 $0x0  }
0x14: {  	s2 =	sld [smem:$0x3F96];
	s0 =	simm.s32 @p1 $0x1  }
0x15: {  	[smem:$0x3FB3] =	sst s0;
	s0 =	simm.s32 @!p2 $0x0  }
0x16: {  	s3 =	sld [smem:$0x3FDB];
	s0 =	simm.s32 @p2 $0x1  }
0x17: {  	s4 =	simm.s32 $0x1BF5;
	[smem:$0x3FB5] =	sst s0  }
0x18: {  	s0 =	sld [smem:$0x3F98];
	_ =	swait.ge [sflag:s4], $0x0  }
0x19: {  	s7 =	sld [smem:$0x3F99]  }
0x1a: {  	s8 =	sadd.s32 $0xFFFFE003, lr  }
0x1b: {  	s9 =	sadd.s32 $0xFFFFFEF7, lr;
	s5 =	simm.s32 $0xFFFFFFFF;
	p2 =	slt.u32 s8, $0xFFFFF086  }
0x1c: {  	p1 =	slt.u32 s9, $0xF7A;
	s5 =	simm.s32 @!p2 $0x0  }
0x1d: {  	s5 =	simm.s32 @p1 $0x1;
	p0 =	seq.s32 s7, s2  }
0x1e: {  	s7 =	smul.u32 @!p0 $0xF7A, s2;
	p2 =	seq.s32 @!p0 s5, $0x0  }
0x1f: {  	s9 =	smul.u32 $0xF7A, s1;
	s8 =	simm.s32 @!p0 $0x1BF5;
	p2 =	por !p2, p0  }
0x20: {  	[sflag:s8] =	ssyncset.s32 @!p0 $0xFFFFF086;
	s6 =	sadd.s32 @!p0 s3, s7;
	s7 =	simm.s32 @!p0 $0x108  }
0x21: {  	s3 =	sadd.s32 s3, s9;
	s6 =	sadd.s32 @!p0 $0x88, s6;
	s7 =	simm.s32 @p2 $0x1082  }
0x22: {  	[simem:s7], [sflag:s8] =	dma.local @!p0 [hbm:s6], $0xF7A  }
0x23: {  	s9 =	sor.u32 $0xD0000000, s2;
	s6 =	simm.s32 $0x108;
	_ =	swait.ge @!p0 [sflag:s8], $0x0  }
0x24: {  	s3 =	sadd.s32 $0x88, s3;
	s6 =	simm.s32 @!p1 $0x1082;
	[sflag:s4] =	ssyncset.s32 $0xFFFFF086  }
0x25: {  	[simem:s6], [sflag:s4] =	dma.local [hbm:s3], $0xF7A  }
0x26: {  	[smem:$0x3F99] =	sst s1;
	(tag) =	ssettag s2;
	_ =	strace s9  }
0x27: {  	s1 =	sld [smem:$0x3FA9]  }
0x28: {  	s2 =	sld [smem:$0x3FAA]  }
0x29: {  	s4 =	sld [smem:$0x3FAC]  }
0x2a: {  	p0 =	seq.s32 s5, $0x0;
	s5 =	sld [smem:$0x3FAD]  }
0x2b: {  	s6 =	sld [smem:$0x3FAE]  }
0x2c: {  	s7 =	sld [smem:$0x3FAF]  }
0x2d: {  	s3 =	simm.s32 $0x108;
	s8 =	sld [smem:$0x3FB0]  }
0x2e: {  	s3 =	simm.s32 @!p0 $0x1082;
	s9 =	sld [smem:$0x3FB1]  }
0x2f: {  	lr =	sadd.s32 s0, s3;
	s0 =	sld [smem:$0x3FA8]  }
0x30: {  	s3 =	sld [smem:$0x3FAB]  }
0x31: {  	[smem:$0x3FB4] =	sst s10  }
0x32: {  	s10 =	sld [smem:$0x3FB2];
	_ =	sdelay $0x3  }
0x33: {  	p0 =	seq.s32 s10, $0x1;
	s10 =	sld [smem:$0x3FB4];
	_ =	sdelay $0x3  }
0x34: {  	[smem:$0x3FB4] =	sst s10  }
0x35: {  	s10 =	sld [smem:$0x3FB3];
	_ =	sdelay $0x3  }
0x36: {  	p1 =	seq.s32 s10, $0x1;
	s10 =	sld [smem:$0x3FB4];
	_ =	sdelay $0x3  }
0x37: {  	[smem:$0x3FB4] =	sst s10  }
0x38: {  	s10 =	sld [smem:$0x3FB5]  }
0x39: {  	_ = 	snop;
	(pc) =	sbr.ind lr, $3  }
0x3a: {  	_ = 	snop  }
0x3b: {  	_ = 	snop  }
0x3c: {  	p2 =	seq.s32 s10, $0x1;
	s10 =	sld [smem:$0x3FB4]  }
0x3d: {  	_ =	shalt  }
0x3e: {  	_ =	shalt  }
0x3f: {  	_ =	shalt  }
0x40: {  	_ =	shalt  }
0x41: {  	_ =	shalt  }
0x42: {  	_ =	shalt  }
0x43: {  	_ =	shalt  }
0x44: {  	_ =	shalt  }
0x45: {  	_ =	shalt  }
0x46: {  	_ =	shalt  }
0x47: {  	_ =	shalt  }
0x48: {  	_ =	shalt  }
0x49: {  	_ =	shalt  }
0x4a: {  	_ =	shalt  }
0x4b: {  	_ =	shalt  }
0x4c: {  	_ =	shalt  }
0x4d: {  	_ =	shalt  }
0x4e: {  	_ =	shalt  }
0x4f: {  	_ =	shalt  }
0x50: {  	_ =	shalt  }
0x51: {  	_ =	shalt  }
0x52: {  	_ =	shalt  }
0x53: {  	_ =	shalt  }
0x54: {  	_ =	shalt  }
0x55: {  	_ =	shalt  }
0x56: {  	_ =	shalt  }
0x57: {  	_ =	shalt  }
0x58: {  	_ =	shalt  }
0x59: {  	_ =	shalt  }
0x5a: {  	_ =	shalt  }
0x5b: {  	_ =	shalt  }
0x5c: {  	_ =	shalt  }
0x5d: {  	_ =	shalt  }
0x5e: {  	_ =	shalt  }
0x5f: {  	_ =	shalt  }
0x60: {  	_ =	shalt  }
0x61: {  	_ =	shalt  }
0x62: {  	_ =	shalt  }
0x63: {  	_ =	shalt  }
0x64: {  	_ =	shalt  }
0x65: {  	_ =	shalt  }
0x66: {  	_ =	shalt  }
0x67: {  	_ =	shalt  }
0x68: {  	_ =	shalt  }
0x69: {  	_ =	shalt  }
0x6a: {  	_ =	shalt  }
0x6b: {  	_ =	shalt  }
0x6c: {  	_ =	shalt  }
0x6d: {  	_ =	shalt  }
0x6e: {  	_ =	shalt  }
0x6f: {  	_ =	shalt  }
0x70: {  	_ =	shalt  }
0x71: {  	_ =	shalt  }
0x72: {  	_ =	shalt  }
0x73: {  	_ =	shalt  }
0x74: {  	_ =	shalt  }
0x75: {  	_ =	shalt  }
0x76: {  	_ =	shalt  }
0x77: {  	_ =	shalt  }
0x78: {  	_ =	shalt  }
0x79: {  	_ =	shalt  }
0x7a: {  	_ =	shalt  }
0x7b: {  	_ =	shalt  }
0x7c: {  	_ =	shalt  }
0x7d: {  	_ =	shalt  }
0x7e: {  	_ =	shalt  }
0x7f: {  	_ =	shalt  }
0x80: {  	_ =	shalt  }
0x81: {  	_ =	shalt  }
0x82: {  	_ =	shalt  }
0x83: {  	_ =	shalt  }
0x84: {  	_ =	shalt  }
0x85: {  	_ =	shalt  }
0x86: {  	_ =	shalt  }
0x87: {  	_ =	shalt  }
.Lfunc_end0:
.L_simem_size_0:
called_computation.2_lowered:
.L_overlay_start_0:
0x88: {  	s2 =	sld [smem:$0x3FD9]  }
0x89: {  	s3 =	sld [smem:$0x3FFE];
	_ =	sdelay $0x1  }
0x8a: {  	s1 =	srdreg.scid  }
0x8b: {  	s0 =	sand.u32 $0x1, s1  }
0x8c: {  	s17 =	sshll.u32 s0, $0xA;
	s2 =	sadd.s32 s3, s2  }
0x8d: {  	s2 =	sadd.s32 s2, s17  }
0x8e: {  	[smem:$0x3FC0] =	sst s2  }
0x8f: {  	_ = 	snop  }
0x90: {  	s2 =	sld [smem:$0x3FD0];
	(tm) =	ssettm $0x1  }
0x91: {  	s18 =	sld [smem:$0x3FFB];
	_ =	sdelay $0x3  }
0x92: {  	_ =	strace s18  }
0x93: {  	s3 =	sld [smem:$0x3FFC];
	_ =	sdelay $0x3  }
0x94: {  	_ =	strace s3  }
0x95: {  	s3 =	sld [smem:$0x3FFD];
	_ =	sdelay $0x3  }
0x96: {  	_ =	strace s3  }
0x97: {  	_ =	strace $0x8FFFFFFF  }
0x98: {  	s19 =	sld [smem:$0x3FDB];
	_ =	sdelay $0x1  }
0x99: {  	s4 =	simm.s32 $_scs_section_size  }
0x9a: {  	s5 =	simm.s32 $_size__tile_overlayer_lowered;
	s6 =	simm.s32 $_tile_overlayer_lowered  }
0x9b: {  	s22 =	simm.s32 $0x1BFF;
	s21 =	sshll.u32 s6, $0x1;
	s3 =	sadd.s32 s4, s19  }
0x9c: {  	s7 =	simm.s32 $0x0;
	s20 =	sshll.u32 s5, $0x1;
	s5 =	sadd.s32 s21, s3  }
0x9d: {  	[timem:s7], [sflag:s22] =	dma.local [hbm:s5], s20  }
0x9e: {  	_ =	swait.ge [sflag:s22], s20  }
0x9f: {  	s4 =	ssub.s32 $0x0, s20;
	[sflag:s22] =	ssyncset.done $0x0  }
0xa0: {  	[sflag:s22] =	ssyncadd.s32 s4;
	_ =	sdelay $0x1  }
0xa1: {  	s23 =	simm.s32 $0x1B8B  }
0xa2: {  	_ =	swait.ge [sflag:s23], $0x1  }
0xa3: {  	[sflag:s23] =	ssyncset.done $0x0  }
0xa4: {  	s25 =	simm.s32 $0x1B8E;
	s24 =	sld [smem:$0x3FFE];
	[sflag:s23] =	ssyncadd.s32 $0xFFFFFFFF  }
0xa5: {  	s26 =	simm.s32 $execute0_lowered;
	[smem:$0x3FD2] =	sst s25  }
0xa6: {  	s5 =	sshll.u32 s26, $0x1;
	_ =	strace $0x8000004C;
	[dreg:$0x1] =	wrdreg $0xFFFFFFFF  }
0xa7: {  	s28 =	simm.s32 $_size_execute0_lowered;
	s3 =	sadd.s32 s3, s5;
	[dreg:$0x0] =	wrdreg $0x0  }
0xa8: {  	s5 =	sshll.u32 s28, $0x1;
	[dreg:$0x2] =	wrdreg s3  }
0xa9: {  	[dreg:$0x3] =	wrdreg s5  }
0xaa: {  	[dreg:$0x4] =	wrdreg $0xC0  }
0xab: {  	_ =	task [dreg:s7], $0x5FFFF  }
0xac: {  	[dreg:$0x1] =	wrdreg $0xFFFFFFFF  }
0xad: {  	[dreg:$0x0] =	wrdreg $0x60  }
0xae: {  	[dreg:$0x2] =	wrdreg s24  }
0xaf: {  	[dreg:$0x3] =	wrdreg s2  }
0xb0: {  	[dreg:$0x4] =	wrdreg $0x110800  }
0xb1: {  	[dreg:$0x5] =	wrdreg $0x9  }
0xb2: {  	_ =	task.clear_ibuf [dreg:s7], $0x6FFFF;
	_ =	strace $0x9000004C  }
0xb3: {  	s29 =	simm.s32 $0x9;
	_ =	strace $0x8000004E  }
0xb4: {  	_ =	swait.ge [sflag:s29], $0x1  }
0xb5: {  	[sflag:s29] =	ssyncadd.s32 $0xFFFFFFFF  }
0xb6: {  	_ =	strace $0x9000004E  }
0xb7: {  	_ =	sfence  }
0xb8: {  	s30 =	sld [smem:$0x0];
	_ =	sdelay $0x2  }
0xb9: {  	s31 =	sshll.u32 s1, $0xD;
	s1 =	sshrl.u32 s1, $0x2  }
0xba: {  	s3 =	sand.u32 $0x4000, s31;
	s1 =	sadd.s32 s1, s30  }
0xbb: {  	s0 =	sor.u32 s3, s0;
	s1 =	sshll.u32 s1, $0x11  }
0xbc: {  	s0 =	sor.u32 s1, s0  }
0xbd: {  	s0 =	sadd.s32 $0x8F2B, s0  }
0xbe: {  	[sflag:s0] =	ssyncadd.remote.s32 $0x1  }
0xbf: {  	_ =	sfence.sel $0xFFFF  }
0xc0: {  	[dreg:$0x0] =	wrdreg $0xFFFFFFFF;
	(pc) =	sbr.abs _section_cstart, $3  }
0xc1: {  	[dreg:$0x1] =	wrdreg $0xFFFFFFFF  }
0xc2: {  	_ =	task.clear_ibuf [dreg:s7], $0x2FFFF;
	_ =	strace $0x9FFFFFFF  }
0xc3: {  	(tm) =	ssettm $0x7FFFFFFF  }
tec
execute0_lowered:
.L_overlay_start_1:
0x0: {  	(tag) =	ssettag $0x1  }
0x1: {  	s0 =	rddreg [dreg:$0x0]  }
0x2: {  	s1 =	rddreg [dreg:$0x1]  }
0x3: {  	s2 =	rddreg [dreg:$0x2];
	s13 =	stileid.u32  }
0x4: {  	s4 =	simm.s32 $0x0;
	s6 =	srdreg.scid;
	s28 =	simm.s32 $0x9880  }
0x5: {  	s29 =	simm.s32 $0x3;
	s30 =	simm.s32 $0x4;
	s3 =	smul.u32 $0x580, s13  }
0x6: {  	[smem:$0x7FF] =	sst s4;
	s4 =	sadd.s32 $0x40E00, s0;
	s5 =	sadd.s32 $0x3600, s0  }
0x7: {  	s8 =	sand.u32 $0x1, s6;
	s6 =	sadd.s32 $0x8F200, s0;
	s9 =	smul.u32 $0xD80, s13  }
0x8: {  	s7 =	sadd.s32 $0xB6400, s0;
	s12 =	smul.u32 $0x1C000, s13;
	s21 =	sshll.u32 s13, $0x4  }
0x9: {  	s13 =	smul.u32 $0x1B000, s13;
	_ =	strace $0x8000004D;
	s10 =	ssub.s32 $0x2, s8  }
0xa: {  	s1 =	sadd.s32 s1, s21;
	p0 =	seq.s32 s8, $0x1;
	s3 =	sadd.s32 s3, s0  }
0xb: {  	s11 =	sshrl.u32 s10, $0x1;
	s0 =	sadd.s32 s9, s0;
	s22 =	sshrl.u32 s12, $0x2  }
0xc: {  	[dreg:$0x6] =	wrdreg s1;
	s23 =	sshrl.u32 s13, $0x2;
	s1 =	simm.s32 $0x0  }
0xd: {  	s19 =	ssub.s32 s10, s11;
	s20 =	sadd.s32 $0x35E00, s3;
	s3 =	sadd.s32 $0x3B600, s3  }
0xe: {  	s11 =	sadd.s32 s22, s2;
	s13 =	sadd.s32 s23, s2;
	[dreg:$0x4] =	wrdreg s20  }
0xf: {  	s24 =	sadd.s32 $0xDD600, s0;
	s25 =	sadd.s32 $0x12E600, s0;
	[dreg:$0x5] =	wrdreg s3  }
.Ltmp0:
0x10: {  	s26 =	sadd.s32 $0x105E00, s0;
	[dreg:$0x7] =	wrdreg s24;
	(pc) =	sbr.rel .LBB2_1-.Ltmp0, $4  }
0x11: {  	s17 =	sadd.s32 $0x156E00, s0;
	s22 =	simm.s32 $0x1;
	[dreg:$0x8] =	wrdreg s25  }
0x12: {  	v0 =	vimm.f32 $0.0e+00;
	vm0 =	vmmov $0x1;
	s23 =	simm.s32 $0xD880;
	s12 =	sadd.s32 $0x3800, s11;
	[dreg:$0x9] =	wrdreg s26  }
0x13: {  	vm1 =	vcmask $0x300;
	vm2 =	vcmask $0x308;
	vm3 =	vcmask $0x704;
	s31 =	smax.u32 s19, $0x1;
	s19 =	simm.s32 $0x5;
	s24 =	simm.s32 $0x80  }
0x14: {  	vm4 =	vcmask $0x70C;
	vm5 =	vcmask $0xB08;
	v1 =	vlaneseq.u32;
	s25 =	simm.s32 $0x5880;
	s26 =	simm.s32 $0x2;
	[dreg:$0xa] =	wrdreg s31  }
.LBB2_26:
0x15: {  	s1 =	rddreg [dreg:$0xb]  }
0x16: {  	s0 =	rddreg [dreg:$0xa];
	s1 =	sadd.s32 $0x1, s1  }
0x17: {  	p1 =	sne.s32 s1, s0  }
.Ltmp1:
0x18: {  	_ = 	snop;
	(pc) =	sbr.rel @!p1 .LBB2_27-.Ltmp1, $1  }
0x19: {  	_ =	sdelay $0x3  }
.LBB2_1:
0x1a: {  	[dreg:$0xb] =	wrdreg s1  }
0x1b: {  	s16 =	simm.s32 $0x0;
	s0 =	rddreg [dreg:$0x4]  }
0x1c: {  	[tilespmem:s16], [sflag:$0x5] =	stream.linear.gather [hbm4b:s0+s16], $0x2C00, $0x38;
	[tilespmem:$0x18080] =	vst v63  }
0x1d: {  	_ =	swait.ge [sflag:s19], $0x2C00  }
0x1e: {  	[sflag:s19] =	ssyncset.done $0x0  }
0x1f: {  	s3 =	simm.s32 $0x2C00;
	s18 =	rddreg [dreg:$0x5];
	[sflag:s19] =	ssyncadd.s32 $0xFFFFD400  }
0x20: {  	[tilespmem:s3], [sflag:$0x5] =	stream.linear.gather [hbm4b:s18+s16], $0x2C00, $0x38;
	[tilespmem:$0x18080] =	vst v63  }
0x21: {  	_ =	swait.ge [sflag:s19], $0x2C00  }
0x22: {  	[sflag:s19] =	ssyncset.done $0x0  }
0x23: {  	s21 =	simm.s32 $0x5800;
	s20 =	rddreg [dreg:$0x6];
	[sflag:s19] =	ssyncadd.s32 $0xFFFFD400  }
0x24: {  	[tilespmem:s21], [sflag:$0x5] =	stream.linear.gather [hbm4b:s20+s16], $0x80, $0x38;
	[tilespmem:$0x18080] =	vst v63  }
0x25: {  	_ =	swait.ge [sflag:s19], $0x80  }
0x26: {  	s31 =	sand.u32 $0xFE00, s16;
	[sflag:s19] =	ssyncset.done $0x0  }
0x27: {  	s1 =	sand.u32 $0x70, s16;
	s0 =	sshrl.u32 s31, $0x2;
	[sflag:s19] =	ssyncadd.s32 $0xFFFFFF80  }
0x28: {  	s8 =	simm.s32 $0x0;
	s0 =	sor.u32 s1, s0;
	s3 =	simm.s32 $0x40;
	v2 =	vld [tilespmem:$0x5800]  }
.LBB2_2:
0x29: {  	p1 =	sne.s32 s3, $0xDFC0  }
0x2a: {  	[tilespmem:s0+$0xD880] =	vst v0;
	s8 =	sadd.s32 $0x10, s8;
	s0 =	smov.u32 s3;
	s3 =	sadd.s32 $0x40, s3  }
.Ltmp2:
0x2b: {  	(pc) =	sbr.rel @p1 .LBB2_2-.Ltmp2, $4  }
0x2c: {  	_ = 	snop  }
0x2d: {  	s0 =	sand.u32 $0xFE00, s0  }
0x2e: {  	s1 =	sand.u32 $0x70, s8;
	s0 =	sshrl.u32 s0, $0x2  }
0x2f: {  	s0 =	sor.u32 s1, s0  }
0x30: {  	v3 =	vnsel vm0, $0x0, v2  }
0x31: {  	(xrf0) =	vadd.scan.msk.s32 $0xffff, v3;
	_ =	sdelay $0x5  }
0x32: {  	v3, _, _ =	vpop (xrf0)  }
0x33: {  	(v2sf) =	vpush v3, $0xF  }
0x34: {  	v3 =	vsel vm2, $0x0, v2  }
0x35: {  	(xrf0) =	vadd.scan.msk.s32 $0xffff, v3;
	_ =	sdelay $0x2  }
0x36: {  	v2 =	vsel vm4, $0x0, v2;
	_ =	sdelay $0x2  }
0x37: {  	(xrf0) =	vadd.scan.msk.s32 $0xffff, v2;
	v2, _, _ =	vpop (xrf0)  }
0x38: {  	(v2sf) =	vpush v2, $0xF;
	_ =	sdelay $0x5  }
0x39: {  	v2, _, _ =	vpop (xrf0);
	s1 =	spop (v2sf)  }
0x3a: {  	(v2sf) =	vpush v2, $0xF;
	s1 =	sadd.s32 $0x7F, s1  }
0x3b: {  	s3 =	sand.u32 $0x7F, s1  }
0x3c: {  	s8 =	sshra.s32 s1, $0x1F;
	p1 =	slt.s32 s1, $0x1;
	p2 =	sne.s32 s3, $0x0  }
0x3d: {  	s16 =	sshrl.u32 s8, $0x19;
	p1 =	por !p1, !p2  }
0x3e: {  	s3 =	simm.s32 $0x1;
	s1 =	sadd.s32 s16, s1;
	p1 =	por !p1, !p1  }
0x3f: {  	s1 =	sshra.s32 s1, $0x7;
	s3 =	simm.s32 @!p1 $0x0  }
0x40: {  	s1 =	ssub.s32 s1, s3  }
0x41: {  	s8 =	simm.s32 $0x1;
	s3 =	sadd.s32 $0x1, s1  }
0x42: {  	p4 =	slt.s32 s1, $0x0;
	s20 =	spop (v2sf);
	s18 =	sand.u32 $0x1, s3  }
0x43: {  	s9 =	sshrl.u32 s3, $0x1F;
	s1 =	sadd.s32 $0x7F, s20;
	p5 =	seq.s32 s18, $0x1  }
0x44: {  	s3 =	sadd.s32 s9, s3;
	s21 =	sshra.s32 s1, $0x1F;
	s10 =	sand.u32 $0x7F, s1  }
0x45: {  	p6 =	slt.s32 s1, $0x1;
	p1 =	por !p4, !p5;
	s3 =	sshrl.u32 s3, $0x1  }
0x46: {  	s9 =	sshrl.u32 s21, $0x19;
	p3 =	sne.s32 s10, $0x0;
	p1 =	por !p1, !p1  }
0x47: {  	s1 =	sadd.s32 s9, s1;
	p4 =	por !p6, !p3;
	s9 =	simm.s32 $0x1  }
0x48: {  	s8 =	simm.s32 @!p1 $0x0;
	p1 =	por !p4, !p4;
	s1 =	sshra.s32 s1, $0x7  }
0x49: {  	s9 =	simm.s32 @!p1 $0x0;
	s3 =	ssub.s32 s3, s8;
	s31 =	spop (v2sf)  }
0x4a: {  	s1 =	ssub.s32 s1, s9;
	s3 =	sshll.u32 s3, $0x1;
	s10 =	sadd.s32 $0x7F, s31  }
0x4b: {  	s15 =	sadd.s32 $0x1, s1;
	p2 =	slt.s32 s1, $0x0;
	s9 =	sand.u32 $0x7F, s10  }
0x4c: {  	s14 =	sshra.s32 s10, $0x1F;
	p5 =	slt.s32 s10, $0x1;
	p6 =	sne.s32 s9, $0x0  }
0x4d: {  	s8 =	sand.u32 $0x1, s15;
	s9 =	sshrl.u32 s14, $0x19;
	p1 =	por !p5, !p6  }
0x4e: {  	s9 =	sadd.s32 s9, s10;
	s10 =	simm.s32 $0x1;
	p1 =	por !p1, !p1  }
0x4f: {  	s14 =	sshrl.u32 s15, $0x1F;
	s9 =	sshra.s32 s9, $0x7;
	s10 =	simm.s32 @!p1 $0x0  }
0x50: {  	p3 =	seq.s32 s8, $0x1;
	s8 =	simm.s32 $0x1;
	s9 =	ssub.s32 s9, s10  }
0x51: {  	s16 =	sadd.s32 s14, s15;
	p1 =	por !p2, !p3;
	s18 =	sadd.s32 $0x1, s9  }
0x52: {  	s21 =	sshrl.u32 s16, $0x1;
	p1 =	por !p1, !p1;
	s20 =	sand.u32 $0x1, s18  }
0x53: {  	p4 =	slt.s32 s9, $0x0;
	s8 =	simm.s32 @!p1 $0x0;
	p5 =	seq.s32 s20, $0x1  }
0x54: {  	s9 =	simm.s32 $0x1;
	s31 =	sshrl.u32 s18, $0x1F;
	p6 =	por !p4, !p5  }
0x55: {  	s8 =	ssub.s32 s21, s8;
	s1 =	sadd.s32 s31, s18;
	p1 =	por !p6, !p6  }
0x56: {  	s8 =	sshll.u32 s8, $0x1;
	s1 =	sshrl.u32 s1, $0x1;
	s9 =	simm.s32 @!p1 $0x0  }
.Ltmp3:
0x57: {  	v2 =	vmov s3;
	v3 =	vmov s8;
	s1 =	ssub.s32 s1, s9;
	(pc) =	sbr.rel @p0 .LBB2_15-.Ltmp3, $4  }
.Ltmp4:
0x58: {  	v4 =	vnsel vm1, $0x0, v2;
	s3 =	sadd.s32 s8, s3;
	v3 =	vnsel vm3, $0x0, v3;
	s1 =	sshll.u32 s1, $0x1;
	(pc) =	sbr.rel @!p0 .LBB2_4-.Ltmp4, $4  }
0x59: {  	v5 =	vmov s3;
	v3 =	vadd.s32 v3, v4;
	v4 =	vmov s1  }
0x5a: {  	v6 =	vnsel vm3, $0x0, v2;
	v2 =	vnsel vm5, $0x0, v4;
	v4 =	vnsel vm5, $0x0, v5  }
0x5b: {  	[tilespmem:s0+$0xD880] =	vst v0;
	s0 =	simm.s32 $0x0;
	v2 =	vadd.s32 v2, v3;
	v3 =	vadd.s32 v6, v4  }
0x5c: {  	_ = 	snop  }
.LBB2_18:
0x5d: {  	[sflag:s30] =	ssyncadd.s32 $0xFFFFC000  }
0x5e: {  	[tilespmem:s14], [sflag:$0x2] =	stream.indirect.gather @!p2 [hbm4b:s5+s1], $0x80, s9, s1, $0xb8;
	[tilespmem:$0x18080] =	vst v63  }
.LBB2_19:
0x5f: {  	s1 =	smul.u32 $0xD800, s0  }
0x60: {  	[bflag:$0x0] =	sbarrier.arrive $0xFFFF;
	s3 =	stileid.u32;
	s21 =	sshrl.u32 s13, $0x3  }
0x61: {  	s0 =	sadd.s32 $0x1, s0;
	s3 =	sshll.u32 s3, $0x6;
	s8 =	rddreg [dreg:$0x9]  }
0x62: {  	p1 =	sne.s32 s0, $0x3;
	s1 =	sadd.s32 s8, s1;
	s20 =	sor.u32 $0x1C05, s3  }
0x63: {  	[hbm:s1], [sflag:s20] =	dma.local [spmem:s21], $0xD80  }
.Ltmp5:
0x64: {  	_ =	swait.ge [sflag:s19], $0xD80;
	(pc) =	sbr.rel @!p1 .LBB2_20-.Ltmp5, $3  }
0x65: {  	[sflag:s19] =	ssyncset.done $0x0  }
0x66: {  	[sflag:s19] =	ssyncadd.s32 $0xFFFFF280  }
0x67: {  	[bflag:$0x0] =	sbarrier.arrive $0xFFFF;
	_ =	sdelay $0x1  }
.LBB2_15:
0x68: {  	[spmem:s11] =	stream.linear.scatter [tilespmem:s23], [sflag:$0x5], $0x3800, $0x38;
	[tilespmem:$0x18080] =	vst v63  }
0x69: {  	_ =	swait.ge [sflag:s19], $0x3800  }
0x6a: {  	[sflag:s19] =	ssyncset.done $0x0  }
0x6b: {  	[sflag:s19] =	ssyncadd.s32 $0xFFFFC800  }
0x6c: {  	[spmem:s12] =	stream.linear.scatter [tilespmem:s23], [sflag:$0x5], $0x3800, $0x38;
	[tilespmem:$0x18080] =	vst v63  }
0x6d: {  	_ =	swait.ge [sflag:s19], $0x3800  }
0x6e: {  	v4 =	vmov s0;
	[sflag:s19] =	ssyncset.done $0x0  }
0x6f: {  	vm6 =	veq.s32 v4, v1;
	[sflag:s19] =	ssyncadd.s32 $0xFFFFC800  }
0x70: {  	v4 =	vnsel vm6, $0x0, v2;
	[bflag:$0x0] =	sbarrier.arrive $0xFFFF  }
0x71: {  	(xrf0) =	vadd.scan.msk.s32 $0xffff, v4;
	v4 =	vnsel vm6, $0x0, v3  }
0x72: {  	(xrf0) =	vadd.scan.msk.s32 $0xffff, v4;
	_ =	sdelay $0x4  }
0x73: {  	v4, _, _ =	vpop (xrf0)  }
0x74: {  	(v2sf) =	vpush v4, $0xF;
	v4, _, _ =	vpop (xrf0)  }
0x75: {  	(v2sf) =	vpush v4, $0xF;
	_ =	sdelay $0xd  }
0x76: {  	s8 =	spop (v2sf)  }
0x77: {  	s3 =	spop (v2sf);
	p1 =	slt.s32 s8, $0x1  }
0x78: {  	s1 =	sshll.u32 @!p1 s3, $0x9  }
0x79: {  	s9 =	simm.s32 @!p1 $0x80;
	s10 =	simm.s32 @!p1 $0x5880;
	s1 =	sshra.s32 @!p1 s1, $0x2  }
0x7a: {  	[tilespmem:s10], [sflag:$0x1] =	stream.indirect.gather @!p1 [hbm4b:s5+s9], $0x80, s1, s9, $0xb8;
	[tilespmem:$0x18080] =	vst v63  }
0x7b: {  	s1 =	sadd.s32 @!p1 $0x80, s1;
	s10 =	simm.s32 @!p1 $0x9880  }
0x7c: {  	[tilespmem:s10], [sflag:$0x2] =	stream.indirect.gather @!p1 [hbm4b:s5+s9], $0x80, s1, s9, $0xb8;
	[tilespmem:$0x18080] =	vst v63  }
0x7d: {  	p1 =	sgt.s32 s8, $0x0;
	s1 =	simm.s32 $0x1  }
0x7e: {  	s20 =	sshra.s32 s8, $0x1F;
	s1 =	simm.s32 @!p1 $0x0  }
0x7f: {  	s21 =	sand.u32 $0x1, s8;
	s1 =	sadd.s32 s1, s20  }
0x80: {  	p2 =	seq.s32 s21, $0x1;
	p6 =	sne.s32 s1, $0x1  }
0x81: {  	s31 =	sshrl.u32 s8, $0x1F;
	p1 =	por !p6, !p2  }
0x82: {  	s9 =	simm.s32 $0x1;
	s1 =	sadd.s32 s31, s8;
	p1 =	por !p1, !p1  }
0x83: {  	s1 =	sshra.s32 s1, $0x1;
	s9 =	simm.s32 @!p1 $0x0  }
0x84: {  	s10 =	ssub.s32 s1, s9  }
0x85: {  	p1 =	slt.s32 s10, $0x1  }
.Ltmp6:
0x86: {  	_ = 	snop;
	(pc) =	sbr.rel @p1 .LBB2_19-.Ltmp6, $1  }
0x87: {  	_ =	sdelay $0x3  }
0x88: {  	s1 =	sshll.u32 s3, $0x9  }
0x89: {  	_ =	swait.ge [sflag:s22], $0x4000;
	s1 =	sshra.s32 s1, $0x2  }
0x8a: {  	[sflag:s22] =	ssyncset.done $0x0;
	s31 =	sadd.s32 $0x2C80, s1  }
0x8b: {  	[sflag:s22] =	ssyncadd.s32 $0xFFFFC000;
	s9 =	sadd.s32 $0xFFFFFF80, s31  }
0x8c: {  	[spmem:s2] =	stream.indirect.scatter.add.f32 [tilespmem:s25], [sflag:$0x3], $0x80, s9, s24, $0xb8;
	[tilespmem:$0x18080] =	vst v63  }
0x8d: {  	_ =	swait.ge [sflag:s26], $0x4000  }
0x8e: {  	s10 =	sadd.s32 $0xFFFFFFFF, s10;
	p1 =	sle.s32 s8, $0x2;
	[sflag:s26] =	ssyncset.done $0x0  }
0x8f: {  	s18 =	simm.s32 $0x4;
	p2 =	sle.s32 s8, $0x3;
	[sflag:s26] =	ssyncadd.s32 $0xFFFFC000  }
0x90: {  	[spmem:s2] =	stream.indirect.scatter.add.f32 [tilespmem:s28], [sflag:$0x4], $0x80, s31, s24, $0xb8;
	[tilespmem:$0x18080] =	vst v63  }
0x91: {  	p3 =	sne.s32 s10, $0x0;
	s14 =	simm.s32 @!p1 $0x80;
	_ =	swait.ge [sflag:s29], $0x4000  }
.Ltmp7:
0x92: {  	s9 =	sadd.s32 $0x180, s1;
	[sflag:s29] =	ssyncset.done $0x0;
	(pc) =	sbr.rel @!p3 .LBB2_18-.Ltmp7, $4  }
0x93: {  	s15 =	simm.s32 @!p1 $0x5880;
	s1 =	sadd.s32 @!p1 $0xFFFFFF80, s9;
	[sflag:s29] =	ssyncadd.s32 $0xFFFFC000  }
0x94: {  	[tilespmem:s15], [sflag:$0x1] =	stream.indirect.gather @!p1 [hbm4b:s5+s14], $0x80, s1, s14, $0xb8;
	[tilespmem:$0x18080] =	vst v63  }
0x95: {  	s3 =	sadd.s32 $0x100, s31;
	s20 =	smov.u32 s9;
	_ =	swait.ge [sflag:s30], $0x4000  }
0x96: {  	s1 =	simm.s32 @!p2 $0x80;
	s14 =	simm.s32 @!p2 $0x9880;
	[sflag:s30] =	ssyncset.done $0x0  }
.LBB2_17:
0x97: {  	s10 =	sadd.s32 $0xFFFFFFFF, s10;
	[sflag:s30] =	ssyncadd.s32 $0xFFFFC000;
	s20 =	sadd.s32 $0x100, s20  }
0x98: {  	[tilespmem:s14], [sflag:$0x2] =	stream.indirect.gather @!p2 [hbm4b:s5+s1], $0x80, s9, s1, $0xb8;
	[tilespmem:$0x18080] =	vst v63  }
0x99: {  	p1 =	sne.s32 s10, $0x0;
	s9 =	smov.u32 s20;
	_ =	swait.ge [sflag:s22], $0x4000  }
0x9a: {  	[sflag:s22] =	ssyncset.done $0x0  }
0x9b: {  	s1 =	sadd.s32 $0xFFFFFF80, s3;
	[sflag:s22] =	ssyncadd.s32 $0xFFFFC000  }
0x9c: {  	[spmem:s2] =	stream.indirect.scatter.add.f32 [tilespmem:s25], [sflag:$0x3], $0x80, s1, s24, $0xb8;
	[tilespmem:$0x18080] =	vst v63  }
0x9d: {  	_ =	swait.ge [sflag:s26], $0x4000  }
0x9e: {  	[sflag:s26] =	ssyncset.done $0x0  }
0x9f: {  	[sflag:s26] =	ssyncadd.s32 $0xFFFFC000  }
0xa0: {  	[spmem:s2] =	stream.indirect.scatter.add.f32 [tilespmem:s28], [sflag:$0x4], $0x80, s3, s24, $0xb8;
	[tilespmem:$0x18080] =	vst v63  }
0xa1: {  	p2 =	sge.s32 s18, s8;
	_ =	swait.ge [sflag:s29], $0x4000  }
0xa2: {  	s14 =	simm.s32 @!p2 $0x80;
	[sflag:s29] =	ssyncset.done $0x0  }
.Ltmp8:
0xa3: {  	s1 =	sadd.s32 @!p2 $0xFFFFFF80, s20;
	[sflag:s29] =	ssyncadd.s32 $0xFFFFC000;
	(pc) =	sbr.rel @p1 .LBB2_17-.Ltmp8, $4  }
0xa4: {  	s16 =	sadd.s32 $0x1, s18;
	s18 =	sadd.s32 $0x2, s18;
	s15 =	simm.s32 @!p2 $0x5880  }
0xa5: {  	[tilespmem:s15], [sflag:$0x1] =	stream.indirect.gather @!p2 [hbm4b:s5+s14], $0x80, s1, s14, $0xb8;
	[tilespmem:$0x18080] =	vst v63  }
0xa6: {  	s3 =	sadd.s32 $0x100, s3;
	p2 =	sge.s32 s16, s8;
	_ =	swait.ge [sflag:s30], $0x4000  }
0xa7: {  	s1 =	simm.s32 @!p2 $0x80;
	s14 =	simm.s32 @!p2 $0x9880;
	[sflag:s30] =	ssyncset.done $0x0  }
.Ltmp9:
0xa8: {  	_ = 	snop;
	(pc) =	sbr.rel .LBB2_18-.Ltmp9, $1  }
0xa9: {  	_ =	sdelay $0x3  }
.LBB2_7:
0xaa: {  	[sflag:s30] =	ssyncadd.s32 $0xFFFFC000  }
0xab: {  	[tilespmem:s1], [sflag:$0x2] =	stream.indirect.gather @!p2 [hbm4b:s4+s21], $0x80, s8, s21, $0xb8;
	[tilespmem:$0x18080] =	vst v63  }
.LBB2_8:
0xac: {  	s1 =	smul.u32 $0xD800, s0  }
0xad: {  	[bflag:$0x0] =	sbarrier.arrive $0xFFFF;
	s3 =	stileid.u32;
	s21 =	sshrl.u32 s13, $0x3  }
0xae: {  	s0 =	sadd.s32 $0x1, s0;
	s3 =	sshll.u32 s3, $0x6;
	s8 =	rddreg [dreg:$0x7]  }
0xaf: {  	p1 =	sne.s32 s0, $0x3;
	s1 =	sadd.s32 s8, s1;
	s20 =	sor.u32 $0x1C05, s3  }
0xb0: {  	[hbm:s1], [sflag:s20] =	dma.local [spmem:s21], $0xD80  }
.Ltmp10:
0xb1: {  	_ =	swait.ge [sflag:s19], $0xD80;
	(pc) =	sbr.rel @!p1 .LBB2_9-.Ltmp10, $3  }
0xb2: {  	[sflag:s19] =	ssyncset.done $0x0  }
0xb3: {  	[sflag:s19] =	ssyncadd.s32 $0xFFFFF280  }
0xb4: {  	[bflag:$0x0] =	sbarrier.arrive $0xFFFF;
	_ =	sdelay $0x1  }
.LBB2_4:
0xb5: {  	[spmem:s11] =	stream.linear.scatter [tilespmem:s23], [sflag:$0x5], $0x3800, $0x38;
	[tilespmem:$0x18080] =	vst v63  }
0xb6: {  	_ =	swait.ge [sflag:s19], $0x3800  }
0xb7: {  	[sflag:s19] =	ssyncset.done $0x0  }
0xb8: {  	[sflag:s19] =	ssyncadd.s32 $0xFFFFC800  }
0xb9: {  	[spmem:s12] =	stream.linear.scatter [tilespmem:s23], [sflag:$0x5], $0x3800, $0x38;
	[tilespmem:$0x18080] =	vst v63  }
0xba: {  	_ =	swait.ge [sflag:s19], $0x3800  }
0xbb: {  	v4 =	vmov s0;
	[sflag:s19] =	ssyncset.done $0x0  }
0xbc: {  	vm6 =	veq.s32 v4, v1;
	[sflag:s19] =	ssyncadd.s32 $0xFFFFC800  }
0xbd: {  	v4 =	vnsel vm6, $0x0, v2;
	[bflag:$0x0] =	sbarrier.arrive $0xFFFF  }
0xbe: {  	(xrf0) =	vadd.scan.msk.s32 $0xffff, v4;
	v4 =	vnsel vm6, $0x0, v3  }
0xbf: {  	(xrf0) =	vadd.scan.msk.s32 $0xffff, v4;
	_ =	sdelay $0x4  }
0xc0: {  	v4, _, _ =	vpop (xrf0)  }
0xc1: {  	(v2sf) =	vpush v4, $0xF;
	v4, _, _ =	vpop (xrf0)  }
0xc2: {  	(v2sf) =	vpush v4, $0xF;
	_ =	sdelay $0xd  }
0xc3: {  	s20 =	spop (v2sf)  }
0xc4: {  	s3 =	spop (v2sf);
	p1 =	slt.s32 s20, $0x1  }
0xc5: {  	s1 =	sshll.u32 @!p1 s3, $0x9  }
0xc6: {  	s8 =	simm.s32 @!p1 $0x80;
	s9 =	simm.s32 @!p1 $0x5880;
	s1 =	sshra.s32 @!p1 s1, $0x2  }
0xc7: {  	[tilespmem:s9], [sflag:$0x1] =	stream.indirect.gather @!p1 [hbm4b:s4+s8], $0x80, s1, s8, $0xb8;
	[tilespmem:$0x18080] =	vst v63  }
0xc8: {  	s1 =	sadd.s32 @!p1 $0x80, s1;
	s9 =	simm.s32 @!p1 $0x9880  }
0xc9: {  	[tilespmem:s9], [sflag:$0x2] =	stream.indirect.gather @!p1 [hbm4b:s4+s8], $0x80, s1, s8, $0xb8;
	[tilespmem:$0x18080] =	vst v63  }
0xca: {  	p1 =	sgt.s32 s20, $0x0;
	s1 =	simm.s32 $0x1  }
0xcb: {  	s18 =	sshra.s32 s20, $0x1F;
	s1 =	simm.s32 @!p1 $0x0  }
0xcc: {  	s21 =	sand.u32 $0x1, s20;
	s1 =	sadd.s32 s1, s18  }
0xcd: {  	p2 =	seq.s32 s21, $0x1;
	p6 =	sne.s32 s1, $0x1  }
0xce: {  	s31 =	sshrl.u32 s20, $0x1F;
	p1 =	por !p6, !p2  }
0xcf: {  	s8 =	simm.s32 $0x1;
	s1 =	sadd.s32 s31, s20;
	p1 =	por !p1, !p1  }
0xd0: {  	s1 =	sshra.s32 s1, $0x1;
	s8 =	simm.s32 @!p1 $0x0  }
0xd1: {  	s9 =	ssub.s32 s1, s8  }
0xd2: {  	p1 =	slt.s32 s9, $0x1  }
.Ltmp11:
0xd3: {  	_ = 	snop;
	(pc) =	sbr.rel @p1 .LBB2_8-.Ltmp11, $1  }
0xd4: {  	_ =	sdelay $0x3  }
0xd5: {  	s1 =	sshll.u32 s3, $0x9  }
0xd6: {  	_ =	swait.ge [sflag:s22], $0x4000;
	s1 =	sshra.s32 s1, $0x2  }
0xd7: {  	[sflag:s22] =	ssyncset.done $0x0;
	s31 =	sadd.s32 $0x2C80, s1  }
0xd8: {  	[sflag:s22] =	ssyncadd.s32 $0xFFFFC000;
	s8 =	sadd.s32 $0xFFFFFF80, s31  }
0xd9: {  	[spmem:s2] =	stream.indirect.scatter.add.f32 [tilespmem:s25], [sflag:$0x3], $0x80, s8, s24, $0xb8;
	[tilespmem:$0x18080] =	vst v63  }
0xda: {  	_ =	swait.ge [sflag:s26], $0x4000  }
0xdb: {  	s9 =	sadd.s32 $0xFFFFFFFF, s9;
	p1 =	sle.s32 s20, $0x2;
	[sflag:s26] =	ssyncset.done $0x0  }
0xdc: {  	s10 =	simm.s32 $0x4;
	p2 =	sle.s32 s20, $0x3;
	[sflag:s26] =	ssyncadd.s32 $0xFFFFC000  }
0xdd: {  	[spmem:s2] =	stream.indirect.scatter.add.f32 [tilespmem:s28], [sflag:$0x4], $0x80, s31, s24, $0xb8;
	[tilespmem:$0x18080] =	vst v63  }
0xde: {  	p3 =	sne.s32 s9, $0x0;
	s14 =	simm.s32 @!p1 $0x80;
	_ =	swait.ge [sflag:s29], $0x4000  }
.Ltmp12:
0xdf: {  	s8 =	sadd.s32 $0x180, s1;
	[sflag:s29] =	ssyncset.done $0x0;
	(pc) =	sbr.rel @!p3 .LBB2_7-.Ltmp12, $4  }
0xe0: {  	s18 =	simm.s32 @!p1 $0x5880;
	s1 =	sadd.s32 @!p1 $0xFFFFFF80, s8;
	[sflag:s29] =	ssyncadd.s32 $0xFFFFC000  }
0xe1: {  	[tilespmem:s18], [sflag:$0x1] =	stream.indirect.gather @!p1 [hbm4b:s4+s14], $0x80, s1, s14, $0xb8;
	[tilespmem:$0x18080] =	vst v63  }
0xe2: {  	s21 =	simm.s32 @!p2 $0x80;
	s3 =	smov.u32 s8;
	_ =	swait.ge [sflag:s30], $0x4000  }
0xe3: {  	s18 =	sadd.s32 $0x100, s31;
	s1 =	simm.s32 @!p2 $0x9880;
	[sflag:s30] =	ssyncset.done $0x0  }
.LBB2_6:
0xe4: {  	s9 =	sadd.s32 $0xFFFFFFFF, s9;
	[sflag:s30] =	ssyncadd.s32 $0xFFFFC000;
	s3 =	sadd.s32 $0x100, s3  }
0xe5: {  	[tilespmem:s1], [sflag:$0x2] =	stream.indirect.gather @!p2 [hbm4b:s4+s21], $0x80, s8, s21, $0xb8;
	[tilespmem:$0x18080] =	vst v63  }
0xe6: {  	p1 =	sne.s32 s9, $0x0;
	s8 =	smov.u32 s3;
	_ =	swait.ge [sflag:s22], $0x4000  }
0xe7: {  	[sflag:s22] =	ssyncset.done $0x0  }
0xe8: {  	s1 =	sadd.s32 $0xFFFFFF80, s18;
	[sflag:s22] =	ssyncadd.s32 $0xFFFFC000  }
0xe9: {  	[spmem:s2] =	stream.indirect.scatter.add.f32 [tilespmem:s25], [sflag:$0x3], $0x80, s1, s24, $0xb8;
	[tilespmem:$0x18080] =	vst v63  }
0xea: {  	_ =	swait.ge [sflag:s26], $0x4000  }
0xeb: {  	[sflag:s26] =	ssyncset.done $0x0  }
0xec: {  	[sflag:s26] =	ssyncadd.s32 $0xFFFFC000  }
0xed: {  	[spmem:s2] =	stream.indirect.scatter.add.f32 [tilespmem:s28], [sflag:$0x4], $0x80, s18, s24, $0xb8;
	[tilespmem:$0x18080] =	vst v63  }
0xee: {  	p2 =	sge.s32 s10, s20;
	_ =	swait.ge [sflag:s29], $0x4000  }
0xef: {  	s14 =	simm.s32 @!p2 $0x80;
	[sflag:s29] =	ssyncset.done $0x0  }
.Ltmp13:
0xf0: {  	s1 =	sadd.s32 @!p2 $0xFFFFFF80, s3;
	[sflag:s29] =	ssyncadd.s32 $0xFFFFC000;
	(pc) =	sbr.rel @p1 .LBB2_6-.Ltmp13, $4  }
0xf1: {  	s31 =	sadd.s32 $0x1, s10;
	s10 =	sadd.s32 $0x2, s10;
	s21 =	simm.s32 @!p2 $0x5880  }
0xf2: {  	[tilespmem:s21], [sflag:$0x1] =	stream.indirect.gather @!p2 [hbm4b:s4+s14], $0x80, s1, s14, $0xb8;
	[tilespmem:$0x18080] =	vst v63  }
0xf3: {  	s18 =	sadd.s32 $0x100, s18;
	p2 =	sge.s32 s31, s20;
	_ =	swait.ge [sflag:s30], $0x4000  }
0xf4: {  	s21 =	simm.s32 @!p2 $0x80;
	s1 =	simm.s32 @!p2 $0x9880;
	[sflag:s30] =	ssyncset.done $0x0  }
.Ltmp14:
0xf5: {  	_ = 	snop;
	(pc) =	sbr.rel .LBB2_7-.Ltmp14, $1  }
0xf6: {  	_ =	sdelay $0x3  }
.LBB2_20:
.Ltmp15:
0xf7: {  	(pc) =	sbr.rel .LBB2_21-.Ltmp15, $2  }
0xf8: {  	_ =	sdelay $0x2  }
0xf9: {  	s0 =	simm.s32 $0x0  }
.LBB2_24:
0xfa: {  	[sflag:s30] =	ssyncadd.s32 $0xFFFFC000  }
0xfb: {  	[tilespmem:s14], [sflag:$0x2] =	stream.indirect.gather @!p2 [hbm4b:s7+s1], $0x80, s9, s1, $0xb8;
	[tilespmem:$0x18080] =	vst v63  }
.LBB2_25:
0xfc: {  	s1 =	smul.u32 $0xD800, s0  }
0xfd: {  	s0 =	sadd.s32 $0x1, s0  }
0xfe: {  	[bflag:$0x0] =	sbarrier.arrive $0xFFFF;
	p1 =	sne.s32 s0, $0x3;
	s1 =	sadd.s32 s17, s1  }
0xff: {  	[hbm:s1], [sflag:s20] =	dma.local [spmem:s21], $0xD80  }
.Ltmp16:
0x100: {  	_ =	swait.ge [sflag:s19], $0xD80;
	(pc) =	sbr.rel @!p1 .LBB2_26-.Ltmp16, $3  }
0x101: {  	[sflag:s19] =	ssyncset.done $0x0  }
0x102: {  	[sflag:s19] =	ssyncadd.s32 $0xFFFFF280  }
0x103: {  	[bflag:$0x0] =	sbarrier.arrive $0xFFFF;
	_ =	sdelay $0x1  }
.LBB2_21:
0x104: {  	[spmem:s11] =	stream.linear.scatter [tilespmem:s23], [sflag:$0x5], $0x3800, $0x38;
	[tilespmem:$0x18080] =	vst v63  }
0x105: {  	_ =	swait.ge [sflag:s19], $0x3800  }
0x106: {  	[sflag:s19] =	ssyncset.done $0x0  }
0x107: {  	[sflag:s19] =	ssyncadd.s32 $0xFFFFC800  }
0x108: {  	[spmem:s12] =	stream.linear.scatter [tilespmem:s23], [sflag:$0x5], $0x3800, $0x38;
	[tilespmem:$0x18080] =	vst v63  }
0x109: {  	_ =	swait.ge [sflag:s19], $0x3800  }
0x10a: {  	v4 =	vmov s0;
	[sflag:s19] =	ssyncset.done $0x0  }
0x10b: {  	vm6 =	veq.s32 v4, v1;
	[sflag:s19] =	ssyncadd.s32 $0xFFFFC800  }
0x10c: {  	v4 =	vnsel vm6, $0x0, v2;
	[bflag:$0x0] =	sbarrier.arrive $0xFFFF  }
0x10d: {  	(xrf0) =	vadd.scan.msk.s32 $0xffff, v4;
	v4 =	vnsel vm6, $0x0, v3  }
0x10e: {  	(xrf0) =	vadd.scan.msk.s32 $0xffff, v4;
	_ =	sdelay $0x4  }
0x10f: {  	v4, _, _ =	vpop (xrf0)  }
0x110: {  	(v2sf) =	vpush v4, $0xF;
	v4, _, _ =	vpop (xrf0)  }
0x111: {  	(v2sf) =	vpush v4, $0xF;
	_ =	sdelay $0xd  }
0x112: {  	s8 =	spop (v2sf)  }
0x113: {  	s3 =	spop (v2sf);
	p1 =	slt.s32 s8, $0x1  }
0x114: {  	s1 =	sshll.u32 @!p1 s3, $0x9  }
0x115: {  	s9 =	simm.s32 @!p1 $0x80;
	s10 =	simm.s32 @!p1 $0x5880;
	s1 =	sshra.s32 @!p1 s1, $0x2  }
0x116: {  	[tilespmem:s10], [sflag:$0x1] =	stream.indirect.gather @!p1 [hbm4b:s7+s9], $0x80, s1, s9, $0xb8;
	[tilespmem:$0x18080] =	vst v63  }
0x117: {  	s1 =	sadd.s32 @!p1 $0x80, s1;
	s10 =	simm.s32 @!p1 $0x9880  }
0x118: {  	[tilespmem:s10], [sflag:$0x2] =	stream.indirect.gather @!p1 [hbm4b:s7+s9], $0x80, s1, s9, $0xb8;
	[tilespmem:$0x18080] =	vst v63  }
0x119: {  	p1 =	sgt.s32 s8, $0x0;
	s1 =	simm.s32 $0x1  }
0x11a: {  	s16 =	sshra.s32 s8, $0x1F;
	s1 =	simm.s32 @!p1 $0x0  }
0x11b: {  	s18 =	sand.u32 $0x1, s8;
	s1 =	sadd.s32 s1, s16  }
0x11c: {  	p2 =	seq.s32 s18, $0x1;
	p6 =	sne.s32 s1, $0x1  }
0x11d: {  	s31 =	sshrl.u32 s8, $0x1F;
	p1 =	por !p6, !p2  }
0x11e: {  	s9 =	simm.s32 $0x1;
	s1 =	sadd.s32 s31, s8;
	p1 =	por !p1, !p1  }
0x11f: {  	s1 =	sshra.s32 s1, $0x1;
	s9 =	simm.s32 @!p1 $0x0  }
0x120: {  	s10 =	ssub.s32 s1, s9  }
0x121: {  	p1 =	slt.s32 s10, $0x1  }
.Ltmp17:
0x122: {  	_ = 	snop;
	(pc) =	sbr.rel @p1 .LBB2_25-.Ltmp17, $1  }
0x123: {  	_ =	sdelay $0x3  }
0x124: {  	s1 =	sshll.u32 s3, $0x9  }
0x125: {  	_ =	swait.ge [sflag:s22], $0x4000;
	s1 =	sshra.s32 s1, $0x2  }
0x126: {  	[sflag:s22] =	ssyncset.done $0x0;
	s16 =	sadd.s32 $0x2C80, s1  }
0x127: {  	[sflag:s22] =	ssyncadd.s32 $0xFFFFC000;
	s9 =	sadd.s32 $0xFFFFFF80, s16  }
0x128: {  	[spmem:s2] =	stream.indirect.scatter.add.f32 [tilespmem:s25], [sflag:$0x3], $0x80, s9, s24, $0xb8;
	[tilespmem:$0x18080] =	vst v63  }
0x129: {  	_ =	swait.ge [sflag:s26], $0x4000  }
0x12a: {  	s10 =	sadd.s32 $0xFFFFFFFF, s10;
	p1 =	sle.s32 s8, $0x2;
	[sflag:s26] =	ssyncset.done $0x0  }
0x12b: {  	s18 =	simm.s32 $0x4;
	p2 =	sle.s32 s8, $0x3;
	[sflag:s26] =	ssyncadd.s32 $0xFFFFC000  }
0x12c: {  	[spmem:s2] =	stream.indirect.scatter.add.f32 [tilespmem:s28], [sflag:$0x4], $0x80, s16, s24, $0xb8;
	[tilespmem:$0x18080] =	vst v63  }
0x12d: {  	p3 =	sne.s32 s10, $0x0;
	s14 =	simm.s32 @!p1 $0x80;
	_ =	swait.ge [sflag:s29], $0x4000  }
.Ltmp18:
0x12e: {  	s9 =	sadd.s32 $0x180, s1;
	[sflag:s29] =	ssyncset.done $0x0;
	(pc) =	sbr.rel @!p3 .LBB2_24-.Ltmp18, $4  }
0x12f: {  	s15 =	simm.s32 @!p1 $0x5880;
	s1 =	sadd.s32 @!p1 $0xFFFFFF80, s9;
	[sflag:s29] =	ssyncadd.s32 $0xFFFFC000  }
0x130: {  	[tilespmem:s15], [sflag:$0x1] =	stream.indirect.gather @!p1 [hbm4b:s7+s14], $0x80, s1, s14, $0xb8;
	[tilespmem:$0x18080] =	vst v63  }
0x131: {  	s3 =	sadd.s32 $0x100, s16;
	s31 =	smov.u32 s9;
	_ =	swait.ge [sflag:s30], $0x4000  }
0x132: {  	s1 =	simm.s32 @!p2 $0x80;
	s14 =	simm.s32 @!p2 $0x9880;
	[sflag:s30] =	ssyncset.done $0x0  }
.LBB2_23:
0x133: {  	s10 =	sadd.s32 $0xFFFFFFFF, s10;
	[sflag:s30] =	ssyncadd.s32 $0xFFFFC000;
	s31 =	sadd.s32 $0x100, s31  }
0x134: {  	[tilespmem:s14], [sflag:$0x2] =	stream.indirect.gather @!p2 [hbm4b:s7+s1], $0x80, s9, s1, $0xb8;
	[tilespmem:$0x18080] =	vst v63  }
0x135: {  	p1 =	sne.s32 s10, $0x0;
	s9 =	smov.u32 s31;
	_ =	swait.ge [sflag:s22], $0x4000  }
0x136: {  	[sflag:s22] =	ssyncset.done $0x0  }
0x137: {  	s1 =	sadd.s32 $0xFFFFFF80, s3;
	[sflag:s22] =	ssyncadd.s32 $0xFFFFC000  }
0x138: {  	[spmem:s2] =	stream.indirect.scatter.add.f32 [tilespmem:s25], [sflag:$0x3], $0x80, s1, s24, $0xb8;
	[tilespmem:$0x18080] =	vst v63  }
0x139: {  	_ =	swait.ge [sflag:s26], $0x4000  }
0x13a: {  	[sflag:s26] =	ssyncset.done $0x0  }
0x13b: {  	[sflag:s26] =	ssyncadd.s32 $0xFFFFC000  }
0x13c: {  	[spmem:s2] =	stream.indirect.scatter.add.f32 [tilespmem:s28], [sflag:$0x4], $0x80, s3, s24, $0xb8;
	[tilespmem:$0x18080] =	vst v63  }
0x13d: {  	p2 =	sge.s32 s18, s8;
	_ =	swait.ge [sflag:s29], $0x4000  }
0x13e: {  	s14 =	simm.s32 @!p2 $0x80;
	[sflag:s29] =	ssyncset.done $0x0  }
.Ltmp19:
0x13f: {  	s1 =	sadd.s32 @!p2 $0xFFFFFF80, s31;
	[sflag:s29] =	ssyncadd.s32 $0xFFFFC000;
	(pc) =	sbr.rel @p1 .LBB2_23-.Ltmp19, $4  }
0x140: {  	s16 =	sadd.s32 $0x1, s18;
	s18 =	sadd.s32 $0x2, s18;
	s15 =	simm.s32 @!p2 $0x5880  }
0x141: {  	[tilespmem:s15], [sflag:$0x1] =	stream.indirect.gather @!p2 [hbm4b:s7+s14], $0x80, s1, s14, $0xb8;
	[tilespmem:$0x18080] =	vst v63  }
0x142: {  	s3 =	sadd.s32 $0x100, s3;
	p2 =	sge.s32 s16, s8;
	_ =	swait.ge [sflag:s30], $0x4000  }
0x143: {  	s1 =	simm.s32 @!p2 $0x80;
	s14 =	simm.s32 @!p2 $0x9880;
	[sflag:s30] =	ssyncset.done $0x0  }
.Ltmp20:
0x144: {  	_ = 	snop;
	(pc) =	sbr.rel .LBB2_24-.Ltmp20, $1  }
0x145: {  	_ =	sdelay $0x3  }
.LBB2_9:
.Ltmp21:
0x146: {  	(pc) =	sbr.rel .LBB2_10-.Ltmp21, $2  }
0x147: {  	_ =	sdelay $0x2  }
0x148: {  	s0 =	simm.s32 $0x0  }
.LBB2_13:
0x149: {  	[sflag:s30] =	ssyncadd.s32 $0xFFFFC000  }
0x14a: {  	[tilespmem:s14], [sflag:$0x2] =	stream.indirect.gather @!p2 [hbm4b:s6+s1], $0x80, s31, s1, $0xb8;
	[tilespmem:$0x18080] =	vst v63  }
.LBB2_14:
0x14b: {  	s1 =	smul.u32 $0xD800, s0;
	[bflag:$0x0] =	sbarrier.arrive $0xFFFF  }
0x14c: {  	s0 =	sadd.s32 $0x1, s0;
	s3 =	rddreg [dreg:$0x8]  }
0x14d: {  	p1 =	seq.s32 s0, $0x3;
	s1 =	sadd.s32 s3, s1  }
0x14e: {  	[hbm:s1], [sflag:s20] =	dma.local [spmem:s21], $0xD80  }
.Ltmp22:
0x14f: {  	_ =	swait.ge [sflag:s19], $0xD80;
	(pc) =	sbr.rel @p1 .LBB2_26-.Ltmp22, $3  }
0x150: {  	[sflag:s19] =	ssyncset.done $0x0  }
0x151: {  	[sflag:s19] =	ssyncadd.s32 $0xFFFFF280  }
0x152: {  	[bflag:$0x0] =	sbarrier.arrive $0xFFFF;
	_ =	sdelay $0x1  }
.LBB2_10:
0x153: {  	[spmem:s11] =	stream.linear.scatter [tilespmem:s23], [sflag:$0x5], $0x3800, $0x38;
	[tilespmem:$0x18080] =	vst v63  }
0x154: {  	_ =	swait.ge [sflag:s19], $0x3800  }
0x155: {  	[sflag:s19] =	ssyncset.done $0x0  }
0x156: {  	[sflag:s19] =	ssyncadd.s32 $0xFFFFC800  }
0x157: {  	[spmem:s12] =	stream.linear.scatter [tilespmem:s23], [sflag:$0x5], $0x3800, $0x38;
	[tilespmem:$0x18080] =	vst v63  }
0x158: {  	_ =	swait.ge [sflag:s19], $0x3800  }
0x159: {  	v4 =	vmov s0;
	[sflag:s19] =	ssyncset.done $0x0  }
0x15a: {  	vm6 =	veq.s32 v4, v1;
	[sflag:s19] =	ssyncadd.s32 $0xFFFFC800  }
0x15b: {  	v4 =	vnsel vm6, $0x0, v2;
	[bflag:$0x0] =	sbarrier.arrive $0xFFFF  }
0x15c: {  	(xrf0) =	vadd.scan.msk.s32 $0xffff, v4;
	v4 =	vnsel vm6, $0x0, v3  }
0x15d: {  	(xrf0) =	vadd.scan.msk.s32 $0xffff, v4;
	_ =	sdelay $0x4  }
0x15e: {  	v4, _, _ =	vpop (xrf0)  }
0x15f: {  	(v2sf) =	vpush v4, $0xF;
	v4, _, _ =	vpop (xrf0)  }
0x160: {  	(v2sf) =	vpush v4, $0xF;
	_ =	sdelay $0xd  }
0x161: {  	s8 =	spop (v2sf)  }
0x162: {  	s3 =	spop (v2sf);
	p1 =	slt.s32 s8, $0x1  }
0x163: {  	s1 =	sshll.u32 @!p1 s3, $0x9  }
0x164: {  	s9 =	simm.s32 @!p1 $0x80;
	s10 =	simm.s32 @!p1 $0x5880;
	s1 =	sshra.s32 @!p1 s1, $0x2  }
0x165: {  	[tilespmem:s10], [sflag:$0x1] =	stream.indirect.gather @!p1 [hbm4b:s6+s9], $0x80, s1, s9, $0xb8;
	[tilespmem:$0x18080] =	vst v63  }
0x166: {  	s1 =	sadd.s32 @!p1 $0x80, s1;
	s10 =	simm.s32 @!p1 $0x9880  }
0x167: {  	[tilespmem:s10], [sflag:$0x2] =	stream.indirect.gather @!p1 [hbm4b:s6+s9], $0x80, s1, s9, $0xb8;
	[tilespmem:$0x18080] =	vst v63  }
0x168: {  	p1 =	sgt.s32 s8, $0x0;
	s1 =	simm.s32 $0x1  }
0x169: {  	s16 =	sshra.s32 s8, $0x1F;
	s1 =	simm.s32 @!p1 $0x0  }
0x16a: {  	s18 =	sand.u32 $0x1, s8;
	s1 =	sadd.s32 s1, s16  }
0x16b: {  	p2 =	seq.s32 s18, $0x1;
	p6 =	sne.s32 s1, $0x1  }
0x16c: {  	s31 =	sshrl.u32 s8, $0x1F;
	p1 =	por !p6, !p2  }
0x16d: {  	s9 =	simm.s32 $0x1;
	s1 =	sadd.s32 s31, s8;
	p1 =	por !p1, !p1  }
0x16e: {  	s1 =	sshra.s32 s1, $0x1;
	s9 =	simm.s32 @!p1 $0x0  }
0x16f: {  	s9 =	ssub.s32 s1, s9  }
0x170: {  	p1 =	slt.s32 s9, $0x1  }
.Ltmp23:
0x171: {  	_ = 	snop;
	(pc) =	sbr.rel @p1 .LBB2_14-.Ltmp23, $1  }
0x172: {  	_ =	sdelay $0x3  }
0x173: {  	s1 =	sshll.u32 s3, $0x9  }
0x174: {  	_ =	swait.ge [sflag:s22], $0x4000;
	s1 =	sshra.s32 s1, $0x2  }
0x175: {  	[sflag:s22] =	ssyncset.done $0x0;
	s16 =	sadd.s32 $0x2C80, s1  }
0x176: {  	[sflag:s22] =	ssyncadd.s32 $0xFFFFC000;
	s10 =	sadd.s32 $0xFFFFFF80, s16  }
0x177: {  	[spmem:s2] =	stream.indirect.scatter.add.f32 [tilespmem:s25], [sflag:$0x3], $0x80, s10, s24, $0xb8;
	[tilespmem:$0x18080] =	vst v63  }
0x178: {  	_ =	swait.ge [sflag:s26], $0x4000  }
0x179: {  	p1 =	sle.s32 s8, $0x2;
	s18 =	simm.s32 $0x4;
	[sflag:s26] =	ssyncset.done $0x0  }
0x17a: {  	p2 =	sle.s32 s8, $0x3;
	s10 =	sadd.s32 $0xFFFFFFFF, s9;
	[sflag:s26] =	ssyncadd.s32 $0xFFFFC000  }
0x17b: {  	[spmem:s2] =	stream.indirect.scatter.add.f32 [tilespmem:s28], [sflag:$0x4], $0x80, s16, s24, $0xb8;
	[tilespmem:$0x18080] =	vst v63  }
0x17c: {  	s14 =	simm.s32 @!p1 $0x5880;
	p3 =	sne.s32 s10, $0x0;
	_ =	swait.ge [sflag:s29], $0x4000  }
.Ltmp24:
0x17d: {  	s31 =	sadd.s32 $0x180, s1;
	[sflag:s29] =	ssyncset.done $0x0;
	(pc) =	sbr.rel @!p3 .LBB2_13-.Ltmp24, $4  }
0x17e: {  	s1 =	sadd.s32 @!p1 $0xFFFFFF80, s31;
	s9 =	simm.s32 @!p1 $0x80;
	[sflag:s29] =	ssyncadd.s32 $0xFFFFC000  }
0x17f: {  	[tilespmem:s14], [sflag:$0x1] =	stream.indirect.gather @!p1 [hbm4b:s6+s9], $0x80, s1, s9, $0xb8;
	[tilespmem:$0x18080] =	vst v63  }
0x180: {  	s3 =	sadd.s32 $0x100, s16;
	s1 =	simm.s32 @!p2 $0x80;
	_ =	swait.ge [sflag:s30], $0x4000  }
0x181: {  	s14 =	simm.s32 @!p2 $0x9880;
	s9 =	smov.u32 s31;
	[sflag:s30] =	ssyncset.done $0x0  }
.LBB2_12:
0x182: {  	s10 =	sadd.s32 $0xFFFFFFFF, s10;
	[sflag:s30] =	ssyncadd.s32 $0xFFFFC000;
	s9 =	sadd.s32 $0x100, s9  }
0x183: {  	[tilespmem:s14], [sflag:$0x2] =	stream.indirect.gather @!p2 [hbm4b:s6+s1], $0x80, s31, s1, $0xb8;
	[tilespmem:$0x18080] =	vst v63  }
0x184: {  	p1 =	sne.s32 s10, $0x0;
	s31 =	smov.u32 s9;
	_ =	swait.ge [sflag:s22], $0x4000  }
0x185: {  	[sflag:s22] =	ssyncset.done $0x0  }
0x186: {  	s1 =	sadd.s32 $0xFFFFFF80, s3;
	[sflag:s22] =	ssyncadd.s32 $0xFFFFC000  }
0x187: {  	[spmem:s2] =	stream.indirect.scatter.add.f32 [tilespmem:s25], [sflag:$0x3], $0x80, s1, s24, $0xb8;
	[tilespmem:$0x18080] =	vst v63  }
0x188: {  	_ =	swait.ge [sflag:s26], $0x4000  }
0x189: {  	[sflag:s26] =	ssyncset.done $0x0  }
0x18a: {  	[sflag:s26] =	ssyncadd.s32 $0xFFFFC000  }
0x18b: {  	[spmem:s2] =	stream.indirect.scatter.add.f32 [tilespmem:s28], [sflag:$0x4], $0x80, s3, s24, $0xb8;
	[tilespmem:$0x18080] =	vst v63  }
0x18c: {  	p2 =	sge.s32 s18, s8;
	_ =	swait.ge [sflag:s29], $0x4000  }
0x18d: {  	s14 =	simm.s32 @!p2 $0x80;
	[sflag:s29] =	ssyncset.done $0x0  }
.Ltmp25:
0x18e: {  	s1 =	sadd.s32 @!p2 $0xFFFFFF80, s9;
	[sflag:s29] =	ssyncadd.s32 $0xFFFFC000;
	(pc) =	sbr.rel @p1 .LBB2_12-.Ltmp25, $4  }
0x18f: {  	s16 =	sadd.s32 $0x1, s18;
	s18 =	sadd.s32 $0x2, s18;
	s15 =	simm.s32 @!p2 $0x5880  }
0x190: {  	[tilespmem:s15], [sflag:$0x1] =	stream.indirect.gather @!p2 [hbm4b:s6+s14], $0x80, s1, s14, $0xb8;
	[tilespmem:$0x18080] =	vst v63  }
0x191: {  	s3 =	sadd.s32 $0x100, s3;
	p2 =	sge.s32 s16, s8;
	_ =	swait.ge [sflag:s30], $0x4000  }
0x192: {  	s1 =	simm.s32 @!p2 $0x80;
	s14 =	simm.s32 @!p2 $0x9880;
	[sflag:s30] =	ssyncset.done $0x0  }
.Ltmp26:
0x193: {  	_ = 	snop;
	(pc) =	sbr.rel .LBB2_13-.Ltmp26, $1  }
0x194: {  	_ =	sdelay $0x3  }
.LBB2_27:
0x195: {  	_ =	sfence.sel $0x180000  }
0x196: {  	[bflag:$0x0] =	sbarrier.arrive $0xFFFF  }
0x197: {  	_ =	strace $0x9000004D  }
0x198: {  	s0 =	stileid.u32;
	[bflag:$0x2] =	sbarrier.arrive $0xFFFF  }
0x199: {  	p0 =	sne.s32 s0, $0x0;
	s0 =	rddreg [dreg:$0x3]  }
0x19a: {  	s0 =	sadd.s32 @!p0 $0x100000, s0  }
0x19b: {  	[sflag:s0] =	ssyncadd.tile.s32 @!p0 $0x1;
	_ =	shalt  }
.Lfunc_end2:
_tile_overlayer_lowered:
.L_overlay_start_2:
0x19c: {  	(tag) =	ssettag $0x2  }
0x19d: {  	s0 =	rddreg [dreg:$0x0];
	s2 =	stileid.u32  }
0x19e: {  	s1 =	rddreg [dreg:$0x1];
	p0 =	sne.s32 s2, $0x0  }
0x19f: {  	s3 =	rddreg [dreg:$0x2];
	[bflag:$0x3] =	sbarrier.arrive $0xFFFF;
	s2 =	simm.s32 @!p0 $0x1C05  }
0x1a0: {  	[timem:s3], [sflag:s2] =	dma.local @!p0 [hbm:s0], s1  }
0x1a1: {  	s0 =	simm.s32 @!p0 $0x5  }
0x1a2: {  	_ =	swait.ge @!p0 [sflag:s0], s1  }
0x1a3: {  	s1 =	ssub.s32 @!p0 $0x0, s1;
	[sflag:s0] =	ssyncset.done @!p0 $0x0  }
0x1a4: {  	[sflag:s0] =	ssyncadd.s32 @!p0 s1  }
0x1a5: {  	[bflag:$0x3] =	sbarrier.arrive $0xFFFF  }
0x1a6: {  	_ =	shalt  }

// kernel: kernel.8.cloned.1.call-start
scs
__scs_entry_jumppad:
0x0: {  	(pc) =	sbr.rel $0x88, $3  }
0x1: {  	(tag) =	ssettag $0x0;
	lr =	simm.s32 $0x1  }
0x2: {  	[smem:$0x3F99] =	sst lr;
	_ =	strace $0xD0000000  }
0x3: {  	_ = 	snop  }
0x4: {  	_ = 	snop  }
0x5: {  	_ = 	snop  }
0x6: {  	_ = 	snop  }
0x7: {  	_ = 	snop  }
__scs_overlays_trampoline_lowered:
0x8: {  	[smem:$0x3FA8] =	sst s0  }
0x9: {  	[smem:$0x3FA9] =	sst s1  }
0xa: {  	[smem:$0x3FAA] =	sst s2  }
0xb: {  	[smem:$0x3FAB] =	sst s3  }
0xc: {  	[smem:$0x3FAC] =	sst s4  }
0xd: {  	[smem:$0x3FAD] =	sst s5  }
0xe: {  	[smem:$0x3FAE] =	sst s6  }
0xf: {  	[smem:$0x3FAF] =	sst s7  }
0x10: {  	[smem:$0x3FB0] =	sst s8  }
0x11: {  	[smem:$0x3FB1] =	sst s9;
	s0 =	simm.s32 @!p0 $0x0  }
0x12: {  	s1 =	sld [smem:$0x3F97];
	s0 =	simm.s32 @p0 $0x1  }
0x13: {  	[smem:$0x3FB2] =	sst s0;
	s0 =	simm.s32 @!p1 $0x0  }
0x14: {  	s2 =	sld [smem:$0x3F96];
	s0 =	simm.s32 @p1 $0x1  }
0x15: {  	[smem:$0x3FB3] =	sst s0;
	s0 =	simm.s32 @!p2 $0x0  }
0x16: {  	s3 =	sld [smem:$0x3FDB];
	s0 =	simm.s32 @p2 $0x1  }
0x17: {  	s4 =	simm.s32 $0x1BF5;
	[smem:$0x3FB5] =	sst s0  }
0x18: {  	s0 =	sld [smem:$0x3F98];
	_ =	swait.ge [sflag:s4], $0x0  }
0x19: {  	s7 =	sld [smem:$0x3F99]  }
0x1a: {  	s8 =	sadd.s32 $0xFFFFE003, lr  }
0x1b: {  	s9 =	sadd.s32 $0xFFFFFEF7, lr;
	s5 =	simm.s32 $0xFFFFFFFF;
	p2 =	slt.u32 s8, $0xFFFFF086  }
0x1c: {  	p1 =	slt.u32 s9, $0xF7A;
	s5 =	simm.s32 @!p2 $0x0  }
0x1d: {  	s5 =	simm.s32 @p1 $0x1;
	p0 =	seq.s32 s7, s2  }
0x1e: {  	s7 =	smul.u32 @!p0 $0xF7A, s2;
	p2 =	seq.s32 @!p0 s5, $0x0  }
0x1f: {  	s9 =	smul.u32 $0xF7A, s1;
	s8 =	simm.s32 @!p0 $0x1BF5;
	p2 =	por !p2, p0  }
0x20: {  	[sflag:s8] =	ssyncset.s32 @!p0 $0xFFFFF086;
	s6 =	sadd.s32 @!p0 s3, s7;
	s7 =	simm.s32 @!p0 $0x108  }
0x21: {  	s3 =	sadd.s32 s3, s9;
	s6 =	sadd.s32 @!p0 $0x88, s6;
	s7 =	simm.s32 @p2 $0x1082  }
0x22: {  	[simem:s7], [sflag:s8] =	dma.local @!p0 [hbm:s6], $0xF7A  }
0x23: {  	s9 =	sor.u32 $0xD0000000, s2;
	s6 =	simm.s32 $0x108;
	_ =	swait.ge @!p0 [sflag:s8], $0x0  }
0x24: {  	s3 =	sadd.s32 $0x88, s3;
	s6 =	simm.s32 @!p1 $0x1082;
	[sflag:s4] =	ssyncset.s32 $0xFFFFF086  }
0x25: {  	[simem:s6], [sflag:s4] =	dma.local [hbm:s3], $0xF7A  }
0x26: {  	[smem:$0x3F99] =	sst s1;
	(tag) =	ssettag s2;
	_ =	strace s9  }
0x27: {  	s1 =	sld [smem:$0x3FA9]  }
0x28: {  	s2 =	sld [smem:$0x3FAA]  }
0x29: {  	s4 =	sld [smem:$0x3FAC]  }
0x2a: {  	p0 =	seq.s32 s5, $0x0;
	s5 =	sld [smem:$0x3FAD]  }
0x2b: {  	s6 =	sld [smem:$0x3FAE]  }
0x2c: {  	s7 =	sld [smem:$0x3FAF]  }
0x2d: {  	s3 =	simm.s32 $0x108;
	s8 =	sld [smem:$0x3FB0]  }
0x2e: {  	s3 =	simm.s32 @!p0 $0x1082;
	s9 =	sld [smem:$0x3FB1]  }
0x2f: {  	lr =	sadd.s32 s0, s3;
	s0 =	sld [smem:$0x3FA8]  }
0x30: {  	s3 =	sld [smem:$0x3FAB]  }
0x31: {  	[smem:$0x3FB4] =	sst s10  }
0x32: {  	s10 =	sld [smem:$0x3FB2];
	_ =	sdelay $0x3  }
0x33: {  	p0 =	seq.s32 s10, $0x1;
	s10 =	sld [smem:$0x3FB4];
	_ =	sdelay $0x3  }
0x34: {  	[smem:$0x3FB4] =	sst s10  }
0x35: {  	s10 =	sld [smem:$0x3FB3];
	_ =	sdelay $0x3  }
0x36: {  	p1 =	seq.s32 s10, $0x1;
	s10 =	sld [smem:$0x3FB4];
	_ =	sdelay $0x3  }
0x37: {  	[smem:$0x3FB4] =	sst s10  }
0x38: {  	s10 =	sld [smem:$0x3FB5]  }
0x39: {  	_ = 	snop;
	(pc) =	sbr.ind lr, $3  }
0x3a: {  	_ = 	snop  }
0x3b: {  	_ = 	snop  }
0x3c: {  	p2 =	seq.s32 s10, $0x1;
	s10 =	sld [smem:$0x3FB4]  }
0x3d: {  	_ =	shalt  }
0x3e: {  	_ =	shalt  }
0x3f: {  	_ =	shalt  }
0x40: {  	_ =	shalt  }
0x41: {  	_ =	shalt  }
0x42: {  	_ =	shalt  }
0x43: {  	_ =	shalt  }
0x44: {  	_ =	shalt  }
0x45: {  	_ =	shalt  }
0x46: {  	_ =	shalt  }
0x47: {  	_ =	shalt  }
0x48: {  	_ =	shalt  }
0x49: {  	_ =	shalt  }
0x4a: {  	_ =	shalt  }
0x4b: {  	_ =	shalt  }
0x4c: {  	_ =	shalt  }
0x4d: {  	_ =	shalt  }
0x4e: {  	_ =	shalt  }
0x4f: {  	_ =	shalt  }
0x50: {  	_ =	shalt  }
0x51: {  	_ =	shalt  }
0x52: {  	_ =	shalt  }
0x53: {  	_ =	shalt  }
0x54: {  	_ =	shalt  }
0x55: {  	_ =	shalt  }
0x56: {  	_ =	shalt  }
0x57: {  	_ =	shalt  }
0x58: {  	_ =	shalt  }
0x59: {  	_ =	shalt  }
0x5a: {  	_ =	shalt  }
0x5b: {  	_ =	shalt  }
0x5c: {  	_ =	shalt  }
0x5d: {  	_ =	shalt  }
0x5e: {  	_ =	shalt  }
0x5f: {  	_ =	shalt  }
0x60: {  	_ =	shalt  }
0x61: {  	_ =	shalt  }
0x62: {  	_ =	shalt  }
0x63: {  	_ =	shalt  }
0x64: {  	_ =	shalt  }
0x65: {  	_ =	shalt  }
0x66: {  	_ =	shalt  }
0x67: {  	_ =	shalt  }
0x68: {  	_ =	shalt  }
0x69: {  	_ =	shalt  }
0x6a: {  	_ =	shalt  }
0x6b: {  	_ =	shalt  }
0x6c: {  	_ =	shalt  }
0x6d: {  	_ =	shalt  }
0x6e: {  	_ =	shalt  }
0x6f: {  	_ =	shalt  }
0x70: {  	_ =	shalt  }
0x71: {  	_ =	shalt  }
0x72: {  	_ =	shalt  }
0x73: {  	_ =	shalt  }
0x74: {  	_ =	shalt  }
0x75: {  	_ =	shalt  }
0x76: {  	_ =	shalt  }
0x77: {  	_ =	shalt  }
0x78: {  	_ =	shalt  }
0x79: {  	_ =	shalt  }
0x7a: {  	_ =	shalt  }
0x7b: {  	_ =	shalt  }
0x7c: {  	_ =	shalt  }
0x7d: {  	_ =	shalt  }
0x7e: {  	_ =	shalt  }
0x7f: {  	_ =	shalt  }
0x80: {  	_ =	shalt  }
0x81: {  	_ =	shalt  }
0x82: {  	_ =	shalt  }
0x83: {  	_ =	shalt  }
0x84: {  	_ =	shalt  }
0x85: {  	_ =	shalt  }
0x86: {  	_ =	shalt  }
0x87: {  	_ =	shalt  }
.Lfunc_end0:
.L_simem_size_0:
called_computation_lowered:
.L_overlay_start_0:
0x88: {  	s2 =	sld [smem:$0x3FD9]  }
0x89: {  	s3 =	sld [smem:$0x3FFE];
	_ =	sdelay $0x1  }
0x8a: {  	s1 =	srdreg.scid  }
0x8b: {  	s0 =	sand.u32 $0x1, s1  }
0x8c: {  	s17 =	sshll.u32 s0, $0xA;
	s2 =	sadd.s32 s3, s2  }
0x8d: {  	s2 =	sadd.s32 s2, s17  }
0x8e: {  	[smem:$0x3FC0] =	sst s2  }
0x8f: {  	_ = 	snop  }
0x90: {  	s2 =	sld [smem:$0x3FD0];
	(tm) =	ssettm $0x1  }
0x91: {  	s18 =	sld [smem:$0x3FFB];
	_ =	sdelay $0x3  }
0x92: {  	_ =	strace s18  }
0x93: {  	s3 =	sld [smem:$0x3FFC];
	_ =	sdelay $0x3  }
0x94: {  	_ =	strace s3  }
0x95: {  	s3 =	sld [smem:$0x3FFD];
	_ =	sdelay $0x3  }
0x96: {  	_ =	strace s3  }
0x97: {  	_ =	strace $0x8FFFFFFF  }
0x98: {  	s19 =	sld [smem:$0x3FDB];
	_ =	sdelay $0x1  }
0x99: {  	s4 =	simm.s32 $_scs_section_size  }
0x9a: {  	s5 =	simm.s32 $_size__tile_overlayer_lowered;
	s6 =	simm.s32 $_tile_overlayer_lowered  }
0x9b: {  	s22 =	simm.s32 $0x1BFF;
	s21 =	sshll.u32 s6, $0x1;
	s3 =	sadd.s32 s4, s19  }
0x9c: {  	s7 =	simm.s32 $0x0;
	s20 =	sshll.u32 s5, $0x1;
	s5 =	sadd.s32 s21, s3  }
0x9d: {  	[timem:s7], [sflag:s22] =	dma.local [hbm:s5], s20  }
0x9e: {  	_ =	swait.ge [sflag:s22], s20  }
0x9f: {  	s4 =	ssub.s32 $0x0, s20;
	[sflag:s22] =	ssyncset.done $0x0  }
0xa0: {  	[sflag:s22] =	ssyncadd.s32 s4;
	_ =	sdelay $0x1  }
0xa1: {  	s23 =	simm.s32 $0x1B8B  }
0xa2: {  	_ =	swait.ge [sflag:s23], $0x1  }
0xa3: {  	[sflag:s23] =	ssyncset.done $0x0  }
0xa4: {  	s25 =	simm.s32 $0x1B8E;
	s24 =	sld [smem:$0x3FFE];
	[sflag:s23] =	ssyncadd.s32 $0xFFFFFFFF  }
0xa5: {  	s26 =	simm.s32 $execute0_lowered;
	[smem:$0x3FD2] =	sst s25  }
0xa6: {  	s5 =	sshll.u32 s26, $0x1;
	_ =	strace $0x80000046;
	[dreg:$0x1] =	wrdreg $0xFFFFFFFF  }
0xa7: {  	s28 =	simm.s32 $_size_execute0_lowered;
	s3 =	sadd.s32 s3, s5;
	[dreg:$0x0] =	wrdreg $0x0  }
0xa8: {  	s5 =	sshll.u32 s28, $0x1;
	[dreg:$0x2] =	wrdreg s3  }
0xa9: {  	[dreg:$0x3] =	wrdreg s5  }
0xaa: {  	[dreg:$0x4] =	wrdreg $0xC0  }
0xab: {  	_ =	task [dreg:s7], $0x5FFFF  }
0xac: {  	[dreg:$0x1] =	wrdreg $0xFFFFFFFF  }
0xad: {  	[dreg:$0x0] =	wrdreg $0x60  }
0xae: {  	[dreg:$0x2] =	wrdreg s24  }
0xaf: {  	[dreg:$0x3] =	wrdreg s2  }
0xb0: {  	[dreg:$0x4] =	wrdreg $0x158800  }
0xb1: {  	[dreg:$0x5] =	wrdreg $0x9  }
0xb2: {  	_ =	task.clear_ibuf [dreg:s7], $0x6FFFF;
	_ =	strace $0x90000046  }
0xb3: {  	s29 =	simm.s32 $0x9;
	_ =	strace $0x80000048  }
0xb4: {  	_ =	swait.ge [sflag:s29], $0x1  }
0xb5: {  	[sflag:s29] =	ssyncadd.s32 $0xFFFFFFFF  }
0xb6: {  	_ =	strace $0x90000048  }
0xb7: {  	_ =	sfence  }
0xb8: {  	s30 =	sld [smem:$0x0];
	_ =	sdelay $0x2  }
0xb9: {  	s31 =	sshll.u32 s1, $0xD;
	s1 =	sshrl.u32 s1, $0x2  }
0xba: {  	s3 =	sand.u32 $0x4000, s31;
	s1 =	sadd.s32 s1, s30  }
0xbb: {  	s0 =	sor.u32 s3, s0;
	s1 =	sshll.u32 s1, $0x11  }
0xbc: {  	s0 =	sor.u32 s1, s0  }
0xbd: {  	s0 =	sadd.s32 $0x8F2B, s0  }
0xbe: {  	[sflag:s0] =	ssyncadd.remote.s32 $0x1  }
0xbf: {  	_ =	sfence.sel $0xFFFF  }
0xc0: {  	[dreg:$0x0] =	wrdreg $0xFFFFFFFF;
	(pc) =	sbr.abs _section_cstart, $3  }
0xc1: {  	[dreg:$0x1] =	wrdreg $0xFFFFFFFF  }
0xc2: {  	_ =	task.clear_ibuf [dreg:s7], $0x2FFFF;
	_ =	strace $0x9FFFFFFF  }
0xc3: {  	(tm) =	ssettm $0x7FFFFFFF  }
tec
execute0_lowered:
.L_overlay_start_1:
0x0: {  	(tag) =	ssettag $0x1  }
0x1: {  	s0 =	rddreg [dreg:$0x0]  }
0x2: {  	s11 =	rddreg [dreg:$0x1];
	s1 =	stileid.u32  }
0x3: {  	s2 =	rddreg [dreg:$0x2];
	s3 =	simm.s32 $0x0;
	s4 =	smul.u32 $0x500, s1  }
0x4: {  	s5 =	srdreg.scid;
	s18 =	simm.s32 $0x5000;
	s6 =	smul.u32 $0x580, s1  }
0x5: {  	s20 =	simm.s32 $0xE800;
	s21 =	simm.s32 $0x80;
	s7 =	smul.u32 $0x1C000, s1  }
0x6: {  	s22 =	simm.s32 $0xA800;
	s23 =	simm.s32 $0x0;
	s9 =	smul.u32 $0x1B000, s1  }
0x7: {  	[smem:$0x7FF] =	sst s3;
	s16 =	sand.u32 $0x1, s5;
	s28 =	smul.u32 $0x6C00, s1  }
0x8: {  	s12 =	sadd.s32 $0xD600, s0;
	s15 =	smul.u32 $0xD80, s1;
	s17 =	sshll.u32 s1, $0x4  }
0x9: {  	_ =	strace $0x80000047;
	s26 =	ssub.s32 $0x2, s16;
	s11 =	sadd.s32 s11, s17  }
0xa: {  	s17 =	simm.s32 $0x7C00;
	p0 =	sne.s32 s16, $0x0;
	s25 =	sadd.s32 s4, s0  }
0xb: {  	s8 =	sshrl.u32 s26, $0x1;
	s0 =	sadd.s32 s6, s0;
	s29 =	sshrl.u32 s7, $0x2  }
0xc: {  	s30 =	sshrl.u32 s9, $0x2;
	s14 =	ssub.s32 s26, s8;
	s4 =	sadd.s32 $0x8600, s25  }
.Ltmp0:
0xd: {  	s5 =	sadd.s32 $0x3600, s25;
	s6 =	sadd.s32 s29, s2;
	(pc) =	sbr.rel .LBB2_1-.Ltmp0, $4  }
0xe: {  	s8 =	sshrl.u32 s28, $0x3;
	s7 =	sadd.s32 s30, s2;
	s31 =	sadd.s32 $0x35E00, s0  }
0xf: {  	v0 =	vimm.f32 $1.000000000e+00;
	v1 =	vimm.s32 $0x0;
	v2 =	vlaneseq.u32;
	s10 =	sadd.s32 $0x3B600, s0;
	s13 =	sadd.s32 s12, s8;
	[dreg:$0x5] =	wrdreg s31  }
0x10: {  	vm0 =	vmmov $0x1;
	vm1 =	vcmask $0x704;
	vm2 =	vcmask $0xB08;
	s12 =	sadd.s32 s12, s15;
	s14 =	smax.u32 s14, $0x1;
	s8 =	sadd.s32 $0xD800, s13  }
0x11: {  	vm3 =	vcmask $0x70C;
	vm4 =	vcmask $0x308;
	v3 =	vor.u32 $0xD80, v2;
	s15 =	simm.s32 $0x1;
	s13 =	sadd.s32 $0x1B000, s13;
	[dreg:$0x4] =	wrdreg s8  }
.LBB2_30:
0x12: {  	[sflag:s15] =	ssyncadd.s32 $0xFFFFF800  }
.LBB2_31:
0x13: {  	s0 =	sshll.u32 s1, $0x6;
	[bflag:$0x0] =	sbarrier.arrive $0xFFFF  }
0x14: {  	s8 =	sshrl.u32 s7, $0x3;
	s0 =	sor.u32 $0x1C01, s0;
	s9 =	rddreg [dreg:$0x4]  }
0x15: {  	[hbm:s9], [sflag:s0] =	dma.local [spmem:s8], $0xD80  }
.LBB2_32:
0x16: {  	s23 =	sadd.s32 $0x1, s23  }
0x17: {  	p1 =	sne.s32 s23, s14  }
.Ltmp1:
0x18: {  	_ =	swait.ge [sflag:s15], $0xD80;
	(pc) =	sbr.rel @!p1 .LBB2_33-.Ltmp1, $3  }
0x19: {  	[sflag:s15] =	ssyncset.done $0x0  }
0x1a: {  	[sflag:s15] =	ssyncadd.s32 $0xFFFFF280  }
0x1b: {  	[bflag:$0x0] =	sbarrier.arrive $0xFFFF;
	_ =	sdelay $0x1  }
.LBB2_1:
0x1c: {  	[tilespmem:s3], [sflag:$0x1] =	stream.linear.gather [hbm4b:s4+s3], $0x2800, $0x38;
	[tilespmem:$0x16680] =	vst v63  }
0x1d: {  	_ =	swait.ge [sflag:s15], $0x2800  }
0x1e: {  	[sflag:s15] =	ssyncset.done $0x0  }
0x1f: {  	s0 =	simm.s32 $0x2800;
	[sflag:s15] =	ssyncadd.s32 $0xFFFFD800  }
0x20: {  	[tilespmem:s0], [sflag:$0x1] =	stream.linear.gather [hbm4b:s5+s3], $0x2800, $0x38;
	[tilespmem:$0x16680] =	vst v63  }
0x21: {  	_ =	swait.ge [sflag:s15], $0x2800  }
0x22: {  	[sflag:s15] =	ssyncset.done $0x0  }
0x23: {  	s16 =	simm.s32 $0x0;
	s0 =	simm.s32 $0x200;
	[sflag:s15] =	ssyncadd.s32 $0xFFFFD800  }
.LBB2_2:
0x24: {  	p1 =	sne.s32 s0, $0xFE00;
	[tilespmem:s16+$0xA800] =	vst v0;
	s16 =	smov.u32 s0;
	s0 =	sadd.s32 $0x200, s0  }
.Ltmp2:
0x25: {  	(pc) =	sbr.rel @p1 .LBB2_2-.Ltmp2, $2  }
0x26: {  	_ =	sdelay $0x2  }
0x27: {  	s16 =	sshra.s32 s16, $0x2  }
0x28: {  	[tilespmem:s16+$0xA800] =	vst v0;
	s0 =	simm.s32 $0x0  }
.LBB2_4:
0x29: {  	p1 =	sne.s32 s0, $0x1BE00  }
.Ltmp3:
0x2a: {  	_ = 	snop;
	(pc) =	sbr.rel @p1 .LBB2_4-.Ltmp3, $3  }
0x2b: {  	_ =	sdelay $0x1  }
0x2c: {  	s16 =	sshra.s32 s0, $0x2  }
0x2d: {  	s0 =	sadd.s32 $0x200, s0;
	[tilespmem:s16+$0xE800] =	vst v0  }
0x2e: {  	s0 =	simm.s32 $0x0  }
0x2f: {  	v5 =	vld [tilespmem:s0+$0x2800];
	_ =	sdelay $0x4  }
0x30: {  	vm5 =	vlt.u32 v5, $0xD80  }
0x31: {  	v4 =	vsel vm5, $0x1, v1  }
0x32: {  	(xrf0) =	vadd.scan.msk.s32 $0xffff, v4;
	_ =	sdelay $0x5  }
0x33: {  	v4 =	vimm.s32 $0x0;
	v6, _, _ =	vpop (xrf0)  }
0x34: {  	v6 =	vadd.s32 v6, v4  }
0x35: {  	v6 =	vadd.s32 $0xFFFFFFFF, v6  }
0x36: {  	v7 =	vshra.s32 v6, $0x1F  }
0x37: {  	v7 =	vshrl.u32 v7, $0x19  }
0x38: {  	v7 =	vadd.s32 v7, v6  }
0x39: {  	v7 =	vshra.s32 v7, $0x7  }
0x3a: {  	v8 =	vshll.u32 v7, $0x7  }
0x3b: {  	vm6 =	vlt.s32 v6, $0x1;
	vm7 =	vne.s32 v6, v8  }
0x3c: {  	vm6 =	vmand vm6, vm7  }
0x3d: {  	v8 =	vsel vm6, $0xFFFFFFFF, v1  }
0x3e: {  	v7 =	vadd.s32 v8, v7  }
0x3f: {  	v6 =	vand.u32 $0x7F, v6;
	v7 =	vshll.u32 v7, $0x7  }
0x40: {  	v6 =	vor.u32 v6, v7;
	v7 =	vmpcnt.ones.xlane vm5;
	_ =	sdelay $0x1  }
0x41: {  	v4 =	vadd.s32 v4, v7;
	v7 =	vld [tilespmem:s0+$0x0];
	_ =	sdelay $0x2  }
0x42: {  	s16 =	simm.s32 $0x80;
	s0 =	simm.s32 $0x40;
	[tilespmem:v6+s17+$0x0] =	vst.idx.msk vm5, v5;
	v5 =	vmov v4  }
.LBB2_6:
0x43: {  	p1 =	sne.s32 s16, $0x9FC0  }
0x44: {  	s19 =	sshra.s32 s0, $0x2;
	[tilespmem:v6+s18+$0x0] =	vst.idx.msk vm5, v7;
	s0 =	smov.u32 s16;
	s16 =	sadd.s32 $0x40, s16  }
0x45: {  	v8 =	vld [tilespmem:s19+$0x2800];
	_ =	sdelay $0x4  }
0x46: {  	vm5 =	vlt.u32 v8, $0xD80  }
0x47: {  	v6 =	vsel vm5, $0x1, v1;
	v7 =	vmpcnt.ones.xlane vm5  }
0x48: {  	(xrf0) =	vadd.scan.msk.s32 $0xffff, v6  }
0x49: {  	v4 =	vadd.s32 v4, v7;
	_ =	sdelay $0x4  }
0x4a: {  	v6, _, _ =	vpop (xrf0)  }
0x4b: {  	v6 =	vadd.s32 v6, v5;
	v5 =	vmov v4  }
0x4c: {  	v6 =	vadd.s32 $0xFFFFFFFF, v6  }
0x4d: {  	v7 =	vshra.s32 v6, $0x1F  }
0x4e: {  	v7 =	vshrl.u32 v7, $0x19  }
0x4f: {  	v7 =	vadd.s32 v7, v6  }
0x50: {  	v7 =	vshra.s32 v7, $0x7  }
0x51: {  	v9 =	vshll.u32 v7, $0x7  }
0x52: {  	vm6 =	vlt.s32 v6, $0x1;
	vm7 =	vne.s32 v6, v9  }
0x53: {  	vm6 =	vmand vm6, vm7  }
0x54: {  	v9 =	vsel vm6, $0xFFFFFFFF, v1  }
0x55: {  	v7 =	vadd.s32 v9, v7  }
0x56: {  	v6 =	vand.u32 $0x7F, v6;
	v7 =	vshll.u32 v7, $0x7  }
0x57: {  	v6 =	vor.u32 v6, v7  }
.Ltmp4:
0x58: {  	v7 =	vld [tilespmem:s19+$0x0];
	(pc) =	sbr.rel @p1 .LBB2_6-.Ltmp4, $2  }
0x59: {  	_ =	sdelay $0x2  }
0x5a: {  	[tilespmem:v6+s17+$0x0] =	vst.idx.msk vm5, v8  }
0x5b: {  	_ =	sdelay $0x4  }
0x5c: {  	s0 =	sshra.s32 s0, $0x2;
	[tilespmem:v6+s18+$0x0] =	vst.idx.msk vm5, v7  }
0x5d: {  	v9 =	vld [tilespmem:s0+$0x2800];
	_ =	sdelay $0x4  }
0x5e: {  	vm5 =	vlt.u32 v9, $0xD80  }
0x5f: {  	v6 =	vmpcnt.ones.xlane vm5;
	_ =	sdelay $0x1  }
0x60: {  	v7 =	vsel vm5, $0x1, v1;
	v6 =	vadd.s32 v4, v6  }
0x61: {  	(xrf0) =	vadd.scan.msk.s32 $0xffff, v7;
	v4 =	vnsel vm0, $0x0, v6  }
0x62: {  	(xrf0) =	vadd.scan.msk.s32 $0xffff, v4;
	_ =	sdelay $0x4  }
0x63: {  	v7, _, _ =	vpop (xrf0)  }
0x64: {  	v4, _, _ =	vpop (xrf0)  }
0x65: {  	(v2sf) =	vpush v4, $0xF;
	_ =	sdelay $0xe  }
0x66: {  	s16 =	spop (v2sf)  }
0x67: {  	v5 =	vadd.s32 v7, v5;
	s16 =	sadd.s32 $0x7F, s16  }
0x68: {  	v5 =	vadd.s32 $0xFFFFFFFF, v5;
	s19 =	sand.u32 $0x7F, s16  }
0x69: {  	v7 =	vshra.s32 v5, $0x1F;
	s24 =	sshra.s32 s16, $0x1F;
	p1 =	slt.s32 s16, $0x1;
	p2 =	sne.s32 s19, $0x0  }
0x6a: {  	v7 =	vshrl.u32 v7, $0x19;
	s9 =	sshrl.u32 s24, $0x19;
	p1 =	por !p1, !p2  }
0x6b: {  	v7 =	vadd.s32 v7, v5;
	s19 =	simm.s32 $0x1;
	s16 =	sadd.s32 s9, s16;
	p1 =	por !p1, !p1  }
0x6c: {  	v6 =	vadd.s32 v2, v6;
	v7 =	vshra.s32 v7, $0x7;
	s24 =	simm.s32 $0x0;
	s16 =	sshra.s32 s16, $0x7;
	s19 =	simm.s32 @!p1 $0x0  }
0x6d: {  	v8 =	vshll.u32 v7, $0x7;
	v10 =	vadd.s32 s24, v6;
	s16 =	ssub.s32 s16, s19  }
0x6e: {  	vm6 =	vlt.s32 v5, $0x1;
	vm7 =	vne.s32 v5, v8;
	v8 =	vshra.s32 v10, $0x1F;
	s25 =	sadd.s32 $0x1, s16  }
0x6f: {  	vm6 =	vmand vm6, vm7;
	v8 =	vshrl.u32 v8, $0x19;
	s26 =	sand.u32 $0x1, s25  }
0x70: {  	s30 =	simm.s32 $0x10;
	v11 =	vsel vm6, $0xFFFFFFFF, v1;
	v8 =	vadd.s32 v8, v10;
	p5 =	slt.s32 s16, $0x0;
	p6 =	seq.s32 s26, $0x1  }
0x71: {  	v12 =	vadd.s32 s30, v6;
	v7 =	vadd.s32 v11, v7;
	v8 =	vshra.s32 v8, $0x7;
	s29 =	sshrl.u32 s25, $0x1F;
	p1 =	por !p5, !p6  }
0x72: {  	v5 =	vand.u32 $0x7F, v5;
	v7 =	vshll.u32 v7, $0x7;
	s19 =	simm.s32 $0x1;
	v11 =	vshll.u32 v8, $0x7;
	s16 =	sadd.s32 s29, s25;
	p1 =	por !p1, !p1  }
0x73: {  	vm7 =	vne.s32 v10, v11;
	v11 =	vor.u32 v5, v7;
	v7 =	vshra.s32 v12, $0x1F;
	s24 =	sshra.s32 s16, $0x1;
	s19 =	simm.s32 @!p1 $0x0  }
0x74: {  	vm6 =	vlt.s32 v10, $0x1;
	v7 =	vshrl.u32 v7, $0x19;
	s26 =	ssub.s32 s24, s19  }
0x75: {  	v63 =	vand.u32 $0x7F, v10;
	vm6 =	vmand vm6, vm7;
	v7 =	vadd.s32 v7, v12;
	s28 =	sshll.u32 s26, $0x8  }
0x76: {  	v13 =	vsel vm6, $0xFFFFFFFF, v1;
	v15 =	vshra.s32 v7, $0x7;
	v5 =	vmov s28  }
0x77: {  	v14 =	vld [tilespmem:s0+$0x0];
	v8 =	vadd.s32 v13, v8;
	vm7 =	vlt.s32 v10, v5;
	v10 =	vshll.u32 v15, $0x7  }
0x78: {  	vm6 =	vlt.s32 v12, $0x1;
	v7 =	vshll.u32 v8, $0x7;
	vm8 =	vne.s32 v12, v10  }
0x79: {  	s31 =	simm.s32 $0x20;
	v7 =	vor.u32 v63, v7;
	vm8 =	vmand vm6, vm8;
	vm6 =	vmmov vm7  }
0x7a: {  	v8 =	vadd.s32 s31, v6  }
0x7b: {  	[tilespmem:v11+s17+$0x0] =	vst.idx.msk vm5, v9;
	v10 =	vshra.s32 v8, $0x1F  }
0x7c: {  	[tilespmem:v11+s18+$0x0] =	vst.idx.msk vm5, v14;
	v9 =	vshrl.u32 v10, $0x19;
	v10 =	vsel vm8, $0xFFFFFFFF, v1  }
0x7d: {  	s25 =	simm.s32 $0xFFFFFFFF;
	vm5 =	vlt.s32 v12, v5;
	v9 =	vadd.s32 v9, v8;
	v11 =	vadd.s32 v10, v15  }
0x7e: {  	s0 =	simm.s32 $0x30;
	s25 =	simm.s32 @!p1 $0x0;
	v10 =	vand.u32 $0x7F, v12;
	v9 =	vshra.s32 v9, $0x7;
	v11 =	vshll.u32 v11, $0x7;
	[tilespmem:v7+s17+$0x0] =	vst.idx.msk vm7, v3  }
.LBB2_8:
0x7f: {  	p1 =	sne.s32 s0, $0xF0;
	v12 =	vshll.u32 v9, $0x7;
	[tilespmem:v7+s18+$0x0] =	vst.idx.msk vm6, v1;
	v7 =	vor.u32 v10, v11;
	vm6 =	vmmov vm5;
	s16 =	smov.u32 s0;
	s0 =	sadd.s32 $0x10, s0  }
.Ltmp5:
0x80: {  	vm7 =	vlt.s32 v8, $0x1;
	v13 =	vadd.s32 s16, v6;
	vm8 =	vne.s32 v8, v12;
	(pc) =	sbr.rel @p1 .LBB2_8-.Ltmp5, $4  }
0x81: {  	v10 =	vshra.s32 v13, $0x1F;
	vm7 =	vmand vm7, vm8  }
0x82: {  	v10 =	vshrl.u32 v10, $0x19;
	v11 =	vsel vm7, $0xFFFFFFFF, v1  }
0x83: {  	v12 =	vadd.s32 v10, v13;
	v11 =	vadd.s32 v11, v9;
	v10 =	vand.u32 $0x7F, v8  }
0x84: {  	v9 =	vshra.s32 v12, $0x7;
	v11 =	vshll.u32 v11, $0x7;
	[tilespmem:v7+s17+$0x0] =	vst.idx.msk vm5, v3;
	vm5 =	vlt.s32 v8, v5;
	v8 =	vmovc v13  }
0x85: {  	v6 =	vshll.u32 v9, $0x7  }
0x86: {  	vm7 =	vlt.s32 v8, $0x1;
	vm8 =	vne.s32 v8, v6  }
0x87: {  	vm7 =	vmand vm7, vm8  }
0x88: {  	v6 =	vsel vm7, $0xFFFFFFFF, v1  }
0x89: {  	v10 =	vor.u32 v10, v11;
	v6 =	vadd.s32 v6, v9  }
0x8a: {  	vm15 =	vlt.s32 v8, v5;
	v9 =	vand.u32 $0x7F, v8;
	v6 =	vshll.u32 v6, $0x7  }
0x8b: {  	v6 =	vor.u32 v9, v6;
	_ =	sdelay $0x1  }
0x8c: {  	[tilespmem:v7+s18+$0x0] =	vst.idx.msk vm6, v1  }
0x8d: {  	[tilespmem:v10+s17+$0x0] =	vst.idx.msk vm5, v3  }
0x8e: {  	[tilespmem:v10+s18+$0x0] =	vst.idx.msk vm5, v1  }
0x8f: {  	[tilespmem:v6+s17+$0x0] =	vst.idx.msk vm15, v3  }
0x90: {  	s0 =	simm.s32 $0x0;
	[tilespmem:v6+s18+$0x0] =	vst.idx.msk vm15, v1  }
0x91: {  	v6 =	vld [tilespmem:s0+$0x2800];
	_ =	sdelay $0x4  }
0x92: {  	v9 =	vadd.s32 $0xFFFFF280, v6  }
0x93: {  	vm7 =	vmmov vm5;
	vm5 =	vlt.u32 v9, $0xD80  }
0x94: {  	v6 =	vsel vm5, $0x1, v1  }
0x95: {  	(xrf0) =	vadd.scan.msk.s32 $0xffff, v6;
	_ =	sdelay $0x5  }
0x96: {  	v6, _, _ =	vpop (xrf0)  }
0x97: {  	v6 =	vadd.s32 v6, v5  }
0x98: {  	v6 =	vadd.s32 $0xFFFFFFFF, v6  }
0x99: {  	v7 =	vshra.s32 v6, $0x1F  }
0x9a: {  	v7 =	vshrl.u32 v7, $0x19  }
0x9b: {  	v7 =	vadd.s32 v7, v6  }
0x9c: {  	v7 =	vshra.s32 v7, $0x7  }
0x9d: {  	v8 =	vshll.u32 v7, $0x7  }
0x9e: {  	vm6 =	vlt.s32 v6, $0x1;
	vm7 =	vne.s32 v6, v8  }
0x9f: {  	vm6 =	vmand vm6, vm7  }
0xa0: {  	v8 =	vsel vm6, $0xFFFFFFFF, v1  }
0xa1: {  	v7 =	vadd.s32 v8, v7  }
0xa2: {  	v6 =	vand.u32 $0x7F, v6;
	v7 =	vshll.u32 v7, $0x7  }
0xa3: {  	v7 =	vor.u32 v6, v7;
	_ =	sdelay $0x1  }
0xa4: {  	v8 =	vld [tilespmem:s0+$0x0];
	v6 =	vmpcnt.ones.xlane vm5;
	_ =	sdelay $0x1  }
0xa5: {  	v6 =	vadd.s32 v5, v6  }
0xa6: {  	s19 =	simm.s32 $0x80;
	vm9 =	vmmov vm15;
	s0 =	simm.s32 $0x40;
	v5 =	vmov v6;
	[tilespmem:v7+s17+$0x0] =	vst.idx.msk vm5, v9  }
.LBB2_10:
0xa7: {  	p1 =	sne.s32 s19, $0x9FC0  }
0xa8: {  	s16 =	sshra.s32 s0, $0x2;
	[tilespmem:v7+s18+$0x0] =	vst.idx.msk vm5, v8;
	s0 =	smov.u32 s19;
	s19 =	sadd.s32 $0x40, s19  }
0xa9: {  	v7 =	vld [tilespmem:s16+$0x2800];
	_ =	sdelay $0x4  }
0xaa: {  	v9 =	vadd.s32 $0xFFFFF280, v7  }
0xab: {  	vm5 =	vlt.u32 v9, $0xD80  }
0xac: {  	v7 =	vsel vm5, $0x1, v1;
	v8 =	vmpcnt.ones.xlane vm5  }
0xad: {  	(xrf0) =	vadd.scan.msk.s32 $0xffff, v7  }
0xae: {  	v6 =	vadd.s32 v6, v8;
	_ =	sdelay $0x4  }
0xaf: {  	v7, _, _ =	vpop (xrf0)  }
0xb0: {  	v7 =	vadd.s32 v7, v5;
	v5 =	vmov v6  }
0xb1: {  	v7 =	vadd.s32 $0xFFFFFFFF, v7  }
0xb2: {  	v8 =	vshra.s32 v7, $0x1F  }
0xb3: {  	v8 =	vshrl.u32 v8, $0x19  }
0xb4: {  	v8 =	vadd.s32 v8, v7  }
0xb5: {  	v8 =	vshra.s32 v8, $0x7  }
0xb6: {  	v10 =	vshll.u32 v8, $0x7  }
0xb7: {  	vm6 =	vlt.s32 v7, $0x1;
	vm7 =	vne.s32 v7, v10  }
0xb8: {  	vm6 =	vmand vm6, vm7  }
0xb9: {  	v10 =	vsel vm6, $0xFFFFFFFF, v1  }
0xba: {  	v8 =	vadd.s32 v10, v8  }
0xbb: {  	v7 =	vand.u32 $0x7F, v7;
	v8 =	vshll.u32 v8, $0x7  }
0xbc: {  	v7 =	vor.u32 v7, v8  }
.Ltmp6:
0xbd: {  	v8 =	vld [tilespmem:s16+$0x0];
	(pc) =	sbr.rel @p1 .LBB2_10-.Ltmp6, $2  }
0xbe: {  	_ =	sdelay $0x2  }
0xbf: {  	[tilespmem:v7+s17+$0x0] =	vst.idx.msk vm5, v9  }
0xc0: {  	_ =	sdelay $0x4  }
0xc1: {  	s29 =	sshra.s32 s0, $0x2;
	[tilespmem:v7+s18+$0x0] =	vst.idx.msk vm5, v8  }
0xc2: {  	v7 =	vld [tilespmem:s29+$0x2800];
	_ =	sdelay $0x4  }
0xc3: {  	v9 =	vadd.s32 $0xFFFFF280, v7  }
0xc4: {  	vm5 =	vlt.u32 v9, $0xD80  }
0xc5: {  	v7 =	vmpcnt.ones.xlane vm5;
	_ =	sdelay $0x1  }
0xc6: {  	v8 =	vsel vm5, $0x1, v1;
	v6 =	vadd.s32 v6, v7  }
0xc7: {  	(xrf0) =	vadd.scan.msk.s32 $0xffff, v8;
	v7 =	vnsel vm0, $0x0, v6  }
0xc8: {  	(xrf0) =	vadd.scan.msk.s32 $0xffff, v7;
	_ =	sdelay $0x4  }
0xc9: {  	v7, _, _ =	vpop (xrf0)  }
0xca: {  	v8, _, _ =	vpop (xrf0)  }
0xcb: {  	(v2sf) =	vpush v8, $0xF;
	_ =	sdelay $0xe  }
0xcc: {  	s8 =	spop (v2sf)  }
0xcd: {  	s30 =	ssub.s32 s8, s28  }
0xce: {  	v5 =	vadd.s32 v7, v5;
	s0 =	sadd.s32 $0x7F, s30  }
0xcf: {  	v5 =	vadd.s32 $0xFFFFFFFF, v5;
	s16 =	sand.u32 $0x7F, s0  }
0xd0: {  	v7 =	vshra.s32 v5, $0x1F;
	s19 =	sshra.s32 s0, $0x1F;
	p1 =	slt.s32 s0, $0x1;
	p2 =	sne.s32 s16, $0x0  }
0xd1: {  	v7 =	vshrl.u32 v7, $0x19;
	s9 =	sshrl.u32 s19, $0x19;
	p1 =	por !p1, !p2  }
0xd2: {  	v7 =	vadd.s32 v7, v5;
	s16 =	simm.s32 $0x1;
	s0 =	sadd.s32 s9, s0;
	p1 =	por !p1, !p1  }
0xd3: {  	v6 =	vadd.s32 v2, v6;
	v7 =	vshra.s32 v7, $0x7;
	s19 =	simm.s32 $0x0;
	s0 =	sshra.s32 s0, $0x7;
	s16 =	simm.s32 @!p1 $0x0  }
0xd4: {  	v8 =	vshll.u32 v7, $0x7;
	v10 =	vadd.s32 s19, v6;
	s0 =	ssub.s32 s0, s16  }
0xd5: {  	vm6 =	vlt.s32 v5, $0x1;
	vm7 =	vne.s32 v5, v8;
	v8 =	vshra.s32 v10, $0x1F;
	s8 =	sadd.s32 $0x1, s0  }
0xd6: {  	vm6 =	vmand vm6, vm7;
	v8 =	vshrl.u32 v8, $0x19;
	s9 =	sand.u32 $0x1, s8  }
0xd7: {  	v11 =	vsel vm6, $0xFFFFFFFF, v1;
	v8 =	vadd.s32 v8, v10;
	p5 =	slt.s32 s0, $0x0;
	s28 =	sshrl.u32 s8, $0x1F;
	p6 =	seq.s32 s9, $0x1  }
0xd8: {  	v5 =	vand.u32 $0x7F, v5;
	v7 =	vadd.s32 v11, v7;
	v8 =	vshra.s32 v8, $0x7;
	s19 =	sadd.s32 s28, s8;
	s9 =	simm.s32 $0x10;
	p1 =	por !p5, !p6  }
0xd9: {  	v7 =	vshll.u32 v7, $0x7;
	s0 =	simm.s32 $0x1;
	v11 =	vshll.u32 v8, $0x7;
	s28 =	sshra.s32 s19, $0x1;
	v12 =	vadd.s32 s9, v6;
	p1 =	por !p1, !p1  }
0xda: {  	vm7 =	vne.s32 v10, v11;
	v11 =	vor.u32 v5, v7;
	s8 =	sadd.s32 s26, s28;
	v7 =	vshra.s32 v12, $0x1F;
	s0 =	simm.s32 @!p1 $0x0  }
0xdb: {  	vm6 =	vlt.s32 v10, $0x1;
	v7 =	vshrl.u32 v7, $0x19;
	s31 =	ssub.s32 s8, s0  }
0xdc: {  	v63 =	vand.u32 $0x7F, v10;
	vm6 =	vmand vm6, vm7;
	v7 =	vadd.s32 v7, v12;
	s0 =	sshll.u32 s31, $0x8  }
0xdd: {  	v13 =	vsel vm6, $0xFFFFFFFF, v1;
	v15 =	vshra.s32 v7, $0x7;
	v5 =	vmov s0  }
0xde: {  	v14 =	vld [tilespmem:s29+$0x0];
	v8 =	vadd.s32 v13, v8;
	vm7 =	vlt.s32 v10, v5;
	v10 =	vshll.u32 v15, $0x7  }
0xdf: {  	vm6 =	vlt.s32 v12, $0x1;
	v7 =	vshll.u32 v8, $0x7;
	vm8 =	vne.s32 v12, v10  }
0xe0: {  	s19 =	simm.s32 $0x20;
	v7 =	vor.u32 v63, v7;
	vm8 =	vmand vm6, vm8;
	vm6 =	vmmov vm7  }
0xe1: {  	v8 =	vadd.s32 s19, v6  }
0xe2: {  	[tilespmem:v11+s17+$0x0] =	vst.idx.msk vm5, v9;
	v10 =	vshra.s32 v8, $0x1F  }
0xe3: {  	[tilespmem:v11+s18+$0x0] =	vst.idx.msk vm5, v14;
	v9 =	vshrl.u32 v10, $0x19;
	v10 =	vsel vm8, $0xFFFFFFFF, v1  }
0xe4: {  	s29 =	simm.s32 $0xFFFFFFFF;
	vm5 =	vlt.s32 v12, v5;
	v9 =	vadd.s32 v9, v8;
	v11 =	vadd.s32 v10, v15  }
0xe5: {  	s16 =	simm.s32 $0x30;
	s29 =	simm.s32 @!p1 $0x0;
	v10 =	vand.u32 $0x7F, v12;
	v9 =	vshra.s32 v9, $0x7;
	v11 =	vshll.u32 v11, $0x7;
	[tilespmem:v7+s17+$0x0] =	vst.idx.msk vm7, v3  }
.LBB2_12:
0xe6: {  	p1 =	sne.s32 s16, $0xF0;
	v12 =	vshll.u32 v9, $0x7;
	[tilespmem:v7+s18+$0x0] =	vst.idx.msk vm6, v1;
	v7 =	vor.u32 v10, v11;
	vm6 =	vmmov vm5;
	s19 =	smov.u32 s16;
	s16 =	sadd.s32 $0x10, s16  }
.Ltmp7:
0xe7: {  	vm7 =	vlt.s32 v8, $0x1;
	v13 =	vadd.s32 s19, v6;
	vm8 =	vne.s32 v8, v12;
	(pc) =	sbr.rel @p1 .LBB2_12-.Ltmp7, $4  }
0xe8: {  	v10 =	vshra.s32 v13, $0x1F;
	vm7 =	vmand vm7, vm8  }
0xe9: {  	v10 =	vshrl.u32 v10, $0x19;
	v11 =	vsel vm7, $0xFFFFFFFF, v1  }
0xea: {  	v12 =	vadd.s32 v10, v13;
	v11 =	vadd.s32 v11, v9;
	v10 =	vand.u32 $0x7F, v8  }
0xeb: {  	v9 =	vshra.s32 v12, $0x7;
	v11 =	vshll.u32 v11, $0x7;
	[tilespmem:v7+s17+$0x0] =	vst.idx.msk vm5, v3;
	vm5 =	vlt.s32 v8, v5;
	v8 =	vmovc v13  }
0xec: {  	v6 =	vshll.u32 v9, $0x7  }
0xed: {  	vm7 =	vlt.s32 v8, $0x1;
	vm8 =	vne.s32 v8, v6  }
0xee: {  	vm7 =	vmand vm7, vm8  }
0xef: {  	v6 =	vsel vm7, $0xFFFFFFFF, v1  }
0xf0: {  	v10 =	vor.u32 v10, v11;
	v6 =	vadd.s32 v6, v9  }
0xf1: {  	vm15 =	vlt.s32 v8, v5;
	v9 =	vand.u32 $0x7F, v8;
	v6 =	vshll.u32 v6, $0x7  }
0xf2: {  	v6 =	vor.u32 v9, v6;
	_ =	sdelay $0x1  }
0xf3: {  	[tilespmem:v7+s18+$0x0] =	vst.idx.msk vm6, v1  }
0xf4: {  	[tilespmem:v10+s17+$0x0] =	vst.idx.msk vm5, v3  }
0xf5: {  	[tilespmem:v10+s18+$0x0] =	vst.idx.msk vm5, v1  }
0xf6: {  	[tilespmem:v6+s17+$0x0] =	vst.idx.msk vm15, v3  }
0xf7: {  	s16 =	simm.s32 $0x0;
	[tilespmem:v6+s18+$0x0] =	vst.idx.msk vm15, v1  }
0xf8: {  	v6 =	vld [tilespmem:s16+$0x2800];
	_ =	sdelay $0x4  }
0xf9: {  	v9 =	vadd.s32 $0xFFFFE500, v6  }
0xfa: {  	vm7 =	vmmov vm5;
	vm5 =	vlt.u32 v9, $0xC10  }
0xfb: {  	v6 =	vsel vm5, $0x1, v1  }
0xfc: {  	(xrf0) =	vadd.scan.msk.s32 $0xffff, v6;
	_ =	sdelay $0x5  }
0xfd: {  	v6, _, _ =	vpop (xrf0)  }
0xfe: {  	v6 =	vadd.s32 v6, v5  }
0xff: {  	v6 =	vadd.s32 $0xFFFFFFFF, v6  }
0x100: {  	v7 =	vshra.s32 v6, $0x1F  }
0x101: {  	v7 =	vshrl.u32 v7, $0x19  }
0x102: {  	v7 =	vadd.s32 v7, v6  }
0x103: {  	v7 =	vshra.s32 v7, $0x7  }
0x104: {  	v8 =	vshll.u32 v7, $0x7  }
0x105: {  	vm6 =	vlt.s32 v6, $0x1;
	vm7 =	vne.s32 v6, v8  }
0x106: {  	vm6 =	vmand vm6, vm7  }
0x107: {  	v8 =	vsel vm6, $0xFFFFFFFF, v1  }
0x108: {  	v7 =	vadd.s32 v8, v7  }
0x109: {  	v6 =	vand.u32 $0x7F, v6;
	v7 =	vshll.u32 v7, $0x7  }
0x10a: {  	v7 =	vor.u32 v6, v7;
	_ =	sdelay $0x1  }
0x10b: {  	v8 =	vld [tilespmem:s16+$0x0];
	v6 =	vmpcnt.ones.xlane vm5;
	_ =	sdelay $0x1  }
0x10c: {  	v6 =	vadd.s32 v5, v6  }
0x10d: {  	s19 =	simm.s32 $0x40;
	vm9 =	vmmov vm15;
	s16 =	simm.s32 $0x80;
	v5 =	vmov v6;
	[tilespmem:v7+s17+$0x0] =	vst.idx.msk vm5, v9  }
.LBB2_14:
0x10e: {  	p1 =	sne.s32 s16, $0x9FC0  }
0x10f: {  	s8 =	sshra.s32 s19, $0x2;
	[tilespmem:v7+s18+$0x0] =	vst.idx.msk vm5, v8;
	s19 =	smov.u32 s16;
	s16 =	sadd.s32 $0x40, s16  }
0x110: {  	v7 =	vld [tilespmem:s8+$0x2800];
	_ =	sdelay $0x4  }
0x111: {  	v9 =	vadd.s32 $0xFFFFE500, v7  }
0x112: {  	vm5 =	vlt.u32 v9, $0xC10  }
0x113: {  	v7 =	vsel vm5, $0x1, v1;
	v8 =	vmpcnt.ones.xlane vm5  }
0x114: {  	(xrf0) =	vadd.scan.msk.s32 $0xffff, v7  }
0x115: {  	v6 =	vadd.s32 v6, v8;
	_ =	sdelay $0x4  }
0x116: {  	v7, _, _ =	vpop (xrf0)  }
0x117: {  	v7 =	vadd.s32 v7, v5;
	v5 =	vmov v6  }
0x118: {  	v7 =	vadd.s32 $0xFFFFFFFF, v7  }
0x119: {  	v8 =	vshra.s32 v7, $0x1F  }
0x11a: {  	v8 =	vshrl.u32 v8, $0x19  }
0x11b: {  	v8 =	vadd.s32 v8, v7  }
0x11c: {  	v8 =	vshra.s32 v8, $0x7  }
0x11d: {  	v10 =	vshll.u32 v8, $0x7  }
0x11e: {  	vm6 =	vlt.s32 v7, $0x1;
	vm7 =	vne.s32 v7, v10  }
0x11f: {  	vm6 =	vmand vm6, vm7  }
0x120: {  	v10 =	vsel vm6, $0xFFFFFFFF, v1  }
0x121: {  	v8 =	vadd.s32 v10, v8  }
0x122: {  	v7 =	vand.u32 $0x7F, v7;
	v8 =	vshll.u32 v8, $0x7  }
0x123: {  	v7 =	vor.u32 v7, v8  }
.Ltmp8:
0x124: {  	v8 =	vld [tilespmem:s8+$0x0];
	(pc) =	sbr.rel @p1 .LBB2_14-.Ltmp8, $2  }
0x125: {  	_ =	sdelay $0x2  }
0x126: {  	[tilespmem:v7+s17+$0x0] =	vst.idx.msk vm5, v9  }
0x127: {  	_ =	sdelay $0x4  }
0x128: {  	s19 =	sshra.s32 s19, $0x2;
	[tilespmem:v7+s18+$0x0] =	vst.idx.msk vm5, v8  }
0x129: {  	v7 =	vld [tilespmem:s19+$0x2800];
	_ =	sdelay $0x4  }
0x12a: {  	v9 =	vadd.s32 $0xFFFFE500, v7  }
0x12b: {  	vm5 =	vlt.u32 v9, $0xC10  }
0x12c: {  	v7 =	vmpcnt.ones.xlane vm5;
	_ =	sdelay $0x1  }
0x12d: {  	v8 =	vsel vm5, $0x1, v1;
	v6 =	vadd.s32 v6, v7  }
0x12e: {  	(xrf0) =	vadd.scan.msk.s32 $0xffff, v8;
	v7 =	vnsel vm0, $0x0, v6  }
0x12f: {  	(xrf0) =	vadd.scan.msk.s32 $0xffff, v7;
	_ =	sdelay $0x4  }
0x130: {  	v7, _, _ =	vpop (xrf0)  }
0x131: {  	v8, _, _ =	vpop (xrf0)  }
0x132: {  	(v2sf) =	vpush v8, $0xF;
	_ =	sdelay $0xe  }
0x133: {  	s8 =	spop (v2sf)  }
0x134: {  	s0 =	ssub.s32 s8, s0  }
0x135: {  	s8 =	sadd.s32 $0x7F, s0  }
0x136: {  	v5 =	vadd.s32 v7, v5;
	s16 =	sand.u32 $0x7F, s8  }
0x137: {  	v7 =	vadd.s32 $0xFFFFFFFF, v5;
	s9 =	sshra.s32 s8, $0x1F;
	p1 =	slt.s32 s8, $0x1;
	p2 =	sne.s32 s16, $0x0  }
0x138: {  	v5 =	vshra.s32 v7, $0x1F;
	s9 =	sshrl.u32 s9, $0x19;
	p1 =	por !p1, !p2  }
0x139: {  	v5 =	vshrl.u32 v5, $0x19;
	s8 =	sadd.s32 s9, s8;
	s9 =	simm.s32 $0x1;
	p1 =	por !p1, !p1  }
0x13a: {  	v5 =	vadd.s32 v5, v7;
	s8 =	sshra.s32 s8, $0x7;
	s9 =	simm.s32 @!p1 $0x0  }
0x13b: {  	v8 =	vshra.s32 v5, $0x7;
	s8 =	ssub.s32 s8, s9  }
0x13c: {  	v5 =	vadd.s32 v2, v6;
	v6 =	vshll.u32 v8, $0x7;
	s9 =	simm.s32 $0x0;
	s16 =	sadd.s32 $0x1, s8  }
0x13d: {  	vm6 =	vlt.s32 v7, $0x1;
	vm7 =	vne.s32 v7, v6;
	v10 =	vadd.s32 s9, v5;
	s9 =	sand.u32 $0x1, s16  }
0x13e: {  	vm6 =	vmand vm6, vm7;
	v6 =	vshra.s32 v10, $0x1F;
	p6 =	seq.s32 s9, $0x1;
	s9 =	sshrl.u32 s16, $0x1F  }
0x13f: {  	v11 =	vsel vm6, $0xFFFFFFFF, v1;
	p5 =	slt.s32 s8, $0x0;
	v6 =	vshrl.u32 v6, $0x19;
	s8 =	sadd.s32 s9, s16  }
0x140: {  	v8 =	vadd.s32 v11, v8;
	v6 =	vadd.s32 v6, v10;
	s8 =	sshrl.u32 s8, $0x1  }
0x141: {  	vm6 =	vlt.s32 v10, $0x1;
	p1 =	por !p5, !p6;
	v11 =	vshra.s32 v6, $0x7;
	v6 =	vand.u32 $0x7F, v7;
	s8 =	sadd.s32 s31, s8;
	s31 =	simm.s32 $0x10  }
0x142: {  	s9 =	simm.s32 $0x1;
	p1 =	por !p1, !p1;
	v7 =	vshll.u32 v8, $0x7;
	v8 =	vshll.u32 v11, $0x7;
	v12 =	vadd.s32 s31, v5  }
0x143: {  	s9 =	simm.s32 @!p1 $0x0;
	v13 =	vor.u32 v6, v7;
	vm7 =	vne.s32 v10, v8;
	v7 =	vshra.s32 v12, $0x1F  }
0x144: {  	s8 =	ssub.s32 s8, s9;
	vm6 =	vmand vm6, vm7;
	v7 =	vshrl.u32 v7, $0x19  }
0x145: {  	s8 =	sshll.u32 s8, $0x8;
	v8 =	vsel vm6, $0xFFFFFFFF, v1;
	v7 =	vadd.s32 v7, v12  }
0x146: {  	v6 =	vmov s8;
	v8 =	vadd.s32 v8, v11;
	v15 =	vshra.s32 v7, $0x7  }
0x147: {  	v14 =	vld [tilespmem:s19+$0x0];
	v11 =	vand.u32 $0x7F, v10;
	vm7 =	vlt.s32 v10, v6;
	v10 =	vshll.u32 v15, $0x7  }
0x148: {  	vm6 =	vlt.s32 v12, $0x1;
	v7 =	vshll.u32 v8, $0x7;
	vm8 =	vne.s32 v12, v10  }
0x149: {  	s31 =	simm.s32 $0x20;
	v7 =	vor.u32 v11, v7;
	vm8 =	vmand vm6, vm8;
	vm6 =	vmmov vm7  }
0x14a: {  	v8 =	vadd.s32 s31, v5  }
0x14b: {  	[tilespmem:v13+s17+$0x0] =	vst.idx.msk vm5, v9;
	v10 =	vshra.s32 v8, $0x1F  }
0x14c: {  	[tilespmem:v13+s18+$0x0] =	vst.idx.msk vm5, v14;
	v9 =	vshrl.u32 v10, $0x19;
	v10 =	vsel vm8, $0xFFFFFFFF, v1  }
0x14d: {  	vm5 =	vlt.s32 v12, v6;
	v9 =	vadd.s32 v9, v8;
	v11 =	vadd.s32 v10, v15  }
0x14e: {  	s16 =	simm.s32 $0x30;
	v10 =	vand.u32 $0x7F, v12;
	v9 =	vshra.s32 v9, $0x7;
	v11 =	vshll.u32 v11, $0x7;
	[tilespmem:v7+s17+$0x0] =	vst.idx.msk vm7, v3  }
.LBB2_16:
0x14f: {  	p1 =	sne.s32 s16, $0xF0;
	v12 =	vshll.u32 v9, $0x7;
	[tilespmem:v7+s18+$0x0] =	vst.idx.msk vm6, v1;
	v7 =	vor.u32 v10, v11;
	vm6 =	vmmov vm5;
	s8 =	smov.u32 s16;
	s16 =	sadd.s32 $0x10, s16  }
.Ltmp9:
0x150: {  	vm7 =	vlt.s32 v8, $0x1;
	v13 =	vadd.s32 s8, v5;
	vm8 =	vne.s32 v8, v12;
	(pc) =	sbr.rel @p1 .LBB2_16-.Ltmp9, $4  }
0x151: {  	v10 =	vshra.s32 v13, $0x1F;
	vm7 =	vmand vm7, vm8  }
0x152: {  	v10 =	vshrl.u32 v10, $0x19;
	v11 =	vsel vm7, $0xFFFFFFFF, v1  }
0x153: {  	v12 =	vadd.s32 v10, v13;
	v11 =	vadd.s32 v11, v9;
	v10 =	vand.u32 $0x7F, v8  }
0x154: {  	v9 =	vshra.s32 v12, $0x7;
	v11 =	vshll.u32 v11, $0x7;
	[tilespmem:v7+s17+$0x0] =	vst.idx.msk vm5, v3;
	vm5 =	vlt.s32 v8, v6;
	v8 =	vmovc v13  }
0x155: {  	v5 =	vshll.u32 v9, $0x7  }
0x156: {  	vm7 =	vlt.s32 v8, $0x1;
	vm8 =	vne.s32 v8, v5  }
0x157: {  	vm7 =	vmand vm7, vm8  }
0x158: {  	v5 =	vsel vm7, $0xFFFFFFFF, v1  }
0x159: {  	v10 =	vor.u32 v10, v11;
	v5 =	vadd.s32 v5, v9  }
0x15a: {  	v63 =	vand.u32 $0x7F, v8;
	vm15 =	vlt.s32 v8, v6;
	v5 =	vshll.u32 v5, $0x7  }
0x15b: {  	v5 =	vor.u32 v63, v5;
	_ =	sdelay $0x1  }
0x15c: {  	[tilespmem:v7+s18+$0x0] =	vst.idx.msk vm6, v1;
	v4 =	vbroadcast v4, $0xF  }
.Ltmp10:
0x15d: {  	v6 =	vmov s30;
	[tilespmem:v10+s17+$0x0] =	vst.idx.msk vm5, v3;
	(pc) =	sbr.rel @p0 .LBB2_27-.Ltmp10, $4  }
0x15e: {  	v7 =	vmov s0;
	v6 =	vnsel vm1, $0x0, v6;
	v4 =	vnsel vm0, $0x0, v4;
	[tilespmem:v10+s18+$0x0] =	vst.idx.msk vm5, v1  }
0x15f: {  	v4 =	vadd.s32 v4, v6;
	v6 =	vnsel vm2, $0x0, v7;
	[tilespmem:v5+s17+$0x0] =	vst.idx.msk vm15, v3  }
0x160: {  	v4 =	vadd.s32 v6, v4;
	[tilespmem:v5+s18+$0x0] =	vst.idx.msk vm15, v1  }
0x161: {  	vm9 =	vmmov vm15;
	vm7 =	vmmov vm5;
	[tilespmem:$0x15800] =	vst v4  }
0x162: {  	s0 =	rddreg [dreg:$0x5]  }
0x163: {  	[hbm4b:s0+s3] =	stream.linear.scatter [tilespmem:s18], [sflag:$0x1], $0x2C00, $0x38;
	[tilespmem:$0x16680] =	vst v63  }
0x164: {  	_ =	swait.ge [sflag:s15], $0x2C00  }
0x165: {  	[sflag:s15] =	ssyncset.done $0x0  }
0x166: {  	s0 =	simm.s32 $0x7C00;
	[sflag:s15] =	ssyncadd.s32 $0xFFFFD400  }
0x167: {  	[hbm4b:s10+s3] =	stream.linear.scatter [tilespmem:s0], [sflag:$0x1], $0x2C00, $0x38;
	[tilespmem:$0x16680] =	vst v63  }
0x168: {  	_ =	swait.ge [sflag:s15], $0x2C00  }
0x169: {  	[sflag:s15] =	ssyncset.done $0x0  }
0x16a: {  	s8 =	simm.s32 $0x15800;
	[sflag:s15] =	ssyncadd.s32 $0xFFFFD400  }
0x16b: {  	[hbm4b:s11+s3] =	stream.linear.scatter [tilespmem:s8], [sflag:$0x1], $0x80, $0x38;
	[tilespmem:$0x16680] =	vst v63  }
0x16c: {  	_ =	swait.ge [sflag:s15], $0x80  }
0x16d: {  	[sflag:s15] =	ssyncset.done $0x0  }
0x16e: {  	[sflag:s15] =	ssyncadd.s32 $0xFFFFFF80  }
0x16f: {  	[spmem:s6] =	stream.linear.scatter [tilespmem:s20], [sflag:$0x1], $0x7000, $0x38;
	[tilespmem:$0x16680] =	vst v63  }
0x170: {  	_ =	swait.ge [sflag:s15], $0x7000  }
0x171: {  	[sflag:s15] =	ssyncset.done $0x0  }
0x172: {  	[sflag:s15] =	ssyncadd.s32 $0xFFFF9000  }
0x173: {  	v5 =	vnsel vm0, $0x0, v4;
	[bflag:$0x0] =	sbarrier.arrive $0xFFFF  }
0x174: {  	(xrf0) =	vadd.scan.msk.s32 $0xffff, v5;
	_ =	sdelay $0x5  }
0x175: {  	v5, _, _ =	vpop (xrf0)  }
0x176: {  	(v2sf) =	vpush v5, $0xF;
	_ =	sdelay $0xe  }
0x177: {  	s30 =	spop (v2sf)  }
0x178: {  	s8 =	sadd.s32 $0x7F, s30  }
0x179: {  	s9 =	sand.u32 $0x7F, s8  }
0x17a: {  	s31 =	sshra.s32 s8, $0x1F;
	p2 =	slt.s32 s8, $0x1;
	p1 =	sne.s32 s9, $0x0  }
0x17b: {  	s9 =	sshrl.u32 s31, $0x19;
	p1 =	por !p2, !p1  }
0x17c: {  	s8 =	sadd.s32 s9, s8;
	s9 =	simm.s32 $0x1;
	p1 =	por !p1, !p1  }
0x17d: {  	s8 =	sshra.s32 s8, $0x7;
	s9 =	simm.s32 @!p1 $0x0  }
0x17e: {  	s16 =	ssub.s32 s8, s9  }
0x17f: {  	p1 =	slt.s32 s16, $0x1  }
.Ltmp11:
0x180: {  	_ = 	snop;
	(pc) =	sbr.rel @p1 .LBB2_22-.Ltmp11, $1  }
0x181: {  	_ =	sdelay $0x3  }
0x182: {  	p1 =	sne.s32 s16, $0x1  }
.Ltmp12:
0x183: {  	_ = 	snop;
	(pc) =	sbr.rel @!p1 .LBB2_21-.Ltmp12, $4  }
0x184: {  	_ = 	snop  }
0x185: {  	[spmem:s2] =	stream.indirect.scatter.add.f32 [tilespmem:s22], [sflag:$0x1], $0x10, s0, s21, $0xb8;
	[tilespmem:$0x16680] =	vst v63  }
0x186: {  	_ =	swait.ge [sflag:s15], $0x800  }
0x187: {  	s16 =	sadd.s32 $0xFFFFFFFF, s16;
	[sflag:s15] =	ssyncset.done $0x0  }
.LBB2_20:
0x188: {  	p1 =	sne.s32 s16, $0x1;
	[sflag:s15] =	ssyncadd.s32 $0xFFFFF800;
	s0 =	sadd.s32 $0x80, s0  }
.Ltmp13:
0x189: {  	s16 =	sadd.s32 $0xFFFFFFFF, s16;
	(pc) =	sbr.rel @p1 .LBB2_20-.Ltmp13, $4  }
0x18a: {  	_ = 	snop  }
0x18b: {  	[spmem:s2] =	stream.indirect.scatter.add.f32 [tilespmem:s22], [sflag:$0x1], $0x10, s0, s21, $0xb8;
	[tilespmem:$0x16680] =	vst v63  }
0x18c: {  	_ =	swait.ge [sflag:s15], $0x800  }
0x18d: {  	[sflag:s15] =	ssyncset.done $0x0  }
.LBB2_21:
0x18e: {  	[sflag:s15] =	ssyncadd.s32 $0xFFFFF800  }
.LBB2_22:
0x18f: {  	s0 =	sshll.u32 s1, $0x6  }
0x190: {  	[bflag:$0x0] =	sbarrier.arrive $0xFFFF;
	s16 =	sshrl.u32 s7, $0x3;
	s0 =	sor.u32 $0x1C01, s0  }
0x191: {  	[hbm:s12], [sflag:s0] =	dma.local [spmem:s16], $0xD80  }
0x192: {  	_ =	swait.ge [sflag:s15], $0xD80  }
0x193: {  	[sflag:s15] =	ssyncset.done $0x0  }
0x194: {  	[sflag:s15] =	ssyncadd.s32 $0xFFFFF280  }
0x195: {  	[bflag:$0x0] =	sbarrier.arrive $0xFFFF  }
0x196: {  	[spmem:s6] =	stream.linear.scatter [tilespmem:s20], [sflag:$0x1], $0x7000, $0x38;
	[tilespmem:$0x16680] =	vst v63  }
0x197: {  	_ =	swait.ge [sflag:s15], $0x7000  }
0x198: {  	[sflag:s15] =	ssyncset.done $0x0  }
0x199: {  	[sflag:s15] =	ssyncadd.s32 $0xFFFF9000  }
0x19a: {  	v4 =	vsel vm3, $0x0, v4;
	[bflag:$0x0] =	sbarrier.arrive $0xFFFF  }
0x19b: {  	(xrf0) =	vadd.scan.msk.s32 $0xffff, v4;
	_ =	sdelay $0x5  }
0x19c: {  	v4, _, _ =	vpop (xrf0)  }
0x19d: {  	(v2sf) =	vpush v4, $0xF;
	_ =	sdelay $0xe  }
0x19e: {  	s8 =	spop (v2sf)  }
0x19f: {  	s8 =	sadd.s32 $0x7F, s8  }
0x1a0: {  	s9 =	sand.u32 $0x7F, s8  }
0x1a1: {  	s31 =	sshra.s32 s8, $0x1F;
	p2 =	slt.s32 s8, $0x1;
	p1 =	sne.s32 s9, $0x0  }
0x1a2: {  	s9 =	sshrl.u32 s31, $0x19;
	p1 =	por !p2, !p1  }
0x1a3: {  	s8 =	sadd.s32 s9, s8;
	s9 =	simm.s32 $0x1;
	p1 =	por !p1, !p1  }
0x1a4: {  	s8 =	sshra.s32 s8, $0x7;
	s9 =	simm.s32 @!p1 $0x0  }
0x1a5: {  	s26 =	ssub.s32 s8, s9  }
0x1a6: {  	p1 =	sgt.s32 s26, $0x0  }
.Ltmp14:
0x1a7: {  	_ = 	snop;
	(pc) =	sbr.rel @!p1 .LBB2_26-.Ltmp14, $1  }
0x1a8: {  	_ =	sdelay $0x3  }
0x1a9: {  	s8 =	sadd.s32 s28, s24  }
0x1aa: {  	s8 =	sadd.s32 s25, s8  }
0x1ab: {  	s8 =	sadd.s32 s29, s8  }
0x1ac: {  	p1 =	sne.s32 s26, $0x1;
	s8 =	sshll.u32 s8, $0xA  }
.Ltmp15:
0x1ad: {  	s8 =	sshra.s32 s8, $0x2;
	(pc) =	sbr.rel @!p1 .LBB2_25-.Ltmp15, $4  }
0x1ae: {  	s19 =	sadd.s32 $0x7C00, s8  }
0x1af: {  	[spmem:s2] =	stream.indirect.scatter.add.f32 [tilespmem:s22], [sflag:$0x1], $0x10, s19, s21, $0xb8;
	[tilespmem:$0x16680] =	vst v63  }
0x1b0: {  	_ =	swait.ge [sflag:s15], $0x800  }
0x1b1: {  	s24 =	sadd.s32 $0xFFFFFFFF, s26;
	[sflag:s15] =	ssyncset.done $0x0  }
.LBB2_24:
0x1b2: {  	p1 =	sne.s32 s24, $0x1;
	[sflag:s15] =	ssyncadd.s32 $0xFFFFF800;
	s19 =	sadd.s32 $0x80, s19  }
.Ltmp16:
0x1b3: {  	s24 =	sadd.s32 $0xFFFFFFFF, s24;
	(pc) =	sbr.rel @p1 .LBB2_24-.Ltmp16, $4  }
0x1b4: {  	_ = 	snop  }
0x1b5: {  	[spmem:s2] =	stream.indirect.scatter.add.f32 [tilespmem:s22], [sflag:$0x1], $0x10, s19, s21, $0xb8;
	[tilespmem:$0x16680] =	vst v63  }
0x1b6: {  	_ =	swait.ge [sflag:s15], $0x800  }
0x1b7: {  	[sflag:s15] =	ssyncset.done $0x0  }
.LBB2_25:
0x1b8: {  	[sflag:s15] =	ssyncadd.s32 $0xFFFFF800  }
.LBB2_26:
.Ltmp17:
0x1b9: {  	(pc) =	sbr.rel .LBB2_32-.Ltmp17, $3  }
0x1ba: {  	_ =	sdelay $0x1  }
0x1bb: {  	[bflag:$0x0] =	sbarrier.arrive $0xFFFF  }
0x1bc: {  	[hbm:s13], [sflag:s0] =	dma.local [spmem:s16], $0xD80  }
.LBB2_27:
0x1bd: {  	[spmem:s6] =	stream.linear.scatter [tilespmem:s20], [sflag:$0x1], $0x7000, $0x38;
	[tilespmem:$0x16680] =	vst v63  }
0x1be: {  	_ =	swait.ge [sflag:s15], $0x7000  }
0x1bf: {  	[sflag:s15] =	ssyncset.done $0x0  }
0x1c0: {  	[sflag:s15] =	ssyncadd.s32 $0xFFFF9000  }
0x1c1: {  	v4 =	vsel vm4, $0x0, v4;
	[bflag:$0x0] =	sbarrier.arrive $0xFFFF  }
0x1c2: {  	(xrf0) =	vadd.scan.msk.s32 $0xffff, v4;
	_ =	sdelay $0x5  }
0x1c3: {  	v4, _, _ =	vpop (xrf0)  }
0x1c4: {  	(v2sf) =	vpush v4, $0xF;
	_ =	sdelay $0xe  }
0x1c5: {  	s0 =	spop (v2sf)  }
0x1c6: {  	s0 =	sadd.s32 $0x7F, s0  }
0x1c7: {  	s8 =	sand.u32 $0x7F, s0  }
0x1c8: {  	s31 =	sshra.s32 s0, $0x1F;
	p2 =	slt.s32 s0, $0x1;
	p1 =	sne.s32 s8, $0x0  }
0x1c9: {  	s8 =	sshrl.u32 s31, $0x19;
	p1 =	por !p2, !p1  }
0x1ca: {  	s0 =	sadd.s32 s8, s0;
	s8 =	simm.s32 $0x1;
	p1 =	por !p1, !p1  }
0x1cb: {  	s0 =	sshra.s32 s0, $0x7;
	s8 =	simm.s32 @!p1 $0x0  }
0x1cc: {  	s16 =	ssub.s32 s0, s8  }
0x1cd: {  	p1 =	slt.s32 s16, $0x1  }
.Ltmp18:
0x1ce: {  	_ = 	snop;
	(pc) =	sbr.rel @p1 .LBB2_31-.Ltmp18, $1  }
0x1cf: {  	_ =	sdelay $0x3  }
0x1d0: {  	s0 =	sshll.u32 s26, $0xA;
	p1 =	sne.s32 s16, $0x1  }
.Ltmp19:
0x1d1: {  	s0 =	sshra.s32 s0, $0x2;
	(pc) =	sbr.rel @!p1 .LBB2_30-.Ltmp19, $4  }
0x1d2: {  	s0 =	sadd.s32 $0x7C00, s0  }
0x1d3: {  	[spmem:s2] =	stream.indirect.scatter.add.f32 [tilespmem:s22], [sflag:$0x1], $0x10, s0, s21, $0xb8;
	[tilespmem:$0x16680] =	vst v63  }
0x1d4: {  	_ =	swait.ge [sflag:s15], $0x800  }
0x1d5: {  	s16 =	sadd.s32 $0xFFFFFFFF, s16;
	[sflag:s15] =	ssyncset.done $0x0  }
.LBB2_29:
0x1d6: {  	p1 =	sne.s32 s16, $0x1;
	[sflag:s15] =	ssyncadd.s32 $0xFFFFF800;
	s0 =	sadd.s32 $0x80, s0  }
.Ltmp20:
0x1d7: {  	s16 =	sadd.s32 $0xFFFFFFFF, s16;
	(pc) =	sbr.rel @p1 .LBB2_29-.Ltmp20, $4  }
0x1d8: {  	_ = 	snop  }
0x1d9: {  	[spmem:s2] =	stream.indirect.scatter.add.f32 [tilespmem:s22], [sflag:$0x1], $0x10, s0, s21, $0xb8;
	[tilespmem:$0x16680] =	vst v63  }
0x1da: {  	_ =	swait.ge [sflag:s15], $0x800  }
0x1db: {  	[sflag:s15] =	ssyncset.done $0x0  }
.Ltmp21:
0x1dc: {  	_ = 	snop;
	(pc) =	sbr.rel .LBB2_30-.Ltmp21, $1  }
0x1dd: {  	_ =	sdelay $0x3  }
.LBB2_33:
0x1de: {  	_ =	sfence.sel $0x180000  }
0x1df: {  	[bflag:$0x0] =	sbarrier.arrive $0xFFFF  }
0x1e0: {  	_ =	strace $0x90000047  }
0x1e1: {  	[bflag:$0x2] =	sbarrier.arrive $0xFFFF  }
0x1e2: {  	p0 =	sne.s32 s1, $0x0;
	s0 =	rddreg [dreg:$0x3]  }
0x1e3: {  	s0 =	sadd.s32 @!p0 $0x100000, s0  }
0x1e4: {  	[sflag:s0] =	ssyncadd.tile.s32 @!p0 $0x1;
	_ =	shalt  }
.Lfunc_end2:
_tile_overlayer_lowered:
.L_overlay_start_2:
0x1e5: {  	(tag) =	ssettag $0x2  }
0x1e6: {  	s0 =	rddreg [dreg:$0x0];
	s2 =	stileid.u32  }
0x1e7: {  	s1 =	rddreg [dreg:$0x1];
	p0 =	sne.s32 s2, $0x0  }
0x1e8: {  	s3 =	rddreg [dreg:$0x2];
	[bflag:$0x3] =	sbarrier.arrive $0xFFFF;
	s2 =	simm.s32 @!p0 $0x1C01  }
0x1e9: {  	[timem:s3], [sflag:s2] =	dma.local @!p0 [hbm:s0], s1  }
0x1ea: {  	s0 =	simm.s32 @!p0 $0x1  }
0x1eb: {  	_ =	swait.ge @!p0 [sflag:s0], s1  }
0x1ec: {  	s1 =	ssub.s32 @!p0 $0x0, s1;
	[sflag:s0] =	ssyncset.done @!p0 $0x0  }
0x1ed: {  	[sflag:s0] =	ssyncadd.s32 @!p0 s1  }
0x1ee: {  	[bflag:$0x3] =	sbarrier.arrive $0xFFFF  }
0x1ef: {  	_ =	shalt  }

</sc_bundles>
